<compile_context>
chip_gen: v7x
topology: tpu7x:2x2x1
jax: 0.10.2.dev20260603
libtpu: 0.0.44.dev20260713+nightly
codegen_flags: <defaults>
</compile_context>

<pallas_src>
import functools

import jax
import jax.numpy as jnp
from jax import lax
from jax.experimental import pallas as pl
from jax.experimental.pallas import tpu as pltpu
from jax.experimental.pallas import tpu_sc as plsc

F = 26
V1 = 100001
D = 16
B = 16384
DD = 13
FD = F * D

NC, NS = 2, 16
NW = NC * NS
CW = B // NW
NG = CW // 16
NSLOT = 3

VT = 782
NTILE = F * 2 * VT
TPW = (NTILE + NW - 1) // NW
NRING = 12


def _sc_detile(emb, tailp):
    mesh = plsc.VectorSubcoreMesh(
        core_axis_name="c", subcore_axis_name="s", num_cores=NC, num_subcores=NS)

    @functools.partial(
        pl.kernel,
        out_type=jax.ShapeDtypeStruct((NTILE, 8, 128), jnp.float32),
        mesh=mesh,
        scratch_types=[
            pltpu.VMEM((NRING, 8, 128), jnp.float32),
            pltpu.SemaphoreType.DMA,
            pltpu.SemaphoreType.DMA,
        ],
    )
    def k(emb_hbm, tailp_hbm, t_out, vbuf, sem_r, sem_w):
        wid = lax.axis_index("s") * NC + lax.axis_index("c")
        LAG = 6

        def fgt(kk):
            tid = wid * TPW + kk
            f = lax.div(tid, 2 * VT)
            r = lax.rem(tid, 2 * VT)
            return tid, f, lax.div(r, VT), lax.rem(r, VT)

        def read_desc_full(kk):
            tid, f, t, g = fgt(kk)
            return pltpu.make_async_copy(
                emb_hbm.at[f, pl.ds(pl.multiple_of(t * 8, 8), 8),
                           pl.ds(pl.multiple_of(g * 128, 128), 128)],
                vbuf.at[lax.rem(kk, NRING)], sem_r)

        def read_desc_tail(kk):
            tid, f, t, g = fgt(kk)
            return pltpu.make_async_copy(
                tailp_hbm.at[f, pl.ds(pl.multiple_of(t * 8, 8), 8), :],
                vbuf.at[lax.rem(kk, NRING)], sem_r)

        def start_read(kk):
            tid, f, t, g = fgt(kk)
            pl.when(jnp.logical_and(tid < NTILE, g < VT - 1))(
                lambda: read_desc_full(kk).start())
            pl.when(jnp.logical_and(tid < NTILE, g == VT - 1))(
                lambda: read_desc_tail(kk).start())

        def finish_read_start_write(kk):
            tid, f, t, g = fgt(kk)

            def _full():
                read_desc_full(kk).wait()
                pltpu.make_async_copy(
                    vbuf.at[lax.rem(kk, NRING)], t_out.at[tid], sem_w).start()

            def _tail():
                read_desc_tail(kk).wait()
                pltpu.make_async_copy(
                    vbuf.at[lax.rem(kk, NRING)], t_out.at[tid], sem_w).start()

            pl.when(jnp.logical_and(tid < NTILE, g < VT - 1))(_full)
            pl.when(jnp.logical_and(tid < NTILE, g == VT - 1))(_tail)

        def drain_w(kk):
            def _w():
                pltpu.make_async_copy(
                    vbuf.at[lax.rem(kk, NRING)],
                    t_out.at[wid * TPW + kk], sem_w).wait()

            pl.when(wid * TPW + kk < NTILE)(_w)

        def body(kk, carry):
            pl.when(kk >= NRING)(lambda: drain_w(kk - NRING))
            start_read(kk)
            pl.when(kk >= LAG)(lambda: finish_read_start_write(kk - LAG))
            return carry

        lax.fori_loop(0, TPW, body, 0)

        def tail1(kk, carry):
            finish_read_start_write(kk)
            return carry

        lax.fori_loop(TPW - LAG, TPW, tail1, 0)

        def tail2(kk, carry):
            drain_w(kk)
            return carry

        lax.fori_loop(TPW - NRING, TPW, tail2, 0)

    return k(emb, tailp)


def _sc_gather(idx_t, e1d, lin_t):
    mesh = plsc.VectorSubcoreMesh(
        core_axis_name="c", subcore_axis_name="s", num_cores=NC, num_subcores=NS)

    @functools.partial(
        pl.kernel,
        out_type=(
            jax.ShapeDtypeStruct((FD, B), jnp.float32),
            jax.ShapeDtypeStruct((B,), jnp.float32),
        ),
        mesh=mesh,
        scratch_types=[
            pltpu.VMEM((F, CW), jnp.int32),
            pltpu.VMEM((NSLOT, F, CW), jnp.float32),
            pltpu.VMEM((F, CW), jnp.float32),
            pltpu.VMEM((CW,), jnp.float32),
            pltpu.SemaphoreType.DMA((NSLOT,)),
            pltpu.SemaphoreType.DMA,
            pltpu.SemaphoreType.DMA,
        ],
        compiler_params=pltpu.CompilerParams(use_tc_tiling_on_sc=False),
    )
    def k(idx_hbm, emb_hbm, lin_hbm, et_out, ls_out, idx_v, gbuf, lbuf,
          lsum_v, sem_e, sem_l, sem_o):
        wid = lax.axis_index("s") * NC + lax.axis_index("c")
        col = wid * CW

        def fire_g(d, _):
            s = lax.rem(d, NSLOT)
            base = lax.div(d, 8) * (VT * 1024) + lax.rem(d, 8) * 128

            def f_body(f, carry):
                fbase = base + f * (2 * VT * 1024)

                def g_body(g, carry2):
                    iv = idx_v[f, pl.ds(g * 16, 16)]
                    w = fbase + iv + (iv >> 7) * 896
                    pltpu.make_async_copy(
                        emb_hbm.at[w],
                        gbuf.at[s, f, pl.ds(g * 16, 16)],
                        sem_e.at[s]).start()
                    return carry2

                lax.fori_loop(0, NG, g_body, 0)
                return carry

            lax.fori_loop(0, F, f_body, 0)
            return _

        def drain_g(d, _):
            s = lax.rem(d, NSLOT)

            def f_body(f, carry):
                pltpu.make_async_copy(
                    et_out.at[0, pl.ds(0, CW)], gbuf.at[s, f],
                    sem_e.at[s]).wait()
                return carry

            lax.fori_loop(0, F, f_body, 0)
            return _

        def fire_out(d, _):
            s = lax.rem(d, NSLOT)

            def f_body(f, carry):
                pltpu.make_async_copy(
                    gbuf.at[s, f], et_out.at[f * D + d, pl.ds(col, CW)],
                    sem_o).start()
                return carry

            lax.fori_loop(0, F, f_body, 0)
            return _

        def drain_out(d, _):
            s = lax.rem(d, NSLOT)

            def f_body(f, carry):
                pltpu.make_async_copy(
                    gbuf.at[s, f], et_out.at[f * D + d, pl.ds(col, CW)],
                    sem_o).wait()
                return carry

            lax.fori_loop(0, F, f_body, 0)
            return _

        pltpu.sync_copy(idx_hbm.at[:, pl.ds(col, CW)], idx_v)

        def fire_lin(f, carry):
            def g_body(g, carry2):
                iv = idx_v[f, pl.ds(g * 16, 16)]
                pltpu.make_async_copy(
                    lin_hbm.at[f, 0].at[iv],
                    lbuf.at[f, pl.ds(g * 16, 16)], sem_l).start()
                return carry2

            lax.fori_loop(0, NG, g_body, 0)
            return carry

        lax.fori_loop(0, F, fire_lin, 0)

        fire_g(0, 0)
        fire_g(1, 0)

        def dgroup(d, carry):
            drain_g(d, 0)

            def _do():
                drain_out(d - 1, 0)

            def _fg():
                fire_g(d + 2, 0)

            pl.when(d >= 1)(_do)
            fire_out(d, 0)
            pl.when(d + 2 < D)(_fg)
            return carry

        lax.fori_loop(0, D, dgroup, 0)
        drain_out(D - 1, 0)

        def drain_lin(f, carry):
            pltpu.make_async_copy(
                et_out.at[0, pl.ds(0, CW)], lbuf.at[f], sem_l).wait()
            return carry

        lax.fori_loop(0, F, drain_lin, 0)

        for j in range(CW // 16):
            sl = pl.ds(j * 16, 16)

            def acc_f(f, acc):
                return acc + lbuf[f, sl]

            lsum_v[sl] = lax.fori_loop(
                0, F, acc_f, jnp.zeros((16,), jnp.float32))

        pltpu.sync_copy(lsum_v, ls_out.at[pl.ds(col, CW)])

    return k(idx_t, e1d, lin_t)


RB = 1024
NP = RB // 128


def _mlp_body(e_ref, ls_ref, d_ref, a1e_ref, a1d_ref, c1_ref, a2_ref, c2_ref,
              w3_ref, ldw_ref, cadd_ref, o_ref):
    ri = lax.broadcasted_iota(jnp.int32, (D, FD), 0)
    ki = lax.broadcasted_iota(jnp.int32, (D, FD), 1) % D
    fsum = (ri == ki).astype(jnp.float32)
    for p in range(NP):
        sl = pl.ds(p * 128, 128)
        e = e_ref[:, p, :]
        dd = d_ref[:, sl]
        h1 = jnp.maximum(
            jnp.dot(a1e_ref[...], e) + jnp.dot(a1d_ref[...], dd)
            + c1_ref[...], 0.0)
        h2 = jnp.maximum(jnp.dot(a2_ref[...], h1) + c2_ref[...], 0.0)
        deep = jnp.sum(h2 * w3_ref[...], axis=0)
        s = jnp.dot(fsum, e)
        fm = 0.5 * (jnp.sum(s * s, axis=0) - jnp.sum(e * e, axis=0))
        ld = jnp.sum(dd * ldw_ref[...], axis=0)
        o_ref[sl] = ls_ref[sl] + ld + fm + deep + cadd_ref[0]


def _tc_mlp(e3, ls, dense_t, a1e, a1d, c1, a2, c2, w3, ldw, cadd):
    grid = (B // RB,)
    return pl.pallas_call(
        _mlp_body,
        grid=grid,
        in_specs=[
            pl.BlockSpec((FD, NP, 128), lambda i: (0, i, 0)),
            pl.BlockSpec((RB,), lambda i: (i,)),
            pl.BlockSpec((DD, RB), lambda i: (0, i)),
            pl.BlockSpec((128, FD), lambda i: (0, 0)),
            pl.BlockSpec((128, DD), lambda i: (0, 0)),
            pl.BlockSpec((128, 1), lambda i: (0, 0)),
            pl.BlockSpec((64, 128), lambda i: (0, 0)),
            pl.BlockSpec((64, 1), lambda i: (0, 0)),
            pl.BlockSpec((64, 1), lambda i: (0, 0)),
            pl.BlockSpec((DD, 1), lambda i: (0, 0)),
            pl.BlockSpec(memory_space=pltpu.SMEM),
        ],
        out_specs=pl.BlockSpec((RB,), lambda i: (i,)),
        out_shape=jax.ShapeDtypeStruct((B,), jnp.float32),
        compiler_params=pltpu.CompilerParams(
            dimension_semantics=("parallel",)),
    )(e3, ls, dense_t, a1e, a1d, c1, a2, c2, w3, ldw, cadd)


def kernel(sparse_inputs, dense_inputs, emb_tables, lin_tables, ld_W, ld_b,
           bn0_g, bn0_b, W1, b1, bn1_g, bn1_b, W2, b2, bn2_g, bn2_b,
           Wout, bout, bias):
    idx_t = sparse_inputs.astype(jnp.int32).T
    emb_t = jnp.transpose(emb_tables, (0, 2, 1))
    lin_t = jnp.transpose(lin_tables, (0, 2, 1))
    dense_t = dense_inputs.T

    tailp = jnp.pad(emb_t[:, :, (VT - 1) * 128:],
                    ((0, 0), (0, 0), (0, VT * 128 - V1)))
    e1d = _sc_detile(emb_t, tailp).reshape(NTILE * 1024)
    e_t, ls = _sc_gather(idx_t, e1d, lin_t)
    e3 = e_t.reshape(FD, B // 128, 128)

    s0 = 1.0 / jnp.sqrt(1.0 + 1e-5)
    g0 = bn0_g * s0
    w1f = W1 * g0[None, :]
    b1f = b1 + W1 @ (bn0_b * s0)
    s1 = bn1_g * s0
    w1ff = w1f * s1[:, None]
    c1 = (b1f * s1 + bn1_b)[:, None]
    s2 = bn2_g * s0
    a2 = W2 * s2[:, None]
    c2 = (b2 * s2 + bn2_b)[:, None]
    a1e = w1ff[:, :FD]
    a1d = w1ff[:, FD:]
    w3 = Wout.reshape(64, 1)
    ldw = ld_W.reshape(DD, 1)
    cadd = (bias + ld_b + bout).reshape(1)

    return _tc_mlp(e3, ls, dense_t, a1e, a1d, c1, a2, c2, w3, ldw, cadd)

# --- scband reference (transcript-rebuilt; emitter-appended) ---
"""Pipeline reference for scband-deep-fm-82471962018408 (READ-ONLY COPY).

The authoritative reference and input builder live on the scoring server;
editing this copy changes nothing except your own understanding.
"""

import jax, jax.numpy as jnp
import numpy as np

F_FIELDS = 26
VOCAB = 100000
EMB_D = 16
BATCH = 16384
DENSE_D = 13
INPUT_DIM = F_FIELDS * EMB_D + DENSE_D
BN_EPS = 1e-5


def setup_inputs(seed: int = 0) -> dict:
    key = jax.random.key(seed)
    ks = jax.random.split(key, 10)
    sparse_inputs = jax.random.randint(ks[0], (BATCH, F_FIELDS), 0, VOCAB)
    dense_inputs = jax.random.normal(ks[1], (BATCH, DENSE_D), dtype=jnp.float32)
    emb_tables = jax.random.uniform(ks[2], (F_FIELDS, VOCAB + 1, EMB_D), minval=-0.001, maxval=0.001, dtype=jnp.float32)
    emb_tables = emb_tables.at[:, 0, :].set(0.0)
    lin_tables = jax.random.uniform(ks[3], (F_FIELDS, VOCAB + 1, 1), minval=-0.001, maxval=0.001, dtype=jnp.float32)
    lin_tables = lin_tables.at[:, 0, :].set(0.0)
    ld_W = jax.random.uniform(ks[4], (1, DENSE_D), minval=-0.001, maxval=0.001, dtype=jnp.float32)
    ld_b = jnp.zeros((1,), dtype=jnp.float32)
    bn0_g = jnp.ones((INPUT_DIM,), dtype=jnp.float32)
    bn0_b = jnp.zeros((INPUT_DIM,), dtype=jnp.float32)
    W1 = jax.random.normal(ks[5], (128, INPUT_DIM), dtype=jnp.float32) * 0.02
    b1 = jnp.zeros((128,), dtype=jnp.float32)
    bn1_g = jnp.ones((128,), dtype=jnp.float32)
    bn1_b = jnp.zeros((128,), dtype=jnp.float32)
    W2 = jax.random.normal(ks[6], (64, 128), dtype=jnp.float32) * 0.02
    b2 = jnp.zeros((64,), dtype=jnp.float32)
    bn2_g = jnp.ones((64,), dtype=jnp.float32)
    bn2_b = jnp.zeros((64,), dtype=jnp.float32)
    Wout = jax.random.uniform(ks[7], (1, 64), minval=-0.001, maxval=0.001, dtype=jnp.float32)
    bout = jnp.zeros((1,), dtype=jnp.float32)
    bias = jnp.zeros((1,), dtype=jnp.float32)
    return {"sparse_inputs": sparse_inputs, "dense_inputs": dense_inputs, "emb_tables": emb_tables,
            "lin_tables": lin_tables, "ld_W": ld_W, "ld_b": ld_b, "bn0_g": bn0_g, "bn0_b": bn0_b,
            "W1": W1, "b1": b1, "bn1_g": bn1_g, "bn1_b": bn1_b, "W2": W2, "b2": b2,
            "bn2_g": bn2_g, "bn2_b": bn2_b, "Wout": Wout, "bout": bout, "bias": bias}


def _bn_eval(x, g, b):
    # eval-mode BatchNorm1d: running_mean=0, running_var=1
    return x / jnp.sqrt(1.0 + BN_EPS) * g + b


def reference(sparse_inputs, dense_inputs, emb_tables, lin_tables, ld_W, ld_b,
              bn0_g, bn0_b, W1, b1, bn1_g, bn1_b, W2, b2, bn2_g, bn2_b,
              Wout, bout, bias):
    field_idx = jnp.arange(F_FIELDS)[None, :]  # [1, F]
    # linear (1st order) sparse terms: gather [B, F, 1] then sum over fields
    lin_emb = lin_tables[field_idx, sparse_inputs]              # [B, F, 1]
    linear_sparse_output = jnp.sum(lin_emb.reshape(lin_emb.shape[0], -1), axis=1, keepdims=True)  # [B, 1]
    linear_dense_output = dense_inputs @ ld_W.T + ld_b          # [B, 1]
    # 2nd order embeddings
    emb_matrix = emb_tables[field_idx, sparse_inputs]           # [B, F, D]
    square_of_sum = jnp.sum(emb_matrix, axis=1) ** 2            # [B, D]
    sum_of_square = jnp.sum(emb_matrix ** 2, axis=1)            # [B, D]
    fm_output = jnp.sum(0.5 * (square_of_sum - sum_of_square), axis=1, keepdims=True)  # [B, 1]
    # deep part
    deep_input = jnp.concatenate([emb_matrix.reshape(emb_matrix.shape[0], -1), dense_inputs], axis=1)
    h = _bn_eval(deep_input, bn0_g, bn0_b)
    h = jax.nn.relu(_bn_eval(h @ W1.T + b1, bn1_g, bn1_b))
    h = jax.nn.relu(_bn_eval(h @ W2.T + b2, bn2_g, bn2_b))
    deep_output = h @ Wout.T + bout                              # [B, 1]
    out = bias + linear_sparse_output + linear_dense_output + fm_output + deep_output
    return out.squeeze(-1)

if __name__ == "__main__":
    import jax
    _d = setup_inputs()
    print(jax.jit(kernel)(*tuple(_d.values())))

</pallas_src>

<mosaic_0001>
#map = affine_map<(d0, d1) -> (0, 0)>
#map1 = affine_map<(d0, d1) -> (0)>
#map2 = affine_map<(d0, d1) -> (0, 0, 0)>
module attributes {stable_mosaic.version = 14 : i64} {
  func.func @k(%arg0: i32, %arg1: i32, %arg2: memref<26x16384xi32, #tpu.memory_space<hbm>>, %arg3: memref<41639936xf32, #tpu.memory_space<hbm>>, %arg4: memref<26x1x100001xf32, #tpu.memory_space<hbm>>, %arg5: memref<416x16384xf32, #tpu.memory_space<hbm>>, %arg6: memref<16384xf32, #tpu.memory_space<hbm>>, %arg7: memref<26x512xi32, #tpu.memory_space<vmem>>, %arg8: memref<3x26x512xf32, #tpu.memory_space<vmem>>, %arg9: memref<26x512xf32, #tpu.memory_space<vmem>>, %arg10: memref<512xf32, #tpu.memory_space<vmem>>, %arg11: memref<3x!tpu.dma_semaphore, #tpu.memory_space<semaphore_mem>>, %arg12: memref<!tpu.dma_semaphore, #tpu.memory_space<semaphore_mem>>, %arg13: memref<!tpu.dma_semaphore, #tpu.memory_space<semaphore_mem>>) attributes {dimension_semantics = [#tpu.dimension_semantics<core_parallel>, #tpu.dimension_semantics<subcore_parallel>], iteration_bounds = array<i64: 2, 16>, scalar_prefetch = 0 : i64, scratch_operands = 7 : i64, tpu.core_type = #tpu.core_type<sc_vector_subcore>, window_params = [{transform_indices = #map}, {transform_indices = #map1}, {transform_indices = #map2}, {transform_indices = #map}, {transform_indices = #map1}]} {
    %mul3A = arith.constant 2 : i32
    %mul3A_0 = arith.muli %arg1, %mul3A : i32
    %add3A = arith.addi %mul3A_0, %arg0 : i32
    %mul3A_1 = arith.constant 512 : i32
    %mul3A_2 = arith.muli %add3A, %mul3A_1 : i32
    "tpu.region"() ({
      %run_scoped3A = tpu.sem_alloc : memref<!tpu.dma_semaphore, #tpu.memory_space<semaphore_mem>>
      %dma_start3A = arith.constant 0 : i32
      %dma_start3A_449 = tpu.memref_slice %arg2[%dma_start3A, %mul3A_2] : memref<26x16384xi32, #tpu.memory_space<hbm>> -> memref<26x512xi32, #tpu.memory_space<hbm>>
      %dma_start3A_450 = arith.constant 0 : i32
      %dma_start3A_451 = tpu.memref_slice %arg2[%dma_start3A_450, %mul3A_2] : memref<26x16384xi32, #tpu.memory_space<hbm>> -> memref<26x512xi32, #tpu.memory_space<hbm>>
      tpu.enqueue_dma source(%dma_start3A_451 : memref<26x512xi32, #tpu.memory_space<hbm>>) target(%arg7 : memref<26x512xi32, #tpu.memory_space<vmem>>) target_semaphore(%run_scoped3A : memref<!tpu.dma_semaphore, #tpu.memory_space<semaphore_mem>>)
      %dma_wait3A = arith.constant 0 : i32
      %dma_wait3A_452 = tpu.memref_slice %arg2[%dma_wait3A, %mul3A_2] : memref<26x16384xi32, #tpu.memory_space<hbm>> -> memref<26x512xi32, #tpu.memory_space<hbm>>
      %dma_wait3A_453 = arith.constant 0 : i32
      %dma_wait3A_454 = tpu.memref_slice %arg2[%dma_wait3A_453, %mul3A_2] : memref<26x16384xi32, #tpu.memory_space<hbm>> -> memref<26x512xi32, #tpu.memory_space<hbm>>
      tpu.wait_dma2 semaphore(%run_scoped3A : memref<!tpu.dma_semaphore, #tpu.memory_space<semaphore_mem>>) src(%dma_wait3A_454 : memref<26x512xi32, #tpu.memory_space<hbm>>) dst(%arg7 : memref<26x512xi32, #tpu.memory_space<vmem>>)
      tpu.yield
    }) : () -> ()
    %scan3A = arith.constant 0 : i32
    %scan3A_3 = arith.constant 0 : i32
    %scan3A_4 = arith.constant 26 : i32
    %scan3A_5 = arith.addi %scan3A_3, %scan3A_4 : i32
    %scan3A_6 = arith.constant 1 : i32
    scf.for %scan3A_449 = %scan3A_3 to %scan3A_5 step %scan3A_6  : i32 {
      %scan3A_450 = arith.constant 0 : i32
      %scan3A_451 = arith.constant 0 : i32
      %scan3A_452 = arith.constant 32 : i32
      %scan3A_453 = arith.addi %scan3A_451, %scan3A_452 : i32
      %scan3A_454 = arith.constant 1 : i32
      scf.for %scan3A_456 = %scan3A_451 to %scan3A_453 step %scan3A_454  : i32 {
        %mul3A_457 = arith.constant 16 : i32
        %mul3A_458 = arith.muli %scan3A_456, %mul3A_457 : i32
        %get3A = arith.index_cast %scan3A_449 : i32 to index
        %get3A_459 = arith.index_cast %mul3A_458 : i32 to index
        %get3A_460 = tpu.vector_load %arg7[%get3A, %get3A_459] {strides = array<i32>} : memref<26x512xi32, #tpu.memory_space<vmem>>, vector<1x16xi32>,
        %get3A_461 = vector.shape_cast %get3A_460 : vector<1x16xi32> to vector<16xi32>
        %mul3A_462 = arith.constant 16 : i32
        %mul3A_463 = arith.muli %scan3A_456, %mul3A_462 : i32
        %dma_start3A = arith.constant 0 : i32
        %dma_start3A_464 = tpu.memref_slice %arg9[%scan3A_449, %mul3A_463] : memref<26x512xf32, #tpu.memory_space<vmem>> -> memref<1x16xf32, #tpu.memory_space<vmem>>
        %dma_start3A_465 = tpu.memref_squeeze %dma_start3A_464 : memref<1x16xf32, #tpu.memory_space<vmem>> -> memref<16xf32, #tpu.memory_space<vmem>>
        %dma_start3A_466 = arith.constant 0 : i32
        %dma_start3A_467 = tpu.memref_slice %arg4[%scan3A_449, %dma_start3A, %dma_start3A_466] : memref<26x1x100001xf32, #tpu.memory_space<hbm>> -> memref<1x1x100001xf32, #tpu.memory_space<hbm>>
        %dma_start3A_468 = tpu.memref_squeeze %dma_start3A_467 : memref<1x1x100001xf32, #tpu.memory_space<hbm>> -> memref<100001xf32, #tpu.memory_space<hbm>>
        %dma_start3A_469 = arith.constant 0 : i32
        %dma_start3A_470 = tpu.memref_slice %dma_start3A_468[%dma_start3A_469] : memref<100001xf32, #tpu.memory_space<hbm>> -> memref<100001xf32, #tpu.memory_space<hbm>>
        tpu.enqueue_indirect_dma source(%dma_start3A_470 : memref<100001xf32, #tpu.memory_space<hbm>>) target(%dma_start3A_465 : memref<16xf32, #tpu.memory_space<vmem>>) offsets(%get3A_461 : vector<16xi32>) semaphore(%arg12 : memref<!tpu.dma_semaphore, #tpu.memory_space<semaphore_mem>>)
      }
      %scan3A_455 = arith.constant 32 : i32
    }
    %scan3A_7 = arith.constant 26 : i32
    %rem3A = arith.constant 0 : i32
    %rem3A_8 = arith.constant 3 : i32
    %rem3A_9 = arith.remsi %rem3A, %rem3A_8 : i32
    %div3A = arith.constant 0 : i32
    %div3A_10 = arith.constant 8 : i32
    %div3A_11 = arith.divsi %div3A, %div3A_10 : i32
    %mul3A_12 = arith.constant 800768 : i32
    %mul3A_13 = arith.muli %div3A_11, %mul3A_12 : i32
    %rem3A_14 = arith.constant 0 : i32
    %rem3A_15 = arith.constant 8 : i32
    %rem3A_16 = arith.remsi %rem3A_14, %rem3A_15 : i32
    %mul3A_17 = arith.constant 128 : i32
    %mul3A_18 = arith.muli %rem3A_16, %mul3A_17 : i32
    %add3A_19 = arith.addi %mul3A_13, %mul3A_18 : i32
    %scan3A_20 = arith.constant 0 : i32
    %scan3A_21 = arith.constant 0 : i32
    %scan3A_22 = arith.constant 26 : i32
    %scan3A_23 = arith.addi %scan3A_21, %scan3A_22 : i32
    %scan3A_24 = arith.constant 1 : i32
    scf.for %scan3A_449 = %scan3A_21 to %scan3A_23 step %scan3A_24  : i32 {
      %mul3A_450 = arith.constant 1601536 : i32
      %mul3A_451 = arith.muli %scan3A_449, %mul3A_450 : i32
      %add3A_452 = arith.addi %add3A_19, %mul3A_451 : i32
      %scan3A_453 = arith.constant 0 : i32
      %scan3A_454 = arith.constant 0 : i32
      %scan3A_455 = arith.constant 32 : i32
      %scan3A_456 = arith.addi %scan3A_454, %scan3A_455 : i32
      %scan3A_457 = arith.constant 1 : i32
      scf.for %scan3A_459 = %scan3A_454 to %scan3A_456 step %scan3A_457  : i32 {
        %mul3A_460 = arith.constant 16 : i32
        %mul3A_461 = arith.muli %scan3A_459, %mul3A_460 : i32
        %get3A = arith.index_cast %scan3A_449 : i32 to index
        %get3A_462 = arith.index_cast %mul3A_461 : i32 to index
        %get3A_463 = tpu.vector_load %arg7[%get3A, %get3A_462] {strides = array<i32>} : memref<26x512xi32, #tpu.memory_space<vmem>>, vector<1x16xi32>,
        %get3A_464 = vector.shape_cast %get3A_463 : vector<1x16xi32> to vector<16xi32>
        %add3A_465 = vector.broadcast %add3A_452 : i32 to vector<16xi32>
        %add3A_466 = arith.addi %add3A_465, %get3A_464 : vector<16xi32>
        %shift_right_arithmetic3A = arith.constant 7 : i32
        %shift_right_arithmetic3A_467 = vector.broadcast %shift_right_arithmetic3A : i32 to vector<16xi32>
        %shift_right_arithmetic3A_468 = arith.shrsi %get3A_464, %shift_right_arithmetic3A_467 : vector<16xi32>
        %mul3A_469 = arith.constant 896 : i32
        %mul3A_470 = vector.broadcast %mul3A_469 : i32 to vector<16xi32>
        %mul3A_471 = arith.muli %shift_right_arithmetic3A_468, %mul3A_470 : vector<16xi32>
        %add3A_472 = arith.addi %add3A_466, %mul3A_471 : vector<16xi32>
        %mul3A_473 = arith.constant 16 : i32
        %mul3A_474 = arith.muli %scan3A_459, %mul3A_473 : i32
        %dma_start3A = tpu.memref_slice %arg8[%rem3A_9, %scan3A_449, %mul3A_474] : memref<3x26x512xf32, #tpu.memory_space<vmem>> -> memref<1x1x16xf32, #tpu.memory_space<vmem>>
        %dma_start3A_475 = tpu.memref_squeeze %dma_start3A : memref<1x1x16xf32, #tpu.memory_space<vmem>> -> memref<16xf32, #tpu.memory_space<vmem>>
        %dma_start3A_476 = arith.constant 0 : i32
        %dma_start3A_477 = tpu.memref_slice %arg3[%dma_start3A_476] : memref<41639936xf32, #tpu.memory_space<hbm>> -> memref<41639936xf32, #tpu.memory_space<hbm>>
        %dma_start3A_478 = tpu.memref_slice %arg11[%rem3A_9] : memref<3x!tpu.dma_semaphore, #tpu.memory_space<semaphore_mem>> -> memref<1x!tpu.dma_semaphore, #tpu.memory_space<semaphore_mem>>
        %dma_start3A_479 = tpu.memref_squeeze %dma_start3A_478 : memref<1x!tpu.dma_semaphore, #tpu.memory_space<semaphore_mem>> -> memref<!tpu.dma_semaphore, #tpu.memory_space<semaphore_mem>>
        tpu.enqueue_indirect_dma source(%dma_start3A_477 : memref<41639936xf32, #tpu.memory_space<hbm>>) target(%dma_start3A_475 : memref<16xf32, #tpu.memory_space<vmem>>) offsets(%add3A_472 : vector<16xi32>) semaphore(%dma_start3A_479 : memref<!tpu.dma_semaphore, #tpu.memory_space<semaphore_mem>>)
      }
      %scan3A_458 = arith.constant 32 : i32
    }
    %scan3A_25 = arith.constant 26 : i32
    %rem3A_26 = arith.constant 1 : i32
    %rem3A_27 = arith.constant 3 : i32
    %rem3A_28 = arith.remsi %rem3A_26, %rem3A_27 : i32
    %div3A_29 = arith.constant 1 : i32
    %div3A_30 = arith.constant 8 : i32
    %div3A_31 = arith.divsi %div3A_29, %div3A_30 : i32
    %mul3A_32 = arith.constant 800768 : i32
    %mul3A_33 = arith.muli %div3A_31, %mul3A_32 : i32
    %rem3A_34 = arith.constant 1 : i32
    %rem3A_35 = arith.constant 8 : i32
    %rem3A_36 = arith.remsi %rem3A_34, %rem3A_35 : i32
    %mul3A_37 = arith.constant 128 : i32
    %mul3A_38 = arith.muli %rem3A_36, %mul3A_37 : i32
    %add3A_39 = arith.addi %mul3A_33, %mul3A_38 : i32
    %scan3A_40 = arith.constant 0 : i32
    %scan3A_41 = arith.constant 0 : i32
    %scan3A_42 = arith.constant 26 : i32
    %scan3A_43 = arith.addi %scan3A_41, %scan3A_42 : i32
    %scan3A_44 = arith.constant 1 : i32
    scf.for %scan3A_449 = %scan3A_41 to %scan3A_43 step %scan3A_44  : i32 {
      %mul3A_450 = arith.constant 1601536 : i32
      %mul3A_451 = arith.muli %scan3A_449, %mul3A_450 : i32
      %add3A_452 = arith.addi %add3A_39, %mul3A_451 : i32
      %scan3A_453 = arith.constant 0 : i32
      %scan3A_454 = arith.constant 0 : i32
      %scan3A_455 = arith.constant 32 : i32
      %scan3A_456 = arith.addi %scan3A_454, %scan3A_455 : i32
      %scan3A_457 = arith.constant 1 : i32
      scf.for %scan3A_459 = %scan3A_454 to %scan3A_456 step %scan3A_457  : i32 {
        %mul3A_460 = arith.constant 16 : i32
        %mul3A_461 = arith.muli %scan3A_459, %mul3A_460 : i32
        %get3A = arith.index_cast %scan3A_449 : i32 to index
        %get3A_462 = arith.index_cast %mul3A_461 : i32 to index
        %get3A_463 = tpu.vector_load %arg7[%get3A, %get3A_462] {strides = array<i32>} : memref<26x512xi32, #tpu.memory_space<vmem>>, vector<1x16xi32>,
        %get3A_464 = vector.shape_cast %get3A_463 : vector<1x16xi32> to vector<16xi32>
        %add3A_465 = vector.broadcast %add3A_452 : i32 to vector<16xi32>
        %add3A_466 = arith.addi %add3A_465, %get3A_464 : vector<16xi32>
        %shift_right_arithmetic3A = arith.constant 7 : i32
        %shift_right_arithmetic3A_467 = vector.broadcast %shift_right_arithmetic3A : i32 to vector<16xi32>
        %shift_right_arithmetic3A_468 = arith.shrsi %get3A_464, %shift_right_arithmetic3A_467 : vector<16xi32>
        %mul3A_469 = arith.constant 896 : i32
        %mul3A_470 = vector.broadcast %mul3A_469 : i32 to vector<16xi32>
        %mul3A_471 = arith.muli %shift_right_arithmetic3A_468, %mul3A_470 : vector<16xi32>
        %add3A_472 = arith.addi %add3A_466, %mul3A_471 : vector<16xi32>
        %mul3A_473 = arith.constant 16 : i32
        %mul3A_474 = arith.muli %scan3A_459, %mul3A_473 : i32
        %dma_start3A = tpu.memref_slice %arg8[%rem3A_28, %scan3A_449, %mul3A_474] : memref<3x26x512xf32, #tpu.memory_space<vmem>> -> memref<1x1x16xf32, #tpu.memory_space<vmem>>
        %dma_start3A_475 = tpu.memref_squeeze %dma_start3A : memref<1x1x16xf32, #tpu.memory_space<vmem>> -> memref<16xf32, #tpu.memory_space<vmem>>
        %dma_start3A_476 = arith.constant 0 : i32
        %dma_start3A_477 = tpu.memref_slice %arg3[%dma_start3A_476] : memref<41639936xf32, #tpu.memory_space<hbm>> -> memref<41639936xf32, #tpu.memory_space<hbm>>
        %dma_start3A_478 = tpu.memref_slice %arg11[%rem3A_28] : memref<3x!tpu.dma_semaphore, #tpu.memory_space<semaphore_mem>> -> memref<1x!tpu.dma_semaphore, #tpu.memory_space<semaphore_mem>>
        %dma_start3A_479 = tpu.memref_squeeze %dma_start3A_478 : memref<1x!tpu.dma_semaphore, #tpu.memory_space<semaphore_mem>> -> memref<!tpu.dma_semaphore, #tpu.memory_space<semaphore_mem>>
        tpu.enqueue_indirect_dma source(%dma_start3A_477 : memref<41639936xf32, #tpu.memory_space<hbm>>) target(%dma_start3A_475 : memref<16xf32, #tpu.memory_space<vmem>>) offsets(%add3A_472 : vector<16xi32>) semaphore(%dma_start3A_479 : memref<!tpu.dma_semaphore, #tpu.memory_space<semaphore_mem>>)
      }
      %scan3A_458 = arith.constant 32 : i32
    }
    %scan3A_45 = arith.constant 26 : i32
    %scan3A_46 = arith.constant 0 : i32
    %scan3A_47 = arith.constant 0 : i32
    %scan3A_48 = arith.constant 16 : i32
    %scan3A_49 = arith.addi %scan3A_47, %scan3A_48 : i32
    %scan3A_50 = arith.constant 1 : i32
    scf.for %scan3A_449 = %scan3A_47 to %scan3A_49 step %scan3A_50  : i32 {
      %rem3A_450 = arith.constant 3 : i32
      %rem3A_451 = arith.remsi %scan3A_449, %rem3A_450 : i32
      %scan3A_452 = arith.constant 0 : i32
      %scan3A_453 = arith.constant 0 : i32
      %scan3A_454 = arith.constant 26 : i32
      %scan3A_455 = arith.addi %scan3A_453, %scan3A_454 : i32
      %scan3A_456 = arith.constant 1 : i32
      scf.for %scan3A_474 = %scan3A_453 to %scan3A_455 step %scan3A_456  : i32 {
        %dma_wait3A = arith.constant 0 : i32
        %dma_wait3A_475 = arith.constant 0 : i32
        %dma_wait3A_476 = tpu.memref_slice %arg8[%rem3A_451, %scan3A_474, %dma_wait3A_475] : memref<3x26x512xf32, #tpu.memory_space<vmem>> -> memref<1x1x512xf32, #tpu.memory_space<vmem>>
        %dma_wait3A_477 = tpu.memref_squeeze %dma_wait3A_476 : memref<1x1x512xf32, #tpu.memory_space<vmem>> -> memref<512xf32, #tpu.memory_space<vmem>>
        %dma_wait3A_478 = arith.constant 0 : i32
        %dma_wait3A_479 = tpu.memref_slice %arg5[%dma_wait3A, %dma_wait3A_478] : memref<416x16384xf32, #tpu.memory_space<hbm>> -> memref<1x512xf32, #tpu.memory_space<hbm>>
        %dma_wait3A_480 = tpu.memref_squeeze %dma_wait3A_479 : memref<1x512xf32, #tpu.memory_space<hbm>> -> memref<512xf32, #tpu.memory_space<hbm>>
        %dma_wait3A_481 = tpu.memref_slice %arg11[%rem3A_451] : memref<3x!tpu.dma_semaphore, #tpu.memory_space<semaphore_mem>> -> memref<1x!tpu.dma_semaphore, #tpu.memory_space<semaphore_mem>>
        %dma_wait3A_482 = tpu.memref_squeeze %dma_wait3A_481 : memref<1x!tpu.dma_semaphore, #tpu.memory_space<semaphore_mem>> -> memref<!tpu.dma_semaphore, #tpu.memory_space<semaphore_mem>>
        %dma_wait3A_483 = arith.constant 0 : i32
        %dma_wait3A_484 = tpu.memref_slice %arg8[%rem3A_451, %scan3A_474, %dma_wait3A_483] : memref<3x26x512xf32, #tpu.memory_space<vmem>> -> memref<1x1x512xf32, #tpu.memory_space<vmem>>
        %dma_wait3A_485 = tpu.memref_squeeze %dma_wait3A_484 : memref<1x1x512xf32, #tpu.memory_space<vmem>> -> memref<512xf32, #tpu.memory_space<vmem>>
        %dma_wait3A_486 = arith.constant 0 : i32
        %dma_wait3A_487 = tpu.memref_slice %arg5[%dma_wait3A, %dma_wait3A_486] : memref<416x16384xf32, #tpu.memory_space<hbm>> -> memref<1x512xf32, #tpu.memory_space<hbm>>
        %dma_wait3A_488 = tpu.memref_squeeze %dma_wait3A_487 : memref<1x512xf32, #tpu.memory_space<hbm>> -> memref<512xf32, #tpu.memory_space<hbm>>
        tpu.wait_dma2 semaphore(%dma_wait3A_482 : memref<!tpu.dma_semaphore, #tpu.memory_space<semaphore_mem>>) src(%dma_wait3A_488 : memref<512xf32, #tpu.memory_space<hbm>>) dst(%dma_wait3A_485 : memref<512xf32, #tpu.memory_space<vmem>>)
      }
      %scan3A_457 = arith.constant 26 : i32
      %ge3A = arith.constant 1 : i32
      %ge3A_458 = arith.cmpi sge, %scan3A_449, %ge3A : i32
      %convert_element_type3A = arith.extui %ge3A_458 : i1 to i32
      %cond3A = arith.constant 0 : i32
      %cond3A_459 = arith.cmpi ne, %convert_element_type3A, %cond3A : i32
      scf.if %cond3A_459 {
        %sub3A = arith.constant 1 : i32
        %sub3A_474 = arith.subi %scan3A_449, %sub3A : i32
        %rem3A_475 = arith.constant 3 : i32
        %rem3A_476 = arith.remsi %sub3A_474, %rem3A_475 : i32
        %scan3A_477 = arith.constant 0 : i32
        %scan3A_478 = arith.constant 0 : i32
        %scan3A_479 = arith.constant 26 : i32
        %scan3A_480 = arith.addi %scan3A_478, %scan3A_479 : i32
        %scan3A_481 = arith.constant 1 : i32
        scf.for %scan3A_483 = %scan3A_478 to %scan3A_480 step %scan3A_481  : i32 {
          %mul3A_484 = arith.constant 16 : i32
          %mul3A_485 = arith.muli %scan3A_483, %mul3A_484 : i32
          %add3A_486 = arith.addi %mul3A_485, %sub3A_474 : i32
          %dma_wait3A = arith.constant 0 : i32
          %dma_wait3A_487 = tpu.memref_slice %arg8[%rem3A_476, %scan3A_483, %dma_wait3A] : memref<3x26x512xf32, #tpu.memory_space<vmem>> -> memref<1x1x512xf32, #tpu.memory_space<vmem>>
          %dma_wait3A_488 = tpu.memref_squeeze %dma_wait3A_487 : memref<1x1x512xf32, #tpu.memory_space<vmem>> -> memref<512xf32, #tpu.memory_space<vmem>>
          %dma_wait3A_489 = tpu.memref_slice %arg5[%add3A_486, %mul3A_2] : memref<416x16384xf32, #tpu.memory_space<hbm>> -> memref<1x512xf32, #tpu.memory_space<hbm>>
          %dma_wait3A_490 = tpu.memref_squeeze %dma_wait3A_489 : memref<1x512xf32, #tpu.memory_space<hbm>> -> memref<512xf32, #tpu.memory_space<hbm>>
          %dma_wait3A_491 = tpu.memref_slice %arg5[%add3A_486, %mul3A_2] : memref<416x16384xf32, #tpu.memory_space<hbm>> -> memref<1x512xf32, #tpu.memory_space<hbm>>
          %dma_wait3A_492 = tpu.memref_squeeze %dma_wait3A_491 : memref<1x512xf32, #tpu.memory_space<hbm>> -> memref<512xf32, #tpu.memory_space<hbm>>
          %dma_wait3A_493 = arith.constant 0 : i32
          %dma_wait3A_494 = tpu.memref_slice %arg8[%rem3A_476, %scan3A_483, %dma_wait3A_493] : memref<3x26x512xf32, #tpu.memory_space<vmem>> -> memref<1x1x512xf32, #tpu.memory_space<vmem>>
          %dma_wait3A_495 = tpu.memref_squeeze %dma_wait3A_494 : memref<1x1x512xf32, #tpu.memory_space<vmem>> -> memref<512xf32, #tpu.memory_space<vmem>>
          tpu.wait_dma2 semaphore(%arg13 : memref<!tpu.dma_semaphore, #tpu.memory_space<semaphore_mem>>) src(%dma_wait3A_495 : memref<512xf32, #tpu.memory_space<vmem>>) dst(%dma_wait3A_492 : memref<512xf32, #tpu.memory_space<hbm>>)
        }
        %scan3A_482 = arith.constant 26 : i32
      } else {
      }
      %rem3A_460 = arith.constant 3 : i32
      %rem3A_461 = arith.remsi %scan3A_449, %rem3A_460 : i32
      %scan3A_462 = arith.constant 0 : i32
      %scan3A_463 = arith.constant 0 : i32
      %scan3A_464 = arith.constant 26 : i32
      %scan3A_465 = arith.addi %scan3A_463, %scan3A_464 : i32
      %scan3A_466 = arith.constant 1 : i32
      scf.for %scan3A_474 = %scan3A_463 to %scan3A_465 step %scan3A_466  : i32 {
        %mul3A_475 = arith.constant 16 : i32
        %mul3A_476 = arith.muli %scan3A_474, %mul3A_475 : i32
        %add3A_477 = arith.addi %mul3A_476, %scan3A_449 : i32
        %dma_start3A = arith.constant 0 : i32
        %dma_start3A_478 = tpu.memref_slice %arg8[%rem3A_461, %scan3A_474, %dma_start3A] : memref<3x26x512xf32, #tpu.memory_space<vmem>> -> memref<1x1x512xf32, #tpu.memory_space<vmem>>
        %dma_start3A_479 = tpu.memref_squeeze %dma_start3A_478 : memref<1x1x512xf32, #tpu.memory_space<vmem>> -> memref<512xf32, #tpu.memory_space<vmem>>
        %dma_start3A_480 = tpu.memref_slice %arg5[%add3A_477, %mul3A_2] : memref<416x16384xf32, #tpu.memory_space<hbm>> -> memref<1x512xf32, #tpu.memory_space<hbm>>
        %dma_start3A_481 = tpu.memref_squeeze %dma_start3A_480 : memref<1x512xf32, #tpu.memory_space<hbm>> -> memref<512xf32, #tpu.memory_space<hbm>>
        %dma_start3A_482 = tpu.memref_slice %arg5[%add3A_477, %mul3A_2] : memref<416x16384xf32, #tpu.memory_space<hbm>> -> memref<1x512xf32, #tpu.memory_space<hbm>>
        %dma_start3A_483 = tpu.memref_squeeze %dma_start3A_482 : memref<1x512xf32, #tpu.memory_space<hbm>> -> memref<512xf32, #tpu.memory_space<hbm>>
        %dma_start3A_484 = arith.constant 0 : i32
        %dma_start3A_485 = tpu.memref_slice %arg8[%rem3A_461, %scan3A_474, %dma_start3A_484] : memref<3x26x512xf32, #tpu.memory_space<vmem>> -> memref<1x1x512xf32, #tpu.memory_space<vmem>>
        %dma_start3A_486 = tpu.memref_squeeze %dma_start3A_485 : memref<1x1x512xf32, #tpu.memory_space<vmem>> -> memref<512xf32, #tpu.memory_space<vmem>>
        tpu.enqueue_dma source(%dma_start3A_486 : memref<512xf32, #tpu.memory_space<vmem>>) target(%dma_start3A_483 : memref<512xf32, #tpu.memory_space<hbm>>) target_semaphore(%arg13 : memref<!tpu.dma_semaphore, #tpu.memory_space<semaphore_mem>>)
      }
      %scan3A_467 = arith.constant 26 : i32
      %add3A_468 = arith.constant 2 : i32
      %add3A_469 = arith.addi %scan3A_449, %add3A_468 : i32
      %lt3A = arith.constant 16 : i32
      %lt3A_470 = arith.cmpi slt, %add3A_469, %lt3A : i32
      %convert_element_type3A_471 = arith.extui %lt3A_470 : i1 to i32
      %cond3A_472 = arith.constant 0 : i32
      %cond3A_473 = arith.cmpi ne, %convert_element_type3A_471, %cond3A_472 : i32
      scf.if %cond3A_473 {
        %add3A_474 = arith.constant 2 : i32
        %add3A_475 = arith.addi %scan3A_449, %add3A_474 : i32
        %rem3A_476 = arith.constant 3 : i32
        %rem3A_477 = arith.remsi %add3A_475, %rem3A_476 : i32
        %div3A_478 = arith.constant 8 : i32
        %div3A_479 = arith.divsi %add3A_475, %div3A_478 : i32
        %mul3A_480 = arith.constant 800768 : i32
        %mul3A_481 = arith.muli %div3A_479, %mul3A_480 : i32
        %rem3A_482 = arith.constant 8 : i32
        %rem3A_483 = arith.remsi %add3A_475, %rem3A_482 : i32
        %mul3A_484 = arith.constant 128 : i32
        %mul3A_485 = arith.muli %rem3A_483, %mul3A_484 : i32
        %add3A_486 = arith.addi %mul3A_481, %mul3A_485 : i32
        %scan3A_487 = arith.constant 0 : i32
        %scan3A_488 = arith.constant 0 : i32
        %scan3A_489 = arith.constant 26 : i32
        %scan3A_490 = arith.addi %scan3A_488, %scan3A_489 : i32
        %scan3A_491 = arith.constant 1 : i32
        scf.for %scan3A_493 = %scan3A_488 to %scan3A_490 step %scan3A_491  : i32 {
          %mul3A_494 = arith.constant 1601536 : i32
          %mul3A_495 = arith.muli %scan3A_493, %mul3A_494 : i32
          %add3A_496 = arith.addi %add3A_486, %mul3A_495 : i32
          %scan3A_497 = arith.constant 0 : i32
          %scan3A_498 = arith.constant 0 : i32
          %scan3A_499 = arith.constant 32 : i32
          %scan3A_500 = arith.addi %scan3A_498, %scan3A_499 : i32
          %scan3A_501 = arith.constant 1 : i32
          scf.for %scan3A_503 = %scan3A_498 to %scan3A_500 step %scan3A_501  : i32 {
            %mul3A_504 = arith.constant 16 : i32
            %mul3A_505 = arith.muli %scan3A_503, %mul3A_504 : i32
            %get3A = arith.index_cast %scan3A_493 : i32 to index
            %get3A_506 = arith.index_cast %mul3A_505 : i32 to index
            %get3A_507 = tpu.vector_load %arg7[%get3A, %get3A_506] {strides = array<i32>} : memref<26x512xi32, #tpu.memory_space<vmem>>, vector<1x16xi32>,
            %get3A_508 = vector.shape_cast %get3A_507 : vector<1x16xi32> to vector<16xi32>
            %add3A_509 = vector.broadcast %add3A_496 : i32 to vector<16xi32>
            %add3A_510 = arith.addi %add3A_509, %get3A_508 : vector<16xi32>
            %shift_right_arithmetic3A = arith.constant 7 : i32
            %shift_right_arithmetic3A_511 = vector.broadcast %shift_right_arithmetic3A : i32 to vector<16xi32>
            %shift_right_arithmetic3A_512 = arith.shrsi %get3A_508, %shift_right_arithmetic3A_511 : vector<16xi32>
            %mul3A_513 = arith.constant 896 : i32
            %mul3A_514 = vector.broadcast %mul3A_513 : i32 to vector<16xi32>
            %mul3A_515 = arith.muli %shift_right_arithmetic3A_512, %mul3A_514 : vector<16xi32>
            %add3A_516 = arith.addi %add3A_510, %mul3A_515 : vector<16xi32>
            %mul3A_517 = arith.constant 16 : i32
            %mul3A_518 = arith.muli %scan3A_503, %mul3A_517 : i32
            %dma_start3A = tpu.memref_slice %arg8[%rem3A_477, %scan3A_493, %mul3A_518] : memref<3x26x512xf32, #tpu.memory_space<vmem>> -> memref<1x1x16xf32, #tpu.memory_space<vmem>>
            %dma_start3A_519 = tpu.memref_squeeze %dma_start3A : memref<1x1x16xf32, #tpu.memory_space<vmem>> -> memref<16xf32, #tpu.memory_space<vmem>>
            %dma_start3A_520 = arith.constant 0 : i32
            %dma_start3A_521 = tpu.memref_slice %arg3[%dma_start3A_520] : memref<41639936xf32, #tpu.memory_space<hbm>> -> memref<41639936xf32, #tpu.memory_space<hbm>>
            %dma_start3A_522 = tpu.memref_slice %arg11[%rem3A_477] : memref<3x!tpu.dma_semaphore, #tpu.memory_space<semaphore_mem>> -> memref<1x!tpu.dma_semaphore, #tpu.memory_space<semaphore_mem>>
            %dma_start3A_523 = tpu.memref_squeeze %dma_start3A_522 : memref<1x!tpu.dma_semaphore, #tpu.memory_space<semaphore_mem>> -> memref<!tpu.dma_semaphore, #tpu.memory_space<semaphore_mem>>
            tpu.enqueue_indirect_dma source(%dma_start3A_521 : memref<41639936xf32, #tpu.memory_space<hbm>>) target(%dma_start3A_519 : memref<16xf32, #tpu.memory_space<vmem>>) offsets(%add3A_516 : vector<16xi32>) semaphore(%dma_start3A_523 : memref<!tpu.dma_semaphore, #tpu.memory_space<semaphore_mem>>)
          }
          %scan3A_502 = arith.constant 32 : i32
        }
        %scan3A_492 = arith.constant 26 : i32
      } else {
      }
    }
    %scan3A_51 = arith.constant 16 : i32
    %rem3A_52 = arith.constant 15 : i32
    %rem3A_53 = arith.constant 3 : i32
    %rem3A_54 = arith.remsi %rem3A_52, %rem3A_53 : i32
    %scan3A_55 = arith.constant 0 : i32
    %scan3A_56 = arith.constant 0 : i32
    %scan3A_57 = arith.constant 26 : i32
    %scan3A_58 = arith.addi %scan3A_56, %scan3A_57 : i32
    %scan3A_59 = arith.constant 1 : i32
    scf.for %scan3A_449 = %scan3A_56 to %scan3A_58 step %scan3A_59  : i32 {
      %mul3A_450 = arith.constant 16 : i32
      %mul3A_451 = arith.muli %scan3A_449, %mul3A_450 : i32
      %add3A_452 = arith.constant 15 : i32
      %add3A_453 = arith.addi %mul3A_451, %add3A_452 : i32
      %dma_wait3A = arith.constant 0 : i32
      %dma_wait3A_454 = tpu.memref_slice %arg8[%rem3A_54, %scan3A_449, %dma_wait3A] : memref<3x26x512xf32, #tpu.memory_space<vmem>> -> memref<1x1x512xf32, #tpu.memory_space<vmem>>
      %dma_wait3A_455 = tpu.memref_squeeze %dma_wait3A_454 : memref<1x1x512xf32, #tpu.memory_space<vmem>> -> memref<512xf32, #tpu.memory_space<vmem>>
      %dma_wait3A_456 = tpu.memref_slice %arg5[%add3A_453, %mul3A_2] : memref<416x16384xf32, #tpu.memory_space<hbm>> -> memref<1x512xf32, #tpu.memory_space<hbm>>
      %dma_wait3A_457 = tpu.memref_squeeze %dma_wait3A_456 : memref<1x512xf32, #tpu.memory_space<hbm>> -> memref<512xf32, #tpu.memory_space<hbm>>
      %dma_wait3A_458 = tpu.memref_slice %arg5[%add3A_453, %mul3A_2] : memref<416x16384xf32, #tpu.memory_space<hbm>> -> memref<1x512xf32, #tpu.memory_space<hbm>>
      %dma_wait3A_459 = tpu.memref_squeeze %dma_wait3A_458 : memref<1x512xf32, #tpu.memory_space<hbm>> -> memref<512xf32, #tpu.memory_space<hbm>>
      %dma_wait3A_460 = arith.constant 0 : i32
      %dma_wait3A_461 = tpu.memref_slice %arg8[%rem3A_54, %scan3A_449, %dma_wait3A_460] : memref<3x26x512xf32, #tpu.memory_space<vmem>> -> memref<1x1x512xf32, #tpu.memory_space<vmem>>
      %dma_wait3A_462 = tpu.memref_squeeze %dma_wait3A_461 : memref<1x1x512xf32, #tpu.memory_space<vmem>> -> memref<512xf32, #tpu.memory_space<vmem>>
      tpu.wait_dma2 semaphore(%arg13 : memref<!tpu.dma_semaphore, #tpu.memory_space<semaphore_mem>>) src(%dma_wait3A_462 : memref<512xf32, #tpu.memory_space<vmem>>) dst(%dma_wait3A_459 : memref<512xf32, #tpu.memory_space<hbm>>)
    }
    %scan3A_60 = arith.constant 26 : i32
    %scan3A_61 = arith.constant 0 : i32
    %scan3A_62 = arith.constant 0 : i32
    %scan3A_63 = arith.constant 26 : i32
    %scan3A_64 = arith.addi %scan3A_62, %scan3A_63 : i32
    %scan3A_65 = arith.constant 1 : i32
    scf.for %scan3A_449 = %scan3A_62 to %scan3A_64 step %scan3A_65  : i32 {
      %dma_wait3A = arith.constant 0 : i32
      %dma_wait3A_450 = arith.constant 0 : i32
      %dma_wait3A_451 = tpu.memref_slice %arg9[%scan3A_449, %dma_wait3A_450] : memref<26x512xf32, #tpu.memory_space<vmem>> -> memref<1x512xf32, #tpu.memory_space<vmem>>
      %dma_wait3A_452 = tpu.memref_squeeze %dma_wait3A_451 : memref<1x512xf32, #tpu.memory_space<vmem>> -> memref<512xf32, #tpu.memory_space<vmem>>
      %dma_wait3A_453 = arith.constant 0 : i32
      %dma_wait3A_454 = tpu.memref_slice %arg5[%dma_wait3A, %dma_wait3A_453] : memref<416x16384xf32, #tpu.memory_space<hbm>> -> memref<1x512xf32, #tpu.memory_space<hbm>>
      %dma_wait3A_455 = tpu.memref_squeeze %dma_wait3A_454 : memref<1x512xf32, #tpu.memory_space<hbm>> -> memref<512xf32, #tpu.memory_space<hbm>>
      %dma_wait3A_456 = arith.constant 0 : i32
      %dma_wait3A_457 = tpu.memref_slice %arg9[%scan3A_449, %dma_wait3A_456] : memref<26x512xf32, #tpu.memory_space<vmem>> -> memref<1x512xf32, #tpu.memory_space<vmem>>
      %dma_wait3A_458 = tpu.memref_squeeze %dma_wait3A_457 : memref<1x512xf32, #tpu.memory_space<vmem>> -> memref<512xf32, #tpu.memory_space<vmem>>
      %dma_wait3A_459 = arith.constant 0 : i32
      %dma_wait3A_460 = tpu.memref_slice %arg5[%dma_wait3A, %dma_wait3A_459] : memref<416x16384xf32, #tpu.memory_space<hbm>> -> memref<1x512xf32, #tpu.memory_space<hbm>>
      %dma_wait3A_461 = tpu.memref_squeeze %dma_wait3A_460 : memref<1x512xf32, #tpu.memory_space<hbm>> -> memref<512xf32, #tpu.memory_space<hbm>>
      tpu.wait_dma2 semaphore(%arg12 : memref<!tpu.dma_semaphore, #tpu.memory_space<semaphore_mem>>) src(%dma_wait3A_461 : memref<512xf32, #tpu.memory_space<hbm>>) dst(%dma_wait3A_458 : memref<512xf32, #tpu.memory_space<vmem>>)
    }
    %scan3A_66 = arith.constant 26 : i32
    %broadcast_in_dim3A = arith.constant 0.000000e+00 : f32
    %broadcast_in_dim3A_67 = vector.broadcast %broadcast_in_dim3A : f32 to vector<16xf32>
    %scan3A_68 = arith.constant 0 : i32
    %scan3A_69 = arith.constant 26 : i32
    %scan3A_70 = arith.addi %scan3A_68, %scan3A_69 : i32
    %scan3A_71 = arith.constant 1 : i32
    %scan3A_72 = scf.for %scan3A_449 = %scan3A_68 to %scan3A_70 step %scan3A_71 iter_args(%scan3A_450 = %broadcast_in_dim3A_67) -> (vector<16xf32>)  : i32 {
      %get3A = arith.index_cast %scan3A_449 : i32 to index
      %get3A_451 = arith.constant 0 : index
      %get3A_452 = tpu.vector_load %arg9[%get3A, %get3A_451] {strides = array<i32>} : memref<26x512xf32, #tpu.memory_space<vmem>>, vector<1x16xf32>,
      %get3A_453 = vector.shape_cast %get3A_452 : vector<1x16xf32> to vector<16xf32>
      %add3A_454 = arith.addf %scan3A_450, %get3A_453 : vector<16xf32>
      scf.yield %add3A_454 : vector<16xf32>
    }
    %scan3A_73 = arith.constant 26 : i32
    %swap3A = arith.constant 0 : index
    %swap3A_74 = tpu.vector_load %arg10[%swap3A] {strides = array<i32>} : memref<512xf32, #tpu.memory_space<vmem>>, vector<16xf32>,
    %swap3A_75 = vector.shape_cast %swap3A_74 : vector<16xf32> to vector<16xf32>
    %swap3A_76 = vector.shape_cast %scan3A_72 : vector<16xf32> to vector<16xf32>
    tpu.vector_store %arg10[%swap3A], %swap3A_76 {strides = array<i32>} : memref<512xf32, #tpu.memory_space<vmem>>, vector<16xf32>,
    %broadcast_in_dim3A_77 = arith.constant 0.000000e+00 : f32
    %broadcast_in_dim3A_78 = vector.broadcast %broadcast_in_dim3A_77 : f32 to vector<16xf32>
    %scan3A_79 = arith.constant 0 : i32
    %scan3A_80 = arith.constant 26 : i32
    %scan3A_81 = arith.addi %scan3A_79, %scan3A_80 : i32
    %scan3A_82 = arith.constant 1 : i32
    %scan3A_83 = scf.for %scan3A_449 = %scan3A_79 to %scan3A_81 step %scan3A_82 iter_args(%scan3A_450 = %broadcast_in_dim3A_78) -> (vector<16xf32>)  : i32 {
      %get3A = arith.index_cast %scan3A_449 : i32 to index
      %get3A_451 = arith.constant 16 : index
      %get3A_452 = tpu.vector_load %arg9[%get3A, %get3A_451] {strides = array<i32>} : memref<26x512xf32, #tpu.memory_space<vmem>>, vector<1x16xf32>,
      %get3A_453 = vector.shape_cast %get3A_452 : vector<1x16xf32> to vector<16xf32>
      %add3A_454 = arith.addf %scan3A_450, %get3A_453 : vector<16xf32>
      scf.yield %add3A_454 : vector<16xf32>
    }
    %scan3A_84 = arith.constant 26 : i32
    %swap3A_85 = arith.constant 16 : index
    %swap3A_86 = tpu.vector_load %arg10[%swap3A_85] {strides = array<i32>} : memref<512xf32, #tpu.memory_space<vmem>>, vector<16xf32>,
    %swap3A_87 = vector.shape_cast %swap3A_86 : vector<16xf32> to vector<16xf32>
    %swap3A_88 = vector.shape_cast %scan3A_83 : vector<16xf32> to vector<16xf32>
    tpu.vector_store %arg10[%swap3A_85], %swap3A_88 {strides = array<i32>} : memref<512xf32, #tpu.memory_space<vmem>>, vector<16xf32>,
    %broadcast_in_dim3A_89 = arith.constant 0.000000e+00 : f32
    %broadcast_in_dim3A_90 = vector.broadcast %broadcast_in_dim3A_89 : f32 to vector<16xf32>
    %scan3A_91 = arith.constant 0 : i32
    %scan3A_92 = arith.constant 26 : i32
    %scan3A_93 = arith.addi %scan3A_91, %scan3A_92 : i32
    %scan3A_94 = arith.constant 1 : i32
    %scan3A_95 = scf.for %scan3A_449 = %scan3A_91 to %scan3A_93 step %scan3A_94 iter_args(%scan3A_450 = %broadcast_in_dim3A_90) -> (vector<16xf32>)  : i32 {
      %get3A = arith.index_cast %scan3A_449 : i32 to index
      %get3A_451 = arith.constant 32 : index
      %get3A_452 = tpu.vector_load %arg9[%get3A, %get3A_451] {strides = array<i32>} : memref<26x512xf32, #tpu.memory_space<vmem>>, vector<1x16xf32>,
      %get3A_453 = vector.shape_cast %get3A_452 : vector<1x16xf32> to vector<16xf32>
      %add3A_454 = arith.addf %scan3A_450, %get3A_453 : vector<16xf32>
      scf.yield %add3A_454 : vector<16xf32>
    }
    %scan3A_96 = arith.constant 26 : i32
    %swap3A_97 = arith.constant 32 : index
    %swap3A_98 = tpu.vector_load %arg10[%swap3A_97] {strides = array<i32>} : memref<512xf32, #tpu.memory_space<vmem>>, vector<16xf32>,
    %swap3A_99 = vector.shape_cast %swap3A_98 : vector<16xf32> to vector<16xf32>
    %swap3A_100 = vector.shape_cast %scan3A_95 : vector<16xf32> to vector<16xf32>
    tpu.vector_store %arg10[%swap3A_97], %swap3A_100 {strides = array<i32>} : memref<512xf32, #tpu.memory_space<vmem>>, vector<16xf32>,
    %broadcast_in_dim3A_101 = arith.constant 0.000000e+00 : f32
    %broadcast_in_dim3A_102 = vector.broadcast %broadcast_in_dim3A_101 : f32 to vector<16xf32>
    %scan3A_103 = arith.constant 0 : i32
    %scan3A_104 = arith.constant 26 : i32
    %scan3A_105 = arith.addi %scan3A_103, %scan3A_104 : i32
    %scan3A_106 = arith.constant 1 : i32
    %scan3A_107 = scf.for %scan3A_449 = %scan3A_103 to %scan3A_105 step %scan3A_106 iter_args(%scan3A_450 = %broadcast_in_dim3A_102) -> (vector<16xf32>)  : i32 {
      %get3A = arith.index_cast %scan3A_449 : i32 to index
      %get3A_451 = arith.constant 48 : index
      %get3A_452 = tpu.vector_load %arg9[%get3A, %get3A_451] {strides = array<i32>} : memref<26x512xf32, #tpu.memory_space<vmem>>, vector<1x16xf32>,
      %get3A_453 = vector.shape_cast %get3A_452 : vector<1x16xf32> to vector<16xf32>
      %add3A_454 = arith.addf %scan3A_450, %get3A_453 : vector<16xf32>
      scf.yield %add3A_454 : vector<16xf32>
    }
    %scan3A_108 = arith.constant 26 : i32
    %swap3A_109 = arith.constant 48 : index
    %swap3A_110 = tpu.vector_load %arg10[%swap3A_109] {strides = array<i32>} : memref<512xf32, #tpu.memory_space<vmem>>, vector<16xf32>,
    %swap3A_111 = vector.shape_cast %swap3A_110 : vector<16xf32> to vector<16xf32>
    %swap3A_112 = vector.shape_cast %scan3A_107 : vector<16xf32> to vector<16xf32>
    tpu.vector_store %arg10[%swap3A_109], %swap3A_112 {strides = array<i32>} : memref<512xf32, #tpu.memory_space<vmem>>, vector<16xf32>,
    %broadcast_in_dim3A_113 = arith.constant 0.000000e+00 : f32
    %broadcast_in_dim3A_114 = vector.broadcast %broadcast_in_dim3A_113 : f32 to vector<16xf32>
    %scan3A_115 = arith.constant 0 : i32
    %scan3A_116 = arith.constant 26 : i32
    %scan3A_117 = arith.addi %scan3A_115, %scan3A_116 : i32
    %scan3A_118 = arith.constant 1 : i32
    %scan3A_119 = scf.for %scan3A_449 = %scan3A_115 to %scan3A_117 step %scan3A_118 iter_args(%scan3A_450 = %broadcast_in_dim3A_114) -> (vector<16xf32>)  : i32 {
      %get3A = arith.index_cast %scan3A_449 : i32 to index
      %get3A_451 = arith.constant 64 : index
      %get3A_452 = tpu.vector_load %arg9[%get3A, %get3A_451] {strides = array<i32>} : memref<26x512xf32, #tpu.memory_space<vmem>>, vector<1x16xf32>,
      %get3A_453 = vector.shape_cast %get3A_452 : vector<1x16xf32> to vector<16xf32>
      %add3A_454 = arith.addf %scan3A_450, %get3A_453 : vector<16xf32>
      scf.yield %add3A_454 : vector<16xf32>
    }
    %scan3A_120 = arith.constant 26 : i32
    %swap3A_121 = arith.constant 64 : index
    %swap3A_122 = tpu.vector_load %arg10[%swap3A_121] {strides = array<i32>} : memref<512xf32, #tpu.memory_space<vmem>>, vector<16xf32>,
    %swap3A_123 = vector.shape_cast %swap3A_122 : vector<16xf32> to vector<16xf32>
    %swap3A_124 = vector.shape_cast %scan3A_119 : vector<16xf32> to vector<16xf32>
    tpu.vector_store %arg10[%swap3A_121], %swap3A_124 {strides = array<i32>} : memref<512xf32, #tpu.memory_space<vmem>>, vector<16xf32>,
    %broadcast_in_dim3A_125 = arith.constant 0.000000e+00 : f32
    %broadcast_in_dim3A_126 = vector.broadcast %broadcast_in_dim3A_125 : f32 to vector<16xf32>
    %scan3A_127 = arith.constant 0 : i32
    %scan3A_128 = arith.constant 26 : i32
    %scan3A_129 = arith.addi %scan3A_127, %scan3A_128 : i32
    %scan3A_130 = arith.constant 1 : i32
    %scan3A_131 = scf.for %scan3A_449 = %scan3A_127 to %scan3A_129 step %scan3A_130 iter_args(%scan3A_450 = %broadcast_in_dim3A_126) -> (vector<16xf32>)  : i32 {
      %get3A = arith.index_cast %scan3A_449 : i32 to index
      %get3A_451 = arith.constant 80 : index
      %get3A_452 = tpu.vector_load %arg9[%get3A, %get3A_451] {strides = array<i32>} : memref<26x512xf32, #tpu.memory_space<vmem>>, vector<1x16xf32>,
      %get3A_453 = vector.shape_cast %get3A_452 : vector<1x16xf32> to vector<16xf32>
      %add3A_454 = arith.addf %scan3A_450, %get3A_453 : vector<16xf32>
      scf.yield %add3A_454 : vector<16xf32>
    }
    %scan3A_132 = arith.constant 26 : i32
    %swap3A_133 = arith.constant 80 : index
    %swap3A_134 = tpu.vector_load %arg10[%swap3A_133] {strides = array<i32>} : memref<512xf32, #tpu.memory_space<vmem>>, vector<16xf32>,
    %swap3A_135 = vector.shape_cast %swap3A_134 : vector<16xf32> to vector<16xf32>
    %swap3A_136 = vector.shape_cast %scan3A_131 : vector<16xf32> to vector<16xf32>
    tpu.vector_store %arg10[%swap3A_133], %swap3A_136 {strides = array<i32>} : memref<512xf32, #tpu.memory_space<vmem>>, vector<16xf32>,
    %broadcast_in_dim3A_137 = arith.constant 0.000000e+00 : f32
    %broadcast_in_dim3A_138 = vector.broadcast %broadcast_in_dim3A_137 : f32 to vector<16xf32>
    %scan3A_139 = arith.constant 0 : i32
    %scan3A_140 = arith.constant 26 : i32
    %scan3A_141 = arith.addi %scan3A_139, %scan3A_140 : i32
    %scan3A_142 = arith.constant 1 : i32
    %scan3A_143 = scf.for %scan3A_449 = %scan3A_139 to %scan3A_141 step %scan3A_142 iter_args(%scan3A_450 = %broadcast_in_dim3A_138) -> (vector<16xf32>)  : i32 {
      %get3A = arith.index_cast %scan3A_449 : i32 to index
      %get3A_451 = arith.constant 96 : index
      %get3A_452 = tpu.vector_load %arg9[%get3A, %get3A_451] {strides = array<i32>} : memref<26x512xf32, #tpu.memory_space<vmem>>, vector<1x16xf32>,
      %get3A_453 = vector.shape_cast %get3A_452 : vector<1x16xf32> to vector<16xf32>
      %add3A_454 = arith.addf %scan3A_450, %get3A_453 : vector<16xf32>
      scf.yield %add3A_454 : vector<16xf32>
    }
    %scan3A_144 = arith.constant 26 : i32
    %swap3A_145 = arith.constant 96 : index
    %swap3A_146 = tpu.vector_load %arg10[%swap3A_145] {strides = array<i32>} : memref<512xf32, #tpu.memory_space<vmem>>, vector<16xf32>,
    %swap3A_147 = vector.shape_cast %swap3A_146 : vector<16xf32> to vector<16xf32>
    %swap3A_148 = vector.shape_cast %scan3A_143 : vector<16xf32> to vector<16xf32>
    tpu.vector_store %arg10[%swap3A_145], %swap3A_148 {strides = array<i32>} : memref<512xf32, #tpu.memory_space<vmem>>, vector<16xf32>,
    %broadcast_in_dim3A_149 = arith.constant 0.000000e+00 : f32
    %broadcast_in_dim3A_150 = vector.broadcast %broadcast_in_dim3A_149 : f32 to vector<16xf32>
    %scan3A_151 = arith.constant 0 : i32
    %scan3A_152 = arith.constant 26 : i32
    %scan3A_153 = arith.addi %scan3A_151, %scan3A_152 : i32
    %scan3A_154 = arith.constant 1 : i32
    %scan3A_155 = scf.for %scan3A_449 = %scan3A_151 to %scan3A_153 step %scan3A_154 iter_args(%scan3A_450 = %broadcast_in_dim3A_150) -> (vector<16xf32>)  : i32 {
      %get3A = arith.index_cast %scan3A_449 : i32 to index
      %get3A_451 = arith.constant 112 : index
      %get3A_452 = tpu.vector_load %arg9[%get3A, %get3A_451] {strides = array<i32>} : memref<26x512xf32, #tpu.memory_space<vmem>>, vector<1x16xf32>,
      %get3A_453 = vector.shape_cast %get3A_452 : vector<1x16xf32> to vector<16xf32>
      %add3A_454 = arith.addf %scan3A_450, %get3A_453 : vector<16xf32>
      scf.yield %add3A_454 : vector<16xf32>
    }
    %scan3A_156 = arith.constant 26 : i32
    %swap3A_157 = arith.constant 112 : index
    %swap3A_158 = tpu.vector_load %arg10[%swap3A_157] {strides = array<i32>} : memref<512xf32, #tpu.memory_space<vmem>>, vector<16xf32>,
    %swap3A_159 = vector.shape_cast %swap3A_158 : vector<16xf32> to vector<16xf32>
    %swap3A_160 = vector.shape_cast %scan3A_155 : vector<16xf32> to vector<16xf32>
    tpu.vector_store %arg10[%swap3A_157], %swap3A_160 {strides = array<i32>} : memref<512xf32, #tpu.memory_space<vmem>>, vector<16xf32>,
    %broadcast_in_dim3A_161 = arith.constant 0.000000e+00 : f32
    %broadcast_in_dim3A_162 = vector.broadcast %broadcast_in_dim3A_161 : f32 to vector<16xf32>
    %scan3A_163 = arith.constant 0 : i32
    %scan3A_164 = arith.constant 26 : i32
    %scan3A_165 = arith.addi %scan3A_163, %scan3A_164 : i32
    %scan3A_166 = arith.constant 1 : i32
    %scan3A_167 = scf.for %scan3A_449 = %scan3A_163 to %scan3A_165 step %scan3A_166 iter_args(%scan3A_450 = %broadcast_in_dim3A_162) -> (vector<16xf32>)  : i32 {
      %get3A = arith.index_cast %scan3A_449 : i32 to index
      %get3A_451 = arith.constant 128 : index
      %get3A_452 = tpu.vector_load %arg9[%get3A, %get3A_451] {strides = array<i32>} : memref<26x512xf32, #tpu.memory_space<vmem>>, vector<1x16xf32>,
      %get3A_453 = vector.shape_cast %get3A_452 : vector<1x16xf32> to vector<16xf32>
      %add3A_454 = arith.addf %scan3A_450, %get3A_453 : vector<16xf32>
      scf.yield %add3A_454 : vector<16xf32>
    }
    %scan3A_168 = arith.constant 26 : i32
    %swap3A_169 = arith.constant 128 : index
    %swap3A_170 = tpu.vector_load %arg10[%swap3A_169] {strides = array<i32>} : memref<512xf32, #tpu.memory_space<vmem>>, vector<16xf32>,
    %swap3A_171 = vector.shape_cast %swap3A_170 : vector<16xf32> to vector<16xf32>
    %swap3A_172 = vector.shape_cast %scan3A_167 : vector<16xf32> to vector<16xf32>
    tpu.vector_store %arg10[%swap3A_169], %swap3A_172 {strides = array<i32>} : memref<512xf32, #tpu.memory_space<vmem>>, vector<16xf32>,
    %broadcast_in_dim3A_173 = arith.constant 0.000000e+00 : f32
    %broadcast_in_dim3A_174 = vector.broadcast %broadcast_in_dim3A_173 : f32 to vector<16xf32>
    %scan3A_175 = arith.constant 0 : i32
    %scan3A_176 = arith.constant 26 : i32
    %scan3A_177 = arith.addi %scan3A_175, %scan3A_176 : i32
    %scan3A_178 = arith.constant 1 : i32
    %scan3A_179 = scf.for %scan3A_449 = %scan3A_175 to %scan3A_177 step %scan3A_178 iter_args(%scan3A_450 = %broadcast_in_dim3A_174) -> (vector<16xf32>)  : i32 {
      %get3A = arith.index_cast %scan3A_449 : i32 to index
      %get3A_451 = arith.constant 144 : index
      %get3A_452 = tpu.vector_load %arg9[%get3A, %get3A_451] {strides = array<i32>} : memref<26x512xf32, #tpu.memory_space<vmem>>, vector<1x16xf32>,
      %get3A_453 = vector.shape_cast %get3A_452 : vector<1x16xf32> to vector<16xf32>
      %add3A_454 = arith.addf %scan3A_450, %get3A_453 : vector<16xf32>
      scf.yield %add3A_454 : vector<16xf32>
    }
    %scan3A_180 = arith.constant 26 : i32
    %swap3A_181 = arith.constant 144 : index
    %swap3A_182 = tpu.vector_load %arg10[%swap3A_181] {strides = array<i32>} : memref<512xf32, #tpu.memory_space<vmem>>, vector<16xf32>,
    %swap3A_183 = vector.shape_cast %swap3A_182 : vector<16xf32> to vector<16xf32>
    %swap3A_184 = vector.shape_cast %scan3A_179 : vector<16xf32> to vector<16xf32>
    tpu.vector_store %arg10[%swap3A_181], %swap3A_184 {strides = array<i32>} : memref<512xf32, #tpu.memory_space<vmem>>, vector<16xf32>,
    %broadcast_in_dim3A_185 = arith.constant 0.000000e+00 : f32
    %broadcast_in_dim3A_186 = vector.broadcast %broadcast_in_dim3A_185 : f32 to vector<16xf32>
    %scan3A_187 = arith.constant 0 : i32
    %scan3A_188 = arith.constant 26 : i32
    %scan3A_189 = arith.addi %scan3A_187, %scan3A_188 : i32
    %scan3A_190 = arith.constant 1 : i32
    %scan3A_191 = scf.for %scan3A_449 = %scan3A_187 to %scan3A_189 step %scan3A_190 iter_args(%scan3A_450 = %broadcast_in_dim3A_186) -> (vector<16xf32>)  : i32 {
      %get3A = arith.index_cast %scan3A_449 : i32 to index
      %get3A_451 = arith.constant 160 : index
      %get3A_452 = tpu.vector_load %arg9[%get3A, %get3A_451] {strides = array<i32>} : memref<26x512xf32, #tpu.memory_space<vmem>>, vector<1x16xf32>,
      %get3A_453 = vector.shape_cast %get3A_452 : vector<1x16xf32> to vector<16xf32>
      %add3A_454 = arith.addf %scan3A_450, %get3A_453 : vector<16xf32>
      scf.yield %add3A_454 : vector<16xf32>
    }
    %scan3A_192 = arith.constant 26 : i32
    %swap3A_193 = arith.constant 160 : index
    %swap3A_194 = tpu.vector_load %arg10[%swap3A_193] {strides = array<i32>} : memref<512xf32, #tpu.memory_space<vmem>>, vector<16xf32>,
    %swap3A_195 = vector.shape_cast %swap3A_194 : vector<16xf32> to vector<16xf32>
    %swap3A_196 = vector.shape_cast %scan3A_191 : vector<16xf32> to vector<16xf32>
    tpu.vector_store %arg10[%swap3A_193], %swap3A_196 {strides = array<i32>} : memref<512xf32, #tpu.memory_space<vmem>>, vector<16xf32>,
    %broadcast_in_dim3A_197 = arith.constant 0.000000e+00 : f32
    %broadcast_in_dim3A_198 = vector.broadcast %broadcast_in_dim3A_197 : f32 to vector<16xf32>
    %scan3A_199 = arith.constant 0 : i32
    %scan3A_200 = arith.constant 26 : i32
    %scan3A_201 = arith.addi %scan3A_199, %scan3A_200 : i32
    %scan3A_202 = arith.constant 1 : i32
    %scan3A_203 = scf.for %scan3A_449 = %scan3A_199 to %scan3A_201 step %scan3A_202 iter_args(%scan3A_450 = %broadcast_in_dim3A_198) -> (vector<16xf32>)  : i32 {
      %get3A = arith.index_cast %scan3A_449 : i32 to index
      %get3A_451 = arith.constant 176 : index
      %get3A_452 = tpu.vector_load %arg9[%get3A, %get3A_451] {strides = array<i32>} : memref<26x512xf32, #tpu.memory_space<vmem>>, vector<1x16xf32>,
      %get3A_453 = vector.shape_cast %get3A_452 : vector<1x16xf32> to vector<16xf32>
      %add3A_454 = arith.addf %scan3A_450, %get3A_453 : vector<16xf32>
      scf.yield %add3A_454 : vector<16xf32>
    }
    %scan3A_204 = arith.constant 26 : i32
    %swap3A_205 = arith.constant 176 : index
    %swap3A_206 = tpu.vector_load %arg10[%swap3A_205] {strides = array<i32>} : memref<512xf32, #tpu.memory_space<vmem>>, vector<16xf32>,
    %swap3A_207 = vector.shape_cast %swap3A_206 : vector<16xf32> to vector<16xf32>
    %swap3A_208 = vector.shape_cast %scan3A_203 : vector<16xf32> to vector<16xf32>
    tpu.vector_store %arg10[%swap3A_205], %swap3A_208 {strides = array<i32>} : memref<512xf32, #tpu.memory_space<vmem>>, vector<16xf32>,
    %broadcast_in_dim3A_209 = arith.constant 0.000000e+00 : f32
    %broadcast_in_dim3A_210 = vector.broadcast %broadcast_in_dim3A_209 : f32 to vector<16xf32>
    %scan3A_211 = arith.constant 0 : i32
    %scan3A_212 = arith.constant 26 : i32
    %scan3A_213 = arith.addi %scan3A_211, %scan3A_212 : i32
    %scan3A_214 = arith.constant 1 : i32
    %scan3A_215 = scf.for %scan3A_449 = %scan3A_211 to %scan3A_213 step %scan3A_214 iter_args(%scan3A_450 = %broadcast_in_dim3A_210) -> (vector<16xf32>)  : i32 {
      %get3A = arith.index_cast %scan3A_449 : i32 to index
      %get3A_451 = arith.constant 192 : index
      %get3A_452 = tpu.vector_load %arg9[%get3A, %get3A_451] {strides = array<i32>} : memref<26x512xf32, #tpu.memory_space<vmem>>, vector<1x16xf32>,
      %get3A_453 = vector.shape_cast %get3A_452 : vector<1x16xf32> to vector<16xf32>
      %add3A_454 = arith.addf %scan3A_450, %get3A_453 : vector<16xf32>
      scf.yield %add3A_454 : vector<16xf32>
    }
    %scan3A_216 = arith.constant 26 : i32
    %swap3A_217 = arith.constant 192 : index
    %swap3A_218 = tpu.vector_load %arg10[%swap3A_217] {strides = array<i32>} : memref<512xf32, #tpu.memory_space<vmem>>, vector<16xf32>,
    %swap3A_219 = vector.shape_cast %swap3A_218 : vector<16xf32> to vector<16xf32>
    %swap3A_220 = vector.shape_cast %scan3A_215 : vector<16xf32> to vector<16xf32>
    tpu.vector_store %arg10[%swap3A_217], %swap3A_220 {strides = array<i32>} : memref<512xf32, #tpu.memory_space<vmem>>, vector<16xf32>,
    %broadcast_in_dim3A_221 = arith.constant 0.000000e+00 : f32
    %broadcast_in_dim3A_222 = vector.broadcast %broadcast_in_dim3A_221 : f32 to vector<16xf32>
    %scan3A_223 = arith.constant 0 : i32
    %scan3A_224 = arith.constant 26 : i32
    %scan3A_225 = arith.addi %scan3A_223, %scan3A_224 : i32
    %scan3A_226 = arith.constant 1 : i32
    %scan3A_227 = scf.for %scan3A_449 = %scan3A_223 to %scan3A_225 step %scan3A_226 iter_args(%scan3A_450 = %broadcast_in_dim3A_222) -> (vector<16xf32>)  : i32 {
      %get3A = arith.index_cast %scan3A_449 : i32 to index
      %get3A_451 = arith.constant 208 : index
      %get3A_452 = tpu.vector_load %arg9[%get3A, %get3A_451] {strides = array<i32>} : memref<26x512xf32, #tpu.memory_space<vmem>>, vector<1x16xf32>,
      %get3A_453 = vector.shape_cast %get3A_452 : vector<1x16xf32> to vector<16xf32>
      %add3A_454 = arith.addf %scan3A_450, %get3A_453 : vector<16xf32>
      scf.yield %add3A_454 : vector<16xf32>
    }
    %scan3A_228 = arith.constant 26 : i32
    %swap3A_229 = arith.constant 208 : index
    %swap3A_230 = tpu.vector_load %arg10[%swap3A_229] {strides = array<i32>} : memref<512xf32, #tpu.memory_space<vmem>>, vector<16xf32>,
    %swap3A_231 = vector.shape_cast %swap3A_230 : vector<16xf32> to vector<16xf32>
    %swap3A_232 = vector.shape_cast %scan3A_227 : vector<16xf32> to vector<16xf32>
    tpu.vector_store %arg10[%swap3A_229], %swap3A_232 {strides = array<i32>} : memref<512xf32, #tpu.memory_space<vmem>>, vector<16xf32>,
    %broadcast_in_dim3A_233 = arith.constant 0.000000e+00 : f32
    %broadcast_in_dim3A_234 = vector.broadcast %broadcast_in_dim3A_233 : f32 to vector<16xf32>
    %scan3A_235 = arith.constant 0 : i32
    %scan3A_236 = arith.constant 26 : i32
    %scan3A_237 = arith.addi %scan3A_235, %scan3A_236 : i32
    %scan3A_238 = arith.constant 1 : i32
    %scan3A_239 = scf.for %scan3A_449 = %scan3A_235 to %scan3A_237 step %scan3A_238 iter_args(%scan3A_450 = %broadcast_in_dim3A_234) -> (vector<16xf32>)  : i32 {
      %get3A = arith.index_cast %scan3A_449 : i32 to index
      %get3A_451 = arith.constant 224 : index
      %get3A_452 = tpu.vector_load %arg9[%get3A, %get3A_451] {strides = array<i32>} : memref<26x512xf32, #tpu.memory_space<vmem>>, vector<1x16xf32>,
      %get3A_453 = vector.shape_cast %get3A_452 : vector<1x16xf32> to vector<16xf32>
      %add3A_454 = arith.addf %scan3A_450, %get3A_453 : vector<16xf32>
      scf.yield %add3A_454 : vector<16xf32>
    }
    %scan3A_240 = arith.constant 26 : i32
    %swap3A_241 = arith.constant 224 : index
    %swap3A_242 = tpu.vector_load %arg10[%swap3A_241] {strides = array<i32>} : memref<512xf32, #tpu.memory_space<vmem>>, vector<16xf32>,
    %swap3A_243 = vector.shape_cast %swap3A_242 : vector<16xf32> to vector<16xf32>
    %swap3A_244 = vector.shape_cast %scan3A_239 : vector<16xf32> to vector<16xf32>
    tpu.vector_store %arg10[%swap3A_241], %swap3A_244 {strides = array<i32>} : memref<512xf32, #tpu.memory_space<vmem>>, vector<16xf32>,
    %broadcast_in_dim3A_245 = arith.constant 0.000000e+00 : f32
    %broadcast_in_dim3A_246 = vector.broadcast %broadcast_in_dim3A_245 : f32 to vector<16xf32>
    %scan3A_247 = arith.constant 0 : i32
    %scan3A_248 = arith.constant 26 : i32
    %scan3A_249 = arith.addi %scan3A_247, %scan3A_248 : i32
    %scan3A_250 = arith.constant 1 : i32
    %scan3A_251 = scf.for %scan3A_449 = %scan3A_247 to %scan3A_249 step %scan3A_250 iter_args(%scan3A_450 = %broadcast_in_dim3A_246) -> (vector<16xf32>)  : i32 {
      %get3A = arith.index_cast %scan3A_449 : i32 to index
      %get3A_451 = arith.constant 240 : index
      %get3A_452 = tpu.vector_load %arg9[%get3A, %get3A_451] {strides = array<i32>} : memref<26x512xf32, #tpu.memory_space<vmem>>, vector<1x16xf32>,
      %get3A_453 = vector.shape_cast %get3A_452 : vector<1x16xf32> to vector<16xf32>
      %add3A_454 = arith.addf %scan3A_450, %get3A_453 : vector<16xf32>
      scf.yield %add3A_454 : vector<16xf32>
    }
    %scan3A_252 = arith.constant 26 : i32
    %swap3A_253 = arith.constant 240 : index
    %swap3A_254 = tpu.vector_load %arg10[%swap3A_253] {strides = array<i32>} : memref<512xf32, #tpu.memory_space<vmem>>, vector<16xf32>,
    %swap3A_255 = vector.shape_cast %swap3A_254 : vector<16xf32> to vector<16xf32>
    %swap3A_256 = vector.shape_cast %scan3A_251 : vector<16xf32> to vector<16xf32>
    tpu.vector_store %arg10[%swap3A_253], %swap3A_256 {strides = array<i32>} : memref<512xf32, #tpu.memory_space<vmem>>, vector<16xf32>,
    %broadcast_in_dim3A_257 = arith.constant 0.000000e+00 : f32
    %broadcast_in_dim3A_258 = vector.broadcast %broadcast_in_dim3A_257 : f32 to vector<16xf32>
    %scan3A_259 = arith.constant 0 : i32
    %scan3A_260 = arith.constant 26 : i32
    %scan3A_261 = arith.addi %scan3A_259, %scan3A_260 : i32
    %scan3A_262 = arith.constant 1 : i32
    %scan3A_263 = scf.for %scan3A_449 = %scan3A_259 to %scan3A_261 step %scan3A_262 iter_args(%scan3A_450 = %broadcast_in_dim3A_258) -> (vector<16xf32>)  : i32 {
      %get3A = arith.index_cast %scan3A_449 : i32 to index
      %get3A_451 = arith.constant 256 : index
      %get3A_452 = tpu.vector_load %arg9[%get3A, %get3A_451] {strides = array<i32>} : memref<26x512xf32, #tpu.memory_space<vmem>>, vector<1x16xf32>,
      %get3A_453 = vector.shape_cast %get3A_452 : vector<1x16xf32> to vector<16xf32>
      %add3A_454 = arith.addf %scan3A_450, %get3A_453 : vector<16xf32>
      scf.yield %add3A_454 : vector<16xf32>
    }
    %scan3A_264 = arith.constant 26 : i32
    %swap3A_265 = arith.constant 256 : index
    %swap3A_266 = tpu.vector_load %arg10[%swap3A_265] {strides = array<i32>} : memref<512xf32, #tpu.memory_space<vmem>>, vector<16xf32>,
    %swap3A_267 = vector.shape_cast %swap3A_266 : vector<16xf32> to vector<16xf32>
    %swap3A_268 = vector.shape_cast %scan3A_263 : vector<16xf32> to vector<16xf32>
    tpu.vector_store %arg10[%swap3A_265], %swap3A_268 {strides = array<i32>} : memref<512xf32, #tpu.memory_space<vmem>>, vector<16xf32>,
    %broadcast_in_dim3A_269 = arith.constant 0.000000e+00 : f32
    %broadcast_in_dim3A_270 = vector.broadcast %broadcast_in_dim3A_269 : f32 to vector<16xf32>
    %scan3A_271 = arith.constant 0 : i32
    %scan3A_272 = arith.constant 26 : i32
    %scan3A_273 = arith.addi %scan3A_271, %scan3A_272 : i32
    %scan3A_274 = arith.constant 1 : i32
    %scan3A_275 = scf.for %scan3A_449 = %scan3A_271 to %scan3A_273 step %scan3A_274 iter_args(%scan3A_450 = %broadcast_in_dim3A_270) -> (vector<16xf32>)  : i32 {
      %get3A = arith.index_cast %scan3A_449 : i32 to index
      %get3A_451 = arith.constant 272 : index
      %get3A_452 = tpu.vector_load %arg9[%get3A, %get3A_451] {strides = array<i32>} : memref<26x512xf32, #tpu.memory_space<vmem>>, vector<1x16xf32>,
      %get3A_453 = vector.shape_cast %get3A_452 : vector<1x16xf32> to vector<16xf32>
      %add3A_454 = arith.addf %scan3A_450, %get3A_453 : vector<16xf32>
      scf.yield %add3A_454 : vector<16xf32>
    }
    %scan3A_276 = arith.constant 26 : i32
    %swap3A_277 = arith.constant 272 : index
    %swap3A_278 = tpu.vector_load %arg10[%swap3A_277] {strides = array<i32>} : memref<512xf32, #tpu.memory_space<vmem>>, vector<16xf32>,
    %swap3A_279 = vector.shape_cast %swap3A_278 : vector<16xf32> to vector<16xf32>
    %swap3A_280 = vector.shape_cast %scan3A_275 : vector<16xf32> to vector<16xf32>
    tpu.vector_store %arg10[%swap3A_277], %swap3A_280 {strides = array<i32>} : memref<512xf32, #tpu.memory_space<vmem>>, vector<16xf32>,
    %broadcast_in_dim3A_281 = arith.constant 0.000000e+00 : f32
    %broadcast_in_dim3A_282 = vector.broadcast %broadcast_in_dim3A_281 : f32 to vector<16xf32>
    %scan3A_283 = arith.constant 0 : i32
    %scan3A_284 = arith.constant 26 : i32
    %scan3A_285 = arith.addi %scan3A_283, %scan3A_284 : i32
    %scan3A_286 = arith.constant 1 : i32
    %scan3A_287 = scf.for %scan3A_449 = %scan3A_283 to %scan3A_285 step %scan3A_286 iter_args(%scan3A_450 = %broadcast_in_dim3A_282) -> (vector<16xf32>)  : i32 {
      %get3A = arith.index_cast %scan3A_449 : i32 to index
      %get3A_451 = arith.constant 288 : index
      %get3A_452 = tpu.vector_load %arg9[%get3A, %get3A_451] {strides = array<i32>} : memref<26x512xf32, #tpu.memory_space<vmem>>, vector<1x16xf32>,
      %get3A_453 = vector.shape_cast %get3A_452 : vector<1x16xf32> to vector<16xf32>
      %add3A_454 = arith.addf %scan3A_450, %get3A_453 : vector<16xf32>
      scf.yield %add3A_454 : vector<16xf32>
    }
    %scan3A_288 = arith.constant 26 : i32
    %swap3A_289 = arith.constant 288 : index
    %swap3A_290 = tpu.vector_load %arg10[%swap3A_289] {strides = array<i32>} : memref<512xf32, #tpu.memory_space<vmem>>, vector<16xf32>,
    %swap3A_291 = vector.shape_cast %swap3A_290 : vector<16xf32> to vector<16xf32>
    %swap3A_292 = vector.shape_cast %scan3A_287 : vector<16xf32> to vector<16xf32>
    tpu.vector_store %arg10[%swap3A_289], %swap3A_292 {strides = array<i32>} : memref<512xf32, #tpu.memory_space<vmem>>, vector<16xf32>,
    %broadcast_in_dim3A_293 = arith.constant 0.000000e+00 : f32
    %broadcast_in_dim3A_294 = vector.broadcast %broadcast_in_dim3A_293 : f32 to vector<16xf32>
    %scan3A_295 = arith.constant 0 : i32
    %scan3A_296 = arith.constant 26 : i32
    %scan3A_297 = arith.addi %scan3A_295, %scan3A_296 : i32
    %scan3A_298 = arith.constant 1 : i32
    %scan3A_299 = scf.for %scan3A_449 = %scan3A_295 to %scan3A_297 step %scan3A_298 iter_args(%scan3A_450 = %broadcast_in_dim3A_294) -> (vector<16xf32>)  : i32 {
      %get3A = arith.index_cast %scan3A_449 : i32 to index
      %get3A_451 = arith.constant 304 : index
      %get3A_452 = tpu.vector_load %arg9[%get3A, %get3A_451] {strides = array<i32>} : memref<26x512xf32, #tpu.memory_space<vmem>>, vector<1x16xf32>,
      %get3A_453 = vector.shape_cast %get3A_452 : vector<1x16xf32> to vector<16xf32>
      %add3A_454 = arith.addf %scan3A_450, %get3A_453 : vector<16xf32>
      scf.yield %add3A_454 : vector<16xf32>
    }
    %scan3A_300 = arith.constant 26 : i32
    %swap3A_301 = arith.constant 304 : index
    %swap3A_302 = tpu.vector_load %arg10[%swap3A_301] {strides = array<i32>} : memref<512xf32, #tpu.memory_space<vmem>>, vector<16xf32>,
    %swap3A_303 = vector.shape_cast %swap3A_302 : vector<16xf32> to vector<16xf32>
    %swap3A_304 = vector.shape_cast %scan3A_299 : vector<16xf32> to vector<16xf32>
    tpu.vector_store %arg10[%swap3A_301], %swap3A_304 {strides = array<i32>} : memref<512xf32, #tpu.memory_space<vmem>>, vector<16xf32>,
    %broadcast_in_dim3A_305 = arith.constant 0.000000e+00 : f32
    %broadcast_in_dim3A_306 = vector.broadcast %broadcast_in_dim3A_305 : f32 to vector<16xf32>
    %scan3A_307 = arith.constant 0 : i32
    %scan3A_308 = arith.constant 26 : i32
    %scan3A_309 = arith.addi %scan3A_307, %scan3A_308 : i32
    %scan3A_310 = arith.constant 1 : i32
    %scan3A_311 = scf.for %scan3A_449 = %scan3A_307 to %scan3A_309 step %scan3A_310 iter_args(%scan3A_450 = %broadcast_in_dim3A_306) -> (vector<16xf32>)  : i32 {
      %get3A = arith.index_cast %scan3A_449 : i32 to index
      %get3A_451 = arith.constant 320 : index
      %get3A_452 = tpu.vector_load %arg9[%get3A, %get3A_451] {strides = array<i32>} : memref<26x512xf32, #tpu.memory_space<vmem>>, vector<1x16xf32>,
      %get3A_453 = vector.shape_cast %get3A_452 : vector<1x16xf32> to vector<16xf32>
      %add3A_454 = arith.addf %scan3A_450, %get3A_453 : vector<16xf32>
      scf.yield %add3A_454 : vector<16xf32>
    }
    %scan3A_312 = arith.constant 26 : i32
    %swap3A_313 = arith.constant 320 : index
    %swap3A_314 = tpu.vector_load %arg10[%swap3A_313] {strides = array<i32>} : memref<512xf32, #tpu.memory_space<vmem>>, vector<16xf32>,
    %swap3A_315 = vector.shape_cast %swap3A_314 : vector<16xf32> to vector<16xf32>
    %swap3A_316 = vector.shape_cast %scan3A_311 : vector<16xf32> to vector<16xf32>
    tpu.vector_store %arg10[%swap3A_313], %swap3A_316 {strides = array<i32>} : memref<512xf32, #tpu.memory_space<vmem>>, vector<16xf32>,
    %broadcast_in_dim3A_317 = arith.constant 0.000000e+00 : f32
    %broadcast_in_dim3A_318 = vector.broadcast %broadcast_in_dim3A_317 : f32 to vector<16xf32>
    %scan3A_319 = arith.constant 0 : i32
    %scan3A_320 = arith.constant 26 : i32
    %scan3A_321 = arith.addi %scan3A_319, %scan3A_320 : i32
    %scan3A_322 = arith.constant 1 : i32
    %scan3A_323 = scf.for %scan3A_449 = %scan3A_319 to %scan3A_321 step %scan3A_322 iter_args(%scan3A_450 = %broadcast_in_dim3A_318) -> (vector<16xf32>)  : i32 {
      %get3A = arith.index_cast %scan3A_449 : i32 to index
      %get3A_451 = arith.constant 336 : index
      %get3A_452 = tpu.vector_load %arg9[%get3A, %get3A_451] {strides = array<i32>} : memref<26x512xf32, #tpu.memory_space<vmem>>, vector<1x16xf32>,
      %get3A_453 = vector.shape_cast %get3A_452 : vector<1x16xf32> to vector<16xf32>
      %add3A_454 = arith.addf %scan3A_450, %get3A_453 : vector<16xf32>
      scf.yield %add3A_454 : vector<16xf32>
    }
    %scan3A_324 = arith.constant 26 : i32
    %swap3A_325 = arith.constant 336 : index
    %swap3A_326 = tpu.vector_load %arg10[%swap3A_325] {strides = array<i32>} : memref<512xf32, #tpu.memory_space<vmem>>, vector<16xf32>,
    %swap3A_327 = vector.shape_cast %swap3A_326 : vector<16xf32> to vector<16xf32>
    %swap3A_328 = vector.shape_cast %scan3A_323 : vector<16xf32> to vector<16xf32>
    tpu.vector_store %arg10[%swap3A_325], %swap3A_328 {strides = array<i32>} : memref<512xf32, #tpu.memory_space<vmem>>, vector<16xf32>,
    %broadcast_in_dim3A_329 = arith.constant 0.000000e+00 : f32
    %broadcast_in_dim3A_330 = vector.broadcast %broadcast_in_dim3A_329 : f32 to vector<16xf32>
    %scan3A_331 = arith.constant 0 : i32
    %scan3A_332 = arith.constant 26 : i32
    %scan3A_333 = arith.addi %scan3A_331, %scan3A_332 : i32
    %scan3A_334 = arith.constant 1 : i32
    %scan3A_335 = scf.for %scan3A_449 = %scan3A_331 to %scan3A_333 step %scan3A_334 iter_args(%scan3A_450 = %broadcast_in_dim3A_330) -> (vector<16xf32>)  : i32 {
      %get3A = arith.index_cast %scan3A_449 : i32 to index
      %get3A_451 = arith.constant 352 : index
      %get3A_452 = tpu.vector_load %arg9[%get3A, %get3A_451] {strides = array<i32>} : memref<26x512xf32, #tpu.memory_space<vmem>>, vector<1x16xf32>,
      %get3A_453 = vector.shape_cast %get3A_452 : vector<1x16xf32> to vector<16xf32>
      %add3A_454 = arith.addf %scan3A_450, %get3A_453 : vector<16xf32>
      scf.yield %add3A_454 : vector<16xf32>
    }
    %scan3A_336 = arith.constant 26 : i32
    %swap3A_337 = arith.constant 352 : index
    %swap3A_338 = tpu.vector_load %arg10[%swap3A_337] {strides = array<i32>} : memref<512xf32, #tpu.memory_space<vmem>>, vector<16xf32>,
    %swap3A_339 = vector.shape_cast %swap3A_338 : vector<16xf32> to vector<16xf32>
    %swap3A_340 = vector.shape_cast %scan3A_335 : vector<16xf32> to vector<16xf32>
    tpu.vector_store %arg10[%swap3A_337], %swap3A_340 {strides = array<i32>} : memref<512xf32, #tpu.memory_space<vmem>>, vector<16xf32>,
    %broadcast_in_dim3A_341 = arith.constant 0.000000e+00 : f32
    %broadcast_in_dim3A_342 = vector.broadcast %broadcast_in_dim3A_341 : f32 to vector<16xf32>
    %scan3A_343 = arith.constant 0 : i32
    %scan3A_344 = arith.constant 26 : i32
    %scan3A_345 = arith.addi %scan3A_343, %scan3A_344 : i32
    %scan3A_346 = arith.constant 1 : i32
    %scan3A_347 = scf.for %scan3A_449 = %scan3A_343 to %scan3A_345 step %scan3A_346 iter_args(%scan3A_450 = %broadcast_in_dim3A_342) -> (vector<16xf32>)  : i32 {
      %get3A = arith.index_cast %scan3A_449 : i32 to index
      %get3A_451 = arith.constant 368 : index
      %get3A_452 = tpu.vector_load %arg9[%get3A, %get3A_451] {strides = array<i32>} : memref<26x512xf32, #tpu.memory_space<vmem>>, vector<1x16xf32>,
      %get3A_453 = vector.shape_cast %get3A_452 : vector<1x16xf32> to vector<16xf32>
      %add3A_454 = arith.addf %scan3A_450, %get3A_453 : vector<16xf32>
      scf.yield %add3A_454 : vector<16xf32>
    }
    %scan3A_348 = arith.constant 26 : i32
    %swap3A_349 = arith.constant 368 : index
    %swap3A_350 = tpu.vector_load %arg10[%swap3A_349] {strides = array<i32>} : memref<512xf32, #tpu.memory_space<vmem>>, vector<16xf32>,
    %swap3A_351 = vector.shape_cast %swap3A_350 : vector<16xf32> to vector<16xf32>
    %swap3A_352 = vector.shape_cast %scan3A_347 : vector<16xf32> to vector<16xf32>
    tpu.vector_store %arg10[%swap3A_349], %swap3A_352 {strides = array<i32>} : memref<512xf32, #tpu.memory_space<vmem>>, vector<16xf32>,
    %broadcast_in_dim3A_353 = arith.constant 0.000000e+00 : f32
    %broadcast_in_dim3A_354 = vector.broadcast %broadcast_in_dim3A_353 : f32 to vector<16xf32>
    %scan3A_355 = arith.constant 0 : i32
    %scan3A_356 = arith.constant 26 : i32
    %scan3A_357 = arith.addi %scan3A_355, %scan3A_356 : i32
    %scan3A_358 = arith.constant 1 : i32
    %scan3A_359 = scf.for %scan3A_449 = %scan3A_355 to %scan3A_357 step %scan3A_358 iter_args(%scan3A_450 = %broadcast_in_dim3A_354) -> (vector<16xf32>)  : i32 {
      %get3A = arith.index_cast %scan3A_449 : i32 to index
      %get3A_451 = arith.constant 384 : index
      %get3A_452 = tpu.vector_load %arg9[%get3A, %get3A_451] {strides = array<i32>} : memref<26x512xf32, #tpu.memory_space<vmem>>, vector<1x16xf32>,
      %get3A_453 = vector.shape_cast %get3A_452 : vector<1x16xf32> to vector<16xf32>
      %add3A_454 = arith.addf %scan3A_450, %get3A_453 : vector<16xf32>
      scf.yield %add3A_454 : vector<16xf32>
    }
    %scan3A_360 = arith.constant 26 : i32
    %swap3A_361 = arith.constant 384 : index
    %swap3A_362 = tpu.vector_load %arg10[%swap3A_361] {strides = array<i32>} : memref<512xf32, #tpu.memory_space<vmem>>, vector<16xf32>,
    %swap3A_363 = vector.shape_cast %swap3A_362 : vector<16xf32> to vector<16xf32>
    %swap3A_364 = vector.shape_cast %scan3A_359 : vector<16xf32> to vector<16xf32>
    tpu.vector_store %arg10[%swap3A_361], %swap3A_364 {strides = array<i32>} : memref<512xf32, #tpu.memory_space<vmem>>, vector<16xf32>,
    %broadcast_in_dim3A_365 = arith.constant 0.000000e+00 : f32
    %broadcast_in_dim3A_366 = vector.broadcast %broadcast_in_dim3A_365 : f32 to vector<16xf32>
    %scan3A_367 = arith.constant 0 : i32
    %scan3A_368 = arith.constant 26 : i32
    %scan3A_369 = arith.addi %scan3A_367, %scan3A_368 : i32
    %scan3A_370 = arith.constant 1 : i32
    %scan3A_371 = scf.for %scan3A_449 = %scan3A_367 to %scan3A_369 step %scan3A_370 iter_args(%scan3A_450 = %broadcast_in_dim3A_366) -> (vector<16xf32>)  : i32 {
      %get3A = arith.index_cast %scan3A_449 : i32 to index
      %get3A_451 = arith.constant 400 : index
      %get3A_452 = tpu.vector_load %arg9[%get3A, %get3A_451] {strides = array<i32>} : memref<26x512xf32, #tpu.memory_space<vmem>>, vector<1x16xf32>,
      %get3A_453 = vector.shape_cast %get3A_452 : vector<1x16xf32> to vector<16xf32>
      %add3A_454 = arith.addf %scan3A_450, %get3A_453 : vector<16xf32>
      scf.yield %add3A_454 : vector<16xf32>
    }
    %scan3A_372 = arith.constant 26 : i32
    %swap3A_373 = arith.constant 400 : index
    %swap3A_374 = tpu.vector_load %arg10[%swap3A_373] {strides = array<i32>} : memref<512xf32, #tpu.memory_space<vmem>>, vector<16xf32>,
    %swap3A_375 = vector.shape_cast %swap3A_374 : vector<16xf32> to vector<16xf32>
    %swap3A_376 = vector.shape_cast %scan3A_371 : vector<16xf32> to vector<16xf32>
    tpu.vector_store %arg10[%swap3A_373], %swap3A_376 {strides = array<i32>} : memref<512xf32, #tpu.memory_space<vmem>>, vector<16xf32>,
    %broadcast_in_dim3A_377 = arith.constant 0.000000e+00 : f32
    %broadcast_in_dim3A_378 = vector.broadcast %broadcast_in_dim3A_377 : f32 to vector<16xf32>
    %scan3A_379 = arith.constant 0 : i32
    %scan3A_380 = arith.constant 26 : i32
    %scan3A_381 = arith.addi %scan3A_379, %scan3A_380 : i32
    %scan3A_382 = arith.constant 1 : i32
    %scan3A_383 = scf.for %scan3A_449 = %scan3A_379 to %scan3A_381 step %scan3A_382 iter_args(%scan3A_450 = %broadcast_in_dim3A_378) -> (vector<16xf32>)  : i32 {
      %get3A = arith.index_cast %scan3A_449 : i32 to index
      %get3A_451 = arith.constant 416 : index
      %get3A_452 = tpu.vector_load %arg9[%get3A, %get3A_451] {strides = array<i32>} : memref<26x512xf32, #tpu.memory_space<vmem>>, vector<1x16xf32>,
      %get3A_453 = vector.shape_cast %get3A_452 : vector<1x16xf32> to vector<16xf32>
      %add3A_454 = arith.addf %scan3A_450, %get3A_453 : vector<16xf32>
      scf.yield %add3A_454 : vector<16xf32>
    }
    %scan3A_384 = arith.constant 26 : i32
    %swap3A_385 = arith.constant 416 : index
    %swap3A_386 = tpu.vector_load %arg10[%swap3A_385] {strides = array<i32>} : memref<512xf32, #tpu.memory_space<vmem>>, vector<16xf32>,
    %swap3A_387 = vector.shape_cast %swap3A_386 : vector<16xf32> to vector<16xf32>
    %swap3A_388 = vector.shape_cast %scan3A_383 : vector<16xf32> to vector<16xf32>
    tpu.vector_store %arg10[%swap3A_385], %swap3A_388 {strides = array<i32>} : memref<512xf32, #tpu.memory_space<vmem>>, vector<16xf32>,
    %broadcast_in_dim3A_389 = arith.constant 0.000000e+00 : f32
    %broadcast_in_dim3A_390 = vector.broadcast %broadcast_in_dim3A_389 : f32 to vector<16xf32>
    %scan3A_391 = arith.constant 0 : i32
    %scan3A_392 = arith.constant 26 : i32
    %scan3A_393 = arith.addi %scan3A_391, %scan3A_392 : i32
    %scan3A_394 = arith.constant 1 : i32
    %scan3A_395 = scf.for %scan3A_449 = %scan3A_391 to %scan3A_393 step %scan3A_394 iter_args(%scan3A_450 = %broadcast_in_dim3A_390) -> (vector<16xf32>)  : i32 {
      %get3A = arith.index_cast %scan3A_449 : i32 to index
      %get3A_451 = arith.constant 432 : index
      %get3A_452 = tpu.vector_load %arg9[%get3A, %get3A_451] {strides = array<i32>} : memref<26x512xf32, #tpu.memory_space<vmem>>, vector<1x16xf32>,
      %get3A_453 = vector.shape_cast %get3A_452 : vector<1x16xf32> to vector<16xf32>
      %add3A_454 = arith.addf %scan3A_450, %get3A_453 : vector<16xf32>
      scf.yield %add3A_454 : vector<16xf32>
    }
    %scan3A_396 = arith.constant 26 : i32
    %swap3A_397 = arith.constant 432 : index
    %swap3A_398 = tpu.vector_load %arg10[%swap3A_397] {strides = array<i32>} : memref<512xf32, #tpu.memory_space<vmem>>, vector<16xf32>,
    %swap3A_399 = vector.shape_cast %swap3A_398 : vector<16xf32> to vector<16xf32>
    %swap3A_400 = vector.shape_cast %scan3A_395 : vector<16xf32> to vector<16xf32>
    tpu.vector_store %arg10[%swap3A_397], %swap3A_400 {strides = array<i32>} : memref<512xf32, #tpu.memory_space<vmem>>, vector<16xf32>,
    %broadcast_in_dim3A_401 = arith.constant 0.000000e+00 : f32
    %broadcast_in_dim3A_402 = vector.broadcast %broadcast_in_dim3A_401 : f32 to vector<16xf32>
    %scan3A_403 = arith.constant 0 : i32
    %scan3A_404 = arith.constant 26 : i32
    %scan3A_405 = arith.addi %scan3A_403, %scan3A_404 : i32
    %scan3A_406 = arith.constant 1 : i32
    %scan3A_407 = scf.for %scan3A_449 = %scan3A_403 to %scan3A_405 step %scan3A_406 iter_args(%scan3A_450 = %broadcast_in_dim3A_402) -> (vector<16xf32>)  : i32 {
      %get3A = arith.index_cast %scan3A_449 : i32 to index
      %get3A_451 = arith.constant 448 : index
      %get3A_452 = tpu.vector_load %arg9[%get3A, %get3A_451] {strides = array<i32>} : memref<26x512xf32, #tpu.memory_space<vmem>>, vector<1x16xf32>,
      %get3A_453 = vector.shape_cast %get3A_452 : vector<1x16xf32> to vector<16xf32>
      %add3A_454 = arith.addf %scan3A_450, %get3A_453 : vector<16xf32>
      scf.yield %add3A_454 : vector<16xf32>
    }
    %scan3A_408 = arith.constant 26 : i32
    %swap3A_409 = arith.constant 448 : index
    %swap3A_410 = tpu.vector_load %arg10[%swap3A_409] {strides = array<i32>} : memref<512xf32, #tpu.memory_space<vmem>>, vector<16xf32>,
    %swap3A_411 = vector.shape_cast %swap3A_410 : vector<16xf32> to vector<16xf32>
    %swap3A_412 = vector.shape_cast %scan3A_407 : vector<16xf32> to vector<16xf32>
    tpu.vector_store %arg10[%swap3A_409], %swap3A_412 {strides = array<i32>} : memref<512xf32, #tpu.memory_space<vmem>>, vector<16xf32>,
    %broadcast_in_dim3A_413 = arith.constant 0.000000e+00 : f32
    %broadcast_in_dim3A_414 = vector.broadcast %broadcast_in_dim3A_413 : f32 to vector<16xf32>
    %scan3A_415 = arith.constant 0 : i32
    %scan3A_416 = arith.constant 26 : i32
    %scan3A_417 = arith.addi %scan3A_415, %scan3A_416 : i32
    %scan3A_418 = arith.constant 1 : i32
    %scan3A_419 = scf.for %scan3A_449 = %scan3A_415 to %scan3A_417 step %scan3A_418 iter_args(%scan3A_450 = %broadcast_in_dim3A_414) -> (vector<16xf32>)  : i32 {
      %get3A = arith.index_cast %scan3A_449 : i32 to index
      %get3A_451 = arith.constant 464 : index
      %get3A_452 = tpu.vector_load %arg9[%get3A, %get3A_451] {strides = array<i32>} : memref<26x512xf32, #tpu.memory_space<vmem>>, vector<1x16xf32>,
      %get3A_453 = vector.shape_cast %get3A_452 : vector<1x16xf32> to vector<16xf32>
      %add3A_454 = arith.addf %scan3A_450, %get3A_453 : vector<16xf32>
      scf.yield %add3A_454 : vector<16xf32>
    }
    %scan3A_420 = arith.constant 26 : i32
    %swap3A_421 = arith.constant 464 : index
    %swap3A_422 = tpu.vector_load %arg10[%swap3A_421] {strides = array<i32>} : memref<512xf32, #tpu.memory_space<vmem>>, vector<16xf32>,
    %swap3A_423 = vector.shape_cast %swap3A_422 : vector<16xf32> to vector<16xf32>
    %swap3A_424 = vector.shape_cast %scan3A_419 : vector<16xf32> to vector<16xf32>
    tpu.vector_store %arg10[%swap3A_421], %swap3A_424 {strides = array<i32>} : memref<512xf32, #tpu.memory_space<vmem>>, vector<16xf32>,
    %broadcast_in_dim3A_425 = arith.constant 0.000000e+00 : f32
    %broadcast_in_dim3A_426 = vector.broadcast %broadcast_in_dim3A_425 : f32 to vector<16xf32>
    %scan3A_427 = arith.constant 0 : i32
    %scan3A_428 = arith.constant 26 : i32
    %scan3A_429 = arith.addi %scan3A_427, %scan3A_428 : i32
    %scan3A_430 = arith.constant 1 : i32
    %scan3A_431 = scf.for %scan3A_449 = %scan3A_427 to %scan3A_429 step %scan3A_430 iter_args(%scan3A_450 = %broadcast_in_dim3A_426) -> (vector<16xf32>)  : i32 {
      %get3A = arith.index_cast %scan3A_449 : i32 to index
      %get3A_451 = arith.constant 480 : index
      %get3A_452 = tpu.vector_load %arg9[%get3A, %get3A_451] {strides = array<i32>} : memref<26x512xf32, #tpu.memory_space<vmem>>, vector<1x16xf32>,
      %get3A_453 = vector.shape_cast %get3A_452 : vector<1x16xf32> to vector<16xf32>
      %add3A_454 = arith.addf %scan3A_450, %get3A_453 : vector<16xf32>
      scf.yield %add3A_454 : vector<16xf32>
    }
    %scan3A_432 = arith.constant 26 : i32
    %swap3A_433 = arith.constant 480 : index
    %swap3A_434 = tpu.vector_load %arg10[%swap3A_433] {strides = array<i32>} : memref<512xf32, #tpu.memory_space<vmem>>, vector<16xf32>,
    %swap3A_435 = vector.shape_cast %swap3A_434 : vector<16xf32> to vector<16xf32>
    %swap3A_436 = vector.shape_cast %scan3A_431 : vector<16xf32> to vector<16xf32>
    tpu.vector_store %arg10[%swap3A_433], %swap3A_436 {strides = array<i32>} : memref<512xf32, #tpu.memory_space<vmem>>, vector<16xf32>,
    %broadcast_in_dim3A_437 = arith.constant 0.000000e+00 : f32
    %broadcast_in_dim3A_438 = vector.broadcast %broadcast_in_dim3A_437 : f32 to vector<16xf32>
    %scan3A_439 = arith.constant 0 : i32
    %scan3A_440 = arith.constant 26 : i32
    %scan3A_441 = arith.addi %scan3A_439, %scan3A_440 : i32
    %scan3A_442 = arith.constant 1 : i32
    %scan3A_443 = scf.for %scan3A_449 = %scan3A_439 to %scan3A_441 step %scan3A_442 iter_args(%scan3A_450 = %broadcast_in_dim3A_438) -> (vector<16xf32>)  : i32 {
      %get3A = arith.index_cast %scan3A_449 : i32 to index
      %get3A_451 = arith.constant 496 : index
      %get3A_452 = tpu.vector_load %arg9[%get3A, %get3A_451] {strides = array<i32>} : memref<26x512xf32, #tpu.memory_space<vmem>>, vector<1x16xf32>,
      %get3A_453 = vector.shape_cast %get3A_452 : vector<1x16xf32> to vector<16xf32>
      %add3A_454 = arith.addf %scan3A_450, %get3A_453 : vector<16xf32>
      scf.yield %add3A_454 : vector<16xf32>
    }
    %scan3A_444 = arith.constant 26 : i32
    %swap3A_445 = arith.constant 496 : index
    %swap3A_446 = tpu.vector_load %arg10[%swap3A_445] {strides = array<i32>} : memref<512xf32, #tpu.memory_space<vmem>>, vector<16xf32>,
    %swap3A_447 = vector.shape_cast %swap3A_446 : vector<16xf32> to vector<16xf32>
    %swap3A_448 = vector.shape_cast %scan3A_443 : vector<16xf32> to vector<16xf32>
    tpu.vector_store %arg10[%swap3A_445], %swap3A_448 {strides = array<i32>} : memref<512xf32, #tpu.memory_space<vmem>>, vector<16xf32>,
    "tpu.region"() ({
      %run_scoped3A = tpu.sem_alloc : memref<!tpu.dma_semaphore, #tpu.memory_space<semaphore_mem>>
      %dma_start3A = tpu.memref_slice %arg6[%mul3A_2] : memref<16384xf32, #tpu.memory_space<hbm>> -> memref<512xf32, #tpu.memory_space<hbm>>
      %dma_start3A_449 = tpu.memref_slice %arg6[%mul3A_2] : memref<16384xf32, #tpu.memory_space<hbm>> -> memref<512xf32, #tpu.memory_space<hbm>>
      tpu.enqueue_dma source(%arg10 : memref<512xf32, #tpu.memory_space<vmem>>) target(%dma_start3A_449 : memref<512xf32, #tpu.memory_space<hbm>>) target_semaphore(%run_scoped3A : memref<!tpu.dma_semaphore, #tpu.memory_space<semaphore_mem>>)
      %dma_wait3A = tpu.memref_slice %arg6[%mul3A_2] : memref<16384xf32, #tpu.memory_space<hbm>> -> memref<512xf32, #tpu.memory_space<hbm>>
      %dma_wait3A_450 = tpu.memref_slice %arg6[%mul3A_2] : memref<16384xf32, #tpu.memory_space<hbm>> -> memref<512xf32, #tpu.memory_space<hbm>>
      tpu.wait_dma2 semaphore(%run_scoped3A : memref<!tpu.dma_semaphore, #tpu.memory_space<semaphore_mem>>) src(%arg10 : memref<512xf32, #tpu.memory_space<vmem>>) dst(%dma_wait3A_450 : memref<512xf32, #tpu.memory_space<hbm>>)
      tpu.yield
    }) : () -> ()
    return
  }
}

#map = affine_map<(d0, d1) -> (0, 0, 0)>
module attributes {stable_mosaic.version = 14 : i64} {
  func.func @k(%arg0: i32, %arg1: i32, %arg2: memref<26x16x100001xf32, #tpu.memory_space<hbm>>, %arg3: memref<26x16x128xf32, #tpu.memory_space<hbm>>, %arg4: memref<40664x8x128xf32, #tpu.memory_space<hbm>>, %arg5: memref<12x8x128xf32, #tpu.memory_space<vmem>>, %arg6: memref<!tpu.dma_semaphore, #tpu.memory_space<semaphore_mem>>, %arg7: memref<!tpu.dma_semaphore, #tpu.memory_space<semaphore_mem>>) attributes {dimension_semantics = [#tpu.dimension_semantics<core_parallel>, #tpu.dimension_semantics<subcore_parallel>], iteration_bounds = array<i64: 2, 16>, scalar_prefetch = 0 : i64, scratch_operands = 3 : i64, tpu.core_type = #tpu.core_type<sc_vector_subcore>, window_params = [{transform_indices = #map}, {transform_indices = #map}, {transform_indices = #map}]} {
    %mul3A = arith.constant 2 : i32
    %mul3A_0 = arith.muli %arg1, %mul3A : i32
    %add3A = arith.addi %mul3A_0, %arg0 : i32
    %scan3A = arith.constant 0 : i32
    %scan3A_1 = arith.constant 0 : i32
    %scan3A_2 = arith.constant 1271 : i32
    %scan3A_3 = arith.addi %scan3A_1, %scan3A_2 : i32
    %scan3A_4 = arith.constant 1 : i32
    scf.for %scan3A_18 = %scan3A_1 to %scan3A_3 step %scan3A_4  : i32 {
      %ge3A = arith.constant 12 : i32
      %ge3A_19 = arith.cmpi sge, %scan3A_18, %ge3A : i32
      %convert_element_type3A = arith.extui %ge3A_19 : i1 to i32
      %cond3A = arith.constant 0 : i32
      %cond3A_20 = arith.cmpi ne, %convert_element_type3A, %cond3A : i32
      scf.if %cond3A_20 {
        %sub3A = arith.constant 12 : i32
        %sub3A_48 = arith.subi %scan3A_18, %sub3A : i32
        %mul3A_49 = arith.constant 1271 : i32
        %mul3A_50 = arith.muli %add3A, %mul3A_49 : i32
        %add3A_51 = arith.addi %mul3A_50, %sub3A_48 : i32
        %lt3A_52 = arith.constant 40664 : i32
        %lt3A_53 = arith.cmpi slt, %add3A_51, %lt3A_52 : i32
        %convert_element_type3A_54 = arith.extui %lt3A_53 : i1 to i32
        %cond3A_55 = arith.constant 0 : i32
        %cond3A_56 = arith.cmpi ne, %convert_element_type3A_54, %cond3A_55 : i32
        scf.if %cond3A_56 {
          %rem3A_57 = arith.constant 12 : i32
          %rem3A_58 = arith.remsi %sub3A_48, %rem3A_57 : i32
          %mul3A_59 = arith.constant 1271 : i32
          %mul3A_60 = arith.muli %add3A, %mul3A_59 : i32
          %add3A_61 = arith.addi %mul3A_60, %sub3A_48 : i32
          %dma_wait3A = arith.constant 0 : i32
          %dma_wait3A_62 = arith.constant 0 : i32
          %dma_wait3A_63 = tpu.memref_slice %arg5[%rem3A_58, %dma_wait3A, %dma_wait3A_62] : memref<12x8x128xf32, #tpu.memory_space<vmem>> -> memref<1x8x128xf32, #tpu.memory_space<vmem>>
          %dma_wait3A_64 = tpu.memref_squeeze %dma_wait3A_63 : memref<1x8x128xf32, #tpu.memory_space<vmem>> -> memref<8x128xf32, #tpu.memory_space<vmem>>
          %dma_wait3A_65 = arith.constant 0 : i32
          %dma_wait3A_66 = arith.constant 0 : i32
          %dma_wait3A_67 = tpu.memref_slice %arg4[%add3A_61, %dma_wait3A_65, %dma_wait3A_66] : memref<40664x8x128xf32, #tpu.memory_space<hbm>> -> memref<1x8x128xf32, #tpu.memory_space<hbm>>
          %dma_wait3A_68 = tpu.memref_squeeze %dma_wait3A_67 : memref<1x8x128xf32, #tpu.memory_space<hbm>> -> memref<8x128xf32, #tpu.memory_space<hbm>>
          %dma_wait3A_69 = arith.constant 0 : i32
          %dma_wait3A_70 = arith.constant 0 : i32
          %dma_wait3A_71 = tpu.memref_slice %arg4[%add3A_61, %dma_wait3A_69, %dma_wait3A_70] : memref<40664x8x128xf32, #tpu.memory_space<hbm>> -> memref<1x8x128xf32, #tpu.memory_space<hbm>>
          %dma_wait3A_72 = tpu.memref_squeeze %dma_wait3A_71 : memref<1x8x128xf32, #tpu.memory_space<hbm>> -> memref<8x128xf32, #tpu.memory_space<hbm>>
          %dma_wait3A_73 = arith.constant 0 : i32
          %dma_wait3A_74 = arith.constant 0 : i32
          %dma_wait3A_75 = tpu.memref_slice %arg5[%rem3A_58, %dma_wait3A_73, %dma_wait3A_74] : memref<12x8x128xf32, #tpu.memory_space<vmem>> -> memref<1x8x128xf32, #tpu.memory_space<vmem>>
          %dma_wait3A_76 = tpu.memref_squeeze %dma_wait3A_75 : memref<1x8x128xf32, #tpu.memory_space<vmem>> -> memref<8x128xf32, #tpu.memory_space<vmem>>
          tpu.wait_dma2 semaphore(%arg7 : memref<!tpu.dma_semaphore, #tpu.memory_space<semaphore_mem>>) src(%dma_wait3A_76 : memref<8x128xf32, #tpu.memory_space<vmem>>) dst(%dma_wait3A_72 : memref<8x128xf32, #tpu.memory_space<hbm>>)
        } else {
        }
      } else {
      }
      %mul3A_21 = arith.constant 1271 : i32
      %mul3A_22 = arith.muli %add3A, %mul3A_21 : i32
      %add3A_23 = arith.addi %mul3A_22, %scan3A_18 : i32
      %div3A = arith.constant 1564 : i32
      %div3A_24 = arith.divsi %add3A_23, %div3A : i32
      %rem3A = arith.constant 1564 : i32
      %rem3A_25 = arith.remsi %add3A_23, %rem3A : i32
      %div3A_26 = arith.constant 782 : i32
      %div3A_27 = arith.divsi %rem3A_25, %div3A_26 : i32
      %rem3A_28 = arith.constant 782 : i32
      %rem3A_29 = arith.remsi %rem3A_25, %rem3A_28 : i32
      %lt3A = arith.constant 40664 : i32
      %lt3A_30 = arith.cmpi slt, %add3A_23, %lt3A : i32
      %lt3A_31 = arith.constant 781 : i32
      %lt3A_32 = arith.cmpi slt, %rem3A_29, %lt3A_31 : i32
      %and3A = arith.andi %lt3A_30, %lt3A_32 : i1
      %convert_element_type3A_33 = arith.extui %and3A : i1 to i32
      %cond3A_34 = arith.constant 0 : i32
      %cond3A_35 = arith.cmpi ne, %convert_element_type3A_33, %cond3A_34 : i32
      scf.if %cond3A_35 {
        %mul3A_48 = arith.constant 1271 : i32
        %mul3A_49 = arith.muli %add3A, %mul3A_48 : i32
        %add3A_50 = arith.addi %mul3A_49, %scan3A_18 : i32
        %div3A_51 = arith.constant 1564 : i32
        %div3A_52 = arith.divsi %add3A_50, %div3A_51 : i32
        %rem3A_53 = arith.constant 1564 : i32
        %rem3A_54 = arith.remsi %add3A_50, %rem3A_53 : i32
        %div3A_55 = arith.constant 782 : i32
        %div3A_56 = arith.divsi %rem3A_54, %div3A_55 : i32
        %rem3A_57 = arith.constant 782 : i32
        %rem3A_58 = arith.remsi %rem3A_54, %rem3A_57 : i32
        %mul3A_59 = arith.constant 8 : i32
        %mul3A_60 = arith.muli %div3A_56, %mul3A_59 : i32
        %multiple_of3A = tpu.assume_multiple %mul3A_60, 8 : i32
        %mul3A_61 = arith.constant 128 : i32
        %mul3A_62 = arith.muli %rem3A_58, %mul3A_61 : i32
        %multiple_of3A_63 = tpu.assume_multiple %mul3A_62, 128 : i32
        %rem3A_64 = arith.constant 12 : i32
        %rem3A_65 = arith.remsi %scan3A_18, %rem3A_64 : i32
        %dma_start3A = arith.constant 0 : i32
        %dma_start3A_66 = arith.constant 0 : i32
        %dma_start3A_67 = tpu.memref_slice %arg5[%rem3A_65, %dma_start3A, %dma_start3A_66] : memref<12x8x128xf32, #tpu.memory_space<vmem>> -> memref<1x8x128xf32, #tpu.memory_space<vmem>>
        %dma_start3A_68 = tpu.memref_squeeze %dma_start3A_67 : memref<1x8x128xf32, #tpu.memory_space<vmem>> -> memref<8x128xf32, #tpu.memory_space<vmem>>
        %dma_start3A_69 = tpu.memref_slice %arg2[%div3A_52, %multiple_of3A, %multiple_of3A_63] : memref<26x16x100001xf32, #tpu.memory_space<hbm>> -> memref<1x8x128xf32, #tpu.memory_space<hbm>>
        %dma_start3A_70 = tpu.memref_squeeze %dma_start3A_69 : memref<1x8x128xf32, #tpu.memory_space<hbm>> -> memref<8x128xf32, #tpu.memory_space<hbm>>
        %dma_start3A_71 = arith.constant 0 : i32
        %dma_start3A_72 = arith.constant 0 : i32
        %dma_start3A_73 = tpu.memref_slice %arg5[%rem3A_65, %dma_start3A_71, %dma_start3A_72] : memref<12x8x128xf32, #tpu.memory_space<vmem>> -> memref<1x8x128xf32, #tpu.memory_space<vmem>>
        %dma_start3A_74 = tpu.memref_squeeze %dma_start3A_73 : memref<1x8x128xf32, #tpu.memory_space<vmem>> -> memref<8x128xf32, #tpu.memory_space<vmem>>
        %dma_start3A_75 = tpu.memref_slice %arg2[%div3A_52, %multiple_of3A, %multiple_of3A_63] : memref<26x16x100001xf32, #tpu.memory_space<hbm>> -> memref<1x8x128xf32, #tpu.memory_space<hbm>>
        %dma_start3A_76 = tpu.memref_squeeze %dma_start3A_75 : memref<1x8x128xf32, #tpu.memory_space<hbm>> -> memref<8x128xf32, #tpu.memory_space<hbm>>
        tpu.enqueue_dma source(%dma_start3A_76 : memref<8x128xf32, #tpu.memory_space<hbm>>) target(%dma_start3A_74 : memref<8x128xf32, #tpu.memory_space<vmem>>) target_semaphore(%arg6 : memref<!tpu.dma_semaphore, #tpu.memory_space<semaphore_mem>>)
      } else {
      }
      %lt3A_36 = arith.constant 40664 : i32
      %lt3A_37 = arith.cmpi slt, %add3A_23, %lt3A_36 : i32
      %eq3A = arith.constant 781 : i32
      %eq3A_38 = arith.cmpi eq, %rem3A_29, %eq3A : i32
      %and3A_39 = arith.andi %lt3A_37, %eq3A_38 : i1
      %convert_element_type3A_40 = arith.extui %and3A_39 : i1 to i32
      %cond3A_41 = arith.constant 0 : i32
      %cond3A_42 = arith.cmpi ne, %convert_element_type3A_40, %cond3A_41 : i32
      scf.if %cond3A_42 {
        %mul3A_48 = arith.constant 1271 : i32
        %mul3A_49 = arith.muli %add3A, %mul3A_48 : i32
        %add3A_50 = arith.addi %mul3A_49, %scan3A_18 : i32
        %div3A_51 = arith.constant 1564 : i32
        %div3A_52 = arith.divsi %add3A_50, %div3A_51 : i32
        %rem3A_53 = arith.constant 1564 : i32
        %rem3A_54 = arith.remsi %add3A_50, %rem3A_53 : i32
        %div3A_55 = arith.constant 782 : i32
        %div3A_56 = arith.divsi %rem3A_54, %div3A_55 : i32
        %rem3A_57 = arith.constant 782 : i32
        %rem3A_58 = arith.remsi %rem3A_54, %rem3A_57 : i32
        %mul3A_59 = arith.constant 8 : i32
        %mul3A_60 = arith.muli %div3A_56, %mul3A_59 : i32
        %multiple_of3A = tpu.assume_multiple %mul3A_60, 8 : i32
        %rem3A_61 = arith.constant 12 : i32
        %rem3A_62 = arith.remsi %scan3A_18, %rem3A_61 : i32
        %dma_start3A = arith.constant 0 : i32
        %dma_start3A_63 = arith.constant 0 : i32
        %dma_start3A_64 = tpu.memref_slice %arg5[%rem3A_62, %dma_start3A, %dma_start3A_63] : memref<12x8x128xf32, #tpu.memory_space<vmem>> -> memref<1x8x128xf32, #tpu.memory_space<vmem>>
        %dma_start3A_65 = tpu.memref_squeeze %dma_start3A_64 : memref<1x8x128xf32, #tpu.memory_space<vmem>> -> memref<8x128xf32, #tpu.memory_space<vmem>>
        %dma_start3A_66 = arith.constant 0 : i32
        %dma_start3A_67 = tpu.memref_slice %arg3[%div3A_52, %multiple_of3A, %dma_start3A_66] : memref<26x16x128xf32, #tpu.memory_space<hbm>> -> memref<1x8x128xf32, #tpu.memory_space<hbm>>
        %dma_start3A_68 = tpu.memref_squeeze %dma_start3A_67 : memref<1x8x128xf32, #tpu.memory_space<hbm>> -> memref<8x128xf32, #tpu.memory_space<hbm>>
        %dma_start3A_69 = arith.constant 0 : i32
        %dma_start3A_70 = arith.constant 0 : i32
        %dma_start3A_71 = tpu.memref_slice %arg5[%rem3A_62, %dma_start3A_69, %dma_start3A_70] : memref<12x8x128xf32, #tpu.memory_space<vmem>> -> memref<1x8x128xf32, #tpu.memory_space<vmem>>
        %dma_start3A_72 = tpu.memref_squeeze %dma_start3A_71 : memref<1x8x128xf32, #tpu.memory_space<vmem>> -> memref<8x128xf32, #tpu.memory_space<vmem>>
        %dma_start3A_73 = arith.constant 0 : i32
        %dma_start3A_74 = tpu.memref_slice %arg3[%div3A_52, %multiple_of3A, %dma_start3A_73] : memref<26x16x128xf32, #tpu.memory_space<hbm>> -> memref<1x8x128xf32, #tpu.memory_space<hbm>>
        %dma_start3A_75 = tpu.memref_squeeze %dma_start3A_74 : memref<1x8x128xf32, #tpu.memory_space<hbm>> -> memref<8x128xf32, #tpu.memory_space<hbm>>
        tpu.enqueue_dma source(%dma_start3A_75 : memref<8x128xf32, #tpu.memory_space<hbm>>) target(%dma_start3A_72 : memref<8x128xf32, #tpu.memory_space<vmem>>) target_semaphore(%arg6 : memref<!tpu.dma_semaphore, #tpu.memory_space<semaphore_mem>>)
      } else {
      }
      %ge3A_43 = arith.constant 6 : i32
      %ge3A_44 = arith.cmpi sge, %scan3A_18, %ge3A_43 : i32
      %convert_element_type3A_45 = arith.extui %ge3A_44 : i1 to i32
      %cond3A_46 = arith.constant 0 : i32
      %cond3A_47 = arith.cmpi ne, %convert_element_type3A_45, %cond3A_46 : i32
      scf.if %cond3A_47 {
        %sub3A = arith.constant 6 : i32
        %sub3A_48 = arith.subi %scan3A_18, %sub3A : i32
        %mul3A_49 = arith.constant 1271 : i32
        %mul3A_50 = arith.muli %add3A, %mul3A_49 : i32
        %add3A_51 = arith.addi %mul3A_50, %sub3A_48 : i32
        %div3A_52 = arith.constant 1564 : i32
        %div3A_53 = arith.divsi %add3A_51, %div3A_52 : i32
        %rem3A_54 = arith.constant 1564 : i32
        %rem3A_55 = arith.remsi %add3A_51, %rem3A_54 : i32
        %div3A_56 = arith.constant 782 : i32
        %div3A_57 = arith.divsi %rem3A_55, %div3A_56 : i32
        %rem3A_58 = arith.constant 782 : i32
        %rem3A_59 = arith.remsi %rem3A_55, %rem3A_58 : i32
        %lt3A_60 = arith.constant 40664 : i32
        %lt3A_61 = arith.cmpi slt, %add3A_51, %lt3A_60 : i32
        %lt3A_62 = arith.constant 781 : i32
        %lt3A_63 = arith.cmpi slt, %rem3A_59, %lt3A_62 : i32
        %and3A_64 = arith.andi %lt3A_61, %lt3A_63 : i1
        %convert_element_type3A_65 = arith.extui %and3A_64 : i1 to i32
        %cond3A_66 = arith.constant 0 : i32
        %cond3A_67 = arith.cmpi ne, %convert_element_type3A_65, %cond3A_66 : i32
        scf.if %cond3A_67 {
          %mul3A_76 = arith.constant 1271 : i32
          %mul3A_77 = arith.muli %add3A, %mul3A_76 : i32
          %add3A_78 = arith.addi %mul3A_77, %sub3A_48 : i32
          %div3A_79 = arith.constant 1564 : i32
          %div3A_80 = arith.divsi %add3A_78, %div3A_79 : i32
          %rem3A_81 = arith.constant 1564 : i32
          %rem3A_82 = arith.remsi %add3A_78, %rem3A_81 : i32
          %div3A_83 = arith.constant 782 : i32
          %div3A_84 = arith.divsi %rem3A_82, %div3A_83 : i32
          %rem3A_85 = arith.constant 782 : i32
          %rem3A_86 = arith.remsi %rem3A_82, %rem3A_85 : i32
          %mul3A_87 = arith.constant 8 : i32
          %mul3A_88 = arith.muli %div3A_84, %mul3A_87 : i32
          %multiple_of3A = tpu.assume_multiple %mul3A_88, 8 : i32
          %mul3A_89 = arith.constant 128 : i32
          %mul3A_90 = arith.muli %rem3A_86, %mul3A_89 : i32
          %multiple_of3A_91 = tpu.assume_multiple %mul3A_90, 128 : i32
          %rem3A_92 = arith.constant 12 : i32
          %rem3A_93 = arith.remsi %sub3A_48, %rem3A_92 : i32
          %dma_wait3A = arith.constant 0 : i32
          %dma_wait3A_94 = arith.constant 0 : i32
          %dma_wait3A_95 = tpu.memref_slice %arg5[%rem3A_93, %dma_wait3A, %dma_wait3A_94] : memref<12x8x128xf32, #tpu.memory_space<vmem>> -> memref<1x8x128xf32, #tpu.memory_space<vmem>>
          %dma_wait3A_96 = tpu.memref_squeeze %dma_wait3A_95 : memref<1x8x128xf32, #tpu.memory_space<vmem>> -> memref<8x128xf32, #tpu.memory_space<vmem>>
          %dma_wait3A_97 = tpu.memref_slice %arg2[%div3A_80, %multiple_of3A, %multiple_of3A_91] : memref<26x16x100001xf32, #tpu.memory_space<hbm>> -> memref<1x8x128xf32, #tpu.memory_space<hbm>>
          %dma_wait3A_98 = tpu.memref_squeeze %dma_wait3A_97 : memref<1x8x128xf32, #tpu.memory_space<hbm>> -> memref<8x128xf32, #tpu.memory_space<hbm>>
          %dma_wait3A_99 = arith.constant 0 : i32
          %dma_wait3A_100 = arith.constant 0 : i32
          %dma_wait3A_101 = tpu.memref_slice %arg5[%rem3A_93, %dma_wait3A_99, %dma_wait3A_100] : memref<12x8x128xf32, #tpu.memory_space<vmem>> -> memref<1x8x128xf32, #tpu.memory_space<vmem>>
          %dma_wait3A_102 = tpu.memref_squeeze %dma_wait3A_101 : memref<1x8x128xf32, #tpu.memory_space<vmem>> -> memref<8x128xf32, #tpu.memory_space<vmem>>
          %dma_wait3A_103 = tpu.memref_slice %arg2[%div3A_80, %multiple_of3A, %multiple_of3A_91] : memref<26x16x100001xf32, #tpu.memory_space<hbm>> -> memref<1x8x128xf32, #tpu.memory_space<hbm>>
          %dma_wait3A_104 = tpu.memref_squeeze %dma_wait3A_103 : memref<1x8x128xf32, #tpu.memory_space<hbm>> -> memref<8x128xf32, #tpu.memory_space<hbm>>
          tpu.wait_dma2 semaphore(%arg6 : memref<!tpu.dma_semaphore, #tpu.memory_space<semaphore_mem>>) src(%dma_wait3A_104 : memref<8x128xf32, #tpu.memory_space<hbm>>) dst(%dma_wait3A_102 : memref<8x128xf32, #tpu.memory_space<vmem>>)
          %rem3A_105 = arith.constant 12 : i32
          %rem3A_106 = arith.remsi %sub3A_48, %rem3A_105 : i32
          %dma_start3A = arith.constant 0 : i32
          %dma_start3A_107 = arith.constant 0 : i32
          %dma_start3A_108 = tpu.memref_slice %arg5[%rem3A_106, %dma_start3A, %dma_start3A_107] : memref<12x8x128xf32, #tpu.memory_space<vmem>> -> memref<1x8x128xf32, #tpu.memory_space<vmem>>
          %dma_start3A_109 = tpu.memref_squeeze %dma_start3A_108 : memref<1x8x128xf32, #tpu.memory_space<vmem>> -> memref<8x128xf32, #tpu.memory_space<vmem>>
          %dma_start3A_110 = arith.constant 0 : i32
          %dma_start3A_111 = arith.constant 0 : i32
          %dma_start3A_112 = tpu.memref_slice %arg4[%add3A_51, %dma_start3A_110, %dma_start3A_111] : memref<40664x8x128xf32, #tpu.memory_space<hbm>> -> memref<1x8x128xf32, #tpu.memory_space<hbm>>
          %dma_start3A_113 = tpu.memref_squeeze %dma_start3A_112 : memref<1x8x128xf32, #tpu.memory_space<hbm>> -> memref<8x128xf32, #tpu.memory_space<hbm>>
          %dma_start3A_114 = arith.constant 0 : i32
          %dma_start3A_115 = arith.constant 0 : i32
          %dma_start3A_116 = tpu.memref_slice %arg4[%add3A_51, %dma_start3A_114, %dma_start3A_115] : memref<40664x8x128xf32, #tpu.memory_space<hbm>> -> memref<1x8x128xf32, #tpu.memory_space<hbm>>
          %dma_start3A_117 = tpu.memref_squeeze %dma_start3A_116 : memref<1x8x128xf32, #tpu.memory_space<hbm>> -> memref<8x128xf32, #tpu.memory_space<hbm>>
          %dma_start3A_118 = arith.constant 0 : i32
          %dma_start3A_119 = arith.constant 0 : i32
          %dma_start3A_120 = tpu.memref_slice %arg5[%rem3A_106, %dma_start3A_118, %dma_start3A_119] : memref<12x8x128xf32, #tpu.memory_space<vmem>> -> memref<1x8x128xf32, #tpu.memory_space<vmem>>
          %dma_start3A_121 = tpu.memref_squeeze %dma_start3A_120 : memref<1x8x128xf32, #tpu.memory_space<vmem>> -> memref<8x128xf32, #tpu.memory_space<vmem>>
          tpu.enqueue_dma source(%dma_start3A_121 : memref<8x128xf32, #tpu.memory_space<vmem>>) target(%dma_start3A_117 : memref<8x128xf32, #tpu.memory_space<hbm>>) target_semaphore(%arg7 : memref<!tpu.dma_semaphore, #tpu.memory_space<semaphore_mem>>)
        } else {
        }
        %lt3A_68 = arith.constant 40664 : i32
        %lt3A_69 = arith.cmpi slt, %add3A_51, %lt3A_68 : i32
        %eq3A_70 = arith.constant 781 : i32
        %eq3A_71 = arith.cmpi eq, %rem3A_59, %eq3A_70 : i32
        %and3A_72 = arith.andi %lt3A_69, %eq3A_71 : i1
        %convert_element_type3A_73 = arith.extui %and3A_72 : i1 to i32
        %cond3A_74 = arith.constant 0 : i32
        %cond3A_75 = arith.cmpi ne, %convert_element_type3A_73, %cond3A_74 : i32
        scf.if %cond3A_75 {
          %mul3A_76 = arith.constant 1271 : i32
          %mul3A_77 = arith.muli %add3A, %mul3A_76 : i32
          %add3A_78 = arith.addi %mul3A_77, %sub3A_48 : i32
          %div3A_79 = arith.constant 1564 : i32
          %div3A_80 = arith.divsi %add3A_78, %div3A_79 : i32
          %rem3A_81 = arith.constant 1564 : i32
          %rem3A_82 = arith.remsi %add3A_78, %rem3A_81 : i32
          %div3A_83 = arith.constant 782 : i32
          %div3A_84 = arith.divsi %rem3A_82, %div3A_83 : i32
          %rem3A_85 = arith.constant 782 : i32
          %rem3A_86 = arith.remsi %rem3A_82, %rem3A_85 : i32
          %mul3A_87 = arith.constant 8 : i32
          %mul3A_88 = arith.muli %div3A_84, %mul3A_87 : i32
          %multiple_of3A = tpu.assume_multiple %mul3A_88, 8 : i32
          %rem3A_89 = arith.constant 12 : i32
          %rem3A_90 = arith.remsi %sub3A_48, %rem3A_89 : i32
          %dma_wait3A = arith.constant 0 : i32
          %dma_wait3A_91 = arith.constant 0 : i32
          %dma_wait3A_92 = tpu.memref_slice %arg5[%rem3A_90, %dma_wait3A, %dma_wait3A_91] : memref<12x8x128xf32, #tpu.memory_space<vmem>> -> memref<1x8x128xf32, #tpu.memory_space<vmem>>
          %dma_wait3A_93 = tpu.memref_squeeze %dma_wait3A_92 : memref<1x8x128xf32, #tpu.memory_space<vmem>> -> memref<8x128xf32, #tpu.memory_space<vmem>>
          %dma_wait3A_94 = arith.constant 0 : i32
          %dma_wait3A_95 = tpu.memref_slice %arg3[%div3A_80, %multiple_of3A, %dma_wait3A_94] : memref<26x16x128xf32, #tpu.memory_space<hbm>> -> memref<1x8x128xf32, #tpu.memory_space<hbm>>
          %dma_wait3A_96 = tpu.memref_squeeze %dma_wait3A_95 : memref<1x8x128xf32, #tpu.memory_space<hbm>> -> memref<8x128xf32, #tpu.memory_space<hbm>>
          %dma_wait3A_97 = arith.constant 0 : i32
          %dma_wait3A_98 = arith.constant 0 : i32
          %dma_wait3A_99 = tpu.memref_slice %arg5[%rem3A_90, %dma_wait3A_97, %dma_wait3A_98] : memref<12x8x128xf32, #tpu.memory_space<vmem>> -> memref<1x8x128xf32, #tpu.memory_space<vmem>>
          %dma_wait3A_100 = tpu.memref_squeeze %dma_wait3A_99 : memref<1x8x128xf32, #tpu.memory_space<vmem>> -> memref<8x128xf32, #tpu.memory_space<vmem>>
          %dma_wait3A_101 = arith.constant 0 : i32
          %dma_wait3A_102 = tpu.memref_slice %arg3[%div3A_80, %multiple_of3A, %dma_wait3A_101] : memref<26x16x128xf32, #tpu.memory_space<hbm>> -> memref<1x8x128xf32, #tpu.memory_space<hbm>>
          %dma_wait3A_103 = tpu.memref_squeeze %dma_wait3A_102 : memref<1x8x128xf32, #tpu.memory_space<hbm>> -> memref<8x128xf32, #tpu.memory_space<hbm>>
          tpu.wait_dma2 semaphore(%arg6 : memref<!tpu.dma_semaphore, #tpu.memory_space<semaphore_mem>>) src(%dma_wait3A_103 : memref<8x128xf32, #tpu.memory_space<hbm>>) dst(%dma_wait3A_100 : memref<8x128xf32, #tpu.memory_space<vmem>>)
          %rem3A_104 = arith.constant 12 : i32
          %rem3A_105 = arith.remsi %sub3A_48, %rem3A_104 : i32
          %dma_start3A = arith.constant 0 : i32
          %dma_start3A_106 = arith.constant 0 : i32
          %dma_start3A_107 = tpu.memref_slice %arg5[%rem3A_105, %dma_start3A, %dma_start3A_106] : memref<12x8x128xf32, #tpu.memory_space<vmem>> -> memref<1x8x128xf32, #tpu.memory_space<vmem>>
          %dma_start3A_108 = tpu.memref_squeeze %dma_start3A_107 : memref<1x8x128xf32, #tpu.memory_space<vmem>> -> memref<8x128xf32, #tpu.memory_space<vmem>>
          %dma_start3A_109 = arith.constant 0 : i32
          %dma_start3A_110 = arith.constant 0 : i32
          %dma_start3A_111 = tpu.memref_slice %arg4[%add3A_51, %dma_start3A_109, %dma_start3A_110] : memref<40664x8x128xf32, #tpu.memory_space<hbm>> -> memref<1x8x128xf32, #tpu.memory_space<hbm>>
          %dma_start3A_112 = tpu.memref_squeeze %dma_start3A_111 : memref<1x8x128xf32, #tpu.memory_space<hbm>> -> memref<8x128xf32, #tpu.memory_space<hbm>>
          %dma_start3A_113 = arith.constant 0 : i32
          %dma_start3A_114 = arith.constant 0 : i32
          %dma_start3A_115 = tpu.memref_slice %arg4[%add3A_51, %dma_start3A_113, %dma_start3A_114] : memref<40664x8x128xf32, #tpu.memory_space<hbm>> -> memref<1x8x128xf32, #tpu.memory_space<hbm>>
          %dma_start3A_116 = tpu.memref_squeeze %dma_start3A_115 : memref<1x8x128xf32, #tpu.memory_space<hbm>> -> memref<8x128xf32, #tpu.memory_space<hbm>>
          %dma_start3A_117 = arith.constant 0 : i32
          %dma_start3A_118 = arith.constant 0 : i32
          %dma_start3A_119 = tpu.memref_slice %arg5[%rem3A_105, %dma_start3A_117, %dma_start3A_118] : memref<12x8x128xf32, #tpu.memory_space<vmem>> -> memref<1x8x128xf32, #tpu.memory_space<vmem>>
          %dma_start3A_120 = tpu.memref_squeeze %dma_start3A_119 : memref<1x8x128xf32, #tpu.memory_space<vmem>> -> memref<8x128xf32, #tpu.memory_space<vmem>>
          tpu.enqueue_dma source(%dma_start3A_120 : memref<8x128xf32, #tpu.memory_space<vmem>>) target(%dma_start3A_116 : memref<8x128xf32, #tpu.memory_space<hbm>>) target_semaphore(%arg7 : memref<!tpu.dma_semaphore, #tpu.memory_space<semaphore_mem>>)
        } else {
        }
      } else {
      }
    }
    %scan3A_5 = arith.constant 1271 : i32
    %scan3A_6 = arith.constant 0 : i32
    %scan3A_7 = arith.constant 1265 : i32
    %scan3A_8 = arith.constant 6 : i32
    %scan3A_9 = arith.addi %scan3A_7, %scan3A_8 : i32
    %scan3A_10 = arith.constant 1 : i32
    scf.for %scan3A_18 = %scan3A_7 to %scan3A_9 step %scan3A_10  : i32 {
      %mul3A_19 = arith.constant 1271 : i32
      %mul3A_20 = arith.muli %add3A, %mul3A_19 : i32
      %add3A_21 = arith.addi %mul3A_20, %scan3A_18 : i32
      %div3A = arith.constant 1564 : i32
      %div3A_22 = arith.divsi %add3A_21, %div3A : i32
      %rem3A = arith.constant 1564 : i32
      %rem3A_23 = arith.remsi %add3A_21, %rem3A : i32
      %div3A_24 = arith.constant 782 : i32
      %div3A_25 = arith.divsi %rem3A_23, %div3A_24 : i32
      %rem3A_26 = arith.constant 782 : i32
      %rem3A_27 = arith.remsi %rem3A_23, %rem3A_26 : i32
      %lt3A = arith.constant 40664 : i32
      %lt3A_28 = arith.cmpi slt, %add3A_21, %lt3A : i32
      %lt3A_29 = arith.constant 781 : i32
      %lt3A_30 = arith.cmpi slt, %rem3A_27, %lt3A_29 : i32
      %and3A = arith.andi %lt3A_28, %lt3A_30 : i1
      %convert_element_type3A = arith.extui %and3A : i1 to i32
      %cond3A = arith.constant 0 : i32
      %cond3A_31 = arith.cmpi ne, %convert_element_type3A, %cond3A : i32
      scf.if %cond3A_31 {
        %mul3A_39 = arith.constant 1271 : i32
        %mul3A_40 = arith.muli %add3A, %mul3A_39 : i32
        %add3A_41 = arith.addi %mul3A_40, %scan3A_18 : i32
        %div3A_42 = arith.constant 1564 : i32
        %div3A_43 = arith.divsi %add3A_41, %div3A_42 : i32
        %rem3A_44 = arith.constant 1564 : i32
        %rem3A_45 = arith.remsi %add3A_41, %rem3A_44 : i32
        %div3A_46 = arith.constant 782 : i32
        %div3A_47 = arith.divsi %rem3A_45, %div3A_46 : i32
        %rem3A_48 = arith.constant 782 : i32
        %rem3A_49 = arith.remsi %rem3A_45, %rem3A_48 : i32
        %mul3A_50 = arith.constant 8 : i32
        %mul3A_51 = arith.muli %div3A_47, %mul3A_50 : i32
        %multiple_of3A = tpu.assume_multiple %mul3A_51, 8 : i32
        %mul3A_52 = arith.constant 128 : i32
        %mul3A_53 = arith.muli %rem3A_49, %mul3A_52 : i32
        %multiple_of3A_54 = tpu.assume_multiple %mul3A_53, 128 : i32
        %rem3A_55 = arith.constant 12 : i32
        %rem3A_56 = arith.remsi %scan3A_18, %rem3A_55 : i32
        %dma_wait3A = arith.constant 0 : i32
        %dma_wait3A_57 = arith.constant 0 : i32
        %dma_wait3A_58 = tpu.memref_slice %arg5[%rem3A_56, %dma_wait3A, %dma_wait3A_57] : memref<12x8x128xf32, #tpu.memory_space<vmem>> -> memref<1x8x128xf32, #tpu.memory_space<vmem>>
        %dma_wait3A_59 = tpu.memref_squeeze %dma_wait3A_58 : memref<1x8x128xf32, #tpu.memory_space<vmem>> -> memref<8x128xf32, #tpu.memory_space<vmem>>
        %dma_wait3A_60 = tpu.memref_slice %arg2[%div3A_43, %multiple_of3A, %multiple_of3A_54] : memref<26x16x100001xf32, #tpu.memory_space<hbm>> -> memref<1x8x128xf32, #tpu.memory_space<hbm>>
        %dma_wait3A_61 = tpu.memref_squeeze %dma_wait3A_60 : memref<1x8x128xf32, #tpu.memory_space<hbm>> -> memref<8x128xf32, #tpu.memory_space<hbm>>
        %dma_wait3A_62 = arith.constant 0 : i32
        %dma_wait3A_63 = arith.constant 0 : i32
        %dma_wait3A_64 = tpu.memref_slice %arg5[%rem3A_56, %dma_wait3A_62, %dma_wait3A_63] : memref<12x8x128xf32, #tpu.memory_space<vmem>> -> memref<1x8x128xf32, #tpu.memory_space<vmem>>
        %dma_wait3A_65 = tpu.memref_squeeze %dma_wait3A_64 : memref<1x8x128xf32, #tpu.memory_space<vmem>> -> memref<8x128xf32, #tpu.memory_space<vmem>>
        %dma_wait3A_66 = tpu.memref_slice %arg2[%div3A_43, %multiple_of3A, %multiple_of3A_54] : memref<26x16x100001xf32, #tpu.memory_space<hbm>> -> memref<1x8x128xf32, #tpu.memory_space<hbm>>
        %dma_wait3A_67 = tpu.memref_squeeze %dma_wait3A_66 : memref<1x8x128xf32, #tpu.memory_space<hbm>> -> memref<8x128xf32, #tpu.memory_space<hbm>>
        tpu.wait_dma2 semaphore(%arg6 : memref<!tpu.dma_semaphore, #tpu.memory_space<semaphore_mem>>) src(%dma_wait3A_67 : memref<8x128xf32, #tpu.memory_space<hbm>>) dst(%dma_wait3A_65 : memref<8x128xf32, #tpu.memory_space<vmem>>)
        %rem3A_68 = arith.constant 12 : i32
        %rem3A_69 = arith.remsi %scan3A_18, %rem3A_68 : i32
        %dma_start3A = arith.constant 0 : i32
        %dma_start3A_70 = arith.constant 0 : i32
        %dma_start3A_71 = tpu.memref_slice %arg5[%rem3A_69, %dma_start3A, %dma_start3A_70] : memref<12x8x128xf32, #tpu.memory_space<vmem>> -> memref<1x8x128xf32, #tpu.memory_space<vmem>>
        %dma_start3A_72 = tpu.memref_squeeze %dma_start3A_71 : memref<1x8x128xf32, #tpu.memory_space<vmem>> -> memref<8x128xf32, #tpu.memory_space<vmem>>
        %dma_start3A_73 = arith.constant 0 : i32
        %dma_start3A_74 = arith.constant 0 : i32
        %dma_start3A_75 = tpu.memref_slice %arg4[%add3A_21, %dma_start3A_73, %dma_start3A_74] : memref<40664x8x128xf32, #tpu.memory_space<hbm>> -> memref<1x8x128xf32, #tpu.memory_space<hbm>>
        %dma_start3A_76 = tpu.memref_squeeze %dma_start3A_75 : memref<1x8x128xf32, #tpu.memory_space<hbm>> -> memref<8x128xf32, #tpu.memory_space<hbm>>
        %dma_start3A_77 = arith.constant 0 : i32
        %dma_start3A_78 = arith.constant 0 : i32
        %dma_start3A_79 = tpu.memref_slice %arg4[%add3A_21, %dma_start3A_77, %dma_start3A_78] : memref<40664x8x128xf32, #tpu.memory_space<hbm>> -> memref<1x8x128xf32, #tpu.memory_space<hbm>>
        %dma_start3A_80 = tpu.memref_squeeze %dma_start3A_79 : memref<1x8x128xf32, #tpu.memory_space<hbm>> -> memref<8x128xf32, #tpu.memory_space<hbm>>
        %dma_start3A_81 = arith.constant 0 : i32
        %dma_start3A_82 = arith.constant 0 : i32
        %dma_start3A_83 = tpu.memref_slice %arg5[%rem3A_69, %dma_start3A_81, %dma_start3A_82] : memref<12x8x128xf32, #tpu.memory_space<vmem>> -> memref<1x8x128xf32, #tpu.memory_space<vmem>>
        %dma_start3A_84 = tpu.memref_squeeze %dma_start3A_83 : memref<1x8x128xf32, #tpu.memory_space<vmem>> -> memref<8x128xf32, #tpu.memory_space<vmem>>
        tpu.enqueue_dma source(%dma_start3A_84 : memref<8x128xf32, #tpu.memory_space<vmem>>) target(%dma_start3A_80 : memref<8x128xf32, #tpu.memory_space<hbm>>) target_semaphore(%arg7 : memref<!tpu.dma_semaphore, #tpu.memory_space<semaphore_mem>>)
      } else {
      }
      %lt3A_32 = arith.constant 40664 : i32
      %lt3A_33 = arith.cmpi slt, %add3A_21, %lt3A_32 : i32
      %eq3A = arith.constant 781 : i32
      %eq3A_34 = arith.cmpi eq, %rem3A_27, %eq3A : i32
      %and3A_35 = arith.andi %lt3A_33, %eq3A_34 : i1
      %convert_element_type3A_36 = arith.extui %and3A_35 : i1 to i32
      %cond3A_37 = arith.constant 0 : i32
      %cond3A_38 = arith.cmpi ne, %convert_element_type3A_36, %cond3A_37 : i32
      scf.if %cond3A_38 {
        %mul3A_39 = arith.constant 1271 : i32
        %mul3A_40 = arith.muli %add3A, %mul3A_39 : i32
        %add3A_41 = arith.addi %mul3A_40, %scan3A_18 : i32
        %div3A_42 = arith.constant 1564 : i32
        %div3A_43 = arith.divsi %add3A_41, %div3A_42 : i32
        %rem3A_44 = arith.constant 1564 : i32
        %rem3A_45 = arith.remsi %add3A_41, %rem3A_44 : i32
        %div3A_46 = arith.constant 782 : i32
        %div3A_47 = arith.divsi %rem3A_45, %div3A_46 : i32
        %rem3A_48 = arith.constant 782 : i32
        %rem3A_49 = arith.remsi %rem3A_45, %rem3A_48 : i32
        %mul3A_50 = arith.constant 8 : i32
        %mul3A_51 = arith.muli %div3A_47, %mul3A_50 : i32
        %multiple_of3A = tpu.assume_multiple %mul3A_51, 8 : i32
        %rem3A_52 = arith.constant 12 : i32
        %rem3A_53 = arith.remsi %scan3A_18, %rem3A_52 : i32
        %dma_wait3A = arith.constant 0 : i32
        %dma_wait3A_54 = arith.constant 0 : i32
        %dma_wait3A_55 = tpu.memref_slice %arg5[%rem3A_53, %dma_wait3A, %dma_wait3A_54] : memref<12x8x128xf32, #tpu.memory_space<vmem>> -> memref<1x8x128xf32, #tpu.memory_space<vmem>>
        %dma_wait3A_56 = tpu.memref_squeeze %dma_wait3A_55 : memref<1x8x128xf32, #tpu.memory_space<vmem>> -> memref<8x128xf32, #tpu.memory_space<vmem>>
        %dma_wait3A_57 = arith.constant 0 : i32
        %dma_wait3A_58 = tpu.memref_slice %arg3[%div3A_43, %multiple_of3A, %dma_wait3A_57] : memref<26x16x128xf32, #tpu.memory_space<hbm>> -> memref<1x8x128xf32, #tpu.memory_space<hbm>>
        %dma_wait3A_59 = tpu.memref_squeeze %dma_wait3A_58 : memref<1x8x128xf32, #tpu.memory_space<hbm>> -> memref<8x128xf32, #tpu.memory_space<hbm>>
        %dma_wait3A_60 = arith.constant 0 : i32
        %dma_wait3A_61 = arith.constant 0 : i32
        %dma_wait3A_62 = tpu.memref_slice %arg5[%rem3A_53, %dma_wait3A_60, %dma_wait3A_61] : memref<12x8x128xf32, #tpu.memory_space<vmem>> -> memref<1x8x128xf32, #tpu.memory_space<vmem>>
        %dma_wait3A_63 = tpu.memref_squeeze %dma_wait3A_62 : memref<1x8x128xf32, #tpu.memory_space<vmem>> -> memref<8x128xf32, #tpu.memory_space<vmem>>
        %dma_wait3A_64 = arith.constant 0 : i32
        %dma_wait3A_65 = tpu.memref_slice %arg3[%div3A_43, %multiple_of3A, %dma_wait3A_64] : memref<26x16x128xf32, #tpu.memory_space<hbm>> -> memref<1x8x128xf32, #tpu.memory_space<hbm>>
        %dma_wait3A_66 = tpu.memref_squeeze %dma_wait3A_65 : memref<1x8x128xf32, #tpu.memory_space<hbm>> -> memref<8x128xf32, #tpu.memory_space<hbm>>
        tpu.wait_dma2 semaphore(%arg6 : memref<!tpu.dma_semaphore, #tpu.memory_space<semaphore_mem>>) src(%dma_wait3A_66 : memref<8x128xf32, #tpu.memory_space<hbm>>) dst(%dma_wait3A_63 : memref<8x128xf32, #tpu.memory_space<vmem>>)
        %rem3A_67 = arith.constant 12 : i32
        %rem3A_68 = arith.remsi %scan3A_18, %rem3A_67 : i32
        %dma_start3A = arith.constant 0 : i32
        %dma_start3A_69 = arith.constant 0 : i32
        %dma_start3A_70 = tpu.memref_slice %arg5[%rem3A_68, %dma_start3A, %dma_start3A_69] : memref<12x8x128xf32, #tpu.memory_space<vmem>> -> memref<1x8x128xf32, #tpu.memory_space<vmem>>
        %dma_start3A_71 = tpu.memref_squeeze %dma_start3A_70 : memref<1x8x128xf32, #tpu.memory_space<vmem>> -> memref<8x128xf32, #tpu.memory_space<vmem>>
        %dma_start3A_72 = arith.constant 0 : i32
        %dma_start3A_73 = arith.constant 0 : i32
        %dma_start3A_74 = tpu.memref_slice %arg4[%add3A_21, %dma_start3A_72, %dma_start3A_73] : memref<40664x8x128xf32, #tpu.memory_space<hbm>> -> memref<1x8x128xf32, #tpu.memory_space<hbm>>
        %dma_start3A_75 = tpu.memref_squeeze %dma_start3A_74 : memref<1x8x128xf32, #tpu.memory_space<hbm>> -> memref<8x128xf32, #tpu.memory_space<hbm>>
        %dma_start3A_76 = arith.constant 0 : i32
        %dma_start3A_77 = arith.constant 0 : i32
        %dma_start3A_78 = tpu.memref_slice %arg4[%add3A_21, %dma_start3A_76, %dma_start3A_77] : memref<40664x8x128xf32, #tpu.memory_space<hbm>> -> memref<1x8x128xf32, #tpu.memory_space<hbm>>
        %dma_start3A_79 = tpu.memref_squeeze %dma_start3A_78 : memref<1x8x128xf32, #tpu.memory_space<hbm>> -> memref<8x128xf32, #tpu.memory_space<hbm>>
        %dma_start3A_80 = arith.constant 0 : i32
        %dma_start3A_81 = arith.constant 0 : i32
        %dma_start3A_82 = tpu.memref_slice %arg5[%rem3A_68, %dma_start3A_80, %dma_start3A_81] : memref<12x8x128xf32, #tpu.memory_space<vmem>> -> memref<1x8x128xf32, #tpu.memory_space<vmem>>
        %dma_start3A_83 = tpu.memref_squeeze %dma_start3A_82 : memref<1x8x128xf32, #tpu.memory_space<vmem>> -> memref<8x128xf32, #tpu.memory_space<vmem>>
        tpu.enqueue_dma source(%dma_start3A_83 : memref<8x128xf32, #tpu.memory_space<vmem>>) target(%dma_start3A_79 : memref<8x128xf32, #tpu.memory_space<hbm>>) target_semaphore(%arg7 : memref<!tpu.dma_semaphore, #tpu.memory_space<semaphore_mem>>)
      } else {
      }
    }
    %scan3A_11 = arith.constant 6 : i32
    %scan3A_12 = arith.constant 0 : i32
    %scan3A_13 = arith.constant 1259 : i32
    %scan3A_14 = arith.constant 12 : i32
    %scan3A_15 = arith.addi %scan3A_13, %scan3A_14 : i32
    %scan3A_16 = arith.constant 1 : i32
    scf.for %scan3A_18 = %scan3A_13 to %scan3A_15 step %scan3A_16  : i32 {
      %mul3A_19 = arith.constant 1271 : i32
      %mul3A_20 = arith.muli %add3A, %mul3A_19 : i32
      %add3A_21 = arith.addi %mul3A_20, %scan3A_18 : i32
      %lt3A = arith.constant 40664 : i32
      %lt3A_22 = arith.cmpi slt, %add3A_21, %lt3A : i32
      %convert_element_type3A = arith.extui %lt3A_22 : i1 to i32
      %cond3A = arith.constant 0 : i32
      %cond3A_23 = arith.cmpi ne, %convert_element_type3A, %cond3A : i32
      scf.if %cond3A_23 {
        %rem3A = arith.constant 12 : i32
        %rem3A_24 = arith.remsi %scan3A_18, %rem3A : i32
        %mul3A_25 = arith.constant 1271 : i32
        %mul3A_26 = arith.muli %add3A, %mul3A_25 : i32
        %add3A_27 = arith.addi %mul3A_26, %scan3A_18 : i32
        %dma_wait3A = arith.constant 0 : i32
        %dma_wait3A_28 = arith.constant 0 : i32
        %dma_wait3A_29 = tpu.memref_slice %arg5[%rem3A_24, %dma_wait3A, %dma_wait3A_28] : memref<12x8x128xf32, #tpu.memory_space<vmem>> -> memref<1x8x128xf32, #tpu.memory_space<vmem>>
        %dma_wait3A_30 = tpu.memref_squeeze %dma_wait3A_29 : memref<1x8x128xf32, #tpu.memory_space<vmem>> -> memref<8x128xf32, #tpu.memory_space<vmem>>
        %dma_wait3A_31 = arith.constant 0 : i32
        %dma_wait3A_32 = arith.constant 0 : i32
        %dma_wait3A_33 = tpu.memref_slice %arg4[%add3A_27, %dma_wait3A_31, %dma_wait3A_32] : memref<40664x8x128xf32, #tpu.memory_space<hbm>> -> memref<1x8x128xf32, #tpu.memory_space<hbm>>
        %dma_wait3A_34 = tpu.memref_squeeze %dma_wait3A_33 : memref<1x8x128xf32, #tpu.memory_space<hbm>> -> memref<8x128xf32, #tpu.memory_space<hbm>>
        %dma_wait3A_35 = arith.constant 0 : i32
        %dma_wait3A_36 = arith.constant 0 : i32
        %dma_wait3A_37 = tpu.memref_slice %arg4[%add3A_27, %dma_wait3A_35, %dma_wait3A_36] : memref<40664x8x128xf32, #tpu.memory_space<hbm>> -> memref<1x8x128xf32, #tpu.memory_space<hbm>>
        %dma_wait3A_38 = tpu.memref_squeeze %dma_wait3A_37 : memref<1x8x128xf32, #tpu.memory_space<hbm>> -> memref<8x128xf32, #tpu.memory_space<hbm>>
        %dma_wait3A_39 = arith.constant 0 : i32
        %dma_wait3A_40 = arith.constant 0 : i32
        %dma_wait3A_41 = tpu.memref_slice %arg5[%rem3A_24, %dma_wait3A_39, %dma_wait3A_40] : memref<12x8x128xf32, #tpu.memory_space<vmem>> -> memref<1x8x128xf32, #tpu.memory_space<vmem>>
        %dma_wait3A_42 = tpu.memref_squeeze %dma_wait3A_41 : memref<1x8x128xf32, #tpu.memory_space<vmem>> -> memref<8x128xf32, #tpu.memory_space<vmem>>
        tpu.wait_dma2 semaphore(%arg7 : memref<!tpu.dma_semaphore, #tpu.memory_space<semaphore_mem>>) src(%dma_wait3A_42 : memref<8x128xf32, #tpu.memory_space<vmem>>) dst(%dma_wait3A_38 : memref<8x128xf32, #tpu.memory_space<hbm>>)
      } else {
      }
    }
    %scan3A_17 = arith.constant 12 : i32
    return
  }
}

module attributes {stable_mosaic.version = 14 : i64} {
  func.func @_mlp_body(%arg0: i32, %arg1: memref<416x8x128xf32, #tpu.memory_space<vmem>>, %arg2: memref<1024xf32, #tpu.memory_space<vmem>>, %arg3: memref<13x1024xf32, #tpu.memory_space<vmem>>, %arg4: memref<128x416xf32, #tpu.memory_space<vmem>>, %arg5: memref<128x13xf32, #tpu.memory_space<vmem>>, %arg6: memref<128x1xf32, #tpu.memory_space<vmem>>, %arg7: memref<64x128xf32, #tpu.memory_space<vmem>>, %arg8: memref<64x1xf32, #tpu.memory_space<vmem>>, %arg9: memref<64x1xf32, #tpu.memory_space<vmem>>, %arg10: memref<13x1xf32, #tpu.memory_space<vmem>>, %arg11: memref<1xf32, #tpu.memory_space<smem>>, %arg12: memref<1024xf32, #tpu.memory_space<vmem>>) attributes {dimension_semantics = [#tpu.dimension_semantics<parallel>], iteration_bounds = array<i64: 16>, scalar_prefetch = 0 : i64, scratch_operands = 0 : i64, tpu.core_type = #tpu.core_type<tc>, window_params = [{transform_indices = @transform_0, window_bounds = array<i64: 416, 8, 128>}, {transform_indices = @transform_1, window_bounds = array<i64: 1024>}, {transform_indices = @transform_2, window_bounds = array<i64: 13, 1024>}, {pipeline_mode = #tpu.pipeline_mode<synchronous>, transform_indices = @transform_3, window_bounds = array<i64: 128, 416>}, {pipeline_mode = #tpu.pipeline_mode<synchronous>, transform_indices = @transform_4, window_bounds = array<i64: 128, 13>}, {pipeline_mode = #tpu.pipeline_mode<synchronous>, transform_indices = @transform_5, window_bounds = array<i64: 128, 1>}, {pipeline_mode = #tpu.pipeline_mode<synchronous>, transform_indices = @transform_6, window_bounds = array<i64: 64, 128>}, {pipeline_mode = #tpu.pipeline_mode<synchronous>, transform_indices = @transform_7, window_bounds = array<i64: 64, 1>}, {pipeline_mode = #tpu.pipeline_mode<synchronous>, transform_indices = @transform_8, window_bounds = array<i64: 64, 1>}, {pipeline_mode = #tpu.pipeline_mode<synchronous>, transform_indices = @transform_9, window_bounds = array<i64: 13, 1>}, {transform_indices = @transform_10, window_bounds = array<i64: 1>}, {transform_indices = @transform_11, window_bounds = array<i64: 1024>}]} {
    %iota3A = tpu.iota {dimensions = array<i32: 0>} : vector<16x416xi32>
    %iota3A_0 = tpu.iota {dimensions = array<i32: 1>} : vector<16x416xi32>
    %jit3A = arith.constant 16 : i32
    %eq3A = arith.constant 0 : i32
    %eq3A_1 = arith.cmpi eq, %jit3A, %eq3A : i32
    %jit3A_2 = arith.constant 1 : i32
    %select_n3A = arith.select %eq3A_1, %jit3A_2, %jit3A : i32
    %rem3A = vector.broadcast %select_n3A : i32 to vector<16x416xi32>
    %rem3A_3 = arith.remsi %iota3A_0, %rem3A : vector<16x416xi32>
    %ne3A = arith.constant 0 : i32
    %ne3A_4 = vector.broadcast %ne3A : i32 to vector<16x416xi32>
    %ne3A_5 = arith.cmpi ne, %rem3A_3, %ne3A_4 : vector<16x416xi32>
    %lt3A = arith.constant 0 : i32
    %lt3A_6 = vector.broadcast %lt3A : i32 to vector<16x416xi32>
    %lt3A_7 = arith.cmpi slt, %rem3A_3, %lt3A_6 : vector<16x416xi32>
    %lt3A_8 = arith.constant 0 : i32
    %lt3A_9 = arith.cmpi slt, %select_n3A, %lt3A_8 : i32
    %ne3A_10 = vector.broadcast %lt3A_9 : i1 to vector<16x416xi1>
    %ne3A_11 = vector.broadcast %ne3A_10 : vector<16x416xi1> to vector<16x416xi1>
    %ne3A_12 = arith.xori %lt3A_7, %ne3A_11 : vector<16x416xi1>
    %and3A = arith.andi %ne3A_12, %ne3A_5 : vector<16x416xi1>
    %add3A = vector.broadcast %select_n3A : i32 to vector<16x416xi32>
    %add3A_13 = arith.addi %rem3A_3, %add3A : vector<16x416xi32>
    %select_n3A_14 = arith.select %and3A, %add3A_13, %rem3A_3 : vector<16x416xi1>, vector<16x416xi32>
    %eq3A_15 = arith.cmpi eq, %iota3A, %select_n3A_14 : vector<16x416xi32>
    %convert_element_type3A = arith.extui %eq3A_15 : vector<16x416xi1> to vector<16x416xi32>
    %convert_element_type3A_16 = arith.sitofp %convert_element_type3A : vector<16x416xi32> to vector<16x416xf32>
    %get3A = arith.constant 0 : index
    %get3A_17 = arith.constant 0 : index
    %get3A_18 = arith.constant 0 : index
    %get3A_19 = vector.load %arg1[%get3A, %get3A_17, %get3A_18] : memref<416x8x128xf32, #tpu.memory_space<vmem>>, vector<416x1x128xf32>
    %get3A_20 = vector.shape_cast %get3A_19 : vector<416x1x128xf32> to vector<416x128xf32>
    %get3A_21 = arith.constant 0 : index
    %get3A_22 = arith.constant 0 : index
    %get3A_23 = vector.load %arg3[%get3A_21, %get3A_22] : memref<13x1024xf32, #tpu.memory_space<vmem>>, vector<13x128xf32>
    %get3A_24 = arith.constant 0 : index
    %get3A_25 = arith.constant 0 : index
    %get3A_26 = vector.load %arg4[%get3A_24, %get3A_25] : memref<128x416xf32, #tpu.memory_space<vmem>>, vector<128x416xf32>
    %dot_general3A = arith.constant dense<0.000000e+00> : vector<128x128xf32>
    %dot_general3A_27 = tpu.matmul %get3A_26, %get3A_20, %dot_general3A {dimension_numbers = #tpu.dot_dimension_numbers<[1], [0], [0], [1], [0, 0, 1, 1], [], []>, transpose_lhs_hint = false} : vector<128x416xf32>, vector<416x128xf32>, vector<128x128xf32> -> vector<128x128xf32>
    %get3A_28 = arith.constant 0 : index
    %get3A_29 = arith.constant 0 : index
    %get3A_30 = vector.load %arg5[%get3A_28, %get3A_29] : memref<128x13xf32, #tpu.memory_space<vmem>>, vector<128x13xf32>
    %dot_general3A_31 = arith.constant dense<0.000000e+00> : vector<128x128xf32>
    %dot_general3A_32 = tpu.matmul %get3A_30, %get3A_23, %dot_general3A_31 {dimension_numbers = #tpu.dot_dimension_numbers<[1], [0], [0], [1], [0, 0, 1, 1], [], []>, transpose_lhs_hint = false} : vector<128x13xf32>, vector<13x128xf32>, vector<128x128xf32> -> vector<128x128xf32>
    %add3A_33 = arith.addf %dot_general3A_27, %dot_general3A_32 : vector<128x128xf32>
    %get3A_34 = arith.constant 0 : index
    %get3A_35 = arith.constant 0 : index
    %get3A_36 = vector.load %arg6[%get3A_34, %get3A_35] : memref<128x1xf32, #tpu.memory_space<vmem>>, vector<128x1xf32>
    %add3A_37 = vector.broadcast %get3A_36 : vector<128x1xf32> to vector<128x128xf32>
    %add3A_38 = arith.addf %add3A_33, %add3A_37 : vector<128x128xf32>
    %max3A = arith.constant 0.000000e+00 : f32
    %max3A_39 = vector.broadcast %max3A : f32 to vector<128x128xf32>
    %max3A_40 = arith.maximumf %add3A_38, %max3A_39 : vector<128x128xf32>
    %get3A_41 = arith.constant 0 : index
    %get3A_42 = arith.constant 0 : index
    %get3A_43 = vector.load %arg7[%get3A_41, %get3A_42] : memref<64x128xf32, #tpu.memory_space<vmem>>, vector<64x128xf32>
    %dot_general3A_44 = arith.constant dense<0.000000e+00> : vector<64x128xf32>
    %dot_general3A_45 = tpu.matmul %get3A_43, %max3A_40, %dot_general3A_44 {dimension_numbers = #tpu.dot_dimension_numbers<[1], [0], [0], [1], [0, 0, 1, 1], [], []>, transpose_lhs_hint = false} : vector<64x128xf32>, vector<128x128xf32>, vector<64x128xf32> -> vector<64x128xf32>
    %get3A_46 = arith.constant 0 : index
    %get3A_47 = arith.constant 0 : index
    %get3A_48 = vector.load %arg8[%get3A_46, %get3A_47] : memref<64x1xf32, #tpu.memory_space<vmem>>, vector<64x1xf32>
    %add3A_49 = vector.broadcast %get3A_48 : vector<64x1xf32> to vector<64x128xf32>
    %add3A_50 = arith.addf %dot_general3A_45, %add3A_49 : vector<64x128xf32>
    %max3A_51 = arith.constant 0.000000e+00 : f32
    %max3A_52 = vector.broadcast %max3A_51 : f32 to vector<64x128xf32>
    %max3A_53 = arith.maximumf %add3A_50, %max3A_52 : vector<64x128xf32>
    %get3A_54 = arith.constant 0 : index
    %get3A_55 = arith.constant 0 : index
    %get3A_56 = vector.load %arg9[%get3A_54, %get3A_55] : memref<64x1xf32, #tpu.memory_space<vmem>>, vector<64x1xf32>
    %mul3A = vector.broadcast %get3A_56 : vector<64x1xf32> to vector<64x128xf32>
    %mul3A_57 = arith.mulf %max3A_53, %mul3A : vector<64x128xf32>
    %reduce_sum3A = arith.constant dense<0.000000e+00> : vector<128xf32>
    %reduce_sum3A_58 = vector.multi_reduction <add>, %mul3A_57, %reduce_sum3A [0] : vector<64x128xf32> to vector<128xf32>
    %dot_general3A_59 = arith.constant dense<0.000000e+00> : vector<16x128xf32>
    %dot_general3A_60 = tpu.matmul %convert_element_type3A_16, %get3A_20, %dot_general3A_59 {dimension_numbers = #tpu.dot_dimension_numbers<[1], [0], [0], [1], [0, 0, 1, 1], [], []>, transpose_lhs_hint = false} : vector<16x416xf32>, vector<416x128xf32>, vector<16x128xf32> -> vector<16x128xf32>
    %mul3A_61 = arith.mulf %dot_general3A_60, %dot_general3A_60 : vector<16x128xf32>
    %reduce_sum3A_62 = arith.constant dense<0.000000e+00> : vector<128xf32>
    %reduce_sum3A_63 = vector.multi_reduction <add>, %mul3A_61, %reduce_sum3A_62 [0] : vector<16x128xf32> to vector<128xf32>
    %mul3A_64 = arith.mulf %get3A_20, %get3A_20 : vector<416x128xf32>
    %reduce_sum3A_65 = arith.constant dense<0.000000e+00> : vector<128xf32>
    %reduce_sum3A_66 = vector.multi_reduction <add>, %mul3A_64, %reduce_sum3A_65 [0] : vector<416x128xf32> to vector<128xf32>
    %sub3A = arith.subf %reduce_sum3A_63, %reduce_sum3A_66 : vector<128xf32>
    %mul3A_67 = arith.constant 5.000000e-01 : f32
    %mul3A_68 = vector.broadcast %mul3A_67 : f32 to vector<128xf32>
    %mul3A_69 = arith.mulf %mul3A_68, %sub3A : vector<128xf32>
    %get3A_70 = arith.constant 0 : index
    %get3A_71 = arith.constant 0 : index
    %get3A_72 = vector.load %arg10[%get3A_70, %get3A_71] : memref<13x1xf32, #tpu.memory_space<vmem>>, vector<13x1xf32>
    %mul3A_73 = vector.broadcast %get3A_72 : vector<13x1xf32> to vector<13x128xf32>
    %mul3A_74 = arith.mulf %get3A_23, %mul3A_73 : vector<13x128xf32>
    %reduce_sum3A_75 = arith.constant dense<0.000000e+00> : vector<128xf32>
    %reduce_sum3A_76 = vector.multi_reduction <add>, %mul3A_74, %reduce_sum3A_75 [0] : vector<13x128xf32> to vector<128xf32>
    %get3A_77 = arith.constant 0 : index
    %get3A_78 = vector.load %arg2[%get3A_77] : memref<1024xf32, #tpu.memory_space<vmem>>, vector<128xf32>
    %add3A_79 = arith.addf %get3A_78, %reduce_sum3A_76 : vector<128xf32>
    %add3A_80 = arith.addf %add3A_79, %mul3A_69 : vector<128xf32>
    %add3A_81 = arith.addf %add3A_80, %reduce_sum3A_58 : vector<128xf32>
    %get3A_82 = arith.constant 0 : index
    %get3A_83 = memref.load %arg11[%get3A_82] : memref<1xf32, #tpu.memory_space<smem>>
    %add3A_84 = vector.broadcast %get3A_83 : f32 to vector<128xf32>
    %add3A_85 = arith.addf %add3A_81, %add3A_84 : vector<128xf32>
    %swap3A = arith.constant 0 : index
    %swap3A_86 = vector.load %arg12[%swap3A] : memref<1024xf32, #tpu.memory_space<vmem>>, vector<128xf32>
    tpu.vector_store %arg12[%swap3A], %add3A_85 {strides = array<i32>} : memref<1024xf32, #tpu.memory_space<vmem>>, vector<128xf32>,
    %get3A_87 = arith.constant 0 : index
    %get3A_88 = arith.constant 1 : index
    %get3A_89 = arith.constant 0 : index
    %get3A_90 = vector.load %arg1[%get3A_87, %get3A_88, %get3A_89] : memref<416x8x128xf32, #tpu.memory_space<vmem>>, vector<416x1x128xf32>
    %get3A_91 = vector.shape_cast %get3A_90 : vector<416x1x128xf32> to vector<416x128xf32>
    %get3A_92 = arith.constant 0 : index
    %get3A_93 = arith.constant 128 : index
    %get3A_94 = vector.load %arg3[%get3A_92, %get3A_93] : memref<13x1024xf32, #tpu.memory_space<vmem>>, vector<13x128xf32>
    %get3A_95 = arith.constant 0 : index
    %get3A_96 = arith.constant 0 : index
    %get3A_97 = vector.load %arg4[%get3A_95, %get3A_96] : memref<128x416xf32, #tpu.memory_space<vmem>>, vector<128x416xf32>
    %dot_general3A_98 = arith.constant dense<0.000000e+00> : vector<128x128xf32>
    %dot_general3A_99 = tpu.matmul %get3A_97, %get3A_91, %dot_general3A_98 {dimension_numbers = #tpu.dot_dimension_numbers<[1], [0], [0], [1], [0, 0, 1, 1], [], []>, transpose_lhs_hint = false} : vector<128x416xf32>, vector<416x128xf32>, vector<128x128xf32> -> vector<128x128xf32>
    %get3A_100 = arith.constant 0 : index
    %get3A_101 = arith.constant 0 : index
    %get3A_102 = vector.load %arg5[%get3A_100, %get3A_101] : memref<128x13xf32, #tpu.memory_space<vmem>>, vector<128x13xf32>
    %dot_general3A_103 = arith.constant dense<0.000000e+00> : vector<128x128xf32>
    %dot_general3A_104 = tpu.matmul %get3A_102, %get3A_94, %dot_general3A_103 {dimension_numbers = #tpu.dot_dimension_numbers<[1], [0], [0], [1], [0, 0, 1, 1], [], []>, transpose_lhs_hint = false} : vector<128x13xf32>, vector<13x128xf32>, vector<128x128xf32> -> vector<128x128xf32>
    %add3A_105 = arith.addf %dot_general3A_99, %dot_general3A_104 : vector<128x128xf32>
    %get3A_106 = arith.constant 0 : index
    %get3A_107 = arith.constant 0 : index
    %get3A_108 = vector.load %arg6[%get3A_106, %get3A_107] : memref<128x1xf32, #tpu.memory_space<vmem>>, vector<128x1xf32>
    %add3A_109 = vector.broadcast %get3A_108 : vector<128x1xf32> to vector<128x128xf32>
    %add3A_110 = arith.addf %add3A_105, %add3A_109 : vector<128x128xf32>
    %max3A_111 = arith.constant 0.000000e+00 : f32
    %max3A_112 = vector.broadcast %max3A_111 : f32 to vector<128x128xf32>
    %max3A_113 = arith.maximumf %add3A_110, %max3A_112 : vector<128x128xf32>
    %get3A_114 = arith.constant 0 : index
    %get3A_115 = arith.constant 0 : index
    %get3A_116 = vector.load %arg7[%get3A_114, %get3A_115] : memref<64x128xf32, #tpu.memory_space<vmem>>, vector<64x128xf32>
    %dot_general3A_117 = arith.constant dense<0.000000e+00> : vector<64x128xf32>
    %dot_general3A_118 = tpu.matmul %get3A_116, %max3A_113, %dot_general3A_117 {dimension_numbers = #tpu.dot_dimension_numbers<[1], [0], [0], [1], [0, 0, 1, 1], [], []>, transpose_lhs_hint = false} : vector<64x128xf32>, vector<128x128xf32>, vector<64x128xf32> -> vector<64x128xf32>
    %get3A_119 = arith.constant 0 : index
    %get3A_120 = arith.constant 0 : index
    %get3A_121 = vector.load %arg8[%get3A_119, %get3A_120] : memref<64x1xf32, #tpu.memory_space<vmem>>, vector<64x1xf32>
    %add3A_122 = vector.broadcast %get3A_121 : vector<64x1xf32> to vector<64x128xf32>
    %add3A_123 = arith.addf %dot_general3A_118, %add3A_122 : vector<64x128xf32>
    %max3A_124 = arith.constant 0.000000e+00 : f32
    %max3A_125 = vector.broadcast %max3A_124 : f32 to vector<64x128xf32>
    %max3A_126 = arith.maximumf %add3A_123, %max3A_125 : vector<64x128xf32>
    %get3A_127 = arith.constant 0 : index
    %get3A_128 = arith.constant 0 : index
    %get3A_129 = vector.load %arg9[%get3A_127, %get3A_128] : memref<64x1xf32, #tpu.memory_space<vmem>>, vector<64x1xf32>
    %mul3A_130 = vector.broadcast %get3A_129 : vector<64x1xf32> to vector<64x128xf32>
    %mul3A_131 = arith.mulf %max3A_126, %mul3A_130 : vector<64x128xf32>
    %reduce_sum3A_132 = arith.constant dense<0.000000e+00> : vector<128xf32>
    %reduce_sum3A_133 = vector.multi_reduction <add>, %mul3A_131, %reduce_sum3A_132 [0] : vector<64x128xf32> to vector<128xf32>
    %dot_general3A_134 = arith.constant dense<0.000000e+00> : vector<16x128xf32>
    %dot_general3A_135 = tpu.matmul %convert_element_type3A_16, %get3A_91, %dot_general3A_134 {dimension_numbers = #tpu.dot_dimension_numbers<[1], [0], [0], [1], [0, 0, 1, 1], [], []>, transpose_lhs_hint = false} : vector<16x416xf32>, vector<416x128xf32>, vector<16x128xf32> -> vector<16x128xf32>
    %mul3A_136 = arith.mulf %dot_general3A_135, %dot_general3A_135 : vector<16x128xf32>
    %reduce_sum3A_137 = arith.constant dense<0.000000e+00> : vector<128xf32>
    %reduce_sum3A_138 = vector.multi_reduction <add>, %mul3A_136, %reduce_sum3A_137 [0] : vector<16x128xf32> to vector<128xf32>
    %mul3A_139 = arith.mulf %get3A_91, %get3A_91 : vector<416x128xf32>
    %reduce_sum3A_140 = arith.constant dense<0.000000e+00> : vector<128xf32>
    %reduce_sum3A_141 = vector.multi_reduction <add>, %mul3A_139, %reduce_sum3A_140 [0] : vector<416x128xf32> to vector<128xf32>
    %sub3A_142 = arith.subf %reduce_sum3A_138, %reduce_sum3A_141 : vector<128xf32>
    %mul3A_143 = arith.constant 5.000000e-01 : f32
    %mul3A_144 = vector.broadcast %mul3A_143 : f32 to vector<128xf32>
    %mul3A_145 = arith.mulf %mul3A_144, %sub3A_142 : vector<128xf32>
    %get3A_146 = arith.constant 0 : index
    %get3A_147 = arith.constant 0 : index
    %get3A_148 = vector.load %arg10[%get3A_146, %get3A_147] : memref<13x1xf32, #tpu.memory_space<vmem>>, vector<13x1xf32>
    %mul3A_149 = vector.broadcast %get3A_148 : vector<13x1xf32> to vector<13x128xf32>
    %mul3A_150 = arith.mulf %get3A_94, %mul3A_149 : vector<13x128xf32>
    %reduce_sum3A_151 = arith.constant dense<0.000000e+00> : vector<128xf32>
    %reduce_sum3A_152 = vector.multi_reduction <add>, %mul3A_150, %reduce_sum3A_151 [0] : vector<13x128xf32> to vector<128xf32>
    %get3A_153 = arith.constant 128 : index
    %get3A_154 = vector.load %arg2[%get3A_153] : memref<1024xf32, #tpu.memory_space<vmem>>, vector<128xf32>
    %add3A_155 = arith.addf %get3A_154, %reduce_sum3A_152 : vector<128xf32>
    %add3A_156 = arith.addf %add3A_155, %mul3A_145 : vector<128xf32>
    %add3A_157 = arith.addf %add3A_156, %reduce_sum3A_133 : vector<128xf32>
    %get3A_158 = arith.constant 0 : index
    %get3A_159 = memref.load %arg11[%get3A_158] : memref<1xf32, #tpu.memory_space<smem>>
    %add3A_160 = vector.broadcast %get3A_159 : f32 to vector<128xf32>
    %add3A_161 = arith.addf %add3A_157, %add3A_160 : vector<128xf32>
    %swap3A_162 = arith.constant 128 : index
    %swap3A_163 = vector.load %arg12[%swap3A_162] : memref<1024xf32, #tpu.memory_space<vmem>>, vector<128xf32>
    tpu.vector_store %arg12[%swap3A_162], %add3A_161 {strides = array<i32>} : memref<1024xf32, #tpu.memory_space<vmem>>, vector<128xf32>,
    %get3A_164 = arith.constant 0 : index
    %get3A_165 = arith.constant 2 : index
    %get3A_166 = arith.constant 0 : index
    %get3A_167 = vector.load %arg1[%get3A_164, %get3A_165, %get3A_166] : memref<416x8x128xf32, #tpu.memory_space<vmem>>, vector<416x1x128xf32>
    %get3A_168 = vector.shape_cast %get3A_167 : vector<416x1x128xf32> to vector<416x128xf32>
    %get3A_169 = arith.constant 0 : index
    %get3A_170 = arith.constant 256 : index
    %get3A_171 = vector.load %arg3[%get3A_169, %get3A_170] : memref<13x1024xf32, #tpu.memory_space<vmem>>, vector<13x128xf32>
    %get3A_172 = arith.constant 0 : index
    %get3A_173 = arith.constant 0 : index
    %get3A_174 = vector.load %arg4[%get3A_172, %get3A_173] : memref<128x416xf32, #tpu.memory_space<vmem>>, vector<128x416xf32>
    %dot_general3A_175 = arith.constant dense<0.000000e+00> : vector<128x128xf32>
    %dot_general3A_176 = tpu.matmul %get3A_174, %get3A_168, %dot_general3A_175 {dimension_numbers = #tpu.dot_dimension_numbers<[1], [0], [0], [1], [0, 0, 1, 1], [], []>, transpose_lhs_hint = false} : vector<128x416xf32>, vector<416x128xf32>, vector<128x128xf32> -> vector<128x128xf32>
    %get3A_177 = arith.constant 0 : index
    %get3A_178 = arith.constant 0 : index
    %get3A_179 = vector.load %arg5[%get3A_177, %get3A_178] : memref<128x13xf32, #tpu.memory_space<vmem>>, vector<128x13xf32>
    %dot_general3A_180 = arith.constant dense<0.000000e+00> : vector<128x128xf32>
    %dot_general3A_181 = tpu.matmul %get3A_179, %get3A_171, %dot_general3A_180 {dimension_numbers = #tpu.dot_dimension_numbers<[1], [0], [0], [1], [0, 0, 1, 1], [], []>, transpose_lhs_hint = false} : vector<128x13xf32>, vector<13x128xf32>, vector<128x128xf32> -> vector<128x128xf32>
    %add3A_182 = arith.addf %dot_general3A_176, %dot_general3A_181 : vector<128x128xf32>
    %get3A_183 = arith.constant 0 : index
    %get3A_184 = arith.constant 0 : index
    %get3A_185 = vector.load %arg6[%get3A_183, %get3A_184] : memref<128x1xf32, #tpu.memory_space<vmem>>, vector<128x1xf32>
    %add3A_186 = vector.broadcast %get3A_185 : vector<128x1xf32> to vector<128x128xf32>
    %add3A_187 = arith.addf %add3A_182, %add3A_186 : vector<128x128xf32>
    %max3A_188 = arith.constant 0.000000e+00 : f32
    %max3A_189 = vector.broadcast %max3A_188 : f32 to vector<128x128xf32>
    %max3A_190 = arith.maximumf %add3A_187, %max3A_189 : vector<128x128xf32>
    %get3A_191 = arith.constant 0 : index
    %get3A_192 = arith.constant 0 : index
    %get3A_193 = vector.load %arg7[%get3A_191, %get3A_192] : memref<64x128xf32, #tpu.memory_space<vmem>>, vector<64x128xf32>
    %dot_general3A_194 = arith.constant dense<0.000000e+00> : vector<64x128xf32>
    %dot_general3A_195 = tpu.matmul %get3A_193, %max3A_190, %dot_general3A_194 {dimension_numbers = #tpu.dot_dimension_numbers<[1], [0], [0], [1], [0, 0, 1, 1], [], []>, transpose_lhs_hint = false} : vector<64x128xf32>, vector<128x128xf32>, vector<64x128xf32> -> vector<64x128xf32>
    %get3A_196 = arith.constant 0 : index
    %get3A_197 = arith.constant 0 : index
    %get3A_198 = vector.load %arg8[%get3A_196, %get3A_197] : memref<64x1xf32, #tpu.memory_space<vmem>>, vector<64x1xf32>
    %add3A_199 = vector.broadcast %get3A_198 : vector<64x1xf32> to vector<64x128xf32>
    %add3A_200 = arith.addf %dot_general3A_195, %add3A_199 : vector<64x128xf32>
    %max3A_201 = arith.constant 0.000000e+00 : f32
    %max3A_202 = vector.broadcast %max3A_201 : f32 to vector<64x128xf32>
    %max3A_203 = arith.maximumf %add3A_200, %max3A_202 : vector<64x128xf32>
    %get3A_204 = arith.constant 0 : index
    %get3A_205 = arith.constant 0 : index
    %get3A_206 = vector.load %arg9[%get3A_204, %get3A_205] : memref<64x1xf32, #tpu.memory_space<vmem>>, vector<64x1xf32>
    %mul3A_207 = vector.broadcast %get3A_206 : vector<64x1xf32> to vector<64x128xf32>
    %mul3A_208 = arith.mulf %max3A_203, %mul3A_207 : vector<64x128xf32>
    %reduce_sum3A_209 = arith.constant dense<0.000000e+00> : vector<128xf32>
    %reduce_sum3A_210 = vector.multi_reduction <add>, %mul3A_208, %reduce_sum3A_209 [0] : vector<64x128xf32> to vector<128xf32>
    %dot_general3A_211 = arith.constant dense<0.000000e+00> : vector<16x128xf32>
    %dot_general3A_212 = tpu.matmul %convert_element_type3A_16, %get3A_168, %dot_general3A_211 {dimension_numbers = #tpu.dot_dimension_numbers<[1], [0], [0], [1], [0, 0, 1, 1], [], []>, transpose_lhs_hint = false} : vector<16x416xf32>, vector<416x128xf32>, vector<16x128xf32> -> vector<16x128xf32>
    %mul3A_213 = arith.mulf %dot_general3A_212, %dot_general3A_212 : vector<16x128xf32>
    %reduce_sum3A_214 = arith.constant dense<0.000000e+00> : vector<128xf32>
    %reduce_sum3A_215 = vector.multi_reduction <add>, %mul3A_213, %reduce_sum3A_214 [0] : vector<16x128xf32> to vector<128xf32>
    %mul3A_216 = arith.mulf %get3A_168, %get3A_168 : vector<416x128xf32>
    %reduce_sum3A_217 = arith.constant dense<0.000000e+00> : vector<128xf32>
    %reduce_sum3A_218 = vector.multi_reduction <add>, %mul3A_216, %reduce_sum3A_217 [0] : vector<416x128xf32> to vector<128xf32>
    %sub3A_219 = arith.subf %reduce_sum3A_215, %reduce_sum3A_218 : vector<128xf32>
    %mul3A_220 = arith.constant 5.000000e-01 : f32
    %mul3A_221 = vector.broadcast %mul3A_220 : f32 to vector<128xf32>
    %mul3A_222 = arith.mulf %mul3A_221, %sub3A_219 : vector<128xf32>
    %get3A_223 = arith.constant 0 : index
    %get3A_224 = arith.constant 0 : index
    %get3A_225 = vector.load %arg10[%get3A_223, %get3A_224] : memref<13x1xf32, #tpu.memory_space<vmem>>, vector<13x1xf32>
    %mul3A_226 = vector.broadcast %get3A_225 : vector<13x1xf32> to vector<13x128xf32>
    %mul3A_227 = arith.mulf %get3A_171, %mul3A_226 : vector<13x128xf32>
    %reduce_sum3A_228 = arith.constant dense<0.000000e+00> : vector<128xf32>
    %reduce_sum3A_229 = vector.multi_reduction <add>, %mul3A_227, %reduce_sum3A_228 [0] : vector<13x128xf32> to vector<128xf32>
    %get3A_230 = arith.constant 256 : index
    %get3A_231 = vector.load %arg2[%get3A_230] : memref<1024xf32, #tpu.memory_space<vmem>>, vector<128xf32>
    %add3A_232 = arith.addf %get3A_231, %reduce_sum3A_229 : vector<128xf32>
    %add3A_233 = arith.addf %add3A_232, %mul3A_222 : vector<128xf32>
    %add3A_234 = arith.addf %add3A_233, %reduce_sum3A_210 : vector<128xf32>
    %get3A_235 = arith.constant 0 : index
    %get3A_236 = memref.load %arg11[%get3A_235] : memref<1xf32, #tpu.memory_space<smem>>
    %add3A_237 = vector.broadcast %get3A_236 : f32 to vector<128xf32>
    %add3A_238 = arith.addf %add3A_234, %add3A_237 : vector<128xf32>
    %swap3A_239 = arith.constant 256 : index
    %swap3A_240 = vector.load %arg12[%swap3A_239] : memref<1024xf32, #tpu.memory_space<vmem>>, vector<128xf32>
    tpu.vector_store %arg12[%swap3A_239], %add3A_238 {strides = array<i32>} : memref<1024xf32, #tpu.memory_space<vmem>>, vector<128xf32>,
    %get3A_241 = arith.constant 0 : index
    %get3A_242 = arith.constant 3 : index
    %get3A_243 = arith.constant 0 : index
    %get3A_244 = vector.load %arg1[%get3A_241, %get3A_242, %get3A_243] : memref<416x8x128xf32, #tpu.memory_space<vmem>>, vector<416x1x128xf32>
    %get3A_245 = vector.shape_cast %get3A_244 : vector<416x1x128xf32> to vector<416x128xf32>
    %get3A_246 = arith.constant 0 : index
    %get3A_247 = arith.constant 384 : index
    %get3A_248 = vector.load %arg3[%get3A_246, %get3A_247] : memref<13x1024xf32, #tpu.memory_space<vmem>>, vector<13x128xf32>
    %get3A_249 = arith.constant 0 : index
    %get3A_250 = arith.constant 0 : index
    %get3A_251 = vector.load %arg4[%get3A_249, %get3A_250] : memref<128x416xf32, #tpu.memory_space<vmem>>, vector<128x416xf32>
    %dot_general3A_252 = arith.constant dense<0.000000e+00> : vector<128x128xf32>
    %dot_general3A_253 = tpu.matmul %get3A_251, %get3A_245, %dot_general3A_252 {dimension_numbers = #tpu.dot_dimension_numbers<[1], [0], [0], [1], [0, 0, 1, 1], [], []>, transpose_lhs_hint = false} : vector<128x416xf32>, vector<416x128xf32>, vector<128x128xf32> -> vector<128x128xf32>
    %get3A_254 = arith.constant 0 : index
    %get3A_255 = arith.constant 0 : index
    %get3A_256 = vector.load %arg5[%get3A_254, %get3A_255] : memref<128x13xf32, #tpu.memory_space<vmem>>, vector<128x13xf32>
    %dot_general3A_257 = arith.constant dense<0.000000e+00> : vector<128x128xf32>
    %dot_general3A_258 = tpu.matmul %get3A_256, %get3A_248, %dot_general3A_257 {dimension_numbers = #tpu.dot_dimension_numbers<[1], [0], [0], [1], [0, 0, 1, 1], [], []>, transpose_lhs_hint = false} : vector<128x13xf32>, vector<13x128xf32>, vector<128x128xf32> -> vector<128x128xf32>
    %add3A_259 = arith.addf %dot_general3A_253, %dot_general3A_258 : vector<128x128xf32>
    %get3A_260 = arith.constant 0 : index
    %get3A_261 = arith.constant 0 : index
    %get3A_262 = vector.load %arg6[%get3A_260, %get3A_261] : memref<128x1xf32, #tpu.memory_space<vmem>>, vector<128x1xf32>
    %add3A_263 = vector.broadcast %get3A_262 : vector<128x1xf32> to vector<128x128xf32>
    %add3A_264 = arith.addf %add3A_259, %add3A_263 : vector<128x128xf32>
    %max3A_265 = arith.constant 0.000000e+00 : f32
    %max3A_266 = vector.broadcast %max3A_265 : f32 to vector<128x128xf32>
    %max3A_267 = arith.maximumf %add3A_264, %max3A_266 : vector<128x128xf32>
    %get3A_268 = arith.constant 0 : index
    %get3A_269 = arith.constant 0 : index
    %get3A_270 = vector.load %arg7[%get3A_268, %get3A_269] : memref<64x128xf32, #tpu.memory_space<vmem>>, vector<64x128xf32>
    %dot_general3A_271 = arith.constant dense<0.000000e+00> : vector<64x128xf32>
    %dot_general3A_272 = tpu.matmul %get3A_270, %max3A_267, %dot_general3A_271 {dimension_numbers = #tpu.dot_dimension_numbers<[1], [0], [0], [1], [0, 0, 1, 1], [], []>, transpose_lhs_hint = false} : vector<64x128xf32>, vector<128x128xf32>, vector<64x128xf32> -> vector<64x128xf32>
    %get3A_273 = arith.constant 0 : index
    %get3A_274 = arith.constant 0 : index
    %get3A_275 = vector.load %arg8[%get3A_273, %get3A_274] : memref<64x1xf32, #tpu.memory_space<vmem>>, vector<64x1xf32>
    %add3A_276 = vector.broadcast %get3A_275 : vector<64x1xf32> to vector<64x128xf32>
    %add3A_277 = arith.addf %dot_general3A_272, %add3A_276 : vector<64x128xf32>
    %max3A_278 = arith.constant 0.000000e+00 : f32
    %max3A_279 = vector.broadcast %max3A_278 : f32 to vector<64x128xf32>
    %max3A_280 = arith.maximumf %add3A_277, %max3A_279 : vector<64x128xf32>
    %get3A_281 = arith.constant 0 : index
    %get3A_282 = arith.constant 0 : index
    %get3A_283 = vector.load %arg9[%get3A_281, %get3A_282] : memref<64x1xf32, #tpu.memory_space<vmem>>, vector<64x1xf32>
    %mul3A_284 = vector.broadcast %get3A_283 : vector<64x1xf32> to vector<64x128xf32>
    %mul3A_285 = arith.mulf %max3A_280, %mul3A_284 : vector<64x128xf32>
    %reduce_sum3A_286 = arith.constant dense<0.000000e+00> : vector<128xf32>
    %reduce_sum3A_287 = vector.multi_reduction <add>, %mul3A_285, %reduce_sum3A_286 [0] : vector<64x128xf32> to vector<128xf32>
    %dot_general3A_288 = arith.constant dense<0.000000e+00> : vector<16x128xf32>
    %dot_general3A_289 = tpu.matmul %convert_element_type3A_16, %get3A_245, %dot_general3A_288 {dimension_numbers = #tpu.dot_dimension_numbers<[1], [0], [0], [1], [0, 0, 1, 1], [], []>, transpose_lhs_hint = false} : vector<16x416xf32>, vector<416x128xf32>, vector<16x128xf32> -> vector<16x128xf32>
    %mul3A_290 = arith.mulf %dot_general3A_289, %dot_general3A_289 : vector<16x128xf32>
    %reduce_sum3A_291 = arith.constant dense<0.000000e+00> : vector<128xf32>
    %reduce_sum3A_292 = vector.multi_reduction <add>, %mul3A_290, %reduce_sum3A_291 [0] : vector<16x128xf32> to vector<128xf32>
    %mul3A_293 = arith.mulf %get3A_245, %get3A_245 : vector<416x128xf32>
    %reduce_sum3A_294 = arith.constant dense<0.000000e+00> : vector<128xf32>
    %reduce_sum3A_295 = vector.multi_reduction <add>, %mul3A_293, %reduce_sum3A_294 [0] : vector<416x128xf32> to vector<128xf32>
    %sub3A_296 = arith.subf %reduce_sum3A_292, %reduce_sum3A_295 : vector<128xf32>
    %mul3A_297 = arith.constant 5.000000e-01 : f32
    %mul3A_298 = vector.broadcast %mul3A_297 : f32 to vector<128xf32>
    %mul3A_299 = arith.mulf %mul3A_298, %sub3A_296 : vector<128xf32>
    %get3A_300 = arith.constant 0 : index
    %get3A_301 = arith.constant 0 : index
    %get3A_302 = vector.load %arg10[%get3A_300, %get3A_301] : memref<13x1xf32, #tpu.memory_space<vmem>>, vector<13x1xf32>
    %mul3A_303 = vector.broadcast %get3A_302 : vector<13x1xf32> to vector<13x128xf32>
    %mul3A_304 = arith.mulf %get3A_248, %mul3A_303 : vector<13x128xf32>
    %reduce_sum3A_305 = arith.constant dense<0.000000e+00> : vector<128xf32>
    %reduce_sum3A_306 = vector.multi_reduction <add>, %mul3A_304, %reduce_sum3A_305 [0] : vector<13x128xf32> to vector<128xf32>
    %get3A_307 = arith.constant 384 : index
    %get3A_308 = vector.load %arg2[%get3A_307] : memref<1024xf32, #tpu.memory_space<vmem>>, vector<128xf32>
    %add3A_309 = arith.addf %get3A_308, %reduce_sum3A_306 : vector<128xf32>
    %add3A_310 = arith.addf %add3A_309, %mul3A_299 : vector<128xf32>
    %add3A_311 = arith.addf %add3A_310, %reduce_sum3A_287 : vector<128xf32>
    %get3A_312 = arith.constant 0 : index
    %get3A_313 = memref.load %arg11[%get3A_312] : memref<1xf32, #tpu.memory_space<smem>>
    %add3A_314 = vector.broadcast %get3A_313 : f32 to vector<128xf32>
    %add3A_315 = arith.addf %add3A_311, %add3A_314 : vector<128xf32>
    %swap3A_316 = arith.constant 384 : index
    %swap3A_317 = vector.load %arg12[%swap3A_316] : memref<1024xf32, #tpu.memory_space<vmem>>, vector<128xf32>
    tpu.vector_store %arg12[%swap3A_316], %add3A_315 {strides = array<i32>} : memref<1024xf32, #tpu.memory_space<vmem>>, vector<128xf32>,
    %get3A_318 = arith.constant 0 : index
    %get3A_319 = arith.constant 4 : index
    %get3A_320 = arith.constant 0 : index
    %get3A_321 = vector.load %arg1[%get3A_318, %get3A_319, %get3A_320] : memref<416x8x128xf32, #tpu.memory_space<vmem>>, vector<416x1x128xf32>
    %get3A_322 = vector.shape_cast %get3A_321 : vector<416x1x128xf32> to vector<416x128xf32>
    %get3A_323 = arith.constant 0 : index
    %get3A_324 = arith.constant 512 : index
    %get3A_325 = vector.load %arg3[%get3A_323, %get3A_324] : memref<13x1024xf32, #tpu.memory_space<vmem>>, vector<13x128xf32>
    %get3A_326 = arith.constant 0 : index
    %get3A_327 = arith.constant 0 : index
    %get3A_328 = vector.load %arg4[%get3A_326, %get3A_327] : memref<128x416xf32, #tpu.memory_space<vmem>>, vector<128x416xf32>
    %dot_general3A_329 = arith.constant dense<0.000000e+00> : vector<128x128xf32>
    %dot_general3A_330 = tpu.matmul %get3A_328, %get3A_322, %dot_general3A_329 {dimension_numbers = #tpu.dot_dimension_numbers<[1], [0], [0], [1], [0, 0, 1, 1], [], []>, transpose_lhs_hint = false} : vector<128x416xf32>, vector<416x128xf32>, vector<128x128xf32> -> vector<128x128xf32>
    %get3A_331 = arith.constant 0 : index
    %get3A_332 = arith.constant 0 : index
    %get3A_333 = vector.load %arg5[%get3A_331, %get3A_332] : memref<128x13xf32, #tpu.memory_space<vmem>>, vector<128x13xf32>
    %dot_general3A_334 = arith.constant dense<0.000000e+00> : vector<128x128xf32>
    %dot_general3A_335 = tpu.matmul %get3A_333, %get3A_325, %dot_general3A_334 {dimension_numbers = #tpu.dot_dimension_numbers<[1], [0], [0], [1], [0, 0, 1, 1], [], []>, transpose_lhs_hint = false} : vector<128x13xf32>, vector<13x128xf32>, vector<128x128xf32> -> vector<128x128xf32>
    %add3A_336 = arith.addf %dot_general3A_330, %dot_general3A_335 : vector<128x128xf32>
    %get3A_337 = arith.constant 0 : index
    %get3A_338 = arith.constant 0 : index
    %get3A_339 = vector.load %arg6[%get3A_337, %get3A_338] : memref<128x1xf32, #tpu.memory_space<vmem>>, vector<128x1xf32>
    %add3A_340 = vector.broadcast %get3A_339 : vector<128x1xf32> to vector<128x128xf32>
    %add3A_341 = arith.addf %add3A_336, %add3A_340 : vector<128x128xf32>
    %max3A_342 = arith.constant 0.000000e+00 : f32
    %max3A_343 = vector.broadcast %max3A_342 : f32 to vector<128x128xf32>
    %max3A_344 = arith.maximumf %add3A_341, %max3A_343 : vector<128x128xf32>
    %get3A_345 = arith.constant 0 : index
    %get3A_346 = arith.constant 0 : index
    %get3A_347 = vector.load %arg7[%get3A_345, %get3A_346] : memref<64x128xf32, #tpu.memory_space<vmem>>, vector<64x128xf32>
    %dot_general3A_348 = arith.constant dense<0.000000e+00> : vector<64x128xf32>
    %dot_general3A_349 = tpu.matmul %get3A_347, %max3A_344, %dot_general3A_348 {dimension_numbers = #tpu.dot_dimension_numbers<[1], [0], [0], [1], [0, 0, 1, 1], [], []>, transpose_lhs_hint = false} : vector<64x128xf32>, vector<128x128xf32>, vector<64x128xf32> -> vector<64x128xf32>
    %get3A_350 = arith.constant 0 : index
    %get3A_351 = arith.constant 0 : index
    %get3A_352 = vector.load %arg8[%get3A_350, %get3A_351] : memref<64x1xf32, #tpu.memory_space<vmem>>, vector<64x1xf32>
    %add3A_353 = vector.broadcast %get3A_352 : vector<64x1xf32> to vector<64x128xf32>
    %add3A_354 = arith.addf %dot_general3A_349, %add3A_353 : vector<64x128xf32>
    %max3A_355 = arith.constant 0.000000e+00 : f32
    %max3A_356 = vector.broadcast %max3A_355 : f32 to vector<64x128xf32>
    %max3A_357 = arith.maximumf %add3A_354, %max3A_356 : vector<64x128xf32>
    %get3A_358 = arith.constant 0 : index
    %get3A_359 = arith.constant 0 : index
    %get3A_360 = vector.load %arg9[%get3A_358, %get3A_359] : memref<64x1xf32, #tpu.memory_space<vmem>>, vector<64x1xf32>
    %mul3A_361 = vector.broadcast %get3A_360 : vector<64x1xf32> to vector<64x128xf32>
    %mul3A_362 = arith.mulf %max3A_357, %mul3A_361 : vector<64x128xf32>
    %reduce_sum3A_363 = arith.constant dense<0.000000e+00> : vector<128xf32>
    %reduce_sum3A_364 = vector.multi_reduction <add>, %mul3A_362, %reduce_sum3A_363 [0] : vector<64x128xf32> to vector<128xf32>
    %dot_general3A_365 = arith.constant dense<0.000000e+00> : vector<16x128xf32>
    %dot_general3A_366 = tpu.matmul %convert_element_type3A_16, %get3A_322, %dot_general3A_365 {dimension_numbers = #tpu.dot_dimension_numbers<[1], [0], [0], [1], [0, 0, 1, 1], [], []>, transpose_lhs_hint = false} : vector<16x416xf32>, vector<416x128xf32>, vector<16x128xf32> -> vector<16x128xf32>
    %mul3A_367 = arith.mulf %dot_general3A_366, %dot_general3A_366 : vector<16x128xf32>
    %reduce_sum3A_368 = arith.constant dense<0.000000e+00> : vector<128xf32>
    %reduce_sum3A_369 = vector.multi_reduction <add>, %mul3A_367, %reduce_sum3A_368 [0] : vector<16x128xf32> to vector<128xf32>
    %mul3A_370 = arith.mulf %get3A_322, %get3A_322 : vector<416x128xf32>
    %reduce_sum3A_371 = arith.constant dense<0.000000e+00> : vector<128xf32>
    %reduce_sum3A_372 = vector.multi_reduction <add>, %mul3A_370, %reduce_sum3A_371 [0] : vector<416x128xf32> to vector<128xf32>
    %sub3A_373 = arith.subf %reduce_sum3A_369, %reduce_sum3A_372 : vector<128xf32>
    %mul3A_374 = arith.constant 5.000000e-01 : f32
    %mul3A_375 = vector.broadcast %mul3A_374 : f32 to vector<128xf32>
    %mul3A_376 = arith.mulf %mul3A_375, %sub3A_373 : vector<128xf32>
    %get3A_377 = arith.constant 0 : index
    %get3A_378 = arith.constant 0 : index
    %get3A_379 = vector.load %arg10[%get3A_377, %get3A_378] : memref<13x1xf32, #tpu.memory_space<vmem>>, vector<13x1xf32>
    %mul3A_380 = vector.broadcast %get3A_379 : vector<13x1xf32> to vector<13x128xf32>
    %mul3A_381 = arith.mulf %get3A_325, %mul3A_380 : vector<13x128xf32>
    %reduce_sum3A_382 = arith.constant dense<0.000000e+00> : vector<128xf32>
    %reduce_sum3A_383 = vector.multi_reduction <add>, %mul3A_381, %reduce_sum3A_382 [0] : vector<13x128xf32> to vector<128xf32>
    %get3A_384 = arith.constant 512 : index
    %get3A_385 = vector.load %arg2[%get3A_384] : memref<1024xf32, #tpu.memory_space<vmem>>, vector<128xf32>
    %add3A_386 = arith.addf %get3A_385, %reduce_sum3A_383 : vector<128xf32>
    %add3A_387 = arith.addf %add3A_386, %mul3A_376 : vector<128xf32>
    %add3A_388 = arith.addf %add3A_387, %reduce_sum3A_364 : vector<128xf32>
    %get3A_389 = arith.constant 0 : index
    %get3A_390 = memref.load %arg11[%get3A_389] : memref<1xf32, #tpu.memory_space<smem>>
    %add3A_391 = vector.broadcast %get3A_390 : f32 to vector<128xf32>
    %add3A_392 = arith.addf %add3A_388, %add3A_391 : vector<128xf32>
    %swap3A_393 = arith.constant 512 : index
    %swap3A_394 = vector.load %arg12[%swap3A_393] : memref<1024xf32, #tpu.memory_space<vmem>>, vector<128xf32>
    tpu.vector_store %arg12[%swap3A_393], %add3A_392 {strides = array<i32>} : memref<1024xf32, #tpu.memory_space<vmem>>, vector<128xf32>,
    %get3A_395 = arith.constant 0 : index
    %get3A_396 = arith.constant 5 : index
    %get3A_397 = arith.constant 0 : index
    %get3A_398 = vector.load %arg1[%get3A_395, %get3A_396, %get3A_397] : memref<416x8x128xf32, #tpu.memory_space<vmem>>, vector<416x1x128xf32>
    %get3A_399 = vector.shape_cast %get3A_398 : vector<416x1x128xf32> to vector<416x128xf32>
    %get3A_400 = arith.constant 0 : index
    %get3A_401 = arith.constant 640 : index
    %get3A_402 = vector.load %arg3[%get3A_400, %get3A_401] : memref<13x1024xf32, #tpu.memory_space<vmem>>, vector<13x128xf32>
    %get3A_403 = arith.constant 0 : index
    %get3A_404 = arith.constant 0 : index
    %get3A_405 = vector.load %arg4[%get3A_403, %get3A_404] : memref<128x416xf32, #tpu.memory_space<vmem>>, vector<128x416xf32>
    %dot_general3A_406 = arith.constant dense<0.000000e+00> : vector<128x128xf32>
    %dot_general3A_407 = tpu.matmul %get3A_405, %get3A_399, %dot_general3A_406 {dimension_numbers = #tpu.dot_dimension_numbers<[1], [0], [0], [1], [0, 0, 1, 1], [], []>, transpose_lhs_hint = false} : vector<128x416xf32>, vector<416x128xf32>, vector<128x128xf32> -> vector<128x128xf32>
    %get3A_408 = arith.constant 0 : index
    %get3A_409 = arith.constant 0 : index
    %get3A_410 = vector.load %arg5[%get3A_408, %get3A_409] : memref<128x13xf32, #tpu.memory_space<vmem>>, vector<128x13xf32>
    %dot_general3A_411 = arith.constant dense<0.000000e+00> : vector<128x128xf32>
    %dot_general3A_412 = tpu.matmul %get3A_410, %get3A_402, %dot_general3A_411 {dimension_numbers = #tpu.dot_dimension_numbers<[1], [0], [0], [1], [0, 0, 1, 1], [], []>, transpose_lhs_hint = false} : vector<128x13xf32>, vector<13x128xf32>, vector<128x128xf32> -> vector<128x128xf32>
    %add3A_413 = arith.addf %dot_general3A_407, %dot_general3A_412 : vector<128x128xf32>
    %get3A_414 = arith.constant 0 : index
    %get3A_415 = arith.constant 0 : index
    %get3A_416 = vector.load %arg6[%get3A_414, %get3A_415] : memref<128x1xf32, #tpu.memory_space<vmem>>, vector<128x1xf32>
    %add3A_417 = vector.broadcast %get3A_416 : vector<128x1xf32> to vector<128x128xf32>
    %add3A_418 = arith.addf %add3A_413, %add3A_417 : vector<128x128xf32>
    %max3A_419 = arith.constant 0.000000e+00 : f32
    %max3A_420 = vector.broadcast %max3A_419 : f32 to vector<128x128xf32>
    %max3A_421 = arith.maximumf %add3A_418, %max3A_420 : vector<128x128xf32>
    %get3A_422 = arith.constant 0 : index
    %get3A_423 = arith.constant 0 : index
    %get3A_424 = vector.load %arg7[%get3A_422, %get3A_423] : memref<64x128xf32, #tpu.memory_space<vmem>>, vector<64x128xf32>
    %dot_general3A_425 = arith.constant dense<0.000000e+00> : vector<64x128xf32>
    %dot_general3A_426 = tpu.matmul %get3A_424, %max3A_421, %dot_general3A_425 {dimension_numbers = #tpu.dot_dimension_numbers<[1], [0], [0], [1], [0, 0, 1, 1], [], []>, transpose_lhs_hint = false} : vector<64x128xf32>, vector<128x128xf32>, vector<64x128xf32> -> vector<64x128xf32>
    %get3A_427 = arith.constant 0 : index
    %get3A_428 = arith.constant 0 : index
    %get3A_429 = vector.load %arg8[%get3A_427, %get3A_428] : memref<64x1xf32, #tpu.memory_space<vmem>>, vector<64x1xf32>
    %add3A_430 = vector.broadcast %get3A_429 : vector<64x1xf32> to vector<64x128xf32>
    %add3A_431 = arith.addf %dot_general3A_426, %add3A_430 : vector<64x128xf32>
    %max3A_432 = arith.constant 0.000000e+00 : f32
    %max3A_433 = vector.broadcast %max3A_432 : f32 to vector<64x128xf32>
    %max3A_434 = arith.maximumf %add3A_431, %max3A_433 : vector<64x128xf32>
    %get3A_435 = arith.constant 0 : index
    %get3A_436 = arith.constant 0 : index
    %get3A_437 = vector.load %arg9[%get3A_435, %get3A_436] : memref<64x1xf32, #tpu.memory_space<vmem>>, vector<64x1xf32>
    %mul3A_438 = vector.broadcast %get3A_437 : vector<64x1xf32> to vector<64x128xf32>
    %mul3A_439 = arith.mulf %max3A_434, %mul3A_438 : vector<64x128xf32>
    %reduce_sum3A_440 = arith.constant dense<0.000000e+00> : vector<128xf32>
    %reduce_sum3A_441 = vector.multi_reduction <add>, %mul3A_439, %reduce_sum3A_440 [0] : vector<64x128xf32> to vector<128xf32>
    %dot_general3A_442 = arith.constant dense<0.000000e+00> : vector<16x128xf32>
    %dot_general3A_443 = tpu.matmul %convert_element_type3A_16, %get3A_399, %dot_general3A_442 {dimension_numbers = #tpu.dot_dimension_numbers<[1], [0], [0], [1], [0, 0, 1, 1], [], []>, transpose_lhs_hint = false} : vector<16x416xf32>, vector<416x128xf32>, vector<16x128xf32> -> vector<16x128xf32>
    %mul3A_444 = arith.mulf %dot_general3A_443, %dot_general3A_443 : vector<16x128xf32>
    %reduce_sum3A_445 = arith.constant dense<0.000000e+00> : vector<128xf32>
    %reduce_sum3A_446 = vector.multi_reduction <add>, %mul3A_444, %reduce_sum3A_445 [0] : vector<16x128xf32> to vector<128xf32>
    %mul3A_447 = arith.mulf %get3A_399, %get3A_399 : vector<416x128xf32>
    %reduce_sum3A_448 = arith.constant dense<0.000000e+00> : vector<128xf32>
    %reduce_sum3A_449 = vector.multi_reduction <add>, %mul3A_447, %reduce_sum3A_448 [0] : vector<416x128xf32> to vector<128xf32>
    %sub3A_450 = arith.subf %reduce_sum3A_446, %reduce_sum3A_449 : vector<128xf32>
    %mul3A_451 = arith.constant 5.000000e-01 : f32
    %mul3A_452 = vector.broadcast %mul3A_451 : f32 to vector<128xf32>
    %mul3A_453 = arith.mulf %mul3A_452, %sub3A_450 : vector<128xf32>
    %get3A_454 = arith.constant 0 : index
    %get3A_455 = arith.constant 0 : index
    %get3A_456 = vector.load %arg10[%get3A_454, %get3A_455] : memref<13x1xf32, #tpu.memory_space<vmem>>, vector<13x1xf32>
    %mul3A_457 = vector.broadcast %get3A_456 : vector<13x1xf32> to vector<13x128xf32>
    %mul3A_458 = arith.mulf %get3A_402, %mul3A_457 : vector<13x128xf32>
    %reduce_sum3A_459 = arith.constant dense<0.000000e+00> : vector<128xf32>
    %reduce_sum3A_460 = vector.multi_reduction <add>, %mul3A_458, %reduce_sum3A_459 [0] : vector<13x128xf32> to vector<128xf32>
    %get3A_461 = arith.constant 640 : index
    %get3A_462 = vector.load %arg2[%get3A_461] : memref<1024xf32, #tpu.memory_space<vmem>>, vector<128xf32>
    %add3A_463 = arith.addf %get3A_462, %reduce_sum3A_460 : vector<128xf32>
    %add3A_464 = arith.addf %add3A_463, %mul3A_453 : vector<128xf32>
    %add3A_465 = arith.addf %add3A_464, %reduce_sum3A_441 : vector<128xf32>
    %get3A_466 = arith.constant 0 : index
    %get3A_467 = memref.load %arg11[%get3A_466] : memref<1xf32, #tpu.memory_space<smem>>
    %add3A_468 = vector.broadcast %get3A_467 : f32 to vector<128xf32>
    %add3A_469 = arith.addf %add3A_465, %add3A_468 : vector<128xf32>
    %swap3A_470 = arith.constant 640 : index
    %swap3A_471 = vector.load %arg12[%swap3A_470] : memref<1024xf32, #tpu.memory_space<vmem>>, vector<128xf32>
    tpu.vector_store %arg12[%swap3A_470], %add3A_469 {strides = array<i32>} : memref<1024xf32, #tpu.memory_space<vmem>>, vector<128xf32>,
    %get3A_472 = arith.constant 0 : index
    %get3A_473 = arith.constant 6 : index
    %get3A_474 = arith.constant 0 : index
    %get3A_475 = vector.load %arg1[%get3A_472, %get3A_473, %get3A_474] : memref<416x8x128xf32, #tpu.memory_space<vmem>>, vector<416x1x128xf32>
    %get3A_476 = vector.shape_cast %get3A_475 : vector<416x1x128xf32> to vector<416x128xf32>
    %get3A_477 = arith.constant 0 : index
    %get3A_478 = arith.constant 768 : index
    %get3A_479 = vector.load %arg3[%get3A_477, %get3A_478] : memref<13x1024xf32, #tpu.memory_space<vmem>>, vector<13x128xf32>
    %get3A_480 = arith.constant 0 : index
    %get3A_481 = arith.constant 0 : index
    %get3A_482 = vector.load %arg4[%get3A_480, %get3A_481] : memref<128x416xf32, #tpu.memory_space<vmem>>, vector<128x416xf32>
    %dot_general3A_483 = arith.constant dense<0.000000e+00> : vector<128x128xf32>
    %dot_general3A_484 = tpu.matmul %get3A_482, %get3A_476, %dot_general3A_483 {dimension_numbers = #tpu.dot_dimension_numbers<[1], [0], [0], [1], [0, 0, 1, 1], [], []>, transpose_lhs_hint = false} : vector<128x416xf32>, vector<416x128xf32>, vector<128x128xf32> -> vector<128x128xf32>
    %get3A_485 = arith.constant 0 : index
    %get3A_486 = arith.constant 0 : index
    %get3A_487 = vector.load %arg5[%get3A_485, %get3A_486] : memref<128x13xf32, #tpu.memory_space<vmem>>, vector<128x13xf32>
    %dot_general3A_488 = arith.constant dense<0.000000e+00> : vector<128x128xf32>
    %dot_general3A_489 = tpu.matmul %get3A_487, %get3A_479, %dot_general3A_488 {dimension_numbers = #tpu.dot_dimension_numbers<[1], [0], [0], [1], [0, 0, 1, 1], [], []>, transpose_lhs_hint = false} : vector<128x13xf32>, vector<13x128xf32>, vector<128x128xf32> -> vector<128x128xf32>
    %add3A_490 = arith.addf %dot_general3A_484, %dot_general3A_489 : vector<128x128xf32>
    %get3A_491 = arith.constant 0 : index
    %get3A_492 = arith.constant 0 : index
    %get3A_493 = vector.load %arg6[%get3A_491, %get3A_492] : memref<128x1xf32, #tpu.memory_space<vmem>>, vector<128x1xf32>
    %add3A_494 = vector.broadcast %get3A_493 : vector<128x1xf32> to vector<128x128xf32>
    %add3A_495 = arith.addf %add3A_490, %add3A_494 : vector<128x128xf32>
    %max3A_496 = arith.constant 0.000000e+00 : f32
    %max3A_497 = vector.broadcast %max3A_496 : f32 to vector<128x128xf32>
    %max3A_498 = arith.maximumf %add3A_495, %max3A_497 : vector<128x128xf32>
    %get3A_499 = arith.constant 0 : index
    %get3A_500 = arith.constant 0 : index
    %get3A_501 = vector.load %arg7[%get3A_499, %get3A_500] : memref<64x128xf32, #tpu.memory_space<vmem>>, vector<64x128xf32>
    %dot_general3A_502 = arith.constant dense<0.000000e+00> : vector<64x128xf32>
    %dot_general3A_503 = tpu.matmul %get3A_501, %max3A_498, %dot_general3A_502 {dimension_numbers = #tpu.dot_dimension_numbers<[1], [0], [0], [1], [0, 0, 1, 1], [], []>, transpose_lhs_hint = false} : vector<64x128xf32>, vector<128x128xf32>, vector<64x128xf32> -> vector<64x128xf32>
    %get3A_504 = arith.constant 0 : index
    %get3A_505 = arith.constant 0 : index
    %get3A_506 = vector.load %arg8[%get3A_504, %get3A_505] : memref<64x1xf32, #tpu.memory_space<vmem>>, vector<64x1xf32>
    %add3A_507 = vector.broadcast %get3A_506 : vector<64x1xf32> to vector<64x128xf32>
    %add3A_508 = arith.addf %dot_general3A_503, %add3A_507 : vector<64x128xf32>
    %max3A_509 = arith.constant 0.000000e+00 : f32
    %max3A_510 = vector.broadcast %max3A_509 : f32 to vector<64x128xf32>
    %max3A_511 = arith.maximumf %add3A_508, %max3A_510 : vector<64x128xf32>
    %get3A_512 = arith.constant 0 : index
    %get3A_513 = arith.constant 0 : index
    %get3A_514 = vector.load %arg9[%get3A_512, %get3A_513] : memref<64x1xf32, #tpu.memory_space<vmem>>, vector<64x1xf32>
    %mul3A_515 = vector.broadcast %get3A_514 : vector<64x1xf32> to vector<64x128xf32>
    %mul3A_516 = arith.mulf %max3A_511, %mul3A_515 : vector<64x128xf32>
    %reduce_sum3A_517 = arith.constant dense<0.000000e+00> : vector<128xf32>
    %reduce_sum3A_518 = vector.multi_reduction <add>, %mul3A_516, %reduce_sum3A_517 [0] : vector<64x128xf32> to vector<128xf32>
    %dot_general3A_519 = arith.constant dense<0.000000e+00> : vector<16x128xf32>
    %dot_general3A_520 = tpu.matmul %convert_element_type3A_16, %get3A_476, %dot_general3A_519 {dimension_numbers = #tpu.dot_dimension_numbers<[1], [0], [0], [1], [0, 0, 1, 1], [], []>, transpose_lhs_hint = false} : vector<16x416xf32>, vector<416x128xf32>, vector<16x128xf32> -> vector<16x128xf32>
    %mul3A_521 = arith.mulf %dot_general3A_520, %dot_general3A_520 : vector<16x128xf32>
    %reduce_sum3A_522 = arith.constant dense<0.000000e+00> : vector<128xf32>
    %reduce_sum3A_523 = vector.multi_reduction <add>, %mul3A_521, %reduce_sum3A_522 [0] : vector<16x128xf32> to vector<128xf32>
    %mul3A_524 = arith.mulf %get3A_476, %get3A_476 : vector<416x128xf32>
    %reduce_sum3A_525 = arith.constant dense<0.000000e+00> : vector<128xf32>
    %reduce_sum3A_526 = vector.multi_reduction <add>, %mul3A_524, %reduce_sum3A_525 [0] : vector<416x128xf32> to vector<128xf32>
    %sub3A_527 = arith.subf %reduce_sum3A_523, %reduce_sum3A_526 : vector<128xf32>
    %mul3A_528 = arith.constant 5.000000e-01 : f32
    %mul3A_529 = vector.broadcast %mul3A_528 : f32 to vector<128xf32>
    %mul3A_530 = arith.mulf %mul3A_529, %sub3A_527 : vector<128xf32>
    %get3A_531 = arith.constant 0 : index
    %get3A_532 = arith.constant 0 : index
    %get3A_533 = vector.load %arg10[%get3A_531, %get3A_532] : memref<13x1xf32, #tpu.memory_space<vmem>>, vector<13x1xf32>
    %mul3A_534 = vector.broadcast %get3A_533 : vector<13x1xf32> to vector<13x128xf32>
    %mul3A_535 = arith.mulf %get3A_479, %mul3A_534 : vector<13x128xf32>
    %reduce_sum3A_536 = arith.constant dense<0.000000e+00> : vector<128xf32>
    %reduce_sum3A_537 = vector.multi_reduction <add>, %mul3A_535, %reduce_sum3A_536 [0] : vector<13x128xf32> to vector<128xf32>
    %get3A_538 = arith.constant 768 : index
    %get3A_539 = vector.load %arg2[%get3A_538] : memref<1024xf32, #tpu.memory_space<vmem>>, vector<128xf32>
    %add3A_540 = arith.addf %get3A_539, %reduce_sum3A_537 : vector<128xf32>
    %add3A_541 = arith.addf %add3A_540, %mul3A_530 : vector<128xf32>
    %add3A_542 = arith.addf %add3A_541, %reduce_sum3A_518 : vector<128xf32>
    %get3A_543 = arith.constant 0 : index
    %get3A_544 = memref.load %arg11[%get3A_543] : memref<1xf32, #tpu.memory_space<smem>>
    %add3A_545 = vector.broadcast %get3A_544 : f32 to vector<128xf32>
    %add3A_546 = arith.addf %add3A_542, %add3A_545 : vector<128xf32>
    %swap3A_547 = arith.constant 768 : index
    %swap3A_548 = vector.load %arg12[%swap3A_547] : memref<1024xf32, #tpu.memory_space<vmem>>, vector<128xf32>
    tpu.vector_store %arg12[%swap3A_547], %add3A_546 {strides = array<i32>} : memref<1024xf32, #tpu.memory_space<vmem>>, vector<128xf32>,
    %get3A_549 = arith.constant 0 : index
    %get3A_550 = arith.constant 7 : index
    %get3A_551 = arith.constant 0 : index
    %get3A_552 = vector.load %arg1[%get3A_549, %get3A_550, %get3A_551] : memref<416x8x128xf32, #tpu.memory_space<vmem>>, vector<416x1x128xf32>
    %get3A_553 = vector.shape_cast %get3A_552 : vector<416x1x128xf32> to vector<416x128xf32>
    %get3A_554 = arith.constant 0 : index
    %get3A_555 = arith.constant 896 : index
    %get3A_556 = vector.load %arg3[%get3A_554, %get3A_555] : memref<13x1024xf32, #tpu.memory_space<vmem>>, vector<13x128xf32>
    %get3A_557 = arith.constant 0 : index
    %get3A_558 = arith.constant 0 : index
    %get3A_559 = vector.load %arg4[%get3A_557, %get3A_558] : memref<128x416xf32, #tpu.memory_space<vmem>>, vector<128x416xf32>
    %dot_general3A_560 = arith.constant dense<0.000000e+00> : vector<128x128xf32>
    %dot_general3A_561 = tpu.matmul %get3A_559, %get3A_553, %dot_general3A_560 {dimension_numbers = #tpu.dot_dimension_numbers<[1], [0], [0], [1], [0, 0, 1, 1], [], []>, transpose_lhs_hint = false} : vector<128x416xf32>, vector<416x128xf32>, vector<128x128xf32> -> vector<128x128xf32>
    %get3A_562 = arith.constant 0 : index
    %get3A_563 = arith.constant 0 : index
    %get3A_564 = vector.load %arg5[%get3A_562, %get3A_563] : memref<128x13xf32, #tpu.memory_space<vmem>>, vector<128x13xf32>
    %dot_general3A_565 = arith.constant dense<0.000000e+00> : vector<128x128xf32>
    %dot_general3A_566 = tpu.matmul %get3A_564, %get3A_556, %dot_general3A_565 {dimension_numbers = #tpu.dot_dimension_numbers<[1], [0], [0], [1], [0, 0, 1, 1], [], []>, transpose_lhs_hint = false} : vector<128x13xf32>, vector<13x128xf32>, vector<128x128xf32> -> vector<128x128xf32>
    %add3A_567 = arith.addf %dot_general3A_561, %dot_general3A_566 : vector<128x128xf32>
    %get3A_568 = arith.constant 0 : index
    %get3A_569 = arith.constant 0 : index
    %get3A_570 = vector.load %arg6[%get3A_568, %get3A_569] : memref<128x1xf32, #tpu.memory_space<vmem>>, vector<128x1xf32>
    %add3A_571 = vector.broadcast %get3A_570 : vector<128x1xf32> to vector<128x128xf32>
    %add3A_572 = arith.addf %add3A_567, %add3A_571 : vector<128x128xf32>
    %max3A_573 = arith.constant 0.000000e+00 : f32
    %max3A_574 = vector.broadcast %max3A_573 : f32 to vector<128x128xf32>
    %max3A_575 = arith.maximumf %add3A_572, %max3A_574 : vector<128x128xf32>
    %get3A_576 = arith.constant 0 : index
    %get3A_577 = arith.constant 0 : index
    %get3A_578 = vector.load %arg7[%get3A_576, %get3A_577] : memref<64x128xf32, #tpu.memory_space<vmem>>, vector<64x128xf32>
    %dot_general3A_579 = arith.constant dense<0.000000e+00> : vector<64x128xf32>
    %dot_general3A_580 = tpu.matmul %get3A_578, %max3A_575, %dot_general3A_579 {dimension_numbers = #tpu.dot_dimension_numbers<[1], [0], [0], [1], [0, 0, 1, 1], [], []>, transpose_lhs_hint = false} : vector<64x128xf32>, vector<128x128xf32>, vector<64x128xf32> -> vector<64x128xf32>
    %get3A_581 = arith.constant 0 : index
    %get3A_582 = arith.constant 0 : index
    %get3A_583 = vector.load %arg8[%get3A_581, %get3A_582] : memref<64x1xf32, #tpu.memory_space<vmem>>, vector<64x1xf32>
    %add3A_584 = vector.broadcast %get3A_583 : vector<64x1xf32> to vector<64x128xf32>
    %add3A_585 = arith.addf %dot_general3A_580, %add3A_584 : vector<64x128xf32>
    %max3A_586 = arith.constant 0.000000e+00 : f32
    %max3A_587 = vector.broadcast %max3A_586 : f32 to vector<64x128xf32>
    %max3A_588 = arith.maximumf %add3A_585, %max3A_587 : vector<64x128xf32>
    %get3A_589 = arith.constant 0 : index
    %get3A_590 = arith.constant 0 : index
    %get3A_591 = vector.load %arg9[%get3A_589, %get3A_590] : memref<64x1xf32, #tpu.memory_space<vmem>>, vector<64x1xf32>
    %mul3A_592 = vector.broadcast %get3A_591 : vector<64x1xf32> to vector<64x128xf32>
    %mul3A_593 = arith.mulf %max3A_588, %mul3A_592 : vector<64x128xf32>
    %reduce_sum3A_594 = arith.constant dense<0.000000e+00> : vector<128xf32>
    %reduce_sum3A_595 = vector.multi_reduction <add>, %mul3A_593, %reduce_sum3A_594 [0] : vector<64x128xf32> to vector<128xf32>
    %dot_general3A_596 = arith.constant dense<0.000000e+00> : vector<16x128xf32>
    %dot_general3A_597 = tpu.matmul %convert_element_type3A_16, %get3A_553, %dot_general3A_596 {dimension_numbers = #tpu.dot_dimension_numbers<[1], [0], [0], [1], [0, 0, 1, 1], [], []>, transpose_lhs_hint = false} : vector<16x416xf32>, vector<416x128xf32>, vector<16x128xf32> -> vector<16x128xf32>
    %mul3A_598 = arith.mulf %dot_general3A_597, %dot_general3A_597 : vector<16x128xf32>
    %reduce_sum3A_599 = arith.constant dense<0.000000e+00> : vector<128xf32>
    %reduce_sum3A_600 = vector.multi_reduction <add>, %mul3A_598, %reduce_sum3A_599 [0] : vector<16x128xf32> to vector<128xf32>
    %mul3A_601 = arith.mulf %get3A_553, %get3A_553 : vector<416x128xf32>
    %reduce_sum3A_602 = arith.constant dense<0.000000e+00> : vector<128xf32>
    %reduce_sum3A_603 = vector.multi_reduction <add>, %mul3A_601, %reduce_sum3A_602 [0] : vector<416x128xf32> to vector<128xf32>
    %sub3A_604 = arith.subf %reduce_sum3A_600, %reduce_sum3A_603 : vector<128xf32>
    %mul3A_605 = arith.constant 5.000000e-01 : f32
    %mul3A_606 = vector.broadcast %mul3A_605 : f32 to vector<128xf32>
    %mul3A_607 = arith.mulf %mul3A_606, %sub3A_604 : vector<128xf32>
    %get3A_608 = arith.constant 0 : index
    %get3A_609 = arith.constant 0 : index
    %get3A_610 = vector.load %arg10[%get3A_608, %get3A_609] : memref<13x1xf32, #tpu.memory_space<vmem>>, vector<13x1xf32>
    %mul3A_611 = vector.broadcast %get3A_610 : vector<13x1xf32> to vector<13x128xf32>
    %mul3A_612 = arith.mulf %get3A_556, %mul3A_611 : vector<13x128xf32>
    %reduce_sum3A_613 = arith.constant dense<0.000000e+00> : vector<128xf32>
    %reduce_sum3A_614 = vector.multi_reduction <add>, %mul3A_612, %reduce_sum3A_613 [0] : vector<13x128xf32> to vector<128xf32>
    %get3A_615 = arith.constant 896 : index
    %get3A_616 = vector.load %arg2[%get3A_615] : memref<1024xf32, #tpu.memory_space<vmem>>, vector<128xf32>
    %add3A_617 = arith.addf %get3A_616, %reduce_sum3A_614 : vector<128xf32>
    %add3A_618 = arith.addf %add3A_617, %mul3A_607 : vector<128xf32>
    %add3A_619 = arith.addf %add3A_618, %reduce_sum3A_595 : vector<128xf32>
    %get3A_620 = arith.constant 0 : index
    %get3A_621 = memref.load %arg11[%get3A_620] : memref<1xf32, #tpu.memory_space<smem>>
    %add3A_622 = vector.broadcast %get3A_621 : f32 to vector<128xf32>
    %add3A_623 = arith.addf %add3A_619, %add3A_622 : vector<128xf32>
    %swap3A_624 = arith.constant 896 : index
    %swap3A_625 = vector.load %arg12[%swap3A_624] : memref<1024xf32, #tpu.memory_space<vmem>>, vector<128xf32>
    tpu.vector_store %arg12[%swap3A_624], %add3A_623 {strides = array<i32>} : memref<1024xf32, #tpu.memory_space<vmem>>, vector<128xf32>,
    return
  }
  func.func @transform_0(%arg0: i32) -> (i32, i32, i32) {
    %c0_i32 = arith.constant 0 : i32
    %c0_i32_0 = arith.constant 0 : i32
    %c0_i32_1 = arith.constant 0 : i32
    return %c0_i32, %arg0, %c0_i32_0 : i32, i32, i32
  }
  func.func @transform_1(%arg0: i32) -> i32 {
    %c0_i32 = arith.constant 0 : i32
    return %arg0 : i32
  }
  func.func @transform_2(%arg0: i32) -> (i32, i32) {
    %c0_i32 = arith.constant 0 : i32
    %c0_i32_0 = arith.constant 0 : i32
    return %c0_i32, %arg0 : i32, i32
  }
  func.func @transform_3(%arg0: i32) -> (i32, i32) {
    %c0_i32 = arith.constant 0 : i32
    %c0_i32_0 = arith.constant 0 : i32
    %c0_i32_1 = arith.constant 0 : i32
    return %c0_i32, %c0_i32_0 : i32, i32
  }
  func.func @transform_4(%arg0: i32) -> (i32, i32) {
    %c0_i32 = arith.constant 0 : i32
    %c0_i32_0 = arith.constant 0 : i32
    %c0_i32_1 = arith.constant 0 : i32
    return %c0_i32, %c0_i32_0 : i32, i32
  }
  func.func @transform_5(%arg0: i32) -> (i32, i32) {
    %c0_i32 = arith.constant 0 : i32
    %c0_i32_0 = arith.constant 0 : i32
    %c0_i32_1 = arith.constant 0 : i32
    return %c0_i32, %c0_i32_0 : i32, i32
  }
  func.func @transform_6(%arg0: i32) -> (i32, i32) {
    %c0_i32 = arith.constant 0 : i32
    %c0_i32_0 = arith.constant 0 : i32
    %c0_i32_1 = arith.constant 0 : i32
    return %c0_i32, %c0_i32_0 : i32, i32
  }
  func.func @transform_7(%arg0: i32) -> (i32, i32) {
    %c0_i32 = arith.constant 0 : i32
    %c0_i32_0 = arith.constant 0 : i32
    %c0_i32_1 = arith.constant 0 : i32
    return %c0_i32, %c0_i32_0 : i32, i32
  }
  func.func @transform_8(%arg0: i32) -> (i32, i32) {
    %c0_i32 = arith.constant 0 : i32
    %c0_i32_0 = arith.constant 0 : i32
    %c0_i32_1 = arith.constant 0 : i32
    return %c0_i32, %c0_i32_0 : i32, i32
  }
  func.func @transform_9(%arg0: i32) -> (i32, i32) {
    %c0_i32 = arith.constant 0 : i32
    %c0_i32_0 = arith.constant 0 : i32
    %c0_i32_1 = arith.constant 0 : i32
    return %c0_i32, %c0_i32_0 : i32, i32
  }
  func.func @transform_10(%arg0: i32) -> i32 {
    %c0_i32 = arith.constant 0 : i32
    %c0_i32_0 = arith.constant 0 : i32
    return %c0_i32 : i32
  }
  func.func @transform_11(%arg0: i32) -> i32 {
    %c0_i32 = arith.constant 0 : i32
    return %arg0 : i32
  }
}

</mosaic_0001>

<sc_bundles>
// kernel: kernel.5.cloned.1.call-start
scs
__scs_entry_jumppad:
0x0: {  	(pc) =	sbr.rel $0x88, $3  }
0x1: {  	(tag) =	ssettag $0x0;
	lr =	simm.s32 $0x1  }
0x2: {  	[smem:$0x3F8E] =	sst lr;
	_ =	strace $0xD0000000  }
0x3: {  	_ = 	snop  }
0x4: {  	_ = 	snop  }
0x5: {  	_ = 	snop  }
0x6: {  	_ = 	snop  }
0x7: {  	_ = 	snop  }
__scs_overlays_trampoline_lowered:
0x8: {  	[smem:$0x3F9D] =	sst s0  }
0x9: {  	[smem:$0x3F9E] =	sst s1  }
0xa: {  	[smem:$0x3F9F] =	sst s2  }
0xb: {  	[smem:$0x3FA0] =	sst s3  }
0xc: {  	[smem:$0x3FA1] =	sst s4  }
0xd: {  	[smem:$0x3FA2] =	sst s5  }
0xe: {  	[smem:$0x3FA3] =	sst s6  }
0xf: {  	[smem:$0x3FA4] =	sst s7  }
0x10: {  	[smem:$0x3FA5] =	sst s8  }
0x11: {  	[smem:$0x3FA6] =	sst s9;
	s0 =	simm.s32 @!p0 $0x0  }
0x12: {  	s1 =	sld [smem:$0x3F8C];
	s0 =	simm.s32 @p0 $0x1  }
0x13: {  	[smem:$0x3FA7] =	sst s0;
	s0 =	simm.s32 @!p1 $0x0  }
0x14: {  	s2 =	sld [smem:$0x3F8B];
	s0 =	simm.s32 @p1 $0x1  }
0x15: {  	[smem:$0x3FA8] =	sst s0;
	s0 =	simm.s32 @!p2 $0x0  }
0x16: {  	s3 =	sld [smem:$0x3FDB];
	s0 =	simm.s32 @p2 $0x1  }
0x17: {  	s4 =	simm.s32 $0x1BF5;
	[smem:$0x3FAA] =	sst s0  }
0x18: {  	s0 =	sld [smem:$0x3F8D];
	_ =	swait.ge [sflag:s4], $0x0  }
0x19: {  	s7 =	sld [smem:$0x3F8E]  }
0x1a: {  	s8 =	sadd.s32 $0xFFFFE003, lr  }
0x1b: {  	s9 =	sadd.s32 $0xFFFFFEF7, lr;
	s5 =	simm.s32 $0xFFFFFFFF;
	p2 =	slt.u32 s8, $0xFFFFF086  }
0x1c: {  	p1 =	slt.u32 s9, $0xF7A;
	s5 =	simm.s32 @!p2 $0x0  }
0x1d: {  	s5 =	simm.s32 @p1 $0x1;
	p0 =	seq.s32 s7, s2  }
0x1e: {  	s7 =	smul.u32 @!p0 $0xF7A, s2;
	p2 =	seq.s32 @!p0 s5, $0x0  }
0x1f: {  	s9 =	smul.u32 $0xF7A, s1;
	s8 =	simm.s32 @!p0 $0x1BF5;
	p2 =	por !p2, p0  }
0x20: {  	[sflag:s8] =	ssyncset.s32 @!p0 $0xFFFFF086;
	s6 =	sadd.s32 @!p0 s3, s7;
	s7 =	simm.s32 @!p0 $0x108  }
0x21: {  	s3 =	sadd.s32 s3, s9;
	s6 =	sadd.s32 @!p0 $0x88, s6;
	s7 =	simm.s32 @p2 $0x1082  }
0x22: {  	[simem:s7], [sflag:s8] =	dma.local @!p0 [hbm:s6], $0xF7A  }
0x23: {  	s9 =	sor.u32 $0xD0000000, s2;
	s6 =	simm.s32 $0x108;
	_ =	swait.ge @!p0 [sflag:s8], $0x0  }
0x24: {  	s3 =	sadd.s32 $0x88, s3;
	s6 =	simm.s32 @!p1 $0x1082;
	[sflag:s4] =	ssyncset.s32 $0xFFFFF086  }
0x25: {  	[simem:s6], [sflag:s4] =	dma.local [hbm:s3], $0xF7A  }
0x26: {  	[smem:$0x3F8E] =	sst s1;
	(tag) =	ssettag s2;
	_ =	strace s9  }
0x27: {  	s1 =	sld [smem:$0x3F9E]  }
0x28: {  	s2 =	sld [smem:$0x3F9F]  }
0x29: {  	s4 =	sld [smem:$0x3FA1]  }
0x2a: {  	p0 =	seq.s32 s5, $0x0;
	s5 =	sld [smem:$0x3FA2]  }
0x2b: {  	s6 =	sld [smem:$0x3FA3]  }
0x2c: {  	s7 =	sld [smem:$0x3FA4]  }
0x2d: {  	s3 =	simm.s32 $0x108;
	s8 =	sld [smem:$0x3FA5]  }
0x2e: {  	s3 =	simm.s32 @!p0 $0x1082;
	s9 =	sld [smem:$0x3FA6]  }
0x2f: {  	lr =	sadd.s32 s0, s3;
	s0 =	sld [smem:$0x3F9D]  }
0x30: {  	s3 =	sld [smem:$0x3FA0]  }
0x31: {  	[smem:$0x3FA9] =	sst s10  }
0x32: {  	s10 =	sld [smem:$0x3FA7];
	_ =	sdelay $0x3  }
0x33: {  	p0 =	seq.s32 s10, $0x1;
	s10 =	sld [smem:$0x3FA9];
	_ =	sdelay $0x3  }
0x34: {  	[smem:$0x3FA9] =	sst s10  }
0x35: {  	s10 =	sld [smem:$0x3FA8];
	_ =	sdelay $0x3  }
0x36: {  	p1 =	seq.s32 s10, $0x1;
	s10 =	sld [smem:$0x3FA9];
	_ =	sdelay $0x3  }
0x37: {  	[smem:$0x3FA9] =	sst s10  }
0x38: {  	s10 =	sld [smem:$0x3FAA]  }
0x39: {  	_ = 	snop;
	(pc) =	sbr.ind lr, $3  }
0x3a: {  	_ = 	snop  }
0x3b: {  	_ = 	snop  }
0x3c: {  	p2 =	seq.s32 s10, $0x1;
	s10 =	sld [smem:$0x3FA9]  }
0x3d: {  	_ =	shalt  }
0x3e: {  	_ =	shalt  }
0x3f: {  	_ =	shalt  }
0x40: {  	_ =	shalt  }
0x41: {  	_ =	shalt  }
0x42: {  	_ =	shalt  }
0x43: {  	_ =	shalt  }
0x44: {  	_ =	shalt  }
0x45: {  	_ =	shalt  }
0x46: {  	_ =	shalt  }
0x47: {  	_ =	shalt  }
0x48: {  	_ =	shalt  }
0x49: {  	_ =	shalt  }
0x4a: {  	_ =	shalt  }
0x4b: {  	_ =	shalt  }
0x4c: {  	_ =	shalt  }
0x4d: {  	_ =	shalt  }
0x4e: {  	_ =	shalt  }
0x4f: {  	_ =	shalt  }
0x50: {  	_ =	shalt  }
0x51: {  	_ =	shalt  }
0x52: {  	_ =	shalt  }
0x53: {  	_ =	shalt  }
0x54: {  	_ =	shalt  }
0x55: {  	_ =	shalt  }
0x56: {  	_ =	shalt  }
0x57: {  	_ =	shalt  }
0x58: {  	_ =	shalt  }
0x59: {  	_ =	shalt  }
0x5a: {  	_ =	shalt  }
0x5b: {  	_ =	shalt  }
0x5c: {  	_ =	shalt  }
0x5d: {  	_ =	shalt  }
0x5e: {  	_ =	shalt  }
0x5f: {  	_ =	shalt  }
0x60: {  	_ =	shalt  }
0x61: {  	_ =	shalt  }
0x62: {  	_ =	shalt  }
0x63: {  	_ =	shalt  }
0x64: {  	_ =	shalt  }
0x65: {  	_ =	shalt  }
0x66: {  	_ =	shalt  }
0x67: {  	_ =	shalt  }
0x68: {  	_ =	shalt  }
0x69: {  	_ =	shalt  }
0x6a: {  	_ =	shalt  }
0x6b: {  	_ =	shalt  }
0x6c: {  	_ =	shalt  }
0x6d: {  	_ =	shalt  }
0x6e: {  	_ =	shalt  }
0x6f: {  	_ =	shalt  }
0x70: {  	_ =	shalt  }
0x71: {  	_ =	shalt  }
0x72: {  	_ =	shalt  }
0x73: {  	_ =	shalt  }
0x74: {  	_ =	shalt  }
0x75: {  	_ =	shalt  }
0x76: {  	_ =	shalt  }
0x77: {  	_ =	shalt  }
0x78: {  	_ =	shalt  }
0x79: {  	_ =	shalt  }
0x7a: {  	_ =	shalt  }
0x7b: {  	_ =	shalt  }
0x7c: {  	_ =	shalt  }
0x7d: {  	_ =	shalt  }
0x7e: {  	_ =	shalt  }
0x7f: {  	_ =	shalt  }
0x80: {  	_ =	shalt  }
0x81: {  	_ =	shalt  }
0x82: {  	_ =	shalt  }
0x83: {  	_ =	shalt  }
0x84: {  	_ =	shalt  }
0x85: {  	_ =	shalt  }
0x86: {  	_ =	shalt  }
0x87: {  	_ =	shalt  }
.Lfunc_end0:
.L_simem_size_0:
called_computation_lowered:
.L_overlay_start_0:
0x88: {  	s2 =	sld [smem:$0x3FD9]  }
0x89: {  	s3 =	sld [smem:$0x3FFE];
	_ =	sdelay $0x1  }
0x8a: {  	s1 =	srdreg.scid  }
0x8b: {  	s0 =	sand.u32 $0x1, s1  }
0x8c: {  	s17 =	sshll.u32 s0, $0xA;
	s2 =	sadd.s32 s3, s2  }
0x8d: {  	s2 =	sadd.s32 s2, s17  }
0x8e: {  	[smem:$0x3FB5] =	sst s2  }
0x8f: {  	_ = 	snop  }
0x90: {  	s2 =	sld [smem:$0x3FC7];
	(tm) =	ssettm $0x1  }
0x91: {  	s18 =	sld [smem:$0x3FFB];
	_ =	sdelay $0x3  }
0x92: {  	_ =	strace s18  }
0x93: {  	s3 =	sld [smem:$0x3FFC];
	_ =	sdelay $0x3  }
0x94: {  	_ =	strace s3  }
0x95: {  	s3 =	sld [smem:$0x3FFD];
	_ =	sdelay $0x3  }
0x96: {  	_ =	strace s3  }
0x97: {  	_ =	strace $0x8FFFFFFF  }
0x98: {  	s19 =	sld [smem:$0x3FDB];
	_ =	sdelay $0x1  }
0x99: {  	s4 =	simm.s32 $_scs_section_size  }
0x9a: {  	s5 =	simm.s32 $_size__tile_overlayer_lowered;
	s6 =	simm.s32 $_tile_overlayer_lowered  }
0x9b: {  	s22 =	simm.s32 $0x1BFF;
	s21 =	sshll.u32 s6, $0x1;
	s3 =	sadd.s32 s4, s19  }
0x9c: {  	s7 =	simm.s32 $0x0;
	s20 =	sshll.u32 s5, $0x1;
	s5 =	sadd.s32 s21, s3  }
0x9d: {  	[timem:s7], [sflag:s22] =	dma.local [hbm:s5], s20  }
0x9e: {  	_ =	swait.ge [sflag:s22], s20  }
0x9f: {  	s4 =	ssub.s32 $0x0, s20;
	[sflag:s22] =	ssyncset.done $0x0  }
0xa0: {  	[sflag:s22] =	ssyncadd.s32 s4;
	_ =	sdelay $0x1  }
0xa1: {  	s23 =	simm.s32 $0x1B8B  }
0xa2: {  	_ =	swait.ge [sflag:s23], $0x1  }
0xa3: {  	[sflag:s23] =	ssyncset.done $0x0  }
0xa4: {  	s25 =	simm.s32 $0x1B8E;
	s24 =	sld [smem:$0x3FFE];
	[sflag:s23] =	ssyncadd.s32 $0xFFFFFFFF  }
0xa5: {  	s26 =	simm.s32 $execute0_lowered;
	[smem:$0x3FD2] =	sst s25  }
0xa6: {  	s5 =	sshll.u32 s26, $0x1;
	_ =	strace $0x80000046;
	[dreg:$0x1] =	wrdreg $0xFFFFFFFF  }
0xa7: {  	s28 =	simm.s32 $_size_execute0_lowered;
	s3 =	sadd.s32 s3, s5;
	[dreg:$0x0] =	wrdreg $0x0  }
0xa8: {  	s5 =	sshll.u32 s28, $0x1;
	[dreg:$0x2] =	wrdreg s3  }
0xa9: {  	[dreg:$0x3] =	wrdreg s5  }
0xaa: {  	[dreg:$0x4] =	wrdreg $0xC0  }
0xab: {  	_ =	task [dreg:s7], $0x5FFFF  }
0xac: {  	[dreg:$0x1] =	wrdreg $0xFFFFFFFF  }
0xad: {  	[dreg:$0x0] =	wrdreg $0x60  }
0xae: {  	[dreg:$0x2] =	wrdreg s2  }
0xaf: {  	[dreg:$0x3] =	wrdreg s24  }
0xb0: {  	[dreg:$0x4] =	wrdreg $0x9  }
0xb1: {  	_ =	task.clear_ibuf [dreg:s7], $0x5FFFF;
	_ =	strace $0x90000046  }
0xb2: {  	s29 =	simm.s32 $0x9;
	_ =	strace $0x80000048  }
0xb3: {  	_ =	swait.ge [sflag:s29], $0x1  }
0xb4: {  	[sflag:s29] =	ssyncadd.s32 $0xFFFFFFFF  }
0xb5: {  	_ =	strace $0x90000048  }
0xb6: {  	_ =	sfence  }
0xb7: {  	s30 =	sld [smem:$0x0];
	_ =	sdelay $0x2  }
0xb8: {  	s31 =	sshll.u32 s1, $0xD;
	s1 =	sshrl.u32 s1, $0x2  }
0xb9: {  	s3 =	sand.u32 $0x4000, s31;
	s1 =	sadd.s32 s1, s30  }
0xba: {  	s0 =	sor.u32 s3, s0;
	s1 =	sshll.u32 s1, $0x11  }
0xbb: {  	s0 =	sor.u32 s1, s0  }
0xbc: {  	s0 =	sadd.s32 $0x8F2B, s0  }
0xbd: {  	[sflag:s0] =	ssyncadd.remote.s32 $0x1  }
0xbe: {  	_ =	sfence.sel $0xFFFF  }
0xbf: {  	[dreg:$0x0] =	wrdreg $0xFFFFFFFF;
	(pc) =	sbr.abs _section_cstart, $3  }
0xc0: {  	[dreg:$0x1] =	wrdreg $0xFFFFFFFF  }
0xc1: {  	_ =	task.clear_ibuf [dreg:s7], $0x2FFFF;
	_ =	strace $0x9FFFFFFF  }
0xc2: {  	(tm) =	ssettm $0x7FFFFFFF  }
0xc3: {  	_ =	shalt  }
tec
execute0_lowered:
.L_overlay_start_1:
0x0: {  	(tag) =	ssettag $0x1  }
0x1: {  	s2 =	rddreg [dreg:$0x0];
	s1 =	srdreg.scid  }
0x2: {  	s0 =	stileid.u32;
	s5 =	rddreg [dreg:$0x1]  }
0x3: {  	s3 =	simm.s32 $0x0;
	s10 =	sand.u32 $0x1, s1;
	s1 =	rddreg [dreg:$0x2]  }
0x4: {  	s4 =	sshll.u32 s0, $0x1;
	[smem:$0x7FF] =	sst s3;
	s13 =	smul.u32 $0x9EE, s0  }
0x5: {  	s14 =	sor.u32 s10, s4;
	s6 =	ssub.s32 $0x2, s10;
	_ =	strace $0x80000047  }
0x6: {  	s4 =	sadd.s32 $0x2A00, s5;
	s5 =	sadd.s32 $0x4400, s5;
	s21 =	smul.u32 $0x4F7, s10  }
0x7: {  	s11 =	smul.u32 $0x4F7, s14;
	s7 =	sshrl.u32 s6, $0x1;
	p6 =	seq.s32 s14, $0x1F  }
0x8: {  	s14 =	simm.s32 $0x2;
	s6 =	ssub.s32 s6, s7;
	s13 =	sadd.s32 s21, s13  }
0x9: {  	s15 =	sadd.s32 $0x4F1, s11;
	s6 =	smax.u32 s6, $0x1;
	s16 =	sadd.s32 $0x4F2, s11  }
0xa: {  	s17 =	sadd.s32 $0x4F3, s11;
	s18 =	sadd.s32 $0x4F4, s11;
	s19 =	sadd.s32 $0x4F5, s11  }
0xb: {  	s20 =	sadd.s32 $0x4F6, s11;
	s29 =	sshll.u32 s15, $0x7;
	s8 =	sshll.u32 s16, $0x7  }
0xc: {  	s9 =	sshll.u32 s17, $0x7;
	s12 =	sshll.u32 s18, $0x7;
	s30 =	sshll.u32 s19, $0x7  }
0xd: {  	s31 =	sshll.u32 s20, $0x7;
	p0 =	sgt.u32 s15, $0x9ED7;
	p3 =	sgt.u32 s18, $0x9ED7  }
0xe: {  	p4 =	sgt.u32 s19, $0x9ED7;
	p5 =	sgt.u32 s20, $0x9ED7;
	s15 =	simm.s32 @!p0 $0x0  }
0xf: {  	s7 =	sadd.s32 s5, s29;
	s15 =	simm.s32 @p0 $0x1;
	p0 =	sgt.u32 s16, $0x9ED7  }
.Ltmp0:
0x10: {  	[smem:$0x7FB] =	sst s15;
	s15 =	simm.s32 @!p0 $0x0;
	(pc) =	sbr.rel .LBB2_1-.Ltmp0, $4  }
0x11: {  	s8 =	sadd.s32 s5, s8;
	s15 =	simm.s32 @p0 $0x1;
	p0 =	sgt.u32 s17, $0x9ED7  }
0x12: {  	s9 =	sadd.s32 s5, s9;
	[smem:$0x7FC] =	sst s15;
	s15 =	simm.s32 @!p0 $0x0  }
0x13: {  	s10 =	sadd.s32 s5, s12;
	s11 =	sadd.s32 s5, s30;
	s15 =	simm.s32 @p0 $0x1  }
0x14: {  	s12 =	sadd.s32 s5, s31;
	[smem:$0x7FD] =	sst s15;
	s15 =	simm.s32 $0x0  }
.LBB2_8:
0x15: {  	s16 =	sld [smem:$0x7FB];
	_ =	sdelay $0x2  }
0x16: {  	p0 =	seq.s32 s16, $0x1  }
0x17: {  	s16 =	simm.s32 @!p0 $0x1  }
0x18: {  	_ =	swait.ge @!p0 [sflag:s16], $0x400  }
0x19: {  	[sflag:s16] =	ssyncset.done @!p0 $0x0;
	s30 =	sld [smem:$0x7FC]  }
0x1a: {  	s17 =	simm.s32 @!p0 $0x1400;
	[sflag:s16] =	ssyncadd.s32 @!p0 $0xFFFFFC00;
	s16 =	simm.s32 @!p0 $0x0  }
0x1b: {  	[hbm4b:s7+s16] =	stream.linear.scatter @!p0 [tilespmem:s17], [sflag:$0x2], $0x400, $0x38;
	[tilespmem:$0x3000] =	vst v63  }
0x1c: {  	p0 =	seq.s32 s30, $0x1  }
0x1d: {  	s16 =	simm.s32 @!p0 $0x1  }
0x1e: {  	_ =	swait.ge @!p0 [sflag:s16], $0x400  }
0x1f: {  	[sflag:s16] =	ssyncset.done @!p0 $0x0;
	s31 =	sld [smem:$0x7FD]  }
0x20: {  	s17 =	simm.s32 @!p0 $0x1800;
	[sflag:s16] =	ssyncadd.s32 @!p0 $0xFFFFFC00;
	s16 =	simm.s32 @!p0 $0x0  }
0x21: {  	[hbm4b:s8+s16] =	stream.linear.scatter @!p0 [tilespmem:s17], [sflag:$0x2], $0x400, $0x38;
	[tilespmem:$0x3000] =	vst v63  }
0x22: {  	p0 =	seq.s32 s31, $0x1  }
0x23: {  	s16 =	simm.s32 @!p0 $0x1  }
0x24: {  	_ =	swait.ge @!p0 [sflag:s16], $0x400  }
0x25: {  	[sflag:s16] =	ssyncset.done @!p0 $0x0  }
0x26: {  	s17 =	simm.s32 @!p0 $0x1C00;
	[sflag:s16] =	ssyncadd.s32 @!p0 $0xFFFFFC00;
	s16 =	simm.s32 @!p0 $0x0  }
0x27: {  	[hbm4b:s9+s16] =	stream.linear.scatter @!p0 [tilespmem:s17], [sflag:$0x2], $0x400, $0x38;
	[tilespmem:$0x3000] =	vst v63  }
0x28: {  	s16 =	simm.s32 @!p3 $0x1  }
0x29: {  	_ =	swait.ge @!p3 [sflag:s16], $0x400  }
0x2a: {  	[sflag:s16] =	ssyncset.done @!p3 $0x0  }
0x2b: {  	s17 =	simm.s32 @!p3 $0x2000;
	[sflag:s16] =	ssyncadd.s32 @!p3 $0xFFFFFC00;
	s16 =	simm.s32 @!p3 $0x0  }
0x2c: {  	[hbm4b:s10+s16] =	stream.linear.scatter @!p3 [tilespmem:s17], [sflag:$0x2], $0x400, $0x38;
	[tilespmem:$0x3000] =	vst v63  }
0x2d: {  	s16 =	simm.s32 @!p4 $0x1  }
0x2e: {  	_ =	swait.ge @!p4 [sflag:s16], $0x400  }
0x2f: {  	[sflag:s16] =	ssyncset.done @!p4 $0x0  }
0x30: {  	s17 =	simm.s32 @!p4 $0x2400;
	[sflag:s16] =	ssyncadd.s32 @!p4 $0xFFFFFC00;
	s16 =	simm.s32 @!p4 $0x0  }
0x31: {  	[hbm4b:s11+s16] =	stream.linear.scatter @!p4 [tilespmem:s17], [sflag:$0x2], $0x400, $0x38;
	[tilespmem:$0x3000] =	vst v63  }
0x32: {  	s16 =	simm.s32 @!p5 $0x1  }
0x33: {  	_ =	swait.ge @!p5 [sflag:s16], $0x400  }
0x34: {  	[sflag:s16] =	ssyncset.done @!p5 $0x0  }
0x35: {  	s17 =	simm.s32 @!p5 $0x2800;
	[sflag:s16] =	ssyncadd.s32 @!p5 $0xFFFFFC00;
	s16 =	simm.s32 @!p5 $0x0  }
0x36: {  	[hbm4b:s12+s16] =	stream.linear.scatter @!p5 [tilespmem:s17], [sflag:$0x2], $0x400, $0x38;
	[tilespmem:$0x3000] =	vst v63  }
0x37: {  	_ =	swait.ge [sflag:s14], $0x400  }
0x38: {  	[sflag:s14] =	ssyncset.done $0x0  }
0x39: {  	[sflag:s14] =	ssyncadd.s32 $0xFFFFFC00  }
0x3a: {  	_ =	swait.ge [sflag:s14], $0x400  }
0x3b: {  	[sflag:s14] =	ssyncset.done $0x0  }
0x3c: {  	[sflag:s14] =	ssyncadd.s32 $0xFFFFFC00  }
0x3d: {  	_ =	swait.ge [sflag:s14], $0x400  }
0x3e: {  	[sflag:s14] =	ssyncset.done $0x0  }
0x3f: {  	[sflag:s14] =	ssyncadd.s32 $0xFFFFFC00  }
0x40: {  	_ =	swait.ge [sflag:s14], $0x400  }
0x41: {  	[sflag:s14] =	ssyncset.done $0x0  }
0x42: {  	s16 =	simm.s32 @!p6 $0x2;
	[sflag:s14] =	ssyncadd.s32 $0xFFFFFC00  }
0x43: {  	_ =	swait.ge @!p6 [sflag:s16], $0x400  }
0x44: {  	[sflag:s16] =	ssyncset.done @!p6 $0x0  }
0x45: {  	[sflag:s16] =	ssyncadd.s32 @!p6 $0xFFFFFC00  }
0x46: {  	_ =	swait.ge @!p6 [sflag:s16], $0x400  }
0x47: {  	[sflag:s16] =	ssyncset.done @!p6 $0x0  }
0x48: {  	[sflag:s16] =	ssyncadd.s32 @!p6 $0xFFFFFC00  }
0x49: {  	_ =	swait.ge @!p6 [sflag:s16], $0x400  }
0x4a: {  	[sflag:s16] =	ssyncset.done @!p6 $0x0  }
0x4b: {  	[sflag:s16] =	ssyncadd.s32 @!p6 $0xFFFFFC00  }
0x4c: {  	_ =	swait.ge @!p6 [sflag:s16], $0x400  }
0x4d: {  	[sflag:s16] =	ssyncset.done @!p6 $0x0  }
0x4e: {  	[sflag:s16] =	ssyncadd.s32 @!p6 $0xFFFFFC00  }
0x4f: {  	_ =	swait.ge @!p6 [sflag:s16], $0x400  }
0x50: {  	[sflag:s16] =	ssyncset.done @!p6 $0x0  }
0x51: {  	[sflag:s16] =	ssyncadd.s32 @!p6 $0xFFFFFC00  }
0x52: {  	_ =	swait.ge @!p6 [sflag:s16], $0x400  }
0x53: {  	[sflag:s16] =	ssyncset.done @!p6 $0x0  }
0x54: {  	s15 =	sadd.s32 $0x1, s15;
	[sflag:s16] =	ssyncadd.s32 @!p6 $0xFFFFFC00  }
0x55: {  	p0 =	sne.s32 s15, s6;
	_ =	swait.ge @!p6 [sflag:s16], $0x400  }
.Ltmp1:
0x56: {  	[sflag:s16] =	ssyncset.done @!p6 $0x0;
	(pc) =	sbr.rel @!p0 .LBB2_9-.Ltmp1, $4  }
0x57: {  	[sflag:s16] =	ssyncadd.s32 @!p6 $0xFFFFFC00  }
0x58: {  	_ =	swait.ge @!p6 [sflag:s16], $0x400  }
0x59: {  	[sflag:s16] =	ssyncset.done @!p6 $0x0  }
0x5a: {  	[sflag:s16] =	ssyncadd.s32 @!p6 $0xFFFFFC00  }
.LBB2_1:
.Ltmp2:
0x5b: {  	(pc) =	sbr.rel .LBB2_2-.Ltmp2, $2  }
0x5c: {  	_ =	sdelay $0x2  }
0x5d: {  	s16 =	simm.s32 $0x0  }
.LBB2_3:
0x5e: {  	s17 =	smul.u32 $0xA79D, s17;
	_ =	sdelay $0x1  }
0x5f: {  	s17 =	sshrl.u32 s17, $0x1A  }
0x60: {  	p0 =	sgt.u32 s18, $0x30D;
	s18 =	simm.s32 $0xC3800;
	s17 =	smul.u32 $0x187000, s17  }
0x61: {  	s18 =	simm.s32 @!p0 $0x0  }
0x62: {  	s31 =	sshll.u32 s19, $0xA;
	s17 =	sadd.s32 s18, s17  }
0x63: {  	s17 =	sadd.s32 s31, s17  }
0x64: {  	s17 =	sshrl.u32 s17, $0x3  }
0x65: {  	s17 =	sadd.s32 s2, s17  }
.LBB2_6:
0x66: {  	s18 =	sand.u32 $0xFFFF, s16  }
0x67: {  	s18 =	smul.u32 $0xAAAB, s18;
	_ =	sdelay $0x1  }
0x68: {  	s18 =	sshrl.u32 s18, $0x11  }
0x69: {  	s18 =	sand.u32 $0xC, s18  }
0x6a: {  	s18 =	sadd.s32 s18, s16  }
0x6b: {  	s18 =	sshll.u32 s18, $0xA  }
0x6c: {  	s18 =	sand.u32 $0x3C00, s18  }
0x6d: {  	[tilespmem:s18], [sflag:$0x1] =	stream.linear.gather [hbm4b:s17+s3], $0x400, $0x38;
	[tilespmem:$0x3000] =	vst v63  }
.LBB2_7:
0x6e: {  	p0 =	slt.u32 s16, $0x6  }
0x6f: {  	s17 =	sadd.s32 @!p0 $0xFFFFFFFA, s16  }
0x70: {  	s18 =	sadd.s32 @!p0 s13, s17  }
0x71: {  	p1 =	sgt.u32 @!p0 s18, $0x9ED7  }
0x72: {  	p0 =	por p1, p0  }
0x73: {  	s19 =	sand.u32 @!p0 $0xFFFF, s17  }
0x74: {  	s19 =	smul.u32 @!p0 $0xAAAB, s19;
	_ =	sdelay $0x1  }
0x75: {  	s19 =	sshrl.u32 @!p0 s19, $0x11  }
0x76: {  	s16 =	sadd.s32 $0x1, s16;
	s20 =	simm.s32 @!p0 $0x1;
	s19 =	sand.u32 @!p0 $0xC, s19  }
0x77: {  	s18 =	sshll.u32 @!p0 s18, $0x7;
	_ =	swait.ge @!p0 [sflag:s20], $0x400;
	s17 =	sadd.s32 @!p0 s19, s17  }
0x78: {  	s18 =	sadd.s32 @!p0 s5, s18;
	[sflag:s20] =	ssyncset.done @!p0 $0x0;
	s17 =	sshll.u32 @!p0 s17, $0xA  }
0x79: {  	[sflag:s20] =	ssyncadd.s32 @!p0 $0xFFFFFC00;
	s19 =	simm.s32 @!p0 $0x0;
	s17 =	sand.u32 @!p0 $0x3C00, s17  }
0x7a: {  	[hbm4b:s18+s19] =	stream.linear.scatter @!p0 [tilespmem:s17], [sflag:$0x2], $0x400, $0x38;
	[tilespmem:$0x3000] =	vst v63  }
0x7b: {  	p0 =	sne.s32 s16, $0x4F7  }
.Ltmp3:
0x7c: {  	_ = 	snop;
	(pc) =	sbr.rel @!p0 .LBB2_8-.Ltmp3, $1  }
0x7d: {  	_ =	sdelay $0x3  }
.LBB2_2:
0x7e: {  	s17 =	sadd.s32 s16, s13  }
0x7f: {  	s18 =	smulhi.u32 $0xA79C7B17, s17;
	_ =	sdelay $0x1  }
0x80: {  	s18 =	sshrl.u32 s18, $0xA  }
0x81: {  	s18 =	smul.u32 $0x61C, s18;
	_ =	sdelay $0x1  }
0x82: {  	s18 =	ssub.s32 s17, s18  }
0x83: {  	s19 =	sadd.s32 $0xFFFFFCF2, s18  }
0x84: {  	p0 =	sgt.u32 s17, $0x9ED7;
	s19 =	smin.u32 s18, s19  }
0x85: {  	p2 =	sgt.u32 @!p0 s19, $0x30C  }
0x86: {  	p2 =	por p0, p2  }
.Ltmp4:
0x87: {  	p1 =	slt.u32 s16, $0xC;
	(pc) =	sbr.rel @!p2 .LBB2_3-.Ltmp4, $4  }
0x88: {  	s20 =	simm.s32 @!p1 $0x2  }
0x89: {  	_ =	swait.ge @!p1 [sflag:s20], $0x400  }
0x8a: {  	[sflag:s20] =	ssyncset.done @!p1 $0x0  }
0x8b: {  	[sflag:s20] =	ssyncadd.s32 @!p1 $0xFFFFFC00  }
0x8c: {  	p1 =	sne.s32 @!p0 s19, $0x30D  }
0x8d: {  	p0 =	por p0, p1  }
.Ltmp5:
0x8e: {  	_ = 	snop;
	(pc) =	sbr.rel @p0 .LBB2_7-.Ltmp5, $1  }
0x8f: {  	_ =	sdelay $0x3  }
0x90: {  	s17 =	smul.u32 $0xA79D, s17  }
.Ltmp6:
0x91: {  	_ = 	snop;
	(pc) =	sbr.rel .LBB2_6-.Ltmp6, $4  }
0x92: {  	p0 =	sgt.u32 s18, $0x30D;
	s18 =	simm.s32 $0x80  }
0x93: {  	s18 =	simm.s32 @!p0 $0x0;
	s17 =	sshrl.u32 s17, $0x12  }
0x94: {  	s18 =	sadd.s32 s4, s18;
	s17 =	sand.u32 $0x3F00, s17  }
0x95: {  	s17 =	sadd.s32 s17, s18  }
.LBB2_9:
0x96: {  	_ =	sfence.sel $0x180000  }
0x97: {  	[bflag:$0x0] =	sbarrier.arrive $0xFFFF  }
0x98: {  	p0 =	sne.s32 s0, $0x0;
	_ =	strace $0x90000047  }
0x99: {  	s0 =	sadd.s32 @!p0 $0x100000, s1;
	[bflag:$0x2] =	sbarrier.arrive $0xFFFF  }
0x9a: {  	[sflag:s0] =	ssyncadd.tile.s32 @!p0 $0x1;
	_ =	shalt  }
.Lfunc_end2:
_tile_overlayer_lowered:
.L_overlay_start_2:
0x9b: {  	(tag) =	ssettag $0x2  }
0x9c: {  	s0 =	rddreg [dreg:$0x0];
	s2 =	stileid.u32  }
0x9d: {  	s1 =	rddreg [dreg:$0x1];
	p0 =	sne.s32 s2, $0x0  }
0x9e: {  	s3 =	rddreg [dreg:$0x2];
	[bflag:$0x3] =	sbarrier.arrive $0xFFFF;
	s2 =	simm.s32 @!p0 $0x1C03  }
0x9f: {  	[timem:s3], [sflag:s2] =	dma.local @!p0 [hbm:s0], s1  }
0xa0: {  	s0 =	simm.s32 @!p0 $0x3  }
0xa1: {  	_ =	swait.ge @!p0 [sflag:s0], s1  }
0xa2: {  	s1 =	ssub.s32 @!p0 $0x0, s1;
	[sflag:s0] =	ssyncset.done @!p0 $0x0  }
0xa3: {  	[sflag:s0] =	ssyncadd.s32 @!p0 s1  }
0xa4: {  	[bflag:$0x3] =	sbarrier.arrive $0xFFFF  }
0xa5: {  	_ =	shalt  }

// kernel: kernel.8.cloned.1.call-start
scs
__scs_entry_jumppad:
0x0: {  	(pc) =	sbr.rel $0x88, $3  }
0x1: {  	(tag) =	ssettag $0x0;
	lr =	simm.s32 $0x1  }
0x2: {  	[smem:$0x3F8E] =	sst lr;
	_ =	strace $0xD0000000  }
0x3: {  	_ = 	snop  }
0x4: {  	_ = 	snop  }
0x5: {  	_ = 	snop  }
0x6: {  	_ = 	snop  }
0x7: {  	_ = 	snop  }
__scs_overlays_trampoline_lowered:
0x8: {  	[smem:$0x3F9D] =	sst s0  }
0x9: {  	[smem:$0x3F9E] =	sst s1  }
0xa: {  	[smem:$0x3F9F] =	sst s2  }
0xb: {  	[smem:$0x3FA0] =	sst s3  }
0xc: {  	[smem:$0x3FA1] =	sst s4  }
0xd: {  	[smem:$0x3FA2] =	sst s5  }
0xe: {  	[smem:$0x3FA3] =	sst s6  }
0xf: {  	[smem:$0x3FA4] =	sst s7  }
0x10: {  	[smem:$0x3FA5] =	sst s8  }
0x11: {  	[smem:$0x3FA6] =	sst s9;
	s0 =	simm.s32 @!p0 $0x0  }
0x12: {  	s1 =	sld [smem:$0x3F8C];
	s0 =	simm.s32 @p0 $0x1  }
0x13: {  	[smem:$0x3FA7] =	sst s0;
	s0 =	simm.s32 @!p1 $0x0  }
0x14: {  	s2 =	sld [smem:$0x3F8B];
	s0 =	simm.s32 @p1 $0x1  }
0x15: {  	[smem:$0x3FA8] =	sst s0;
	s0 =	simm.s32 @!p2 $0x0  }
0x16: {  	s3 =	sld [smem:$0x3FDB];
	s0 =	simm.s32 @p2 $0x1  }
0x17: {  	s4 =	simm.s32 $0x1BF5;
	[smem:$0x3FAA] =	sst s0  }
0x18: {  	s0 =	sld [smem:$0x3F8D];
	_ =	swait.ge [sflag:s4], $0x0  }
0x19: {  	s7 =	sld [smem:$0x3F8E]  }
0x1a: {  	s8 =	sadd.s32 $0xFFFFE003, lr  }
0x1b: {  	s9 =	sadd.s32 $0xFFFFFEF7, lr;
	s5 =	simm.s32 $0xFFFFFFFF;
	p2 =	slt.u32 s8, $0xFFFFF086  }
0x1c: {  	p1 =	slt.u32 s9, $0xF7A;
	s5 =	simm.s32 @!p2 $0x0  }
0x1d: {  	s5 =	simm.s32 @p1 $0x1;
	p0 =	seq.s32 s7, s2  }
0x1e: {  	s7 =	smul.u32 @!p0 $0xF7A, s2;
	p2 =	seq.s32 @!p0 s5, $0x0  }
0x1f: {  	s9 =	smul.u32 $0xF7A, s1;
	s8 =	simm.s32 @!p0 $0x1BF5;
	p2 =	por !p2, p0  }
0x20: {  	[sflag:s8] =	ssyncset.s32 @!p0 $0xFFFFF086;
	s6 =	sadd.s32 @!p0 s3, s7;
	s7 =	simm.s32 @!p0 $0x108  }
0x21: {  	s3 =	sadd.s32 s3, s9;
	s6 =	sadd.s32 @!p0 $0x88, s6;
	s7 =	simm.s32 @p2 $0x1082  }
0x22: {  	[simem:s7], [sflag:s8] =	dma.local @!p0 [hbm:s6], $0xF7A  }
0x23: {  	s9 =	sor.u32 $0xD0000000, s2;
	s6 =	simm.s32 $0x108;
	_ =	swait.ge @!p0 [sflag:s8], $0x0  }
0x24: {  	s3 =	sadd.s32 $0x88, s3;
	s6 =	simm.s32 @!p1 $0x1082;
	[sflag:s4] =	ssyncset.s32 $0xFFFFF086  }
0x25: {  	[simem:s6], [sflag:s4] =	dma.local [hbm:s3], $0xF7A  }
0x26: {  	[smem:$0x3F8E] =	sst s1;
	(tag) =	ssettag s2;
	_ =	strace s9  }
0x27: {  	s1 =	sld [smem:$0x3F9E]  }
0x28: {  	s2 =	sld [smem:$0x3F9F]  }
0x29: {  	s4 =	sld [smem:$0x3FA1]  }
0x2a: {  	p0 =	seq.s32 s5, $0x0;
	s5 =	sld [smem:$0x3FA2]  }
0x2b: {  	s6 =	sld [smem:$0x3FA3]  }
0x2c: {  	s7 =	sld [smem:$0x3FA4]  }
0x2d: {  	s3 =	simm.s32 $0x108;
	s8 =	sld [smem:$0x3FA5]  }
0x2e: {  	s3 =	simm.s32 @!p0 $0x1082;
	s9 =	sld [smem:$0x3FA6]  }
0x2f: {  	lr =	sadd.s32 s0, s3;
	s0 =	sld [smem:$0x3F9D]  }
0x30: {  	s3 =	sld [smem:$0x3FA0]  }
0x31: {  	[smem:$0x3FA9] =	sst s10  }
0x32: {  	s10 =	sld [smem:$0x3FA7];
	_ =	sdelay $0x3  }
0x33: {  	p0 =	seq.s32 s10, $0x1;
	s10 =	sld [smem:$0x3FA9];
	_ =	sdelay $0x3  }
0x34: {  	[smem:$0x3FA9] =	sst s10  }
0x35: {  	s10 =	sld [smem:$0x3FA8];
	_ =	sdelay $0x3  }
0x36: {  	p1 =	seq.s32 s10, $0x1;
	s10 =	sld [smem:$0x3FA9];
	_ =	sdelay $0x3  }
0x37: {  	[smem:$0x3FA9] =	sst s10  }
0x38: {  	s10 =	sld [smem:$0x3FAA]  }
0x39: {  	_ = 	snop;
	(pc) =	sbr.ind lr, $3  }
0x3a: {  	_ = 	snop  }
0x3b: {  	_ = 	snop  }
0x3c: {  	p2 =	seq.s32 s10, $0x1;
	s10 =	sld [smem:$0x3FA9]  }
0x3d: {  	_ =	shalt  }
0x3e: {  	_ =	shalt  }
0x3f: {  	_ =	shalt  }
0x40: {  	_ =	shalt  }
0x41: {  	_ =	shalt  }
0x42: {  	_ =	shalt  }
0x43: {  	_ =	shalt  }
0x44: {  	_ =	shalt  }
0x45: {  	_ =	shalt  }
0x46: {  	_ =	shalt  }
0x47: {  	_ =	shalt  }
0x48: {  	_ =	shalt  }
0x49: {  	_ =	shalt  }
0x4a: {  	_ =	shalt  }
0x4b: {  	_ =	shalt  }
0x4c: {  	_ =	shalt  }
0x4d: {  	_ =	shalt  }
0x4e: {  	_ =	shalt  }
0x4f: {  	_ =	shalt  }
0x50: {  	_ =	shalt  }
0x51: {  	_ =	shalt  }
0x52: {  	_ =	shalt  }
0x53: {  	_ =	shalt  }
0x54: {  	_ =	shalt  }
0x55: {  	_ =	shalt  }
0x56: {  	_ =	shalt  }
0x57: {  	_ =	shalt  }
0x58: {  	_ =	shalt  }
0x59: {  	_ =	shalt  }
0x5a: {  	_ =	shalt  }
0x5b: {  	_ =	shalt  }
0x5c: {  	_ =	shalt  }
0x5d: {  	_ =	shalt  }
0x5e: {  	_ =	shalt  }
0x5f: {  	_ =	shalt  }
0x60: {  	_ =	shalt  }
0x61: {  	_ =	shalt  }
0x62: {  	_ =	shalt  }
0x63: {  	_ =	shalt  }
0x64: {  	_ =	shalt  }
0x65: {  	_ =	shalt  }
0x66: {  	_ =	shalt  }
0x67: {  	_ =	shalt  }
0x68: {  	_ =	shalt  }
0x69: {  	_ =	shalt  }
0x6a: {  	_ =	shalt  }
0x6b: {  	_ =	shalt  }
0x6c: {  	_ =	shalt  }
0x6d: {  	_ =	shalt  }
0x6e: {  	_ =	shalt  }
0x6f: {  	_ =	shalt  }
0x70: {  	_ =	shalt  }
0x71: {  	_ =	shalt  }
0x72: {  	_ =	shalt  }
0x73: {  	_ =	shalt  }
0x74: {  	_ =	shalt  }
0x75: {  	_ =	shalt  }
0x76: {  	_ =	shalt  }
0x77: {  	_ =	shalt  }
0x78: {  	_ =	shalt  }
0x79: {  	_ =	shalt  }
0x7a: {  	_ =	shalt  }
0x7b: {  	_ =	shalt  }
0x7c: {  	_ =	shalt  }
0x7d: {  	_ =	shalt  }
0x7e: {  	_ =	shalt  }
0x7f: {  	_ =	shalt  }
0x80: {  	_ =	shalt  }
0x81: {  	_ =	shalt  }
0x82: {  	_ =	shalt  }
0x83: {  	_ =	shalt  }
0x84: {  	_ =	shalt  }
0x85: {  	_ =	shalt  }
0x86: {  	_ =	shalt  }
0x87: {  	_ =	shalt  }
.Lfunc_end0:
.L_simem_size_0:
called_computation.1_lowered:
.L_overlay_start_0:
0x88: {  	s2 =	sld [smem:$0x3FD9]  }
0x89: {  	s3 =	sld [smem:$0x3FFE];
	_ =	sdelay $0x1  }
0x8a: {  	s1 =	srdreg.scid  }
0x8b: {  	s0 =	sand.u32 $0x1, s1  }
0x8c: {  	s17 =	sshll.u32 s0, $0xA;
	s2 =	sadd.s32 s3, s2  }
0x8d: {  	s2 =	sadd.s32 s2, s17  }
0x8e: {  	[smem:$0x3FB5] =	sst s2  }
0x8f: {  	_ = 	snop  }
0x90: {  	s2 =	sld [smem:$0x3FD0];
	(tm) =	ssettm $0x1  }
0x91: {  	s18 =	sld [smem:$0x3FFB];
	_ =	sdelay $0x3  }
0x92: {  	_ =	strace s18  }
0x93: {  	s3 =	sld [smem:$0x3FFC];
	_ =	sdelay $0x3  }
0x94: {  	_ =	strace s3  }
0x95: {  	s3 =	sld [smem:$0x3FFD];
	_ =	sdelay $0x3  }
0x96: {  	_ =	strace s3  }
0x97: {  	_ =	strace $0x8FFFFFFF  }
0x98: {  	s19 =	sld [smem:$0x3FDB];
	_ =	sdelay $0x1  }
0x99: {  	s4 =	simm.s32 $_scs_section_size  }
0x9a: {  	s5 =	simm.s32 $_size__tile_overlayer_lowered;
	s6 =	simm.s32 $_tile_overlayer_lowered  }
0x9b: {  	s22 =	simm.s32 $0x1BFF;
	s21 =	sshll.u32 s6, $0x1;
	s3 =	sadd.s32 s4, s19  }
0x9c: {  	s7 =	simm.s32 $0x0;
	s20 =	sshll.u32 s5, $0x1;
	s5 =	sadd.s32 s21, s3  }
0x9d: {  	[timem:s7], [sflag:s22] =	dma.local [hbm:s5], s20  }
0x9e: {  	_ =	swait.ge [sflag:s22], s20  }
0x9f: {  	s4 =	ssub.s32 $0x0, s20;
	[sflag:s22] =	ssyncset.done $0x0  }
0xa0: {  	[sflag:s22] =	ssyncadd.s32 s4;
	_ =	sdelay $0x1  }
0xa1: {  	s23 =	simm.s32 $0x1B8B  }
0xa2: {  	_ =	swait.ge [sflag:s23], $0x1  }
0xa3: {  	[sflag:s23] =	ssyncset.done $0x0  }
0xa4: {  	s25 =	simm.s32 $0x1B8E;
	s24 =	sld [smem:$0x3FFE];
	[sflag:s23] =	ssyncadd.s32 $0xFFFFFFFF  }
0xa5: {  	s26 =	simm.s32 $execute0_lowered;
	[smem:$0x3FD2] =	sst s25  }
0xa6: {  	s5 =	sshll.u32 s26, $0x1;
	_ =	strace $0x80000049;
	[dreg:$0x1] =	wrdreg $0xFFFFFFFF  }
0xa7: {  	s28 =	simm.s32 $_size_execute0_lowered;
	s3 =	sadd.s32 s3, s5;
	[dreg:$0x0] =	wrdreg $0x0  }
0xa8: {  	s5 =	sshll.u32 s28, $0x1;
	[dreg:$0x2] =	wrdreg s3  }
0xa9: {  	[dreg:$0x3] =	wrdreg s5  }
0xaa: {  	[dreg:$0x4] =	wrdreg $0xC0  }
0xab: {  	_ =	task [dreg:s7], $0x5FFFF  }
0xac: {  	[dreg:$0x1] =	wrdreg $0xFFFFFFFF  }
0xad: {  	[dreg:$0x0] =	wrdreg $0x60  }
0xae: {  	[dreg:$0x2] =	wrdreg s24  }
0xaf: {  	[dreg:$0x3] =	wrdreg s2  }
0xb0: {  	[dreg:$0x4] =	wrdreg $0x9  }
0xb1: {  	_ =	task.clear_ibuf [dreg:s7], $0x5FFFF;
	_ =	strace $0x90000049  }
0xb2: {  	s29 =	simm.s32 $0x9;
	_ =	strace $0x8000004B  }
0xb3: {  	_ =	swait.ge [sflag:s29], $0x1  }
0xb4: {  	[sflag:s29] =	ssyncadd.s32 $0xFFFFFFFF  }
0xb5: {  	_ =	strace $0x9000004B  }
0xb6: {  	_ =	sfence  }
0xb7: {  	s30 =	sld [smem:$0x0];
	_ =	sdelay $0x2  }
0xb8: {  	s31 =	sshll.u32 s1, $0xD;
	s1 =	sshrl.u32 s1, $0x2  }
0xb9: {  	s3 =	sand.u32 $0x4000, s31;
	s1 =	sadd.s32 s1, s30  }
0xba: {  	s0 =	sor.u32 s3, s0;
	s1 =	sshll.u32 s1, $0x11  }
0xbb: {  	s0 =	sor.u32 s1, s0  }
0xbc: {  	s0 =	sadd.s32 $0x8F2B, s0  }
0xbd: {  	[sflag:s0] =	ssyncadd.remote.s32 $0x1  }
0xbe: {  	_ =	sfence.sel $0xFFFF  }
0xbf: {  	[dreg:$0x0] =	wrdreg $0xFFFFFFFF;
	(pc) =	sbr.abs _section_cstart, $3  }
0xc0: {  	[dreg:$0x1] =	wrdreg $0xFFFFFFFF  }
0xc1: {  	_ =	task.clear_ibuf [dreg:s7], $0x2FFFF;
	_ =	strace $0x9FFFFFFF  }
0xc2: {  	(tm) =	ssettm $0x7FFFFFFF  }
0xc3: {  	_ =	shalt  }
tec
execute0_lowered:
.L_overlay_start_1:
0x0: {  	(tag) =	ssettag $0x1  }
0x1: {  	s5 =	rddreg [dreg:$0x0]  }
0x2: {  	s6 =	rddreg [dreg:$0x1]  }
0x3: {  	s0 =	rddreg [dreg:$0x2];
	s3 =	srdreg.scid  }
0x4: {  	s2 =	simm.s32 $0x0;
	s1 =	stileid.u32;
	s10 =	simm.s32 $0x4000  }
0x5: {  	s11 =	simm.s32 $0x6;
	s12 =	simm.s32 $0x5;
	s13 =	simm.s32 $0x4  }
0x6: {  	s14 =	simm.s32 $0x10400;
	s15 =	simm.s32 $0x0;
	s4 =	sand.u32 $0x1, s3  }
0x7: {  	[smem:$0x7FF] =	sst s2;
	s30 =	sshll.u32 s1, $0xA;
	s7 =	sshll.u32 s4, $0x9  }
.Ltmp0:
0x8: {  	s3 =	sadd.s32 $0x4400, s5;
	s7 =	sor.u32 s7, s30;
	(pc) =	sbr.rel .LBB2_1-.Ltmp0, $4  }
0x9: {  	_ =	strace $0x8000004A;
	s8 =	ssub.s32 $0x2, s4;
	s7 =	sshrl.u32 s7, $0x3  }
0xa: {  	s4 =	sadd.s32 $0x4FB000, s5;
	s31 =	sshrl.u32 s8, $0x1;
	s9 =	sadd.s32 s7, s5  }
0xb: {  	s8 =	ssub.s32 s8, s31;
	s6 =	sadd.s32 s6, s7;
	s5 =	sadd.s32 $0x54A600, s9  }
0xc: {  	vm0 =	vmmov $0xffff;
	s7 =	smax.u32 s8, $0x1;
	s8 =	sadd.s32 $0x557600, s9;
	s9 =	simm.s32 $0x200  }
.LBB2_24:
0xd: {  	_ =	swait.ge [sflag:s12], $0x200  }
0xe: {  	[sflag:s12] =	ssyncset.done $0x0  }
0xf: {  	[sflag:s12] =	ssyncadd.s32 $0xFFFFFE00  }
0x10: {  	_ =	swait.ge [sflag:s12], $0x200  }
0x11: {  	[sflag:s12] =	ssyncset.done $0x0  }
0x12: {  	[sflag:s12] =	ssyncadd.s32 $0xFFFFFE00  }
0x13: {  	_ =	swait.ge [sflag:s12], $0x200  }
0x14: {  	[sflag:s12] =	ssyncset.done $0x0  }
0x15: {  	[sflag:s12] =	ssyncadd.s32 $0xFFFFFE00  }
0x16: {  	_ =	swait.ge [sflag:s12], $0x200  }
0x17: {  	[sflag:s12] =	ssyncset.done $0x0  }
0x18: {  	[sflag:s12] =	ssyncadd.s32 $0xFFFFFE00  }
0x19: {  	_ =	swait.ge [sflag:s12], $0x200  }
0x1a: {  	[sflag:s12] =	ssyncset.done $0x0  }
0x1b: {  	[sflag:s12] =	ssyncadd.s32 $0xFFFFFE00  }
0x1c: {  	_ =	swait.ge [sflag:s12], $0x200  }
0x1d: {  	[sflag:s12] =	ssyncset.done $0x0  }
0x1e: {  	[sflag:s12] =	ssyncadd.s32 $0xFFFFFE00  }
0x1f: {  	_ =	swait.ge [sflag:s12], $0x200  }
0x20: {  	[sflag:s12] =	ssyncset.done $0x0  }
0x21: {  	[sflag:s12] =	ssyncadd.s32 $0xFFFFFE00  }
0x22: {  	_ =	swait.ge [sflag:s12], $0x200  }
0x23: {  	[sflag:s12] =	ssyncset.done $0x0  }
0x24: {  	[sflag:s12] =	ssyncadd.s32 $0xFFFFFE00  }
0x25: {  	_ =	swait.ge [sflag:s12], $0x200  }
0x26: {  	[sflag:s12] =	ssyncset.done $0x0  }
0x27: {  	[sflag:s12] =	ssyncadd.s32 $0xFFFFFE00  }
0x28: {  	_ =	swait.ge [sflag:s12], $0x200  }
0x29: {  	[sflag:s12] =	ssyncset.done $0x0  }
0x2a: {  	[sflag:s12] =	ssyncadd.s32 $0xFFFFFE00  }
0x2b: {  	_ =	swait.ge [sflag:s12], $0x200  }
0x2c: {  	[sflag:s12] =	ssyncset.done $0x0  }
0x2d: {  	[sflag:s12] =	ssyncadd.s32 $0xFFFFFE00  }
0x2e: {  	_ =	swait.ge [sflag:s12], $0x200  }
0x2f: {  	[sflag:s12] =	ssyncset.done $0x0  }
0x30: {  	[sflag:s12] =	ssyncadd.s32 $0xFFFFFE00  }
0x31: {  	_ =	swait.ge [sflag:s12], $0x200  }
0x32: {  	[sflag:s12] =	ssyncset.done $0x0  }
0x33: {  	[sflag:s12] =	ssyncadd.s32 $0xFFFFFE00  }
0x34: {  	_ =	swait.ge [sflag:s12], $0x200  }
0x35: {  	[sflag:s12] =	ssyncset.done $0x0  }
0x36: {  	[sflag:s12] =	ssyncadd.s32 $0xFFFFFE00  }
0x37: {  	_ =	swait.ge [sflag:s12], $0x200  }
0x38: {  	[sflag:s12] =	ssyncset.done $0x0  }
0x39: {  	[sflag:s12] =	ssyncadd.s32 $0xFFFFFE00  }
0x3a: {  	_ =	swait.ge [sflag:s12], $0x200  }
0x3b: {  	[sflag:s12] =	ssyncset.done $0x0  }
0x3c: {  	[sflag:s12] =	ssyncadd.s32 $0xFFFFFE00  }
0x3d: {  	_ =	swait.ge [sflag:s12], $0x200  }
0x3e: {  	[sflag:s12] =	ssyncset.done $0x0  }
0x3f: {  	[sflag:s12] =	ssyncadd.s32 $0xFFFFFE00  }
0x40: {  	_ =	swait.ge [sflag:s12], $0x200  }
0x41: {  	[sflag:s12] =	ssyncset.done $0x0  }
0x42: {  	[sflag:s12] =	ssyncadd.s32 $0xFFFFFE00  }
0x43: {  	_ =	swait.ge [sflag:s12], $0x200  }
0x44: {  	[sflag:s12] =	ssyncset.done $0x0  }
0x45: {  	[sflag:s12] =	ssyncadd.s32 $0xFFFFFE00  }
0x46: {  	_ =	swait.ge [sflag:s12], $0x200  }
0x47: {  	[sflag:s12] =	ssyncset.done $0x0  }
0x48: {  	[sflag:s12] =	ssyncadd.s32 $0xFFFFFE00  }
0x49: {  	_ =	swait.ge [sflag:s12], $0x200  }
0x4a: {  	[sflag:s12] =	ssyncset.done $0x0  }
0x4b: {  	[sflag:s12] =	ssyncadd.s32 $0xFFFFFE00  }
0x4c: {  	_ =	swait.ge [sflag:s12], $0x200  }
0x4d: {  	[sflag:s12] =	ssyncset.done $0x0  }
0x4e: {  	[sflag:s12] =	ssyncadd.s32 $0xFFFFFE00  }
0x4f: {  	_ =	swait.ge [sflag:s12], $0x200  }
0x50: {  	[sflag:s12] =	ssyncset.done $0x0  }
0x51: {  	[sflag:s12] =	ssyncadd.s32 $0xFFFFFE00  }
0x52: {  	_ =	swait.ge [sflag:s12], $0x200  }
0x53: {  	[sflag:s12] =	ssyncset.done $0x0  }
0x54: {  	[sflag:s12] =	ssyncadd.s32 $0xFFFFFE00  }
0x55: {  	_ =	swait.ge [sflag:s12], $0x200  }
0x56: {  	[sflag:s12] =	ssyncset.done $0x0  }
0x57: {  	[sflag:s12] =	ssyncadd.s32 $0xFFFFFE00  }
0x58: {  	_ =	swait.ge [sflag:s12], $0x200  }
0x59: {  	[sflag:s12] =	ssyncset.done $0x0  }
0x5a: {  	[sflag:s12] =	ssyncadd.s32 $0xFFFFFE00  }
0x5b: {  	_ =	swait.ge [sflag:s13], $0x200  }
0x5c: {  	[sflag:s13] =	ssyncset.done $0x0  }
0x5d: {  	[sflag:s13] =	ssyncadd.s32 $0xFFFFFE00  }
0x5e: {  	_ =	swait.ge [sflag:s13], $0x200  }
0x5f: {  	[sflag:s13] =	ssyncset.done $0x0  }
0x60: {  	[sflag:s13] =	ssyncadd.s32 $0xFFFFFE00  }
0x61: {  	_ =	swait.ge [sflag:s13], $0x200  }
0x62: {  	[sflag:s13] =	ssyncset.done $0x0  }
0x63: {  	[sflag:s13] =	ssyncadd.s32 $0xFFFFFE00  }
0x64: {  	_ =	swait.ge [sflag:s13], $0x200  }
0x65: {  	[sflag:s13] =	ssyncset.done $0x0  }
0x66: {  	[sflag:s13] =	ssyncadd.s32 $0xFFFFFE00  }
0x67: {  	_ =	swait.ge [sflag:s13], $0x200  }
0x68: {  	[sflag:s13] =	ssyncset.done $0x0  }
0x69: {  	[sflag:s13] =	ssyncadd.s32 $0xFFFFFE00  }
0x6a: {  	_ =	swait.ge [sflag:s13], $0x200  }
0x6b: {  	[sflag:s13] =	ssyncset.done $0x0  }
0x6c: {  	[sflag:s13] =	ssyncadd.s32 $0xFFFFFE00  }
0x6d: {  	_ =	swait.ge [sflag:s13], $0x200  }
0x6e: {  	[sflag:s13] =	ssyncset.done $0x0  }
0x6f: {  	[sflag:s13] =	ssyncadd.s32 $0xFFFFFE00  }
0x70: {  	_ =	swait.ge [sflag:s13], $0x200  }
0x71: {  	[sflag:s13] =	ssyncset.done $0x0  }
0x72: {  	[sflag:s13] =	ssyncadd.s32 $0xFFFFFE00  }
0x73: {  	_ =	swait.ge [sflag:s13], $0x200  }
0x74: {  	[sflag:s13] =	ssyncset.done $0x0  }
0x75: {  	[sflag:s13] =	ssyncadd.s32 $0xFFFFFE00  }
0x76: {  	_ =	swait.ge [sflag:s13], $0x200  }
0x77: {  	[sflag:s13] =	ssyncset.done $0x0  }
0x78: {  	[sflag:s13] =	ssyncadd.s32 $0xFFFFFE00  }
0x79: {  	_ =	swait.ge [sflag:s13], $0x200  }
0x7a: {  	[sflag:s13] =	ssyncset.done $0x0  }
0x7b: {  	[sflag:s13] =	ssyncadd.s32 $0xFFFFFE00  }
0x7c: {  	_ =	swait.ge [sflag:s13], $0x200  }
0x7d: {  	[sflag:s13] =	ssyncset.done $0x0  }
0x7e: {  	[sflag:s13] =	ssyncadd.s32 $0xFFFFFE00  }
0x7f: {  	_ =	swait.ge [sflag:s13], $0x200  }
0x80: {  	[sflag:s13] =	ssyncset.done $0x0  }
0x81: {  	[sflag:s13] =	ssyncadd.s32 $0xFFFFFE00  }
0x82: {  	_ =	swait.ge [sflag:s13], $0x200  }
0x83: {  	[sflag:s13] =	ssyncset.done $0x0  }
0x84: {  	[sflag:s13] =	ssyncadd.s32 $0xFFFFFE00  }
0x85: {  	_ =	swait.ge [sflag:s13], $0x200  }
0x86: {  	[sflag:s13] =	ssyncset.done $0x0  }
0x87: {  	[sflag:s13] =	ssyncadd.s32 $0xFFFFFE00  }
0x88: {  	_ =	swait.ge [sflag:s13], $0x200  }
0x89: {  	[sflag:s13] =	ssyncset.done $0x0  }
0x8a: {  	[sflag:s13] =	ssyncadd.s32 $0xFFFFFE00  }
0x8b: {  	_ =	swait.ge [sflag:s13], $0x200  }
0x8c: {  	[sflag:s13] =	ssyncset.done $0x0  }
0x8d: {  	[sflag:s13] =	ssyncadd.s32 $0xFFFFFE00  }
0x8e: {  	_ =	swait.ge [sflag:s13], $0x200  }
0x8f: {  	[sflag:s13] =	ssyncset.done $0x0  }
0x90: {  	[sflag:s13] =	ssyncadd.s32 $0xFFFFFE00  }
0x91: {  	_ =	swait.ge [sflag:s13], $0x200  }
0x92: {  	[sflag:s13] =	ssyncset.done $0x0  }
0x93: {  	[sflag:s13] =	ssyncadd.s32 $0xFFFFFE00  }
0x94: {  	_ =	swait.ge [sflag:s13], $0x200  }
0x95: {  	[sflag:s13] =	ssyncset.done $0x0  }
0x96: {  	[sflag:s13] =	ssyncadd.s32 $0xFFFFFE00  }
0x97: {  	_ =	swait.ge [sflag:s13], $0x200  }
0x98: {  	[sflag:s13] =	ssyncset.done $0x0  }
0x99: {  	[sflag:s13] =	ssyncadd.s32 $0xFFFFFE00  }
0x9a: {  	_ =	swait.ge [sflag:s13], $0x200  }
0x9b: {  	[sflag:s13] =	ssyncset.done $0x0  }
0x9c: {  	[sflag:s13] =	ssyncadd.s32 $0xFFFFFE00  }
0x9d: {  	_ =	swait.ge [sflag:s13], $0x200  }
0x9e: {  	[sflag:s13] =	ssyncset.done $0x0  }
0x9f: {  	[sflag:s13] =	ssyncadd.s32 $0xFFFFFE00  }
0xa0: {  	_ =	swait.ge [sflag:s13], $0x200  }
0xa1: {  	[sflag:s13] =	ssyncset.done $0x0  }
0xa2: {  	[sflag:s13] =	ssyncadd.s32 $0xFFFFFE00  }
0xa3: {  	_ =	swait.ge [sflag:s13], $0x200  }
0xa4: {  	[sflag:s13] =	ssyncset.done $0x0  }
0xa5: {  	[sflag:s13] =	ssyncadd.s32 $0xFFFFFE00  }
0xa6: {  	_ =	swait.ge [sflag:s13], $0x200  }
0xa7: {  	[sflag:s13] =	ssyncset.done $0x0  }
0xa8: {  	[sflag:s13] =	ssyncadd.s32 $0xFFFFFE00  }
0xa9: {  	v5 =	vld [tilespmem:$0xD000]  }
0xaa: {  	v6 =	vld [tilespmem:$0xD200]  }
0xab: {  	v8 =	vld [tilespmem:$0xD400]  }
0xac: {  	v10 =	vld [tilespmem:$0xD600]  }
0xad: {  	v12 =	vld [tilespmem:$0xD800]  }
0xae: {  	v59 =	vld [tilespmem:$0xDA00]  }
0xaf: {  	v60 =	vld [tilespmem:$0xDC00]  }
0xb0: {  	v16 =	vld [tilespmem:$0xDE00]  }
0xb1: {  	v17 =	vld [tilespmem:$0xE000]  }
0xb2: {  	v54 =	vld [tilespmem:$0xE200]  }
0xb3: {  	v20 =	vld [tilespmem:$0xE400]  }
0xb4: {  	v22 =	vld [tilespmem:$0xE600]  }
0xb5: {  	v24 =	vld [tilespmem:$0xE800]  }
0xb6: {  	v58 =	vld [tilespmem:$0xEA00]  }
0xb7: {  	v39 =	vld [tilespmem:$0xEC00]  }
0xb8: {  	v29 =	vld [tilespmem:$0xEE00]  }
0xb9: {  	v31 =	vld [tilespmem:$0xF000]  }
0xba: {  	v32 =	vld [tilespmem:$0xF200]  }
0xbb: {  	v35 =	vld [tilespmem:$0xF400]  }
0xbc: {  	v37 =	vld [tilespmem:$0xF600]  }
0xbd: {  	v40 =	vld [tilespmem:$0xF800]  }
0xbe: {  	v43 =	vld [tilespmem:$0xFA00]  }
0xbf: {  	v46 =	vld [tilespmem:$0xFC00]  }
0xc0: {  	v47 =	vld [tilespmem:$0xFE00]  }
0xc1: {  	v50 =	vld [tilespmem:$0x10000]  }
0xc2: {  	v53 =	vld [tilespmem:$0x10200]  }
0xc3: {  	v49 =	vld [tilespmem:$0xD010]  }
0xc4: {  	v55 =	vld [tilespmem:$0xD210]  }
0xc5: {  	v0 =	vld [tilespmem:$0xD410]  }
0xc6: {  	v26 =	vld [tilespmem:$0xD610]  }
0xc7: {  	v27 =	vld [tilespmem:$0xD810]  }
0xc8: {  	v28 =	vld [tilespmem:$0xDA10]  }
0xc9: {  	v30 =	vld [tilespmem:$0xDC10]  }
0xca: {  	v33 =	vld [tilespmem:$0xDE10]  }
0xcb: {  	v34 =	vld [tilespmem:$0xE010]  }
0xcc: {  	v36 =	vld [tilespmem:$0xE210]  }
0xcd: {  	v38 =	vld [tilespmem:$0xE410]  }
0xce: {  	v41 =	vld [tilespmem:$0xE610]  }
0xcf: {  	v42 =	vld [tilespmem:$0xE810]  }
0xd0: {  	v44 =	vld [tilespmem:$0xEA10]  }
0xd1: {  	v45 =	vld [tilespmem:$0xEC10]  }
0xd2: {  	v48 =	vld [tilespmem:$0xEE10]  }
0xd3: {  	v51 =	vld [tilespmem:$0xF010]  }
0xd4: {  	v52 =	vld [tilespmem:$0xF210]  }
0xd5: {  	v56 =	vld [tilespmem:$0xF410]  }
0xd6: {  	v57 =	vld [tilespmem:$0xF610]  }
0xd7: {  	v61 =	vld [tilespmem:$0xF810]  }
0xd8: {  	v62 =	vld [tilespmem:$0xFA10]  }
0xd9: {  	v63 =	vld [tilespmem:$0xFC10]  }
0xda: {  	v4 =	vld [tilespmem:$0xFE10]  }
0xdb: {  	v7 =	vld [tilespmem:$0x10010]  }
0xdc: {  	v9 =	vld [tilespmem:$0x10210]  }
0xdd: {  	v25 =	vld [tilespmem:$0xD020]  }
0xde: {  	v11 =	vld [tilespmem:$0xDE20]  }
0xdf: {  	v13 =	vld [tilespmem:$0xE020]  }
0xe0: {  	v14 =	vld [tilespmem:$0xE220]  }
0xe1: {  	v15 =	vld [tilespmem:$0xE420]  }
0xe2: {  	v18 =	vld [tilespmem:$0xE620]  }
0xe3: {  	v19 =	vld [tilespmem:$0xE820]  }
0xe4: {  	v21 =	vld [tilespmem:$0xEA20]  }
0xe5: {  	v23 =	vld [tilespmem:$0xEC20]  }
0xe6: {  	v1 =	vld [tilespmem:$0xD240]  }
0xe7: {  	v2 =	vld [tilespmem:$0xD440]  }
0xe8: {  	v3 =	vld [tilespmem:$0xD640];
	[tilespmem:$0x1E6B0] =	vst v0  }
0xe9: {  	[tilespmem:$0x1E6D0] =	vst v27;
	v27 =	vld [tilespmem:$0xD220]  }
0xea: {  	[tilespmem:$0x1E720] =	vst v34;
	v34 =	vld [tilespmem:$0xD420]  }
0xeb: {  	[tilespmem:$0x1E780] =	vst v41;
	v41 =	vld [tilespmem:$0xD620]  }
0xec: {  	[tilespmem:$0x1E7C0] =	vst v44;
	v44 =	vld [tilespmem:$0xD820]  }
0xed: {  	[tilespmem:$0x1E880] =	vst v52;
	v52 =	vld [tilespmem:$0xDA20]  }
0xee: {  	[tilespmem:$0x1E900] =	vst v57;
	v57 =	vld [tilespmem:$0xDC20]  }
0xef: {  	[tilespmem:$0x1E6C0] =	vst v26;
	v26 =	vld [tilespmem:$0xEE20]  }
0xf0: {  	[tilespmem:$0x1E6E0] =	vst v28;
	v28 =	vld [tilespmem:$0xF020]  }
0xf1: {  	[tilespmem:$0x1E6F0] =	vst v30;
	v30 =	vld [tilespmem:$0xF220]  }
0xf2: {  	[tilespmem:$0x1E700] =	vst v33;
	v33 =	vld [tilespmem:$0xF420]  }
0xf3: {  	[tilespmem:$0x1E740] =	vst v36;
	v36 =	vld [tilespmem:$0xF620]  }
0xf4: {  	[tilespmem:$0x1E760] =	vst v38;
	v38 =	vld [tilespmem:$0xF820]  }
0xf5: {  	[tilespmem:$0x1E7A0] =	vst v42;
	v42 =	vld [tilespmem:$0xFA20]  }
0xf6: {  	[tilespmem:$0x1E7F0] =	vst v45;
	v45 =	vld [tilespmem:$0xFC20]  }
0xf7: {  	[tilespmem:$0x1E820] =	vst v48;
	v48 =	vld [tilespmem:$0xFE20]  }
0xf8: {  	[tilespmem:$0x1E850] =	vst v51;
	v51 =	vld [tilespmem:$0x10020]  }
0xf9: {  	[tilespmem:$0x1E8C0] =	vst v56;
	v56 =	vld [tilespmem:$0x10220]  }
0xfa: {  	[tilespmem:$0x1EA40] =	vst v7;
	v7 =	vld [tilespmem:$0xD030]  }
0xfb: {  	[tilespmem:$0x1E710] =	vst v11;
	v11 =	vld [tilespmem:$0xD230]  }
0xfc: {  	[tilespmem:$0x1E750] =	vst v14;
	v14 =	vld [tilespmem:$0xD430]  }
0xfd: {  	[tilespmem:$0x1E790] =	vst v18;
	v18 =	vld [tilespmem:$0xD630]  }
0xfe: {  	[tilespmem:$0x1E7E0] =	vst v21;
	v21 =	vld [tilespmem:$0xD830]  }
0xff: {  	[tilespmem:$0x1E9C0] =	vst v63;
	v63 =	vld [tilespmem:$0xE630]  }
0x100: {  	[tilespmem:$0x1E940] =	vst v61;
	v61 =	vld [tilespmem:$0xE830]  }
0x101: {  	[tilespmem:$0x1E980] =	vst v62;
	v62 =	vld [tilespmem:$0xEA30]  }
0x102: {  	[tilespmem:$0x1EA00] =	vst v4;
	v4 =	vld [tilespmem:$0xEC30]  }
0x103: {  	[tilespmem:$0x1EA80] =	vst v9;
	v9 =	vld [tilespmem:$0xEE30]  }
0x104: {  	[tilespmem:$0x1E730] =	vst v13;
	v13 =	vld [tilespmem:$0xF030]  }
0x105: {  	[tilespmem:$0x1E770] =	vst v15;
	v15 =	vld [tilespmem:$0xF230]  }
0x106: {  	[tilespmem:$0x1E7B0] =	vst v19;
	v19 =	vld [tilespmem:$0xF430]  }
0x107: {  	[tilespmem:$0x1E810] =	vst v23;
	v23 =	vld [tilespmem:$0xF630]  }
0x108: {  	v0 =	vld [tilespmem:$0xD040];
	[tilespmem:$0x1E840] =	vst v26  }
0x109: {  	[tilespmem:$0x1E870] =	vst v28;
	v26 =	vld [tilespmem:$0xDA30]  }
0x10a: {  	[tilespmem:$0x1E8A0] =	vst v30;
	v30 =	vld [tilespmem:$0xDC30]  }
0x10b: {  	[tilespmem:$0x1E920] =	vst v36;
	v36 =	vld [tilespmem:$0xDE30]  }
0x10c: {  	[tilespmem:$0x1E9A0] =	vst v42;
	v42 =	vld [tilespmem:$0xE030]  }
0x10d: {  	[tilespmem:$0x1EA20] =	vst v48;
	v48 =	vld [tilespmem:$0xE230]  }
0x10e: {  	[tilespmem:$0x1EAA0] =	vst v56;
	v56 =	vld [tilespmem:$0xE430]  }
0x10f: {  	[tilespmem:$0x1E8E0] =	vst v33;
	v28 =	vld [tilespmem:$0xF830]  }
0x110: {  	[tilespmem:$0x1E960] =	vst v38;
	v33 =	vld [tilespmem:$0xFA30]  }
0x111: {  	[tilespmem:$0x1E9E0] =	vst v45;
	v38 =	vld [tilespmem:$0xFC30]  }
0x112: {  	[tilespmem:$0x1EA60] =	vst v51;
	v45 =	vld [tilespmem:$0xFE30]  }
0x113: {  	[tilespmem:$0x1E7D0] =	vst v61;
	v51 =	vld [tilespmem:$0x10030]  }
0x114: {  	[tilespmem:$0x1E800] =	vst v62;
	v61 =	vld [tilespmem:$0x10230]  }
0x115: {  	[tilespmem:$0x1E830] =	vst v4;
	v4 =	vld [tilespmem:$0xD840]  }
0x116: {  	[tilespmem:$0x1E860] =	vst v9;
	v9 =	vld [tilespmem:$0xDA40]  }
0x117: {  	[tilespmem:$0x1E890] =	vst v13;
	v13 =	vld [tilespmem:$0xDC40]  }
0x118: {  	[tilespmem:$0x1E8D0] =	vst v15;
	v15 =	vld [tilespmem:$0xDE40]  }
0x119: {  	[tilespmem:$0x1E910] =	vst v19;
	v19 =	vld [tilespmem:$0xE040]  }
0x11a: {  	[tilespmem:$0x1E950] =	vst v23;
	v23 =	vld [tilespmem:$0xE240]  }
0x11b: {  	[tilespmem:$0x1E990] =	vst v28;
	v28 =	vld [tilespmem:$0xE440]  }
0x11c: {  	[tilespmem:$0x1E9D0] =	vst v33;
	v33 =	vld [tilespmem:$0xE640]  }
0x11d: {  	[tilespmem:$0x1EA10] =	vst v38;
	v38 =	vld [tilespmem:$0xE840]  }
0x11e: {  	[tilespmem:$0x1EA50] =	vst v45;
	v45 =	vld [tilespmem:$0xEA40]  }
0x11f: {  	[tilespmem:$0x1EA90] =	vst v51;
	v51 =	vld [tilespmem:$0xEC40]  }
0x120: {  	[tilespmem:$0x1EAC0] =	vst v61;
	v61 =	vld [tilespmem:$0xEE40]  }
0x121: {  	v62 =	vld [tilespmem:$0xF040];
	_ =	sdelay $0x4  }
0x122: {  	[tilespmem:$0x1E8B0] =	vst v62;
	v62 =	vld [tilespmem:$0xF240];
	_ =	sdelay $0x4  }
0x123: {  	[tilespmem:$0x1E8F0] =	vst v62;
	v62 =	vld [tilespmem:$0xF440];
	_ =	sdelay $0x4  }
0x124: {  	[tilespmem:$0x1E930] =	vst v62;
	v62 =	vld [tilespmem:$0xF640];
	_ =	sdelay $0x4  }
0x125: {  	[tilespmem:$0x1E970] =	vst v62;
	v62 =	vld [tilespmem:$0xF840];
	_ =	sdelay $0x4  }
0x126: {  	[tilespmem:$0x1E9B0] =	vst v62;
	v62 =	vld [tilespmem:$0xFA40];
	_ =	sdelay $0x4  }
0x127: {  	[tilespmem:$0x1E9F0] =	vst v62;
	v62 =	vld [tilespmem:$0xFC40];
	_ =	sdelay $0x4  }
0x128: {  	[tilespmem:$0x1EA30] =	vst v62;
	v62 =	vld [tilespmem:$0xFE40];
	_ =	sdelay $0x4  }
0x129: {  	[tilespmem:$0x1EA70] =	vst v62;
	v62 =	vld [tilespmem:$0x10040];
	_ =	sdelay $0x2  }
0x12a: {  	v5 =	vadd.f32 $0.0e+00, v5;
	_ =	sdelay $0x1  }
0x12b: {  	v5 =	vadd.f32 v6, v5;
	[tilespmem:$0x1EAB0] =	vst v62;
	v62 =	vld [tilespmem:$0x10240];
	_ =	sdelay $0x1  }
0x12c: {  	v5 =	vadd.f32 v8, v5;
	_ =	sdelay $0x1  }
0x12d: {  	v5 =	vadd.f32 v10, v5  }
0x12e: {  	[tilespmem:$0x1EAE0] =	vst v62;
	v62 =	vld [tilespmem:$0xD050]  }
0x12f: {  	v0 =	vadd.f32 $0.0e+00, v0;
	v5 =	vadd.f32 v12, v5;
	v10 =	vld [tilespmem:$0xFA50]  }
0x130: {  	v7 =	vadd.f32 $0.0e+00, v7;
	v12 =	vld [tilespmem:$0x10050]  }
0x131: {  	v0 =	vadd.f32 v1, v0;
	v5 =	vadd.f32 v59, v5;
	v59 =	vld [tilespmem:$0x10250]  }
0x132: {  	v6 =	vld [tilespmem:$0xD270]  }
0x133: {  	v7 =	vadd.f32 v11, v7;
	v0 =	vadd.f32 v2, v0;
	[tilespmem:$0x1EAD0] =	vst v62;
	v62 =	vld [tilespmem:$0xD250]  }
0x134: {  	v11 =	vld [tilespmem:$0xF270]  }
0x135: {  	v7 =	vadd.f32 v14, v7;
	v0 =	vadd.f32 v3, v0;
	v14 =	vld [tilespmem:$0xD480]  }
0x136: {  	v5 =	vadd.f32 v60, v5;
	v60 =	vld [tilespmem:$0xD260]  }
0x137: {  	v0 =	vadd.f32 v4, v0;
	v4 =	vld [tilespmem:$0xD080]  }
0x138: {  	[tilespmem:$0x1EB00] =	vst v62;
	v62 =	vld [tilespmem:$0xD450]  }
0x139: {  	v5 =	vadd.f32 v16, v5;
	v16 =	vld [tilespmem:$0xD860]  }
0x13a: {  	v0 =	vadd.f32 v9, v0;
	v9 =	vld [tilespmem:$0xD280]  }
0x13b: {  	[tilespmem:$0x1EE00] =	vst v10;
	v10 =	vld [tilespmem:$0xFE50]  }
0x13c: {  	[tilespmem:$0x1EE90] =	vst v12;
	v12 =	vld [tilespmem:$0xD660]  }
0x13d: {  	[tilespmem:$0x1EB10] =	vst v62;
	v62 =	vld [tilespmem:$0xD650]  }
0x13e: {  	[tilespmem:$0x1EEC0] =	vst v59;
	v59 =	vld [tilespmem:$0xDA60]  }
0x13f: {  	v5 =	vadd.f32 v17, v5;
	v17 =	vld [tilespmem:$0xE460]  }
0x140: {  	[tilespmem:$0x1ED80] =	vst v11;
	v11 =	vld [tilespmem:$0x1E790]  }
0x141: {  	v0 =	vadd.f32 v13, v0;
	v13 =	vld [tilespmem:$0x1E7B0]  }
0x142: {  	[tilespmem:$0x1EB30] =	vst v62;
	v62 =	vld [tilespmem:$0xD850]  }
0x143: {  	v5 =	vadd.f32 v54, v5;
	v54 =	vld [tilespmem:$0xEA60]  }
0x144: {  	[tilespmem:$0x1EB60] =	vst v16;
	v16 =	vld [tilespmem:$0xE260]  }
0x145: {  	v0 =	vadd.f32 v15, v0;
	v15 =	vld [tilespmem:$0x1E7C0]  }
0x146: {  	v5 =	vadd.f32 v20, v5;
	v20 =	vld [tilespmem:$0xE660]  }
0x147: {  	[tilespmem:$0x1EB50] =	vst v62;
	v62 =	vld [tilespmem:$0xDA50]  }
0x148: {  	[tilespmem:$0x1EE60] =	vst v10;
	v10 =	vld [tilespmem:$0xD460]  }
0x149: {  	[tilespmem:$0x1EB40] =	vst v12;
	v12 =	vld [tilespmem:$0xE060]  }
0x14a: {  	[tilespmem:$0x1EB80] =	vst v59;
	v59 =	vld [tilespmem:$0xEC60]  }
0x14b: {  	[tilespmem:$0x1EC20] =	vst v17;
	v17 =	vld [tilespmem:$0xF660]  }
0x14c: {  	[tilespmem:$0x1EB70] =	vst v62;
	v62 =	vld [tilespmem:$0xDC50]  }
0x14d: {  	v0 =	vadd.f32 v19, v0;
	v19 =	vld [tilespmem:$0xDA80]  }
0x14e: {  	v5 =	vadd.f32 v22, v5;
	v22 =	vld [tilespmem:$0xE860]  }
0x14f: {  	[tilespmem:$0x1ECB0] =	vst v54;
	v54 =	vld [tilespmem:$0xDE70]  }
0x150: {  	v0 =	vadd.f32 v23, v0;
	v23 =	vld [tilespmem:$0x1E7E0]  }
0x151: {  	[tilespmem:$0x1EB90] =	vst v62;
	v62 =	vld [tilespmem:$0xDE50]  }
0x152: {  	[tilespmem:$0x1EC00] =	vst v16;
	v16 =	vld [tilespmem:$0xF460]  }
0x153: {  	v5 =	vadd.f32 v24, v5;
	v24 =	vld [tilespmem:$0xFC60]  }
0x154: {  	[tilespmem:$0x1EC50] =	vst v20;
	v20 =	vld [tilespmem:$0xF860]  }
0x155: {  	v0 =	vadd.f32 v28, v0;
	v28 =	vld [tilespmem:$0x1E800]  }
0x156: {  	[tilespmem:$0x1EBB0] =	vst v62;
	v62 =	vld [tilespmem:$0xE050]  }
0x157: {  	[tilespmem:$0x1EB20] =	vst v10;
	v10 =	vld [tilespmem:$0xDE60]  }
0x158: {  	[tilespmem:$0x1EBE0] =	vst v12;
	v12 =	vld [tilespmem:$0xF260]  }
0x159: {  	[tilespmem:$0x1ECE0] =	vst v59;
	v59 =	vld [tilespmem:$0xDA70]  }
0x15a: {  	v5 =	vadd.f32 v58, v5;
	v58 =	vld [tilespmem:$0xE070]  }
0x15b: {  	[tilespmem:$0x1EBD0] =	vst v62;
	v62 =	vld [tilespmem:$0xE250]  }
0x15c: {  	[tilespmem:$0x1EDC0] =	vst v17;
	v17 =	vld [tilespmem:$0xF670]  }
0x15d: {  	[tilespmem:$0x1EC80] =	vst v22;
	v22 =	vld [tilespmem:$0xFA60]  }
0x15e: {  	v0 =	vadd.f32 v33, v0;
	v33 =	vld [tilespmem:$0x1E820]  }
0x15f: {  	v5 =	vadd.f32 v39, v5;
	v39 =	vld [tilespmem:$0xDC70]  }
0x160: {  	[tilespmem:$0x1EBF0] =	vst v62;
	v62 =	vld [tilespmem:$0xE450]  }
0x161: {  	[tilespmem:$0x1EE50] =	vst v24;
	v24 =	vld [tilespmem:$0xD670]  }
0x162: {  	[tilespmem:$0x1ED90] =	vst v16;
	v16 =	vld [tilespmem:$0xF470]  }
0x163: {  	v5 =	vadd.f32 v29, v5;
	v29 =	vld [tilespmem:$0xFE60]  }
0x164: {  	[tilespmem:$0x1EDF0] =	vst v20;
	v20 =	vld [tilespmem:$0x1E6D0]  }
0x165: {  	[tilespmem:$0x1EC10] =	vst v62;
	v62 =	vld [tilespmem:$0xE650]  }
0x166: {  	[tilespmem:$0x1EBC0] =	vst v10;
	v10 =	vld [tilespmem:$0xF060]  }
0x167: {  	[tilespmem:$0x1ED60] =	vst v12;
	v12 =	vld [tilespmem:$0x1E6C0]  }
0x168: {  	[tilespmem:$0x1EDE0] =	vst v17;
	v17 =	vld [tilespmem:$0xDE80]  }
0x169: {  	v5 =	vadd.f32 v31, v5;
	v31 =	vld [tilespmem:$0x10060]  }
0x16a: {  	[tilespmem:$0x1EC30] =	vst v62;
	v62 =	vld [tilespmem:$0xE850]  }
0x16b: {  	[tilespmem:$0x1EE20] =	vst v22;
	v22 =	vadd.f32 v18, v7;
	v18 =	vld [tilespmem:$0xE080]  }
0x16c: {  	v5 =	vadd.f32 v32, v5;
	v32 =	vld [tilespmem:$0x10260]  }
0x16d: {  	v2 =	vadd.f32 v21, v22;
	v22 =	vld [tilespmem:$0xDC80]  }
0x16e: {  	[tilespmem:$0x1EDB0] =	vst v16;
	v16 =	vld [tilespmem:$0xE280]  }
0x16f: {  	[tilespmem:$0x1EC60] =	vst v62;
	v62 =	vld [tilespmem:$0xEA50]  }
0x170: {  	v21 =	vld [tilespmem:$0x1E7D0]  }
0x171: {  	[tilespmem:$0x1EE80] =	vst v29;
	v29 =	vld [tilespmem:$0xD470]  }
0x172: {  	v5 =	vadd.f32 v35, v5;
	v35 =	vld [tilespmem:$0xE470]  }
0x173: {  	[tilespmem:$0x1ED40] =	vst v10;
	v10 =	vld [tilespmem:$0x1E780]  }
0x174: {  	[tilespmem:$0x1EC90] =	vst v62;
	v62 =	vld [tilespmem:$0xEC50]  }
0x175: {  	v2 =	vadd.f32 v26, v2;
	v26 =	vadd.f32 v38, v0;
	v0 =	vld [tilespmem:$0xEC80]  }
0x176: {  	v38 =	vld [tilespmem:$0x1E850]  }
0x177: {  	[tilespmem:$0x1EEB0] =	vst v31;
	v31 =	vld [tilespmem:$0x1E6E0]  }
0x178: {  	v5 =	vadd.f32 v37, v5;
	v37 =	vld [tilespmem:$0xE270]  }
0x179: {  	[tilespmem:$0x1ECC0] =	vst v62;
	v62 =	vld [tilespmem:$0xEE50]  }
0x17a: {  	v2 =	vadd.f32 v30, v2;
	v30 =	vld [tilespmem:$0x1E810]  }
0x17b: {  	v7 =	vadd.f32 v45, v26;
	v45 =	vld [tilespmem:$0x1E8A0]  }
0x17c: {  	v26 =	vld [tilespmem:$0x1E960]  }
0x17d: {  	[tilespmem:$0x1EEE0] =	vst v32;
	v32 =	vld [tilespmem:$0xD070]  }
0x17e: {  	[tilespmem:$0x1ECF0] =	vst v62;
	v62 =	vld [tilespmem:$0xF050]  }
0x17f: {  	v5 =	vadd.f32 v40, v5;
	v40 =	vld [tilespmem:$0xD870]  }
0x180: {  	v2 =	vadd.f32 v36, v2;
	v36 =	vadd.f32 v51, v7;
	v51 =	vld [tilespmem:$0x1E8E0]  }
0x181: {  	v7 =	vld [tilespmem:$0x1EA40]  }
0x182: {  	v5 =	vadd.f32 v43, v5;
	v43 =	vld [tilespmem:$0xE670]  }
0x183: {  	[tilespmem:$0x1ED20] =	vst v62;
	v62 =	vld [tilespmem:$0xF250]  }
0x184: {  	v2 =	vadd.f32 v42, v2;
	v42 =	vld [tilespmem:$0x1E870];
	v5 =	vadd.f32 v46, v5  }
0x185: {  	v46 =	vadd.f32 $0.0e+00, v49;
	v49 =	vadd.f32 $0.0e+00, v25;
	v25 =	vld [tilespmem:$0xF870]  }
0x186: {  	v2 =	vadd.f32 v48, v2;
	v48 =	vld [tilespmem:$0x1E8B0]  }
0x187: {  	v5 =	vadd.f32 v47, v5;
	v47 =	vld [tilespmem:$0xE870]  }
0x188: {  	[tilespmem:$0x1ED50] =	vst v62;
	v62 =	vld [tilespmem:$0xF450]  }
0x189: {  	v8 =	vadd.f32 v55, v46;
	v55 =	vld [tilespmem:$0xEE70]  }
0x18a: {  	v46 =	vld [tilespmem:$0xF070]  }
0x18b: {  	v2 =	vadd.f32 v56, v2;
	v56 =	vld [tilespmem:$0x1E920]  }
0x18c: {  	[tilespmem:$0x1EC70] =	vst v43;
	v43 =	vld [tilespmem:$0x1E6F0]  }
0x18d: {  	[tilespmem:$0x1ED70] =	vst v62;
	v62 =	vld [tilespmem:$0xF650]  }
0x18e: {  	v5 =	vadd.f32 v50, v5;
	v50 =	vld [tilespmem:$0xEA70]  }
0x18f: {  	v2 =	vadd.f32 v63, v2;
	v63 =	vld [tilespmem:$0x1E950]  }
0x190: {  	[tilespmem:$0x1EE10] =	vst v25;
	v25 =	vld [tilespmem:$0xD880]  }
0x191: {  	v5 =	vadd.f32 v53, v5;
	v53 =	vld [tilespmem:$0xEC70]  }
0x192: {  	[tilespmem:$0x1EDA0] =	vst v62;
	v62 =	vld [tilespmem:$0xF850]  }
0x193: {  	v2 =	vadd.f32 v21, v2;
	v21 =	vadd.f32 v61, v36;
	v36 =	vld [tilespmem:$0xF880]  }
0x194: {  	v61 =	vld [tilespmem:$0x1E940]  }
0x195: {  	[tilespmem:$0x1ECA0] =	vst v47;
	v47 =	vld [tilespmem:$0x10270]  }
0x196: {  	[tilespmem:$0x1ED30] =	vst v55;
	v55 =	vld [tilespmem:$0x1E740]  }
0x197: {  	[tilespmem:$0x1EDD0] =	vst v62;
	v62 =	vld [tilespmem:$0xFC50]  }
0x198: {  	[tilespmem:$0x1EF30] =	vst v5;
	v5 =	vadd.f32 v27, v49;
	v27 =	vld [tilespmem:$0xFA70]  }
0x199: {  	v49 =	vld [tilespmem:$0x1E700]  }
0x19a: {  	v2 =	vadd.f32 v28, v2;
	v28 =	vld [tilespmem:$0x1E980]  }
0x19b: {  	v21 =	vadd.f32 v48, v21;
	v48 =	vld [tilespmem:$0x1E9E0]  }
0x19c: {  	[tilespmem:$0x1EE30] =	vst v62;
	v62 =	vld [tilespmem:$0xD060]  }
0x19d: {  	[tilespmem:$0x1ECD0] =	vst v50;
	v50 =	vld [tilespmem:$0x1E710]  }
0x19e: {  	v5 =	vadd.f32 v34, v5;
	v34 =	vld [tilespmem:$0xFC70]  }
0x19f: {  	[tilespmem:$0x1ED00] =	vst v53;
	v53 =	vld [tilespmem:$0x1E730]  }
0x1a0: {  	v5 =	vadd.f32 v41, v5;
	v41 =	vld [tilespmem:$0xFE70]  }
0x1a1: {  	[tilespmem:$0x1EAF0] =	vst v62;
	v62 =	vld [tilespmem:$0xDC60]  }
0x1a2: {  	[tilespmem:$0x1EE40] =	vst v27;
	v27 =	vld [tilespmem:$0x1E7F0]  }
0x1a3: {  	v5 =	vadd.f32 v44, v5;
	v44 =	vld [tilespmem:$0x10070]  }
0x1a4: {  	[tilespmem:$0x1EE70] =	vst v34;
	v34 =	vld [tilespmem:$0x1E830]  }
0x1a5: {  	[tilespmem:$0x1EC40] =	vst v35;
	v35 =	vadd.f32 v52, v5;
	v52 =	vld [tilespmem:$0x1E720]  }
0x1a6: {  	[tilespmem:$0x1EBA0] =	vst v62;
	v62 =	vld [tilespmem:$0xEE60]  }
0x1a7: {  	v5 =	vld [tilespmem:$0xE680]  }
0x1a8: {  	[tilespmem:$0x1EEA0] =	vst v41;
	v41 =	vld [tilespmem:$0x1E860]  }
0x1a9: {  	v3 =	vadd.f32 v57, v35;
	v57 =	vld [tilespmem:$0x1E750]  }
0x1aa: {  	v35 =	vld [tilespmem:$0x1E840]  }
0x1ab: {  	[tilespmem:$0x1ED10] =	vst v62;
	v62 =	vld [tilespmem:$0x1E6B0]  }
0x1ac: {  	[tilespmem:$0x1EED0] =	vst v44;
	v44 =	vld [tilespmem:$0x1E890]  }
0x1ad: {  	v3 =	vadd.f32 v50, v3;
	v2 =	vadd.f32 v34, v2;
	v50 =	vld [tilespmem:$0x1E8D0]  }
0x1ae: {  	v34 =	vld [tilespmem:$0xD690]  }
0x1af: {  	v3 =	vadd.f32 v53, v3;
	v2 =	vadd.f32 v41, v2;
	v41 =	vld [tilespmem:$0xF680]  }
0x1b0: {  	v53 =	vld [tilespmem:$0x1E900];
	v8 =	vadd.f32 v62, v8  }
0x1b1: {  	v3 =	vadd.f32 v57, v3;
	v57 =	vld [tilespmem:$0x1E930]  }
0x1b2: {  	v1 =	vadd.f32 v12, v8;
	v8 =	vld [tilespmem:$0x1E770]  }
0x1b3: {  	v4 =	vadd.f32 $0.0e+00, v4;
	v2 =	vadd.f32 v44, v2;
	v44 =	vld [tilespmem:$0x1E9C0]  }
0x1b4: {  	v1 =	vadd.f32 v20, v1;
	v20 =	vld [tilespmem:$0xD680]  }
0x1b5: {  	v4 =	vadd.f32 v9, v4;
	v2 =	vadd.f32 v50, v2;
	v50 =	vld [tilespmem:$0x1E9F0]  }
0x1b6: {  	v62 =	vld [tilespmem:$0x1E760];
	v1 =	vadd.f32 v31, v1  }
0x1b7: {  	v4 =	vadd.f32 v14, v4;
	v12 =	vld [tilespmem:$0x1E7A0];
	v3 =	vadd.f32 v8, v3  }
0x1b8: {  	v8 =	vld [tilespmem:$0xEE80];
	v1 =	vadd.f32 v43, v1  }
0x1b9: {  	v43 =	vld [tilespmem:$0x1E880];
	v3 =	vadd.f32 v11, v3;
	v4 =	vadd.f32 v20, v4  }
0x1ba: {  	v11 =	vld [tilespmem:$0xE880];
	v1 =	vadd.f32 v49, v1  }
0x1bb: {  	v49 =	vld [tilespmem:$0x1E8C0];
	v3 =	vadd.f32 v13, v3;
	v4 =	vadd.f32 v25, v4  }
0x1bc: {  	v1 =	vadd.f32 v52, v1;
	v52 =	vld [tilespmem:$0x1E8F0]  }
0x1bd: {  	v3 =	vadd.f32 v23, v3;
	v4 =	vadd.f32 v19, v4;
	v19 =	vld [tilespmem:$0x1EBE0]  }
0x1be: {  	v1 =	vadd.f32 v55, v1;
	v55 =	vld [tilespmem:$0x1E910]  }
0x1bf: {  	v31 =	vadd.f32 v30, v3;
	v3 =	vld [tilespmem:$0xF080]  }
0x1c0: {  	v1 =	vadd.f32 v62, v1;
	v62 =	vld [tilespmem:$0xFA80]  }
0x1c1: {  	v13 =	vadd.f32 v35, v31;
	v31 =	vld [tilespmem:$0xF480]  }
0x1c2: {  	v4 =	vadd.f32 v22, v4;
	v35 =	vld [tilespmem:$0x1E990]  }
0x1c3: {  	v21 =	vadd.f32 v52, v21;
	v1 =	vadd.f32 v10, v1;
	v10 =	vld [tilespmem:$0xEA80]  }
0x1c4: {  	v13 =	vadd.f32 v42, v13;
	v42 =	vld [tilespmem:$0x1E9B0]  }
0x1c5: {  	v4 =	vadd.f32 v17, v4;
	v21 =	vadd.f32 v57, v21;
	v57 =	vld [tilespmem:$0xD890]  }
0x1c6: {  	v2 =	vadd.f32 v55, v2;
	v55 =	vld [tilespmem:$0x1EA10]  }
0x1c7: {  	v4 =	vadd.f32 v18, v4;
	v18 =	vld [tilespmem:$0x1ECE0]  }
0x1c8: {  	v1 =	vadd.f32 v12, v1;
	v12 =	vld [tilespmem:$0xE480]  }
0x1c9: {  	[tilespmem:$0x1EEF0] =	vst v47;
	v47 =	vadd.f32 v45, v13;
	v13 =	vld [tilespmem:$0xFC80]  }
0x1ca: {  	v45 =	vld [tilespmem:$0xD490]  }
0x1cb: {  	v2 =	vadd.f32 v63, v2;
	v63 =	vld [tilespmem:$0x1EA30]  }
0x1cc: {  	v1 =	vadd.f32 v15, v1;
	v15 =	vld [tilespmem:$0xF280]  }
0x1cd: {  	v23 =	vadd.f32 v51, v47;
	v51 =	vld [tilespmem:$0xFE80]  }
0x1ce: {  	v47 =	vld [tilespmem:$0x1E9D0]  }
0x1cf: {  	v2 =	vadd.f32 v35, v2;
	v35 =	vld [tilespmem:$0xDC90]  }
0x1d0: {  	v4 =	vadd.f32 v16, v4;
	v1 =	vadd.f32 v27, v1;
	v27 =	vld [tilespmem:$0x1E970]  }
0x1d1: {  	v23 =	vadd.f32 v56, v23;
	v56 =	vld [tilespmem:$0xD090]  }
0x1d2: {  	v12 =	vadd.f32 v12, v4;
	v4 =	vld [tilespmem:$0x1ECA0];
	v1 =	vadd.f32 v33, v1  }
0x1d3: {  	v33 =	vld [tilespmem:$0x10080]  }
0x1d4: {  	v5 =	vadd.f32 v5, v12;
	v1 =	vadd.f32 v38, v1;
	v38 =	vld [tilespmem:$0x1E9A0]  }
0x1d5: {  	v2 =	vadd.f32 v47, v2;
	v47 =	vld [tilespmem:$0xE090]  }
0x1d6: {  	v5 =	vadd.f32 v11, v5;
	v11 =	vld [tilespmem:$0x1ED10]  }
0x1d7: {  	v21 =	vadd.f32 v27, v21;
	v1 =	vadd.f32 v43, v1;
	v43 =	vld [tilespmem:$0x10280]  }
0x1d8: {  	v2 =	vadd.f32 v55, v2;
	v55 =	vld [tilespmem:$0x1EAD0]  }
0x1d9: {  	v21 =	vadd.f32 v42, v21;
	v42 =	vld [tilespmem:$0x1EA70]  }
0x1da: {  	v5 =	vadd.f32 v10, v5;
	v10 =	vld [tilespmem:$0xF6A0]  }
0x1db: {  	v1 =	vadd.f32 v49, v1;
	v49 =	vld [tilespmem:$0xD290]  }
0x1dc: {  	v23 =	vadd.f32 v26, v23;
	v52 =	vadd.f32 v50, v21;
	v21 =	vld [tilespmem:$0xDA90]  }
0x1dd: {  	v50 =	vld [tilespmem:$0x1EAA0]  }
0x1de: {  	v23 =	vadd.f32 v38, v23;
	v1 =	vadd.f32 v53, v1;
	v53 =	vld [tilespmem:$0x1EA00]  }
0x1df: {  	v27 =	vadd.f32 v63, v52;
	v63 =	vld [tilespmem:$0xE290]  }
0x1e0: {  	v5 =	vadd.f32 v0, v5;
	v23 =	vadd.f32 v48, v23;
	v48 =	vld [tilespmem:$0x1EA90]  }
0x1e1: {  	v52 =	vld [tilespmem:$0x1EAB0]  }
0x1e2: {  	v5 =	vadd.f32 v8, v5;
	v8 =	vld [tilespmem:$0x1EDD0]  }
0x1e3: {  	v56 =	vadd.f32 $0.0e+00, v56;
	v1 =	vadd.f32 v61, v1;
	v61 =	vld [tilespmem:$0x1EA20]  }
0x1e4: {  	v27 =	vadd.f32 v42, v27;
	v42 =	vld [tilespmem:$0xEA90]  }
0x1e5: {  	v49 =	vadd.f32 v49, v56;
	v56 =	vld [tilespmem:$0xD4C0]  }
0x1e6: {  	v30 =	vadd.f32 v28, v1;
	v28 =	vld [tilespmem:$0x1EA50]  }
0x1e7: {  	v45 =	vadd.f32 v45, v49;
	v49 =	vld [tilespmem:$0xD6C0]  }
0x1e8: {  	v3 =	vadd.f32 v3, v5;
	v26 =	vadd.f32 v44, v30;
	v30 =	vld [tilespmem:$0x1EA60]  }
0x1e9: {  	v44 =	vld [tilespmem:$0x1EA80]  }
0x1ea: {  	v3 =	vadd.f32 v15, v3;
	v27 =	vadd.f32 v52, v27;
	v52 =	vld [tilespmem:$0xF690]  }
0x1eb: {  	v23 =	vadd.f32 v61, v23;
	v61 =	vld [tilespmem:$0xDE90]  }
0x1ec: {  	v15 =	vadd.f32 v31, v3;
	v31 =	vld [tilespmem:$0x1EDE0]  }
0x1ed: {  	v3 =	vld [tilespmem:$0xD8B0]  }
0x1ee: {  	v34 =	vadd.f32 v34, v45;
	v45 =	vld [tilespmem:$0xECB0]  }
0x1ef: {  	v26 =	vadd.f32 v53, v26;
	v53 =	vld [tilespmem:$0x1EAC0]  }
0x1f0: {  	v2 =	vadd.f32 v28, v2;
	v28 =	vld [tilespmem:$0x1EAE0]  }
0x1f1: {  	v15 =	vadd.f32 v41, v15;
	v41 =	vld [tilespmem:$0xD2B0]  }
0x1f2: {  	v34 =	vadd.f32 v57, v34;
	v57 =	vld [tilespmem:$0xDCC0]  }
0x1f3: {  	v26 =	vadd.f32 v7, v26;
	v7 =	vadd.f32 $0.0e+00, v55;
	v55 =	vld [tilespmem:$0xEE90]  }
0x1f4: {  	v38 =	vadd.f32 v30, v23;
	v23 =	vld [tilespmem:$0xE490]  }
0x1f5: {  	v30 =	vld [tilespmem:$0x1EAF0]  }
0x1f6: {  	v2 =	vadd.f32 v48, v2;
	v48 =	vadd.f32 $0.0e+00, v32;
	v32 =	vld [tilespmem:$0x1EB40]  }
0x1f7: {  	[tilespmem:$0x1EF00] =	vst v52;
	v52 =	vld [tilespmem:$0xFC90]  }
0x1f8: {  	v15 =	vadd.f32 v36, v15;
	v36 =	vld [tilespmem:$0xD6B0]  }
0x1f9: {  	v1 =	vadd.f32 v44, v26;
	v44 =	vld [tilespmem:$0x1EB00]  }
0x1fa: {  	v26 =	vld [tilespmem:$0x1EB10]  }
0x1fb: {  	v21 =	vadd.f32 v21, v34;
	v6 =	vadd.f32 v6, v48;
	v48 =	vld [tilespmem:$0xF490]  }
0x1fc: {  	v15 =	vadd.f32 v62, v15;
	v62 =	vld [tilespmem:$0x1EE70]  }
0x1fd: {  	v21 =	vadd.f32 v35, v21;
	v35 =	vld [tilespmem:$0xF2C0]  }
0x1fe: {  	[tilespmem:$0x1EF40] =	vst v1;
	v1 =	vadd.f32 v50, v38;
	v50 =	vld [tilespmem:$0xE690]  }
0x1ff: {  	v6 =	vadd.f32 v29, v6;
	v29 =	vld [tilespmem:$0x1EB60]  }
0x200: {  	v13 =	vadd.f32 v13, v15;
	v15 =	vld [tilespmem:$0x1EEA0]  }
0x201: {  	v21 =	vadd.f32 v61, v21;
	v61 =	vld [tilespmem:$0xEAC0]  }
0x202: {  	[tilespmem:$0x1EF60] =	vst v1;
	v1 =	vadd.f32 v53, v2;
	v53 =	vld [tilespmem:$0xE890]  }
0x203: {  	v38 =	vadd.f32 $0.0e+00, v30;
	v30 =	vld [tilespmem:$0x1EB30]  }
0x204: {  	[tilespmem:$0x1EF50] =	vst v52;
	v52 =	vld [tilespmem:$0x10290]  }
0x205: {  	v2 =	vadd.f32 v44, v7;
	v44 =	vld [tilespmem:$0xEC90]  }
0x206: {  	v7 =	vld [tilespmem:$0x1EB50]  }
0x207: {  	v6 =	vadd.f32 v24, v6;
	v24 =	vld [tilespmem:$0xFE90]  }
0x208: {  	v51 =	vadd.f32 v51, v13;
	v13 =	vld [tilespmem:$0xE2B0]  }
0x209: {  	[tilespmem:$0x1EF70] =	vst v1;
	v1 =	vadd.f32 v28, v27;
	v28 =	vld [tilespmem:$0x1EB20]  }
0x20a: {  	v27 =	vadd.f32 v60, v38;
	v60 =	vld [tilespmem:$0xF290]  }
0x20b: {  	v2 =	vadd.f32 v26, v2;
	v26 =	vld [tilespmem:$0xF090]  }
0x20c: {  	v6 =	vadd.f32 v40, v6;
	v40 =	vld [tilespmem:$0xD0A0]  }
0x20d: {  	v51 =	vadd.f32 v33, v51;
	v33 =	vld [tilespmem:$0x1EEF0]  }
0x20e: {  	[tilespmem:$0x1EF80] =	vst v1;
	v1 =	vld [tilespmem:$0xD0B0]  }
0x20f: {  	v6 =	vadd.f32 v59, v6;
	v59 =	vld [tilespmem:$0x1EBB0]  }
0x210: {  	[tilespmem:$0x1EFA0] =	vst v52;
	v52 =	vld [tilespmem:$0xD2A0]  }
0x211: {  	v2 =	vadd.f32 v30, v2;
	v43 =	vadd.f32 v43, v51;
	v51 =	vld [tilespmem:$0xE6B0]  }
0x212: {  	v27 =	vadd.f32 v28, v27;
	v28 =	vld [tilespmem:$0xF890]  }
0x213: {  	v14 =	vadd.f32 v7, v2;
	v7 =	vld [tilespmem:$0x1EB80]  }
0x214: {  	v6 =	vadd.f32 v39, v6;
	v39 =	vld [tilespmem:$0xDEA0]  }
0x215: {  	v2 =	vld [tilespmem:$0xD4B0];
	v38 =	vadd.f32 v32, v27  }
0x216: {  	v32 =	vld [tilespmem:$0xFA90]  }
0x217: {  	v40 =	vadd.f32 $0.0e+00, v40;
	v30 =	vadd.f32 v29, v38;
	v38 =	vld [tilespmem:$0x1EB70]  }
0x218: {  	v6 =	vadd.f32 v54, v6;
	v54 =	vld [tilespmem:$0xD4A0]  }
0x219: {  	v40 =	vadd.f32 v52, v40;
	v52 =	vld [tilespmem:$0xE8B0]  }
0x21a: {  	v9 =	vadd.f32 v7, v30;
	v30 =	vld [tilespmem:$0x10090]  }
0x21b: {  	[tilespmem:$0x1EF20] =	vst v32;
	v32 =	vld [tilespmem:$0x1EBA0]  }
0x21c: {  	v27 =	vadd.f32 v38, v14;
	v14 =	vld [tilespmem:$0x1EB90]  }
0x21d: {  	v1 =	vadd.f32 $0.0e+00, v1;
	v7 =	vld [tilespmem:$0x1EBC0]  }
0x21e: {  	v6 =	vadd.f32 v58, v6;
	v58 =	vld [tilespmem:$0xD8A0]  }
0x21f: {  	v1 =	vadd.f32 v41, v1;
	v41 =	vld [tilespmem:$0xEEB0]  }
0x220: {  	v38 =	vadd.f32 v32, v9;
	v9 =	vld [tilespmem:$0x1EBD0]  }
0x221: {  	[tilespmem:$0x1EF90] =	vst v30;
	v30 =	vld [tilespmem:$0x1EC00];
	v20 =	vadd.f32 v14, v27  }
0x222: {  	[tilespmem:$0x1EF10] =	vst v28;
	v28 =	vld [tilespmem:$0x1EBF0];
	v27 =	vadd.f32 v7, v38  }
0x223: {  	v6 =	vadd.f32 v37, v6;
	v37 =	vld [tilespmem:$0xDCA0];
	v25 =	vadd.f32 v59, v20  }
0x224: {  	v1 =	vadd.f32 v2, v1;
	v7 =	vld [tilespmem:$0x1EC10];
	v20 =	vadd.f32 v19, v27  }
0x225: {  	v40 =	vadd.f32 v54, v40;
	v54 =	vld [tilespmem:$0xD8C0];
	v14 =	vadd.f32 v9, v25  }
0x226: {  	v32 =	vadd.f32 v30, v20;
	v20 =	vld [tilespmem:$0x1EC30]  }
0x227: {  	v1 =	vadd.f32 v36, v1;
	v36 =	vld [tilespmem:$0xF2B0];
	v29 =	vadd.f32 v28, v14  }
0x228: {  	v19 =	vld [tilespmem:$0x1EC60]  }
0x229: {  	v9 =	vld [tilespmem:$0x1EC20];
	v17 =	vadd.f32 v7, v29  }
0x22a: {  	v38 =	vld [tilespmem:$0xDAA0]  }
0x22b: {  	v7 =	vld [tilespmem:$0x1EC50];
	v22 =	vadd.f32 v20, v17  }
0x22c: {  	v59 =	vld [tilespmem:$0xD6A0]  }
0x22d: {  	v16 =	vadd.f32 v19, v22;
	v22 =	vld [tilespmem:$0x1EC80]  }
0x22e: {  	v27 =	vld [tilespmem:$0xE2A0];
	v14 =	vadd.f32 v9, v32  }
0x22f: {  	v25 =	vld [tilespmem:$0x1EC90]  }
0x230: {  	v32 =	vld [tilespmem:$0x1EC40];
	v9 =	vadd.f32 v7, v14  }
0x231: {  	v20 =	vld [tilespmem:$0x1EC70]  }
0x232: {  	v17 =	vadd.f32 v22, v9;
	v9 =	vld [tilespmem:$0x1ECB0]  }
0x233: {  	v40 =	vadd.f32 v59, v40;
	v19 =	vld [tilespmem:$0x1ECC0]  }
0x234: {  	v30 =	vld [tilespmem:$0xE0A0]  }
0x235: {  	v28 =	vld [tilespmem:$0xE6A0];
	v40 =	vadd.f32 v58, v40  }
0x236: {  	v59 =	vld [tilespmem:$0xDEC0];
	v6 =	vadd.f32 v32, v6;
	v29 =	vadd.f32 v25, v16  }
0x237: {  	v58 =	vadd.f32 v38, v40;
	v38 =	vld [tilespmem:$0xF4D0];
	v14 =	vadd.f32 v9, v17  }
0x238: {  	v6 =	vadd.f32 v20, v6;
	v20 =	vadd.f32 v19, v29;
	v19 =	vld [tilespmem:$0x1ECF0]  }
0x239: {  	v7 =	vld [tilespmem:$0xE4A0];
	v12 =	vadd.f32 v18, v14  }
0x23a: {  	v17 =	vld [tilespmem:$0x1ECD0]  }
0x23b: {  	v11 =	vadd.f32 v11, v12;
	v12 =	vld [tilespmem:$0x1ED20]  }
0x23c: {  	v9 =	vld [tilespmem:$0x1ED00]  }
0x23d: {  	v20 =	vadd.f32 v19, v20;
	v19 =	vld [tilespmem:$0x1ED50]  }
0x23e: {  	v34 =	vadd.f32 v37, v58;
	v58 =	vld [tilespmem:$0xE8C0];
	v6 =	vadd.f32 v4, v6  }
0x23f: {  	v14 =	vld [tilespmem:$0x1ED30]  }
0x240: {  	v37 =	vld [tilespmem:$0xF4C0];
	v6 =	vadd.f32 v17, v6;
	v12 =	vadd.f32 v12, v20  }
0x241: {  	v40 =	vadd.f32 v47, v21;
	v16 =	vld [tilespmem:$0x1ED40]  }
0x242: {  	v6 =	vadd.f32 v9, v6;
	v20 =	vadd.f32 v19, v12;
	v19 =	vld [tilespmem:$0x1ED70]  }
0x243: {  	v1 =	vadd.f32 v3, v1;
	v3 =	vadd.f32 v63, v40;
	v40 =	vld [tilespmem:$0xF8C0]  }
0x244: {  	v6 =	vadd.f32 v14, v6;
	v14 =	vld [tilespmem:$0x1ED60]  }
0x245: {  	v32 =	vld [tilespmem:$0xE8A0]  }
0x246: {  	v25 =	vld [tilespmem:$0xEEA0]  }
0x247: {  	v11 =	vadd.f32 v16, v11;
	v20 =	vadd.f32 v19, v20;
	v19 =	vld [tilespmem:$0x1EDA0]  }
0x248: {  	v3 =	vadd.f32 v23, v3;
	v23 =	vld [tilespmem:$0xFEB0]  }
0x249: {  	v6 =	vadd.f32 v46, v6;
	v46 =	vadd.f32 v14, v11;
	v14 =	vld [tilespmem:$0x1ED90]  }
0x24a: {  	v34 =	vadd.f32 v39, v34;
	v39 =	vld [tilespmem:$0xF6C0]  }
0x24b: {  	v4 =	vld [tilespmem:$0x1EDC0]  }
0x24c: {  	v22 =	vld [tilespmem:$0xEAA0];
	v5 =	vadd.f32 v19, v20  }
0x24d: {  	v11 =	vld [tilespmem:$0x1ED80]  }
0x24e: {  	v46 =	vadd.f32 v14, v46;
	v5 =	vadd.f32 v8, v5;
	v8 =	vld [tilespmem:$0x1EE00]  }
0x24f: {  	v20 =	vld [tilespmem:$0x1EDB0]  }
0x250: {  	v46 =	vadd.f32 v4, v46;
	v4 =	vld [tilespmem:$0x1EDF0]  }
0x251: {  	v29 =	vld [tilespmem:$0xECA0]  }
0x252: {  	v47 =	vadd.f32 v30, v34;
	v34 =	vld [tilespmem:$0xF0C0];
	v6 =	vadd.f32 v11, v6  }
0x253: {  	v5 =	vadd.f32 v8, v5;
	v8 =	vld [tilespmem:$0x1EE30]  }
0x254: {  	v30 =	vld [tilespmem:$0xE4D0];
	v6 =	vadd.f32 v20, v6  }
0x255: {  	v46 =	vadd.f32 v4, v46;
	v4 =	vld [tilespmem:$0x1EE20]  }
0x256: {  	v6 =	vadd.f32 v31, v6;
	v31 =	vld [tilespmem:$0x1EE10]  }
0x257: {  	v21 =	vadd.f32 v27, v47;
	v27 =	vld [tilespmem:$0xF8B0]  }
0x258: {  	v5 =	vadd.f32 v8, v5;
	v8 =	vld [tilespmem:$0x1EE60]  }
0x259: {  	v3 =	vadd.f32 v50, v3;
	v47 =	vld [tilespmem:$0x102C0]  }
0x25a: {  	v46 =	vadd.f32 v4, v46;
	v4 =	vld [tilespmem:$0x1EE50]  }
0x25b: {  	v3 =	vadd.f32 v53, v3;
	v6 =	vadd.f32 v31, v6;
	v31 =	vld [tilespmem:$0x1EE40]  }
0x25c: {  	v7 =	vadd.f32 v7, v21;
	v21 =	vld [tilespmem:$0xFAB0]  }
0x25d: {  	v3 =	vadd.f32 v42, v3;
	v5 =	vadd.f32 v8, v5;
	v8 =	vld [tilespmem:$0x1EE90]  }
0x25e: {  	v42 =	vld [tilespmem:$0xFCC0]  }
0x25f: {  	v63 =	vadd.f32 v44, v3;
	v44 =	vld [tilespmem:$0xFEC0]  }
0x260: {  	v6 =	vadd.f32 v31, v6;
	v31 =	vadd.f32 v4, v46;
	v4 =	vld [tilespmem:$0x1EE80]  }
0x261: {  	v18 =	vld [tilespmem:$0xF4A0]  }
0x262: {  	v5 =	vadd.f32 v8, v5;
	v8 =	vld [tilespmem:$0x1EEB0]  }
0x263: {  	v17 =	vld [tilespmem:$0xF0A0]  }
0x264: {  	v16 =	vld [tilespmem:$0xF8A0]  }
0x265: {  	v9 =	vld [tilespmem:$0xF2A0];
	v31 =	vadd.f32 v4, v31  }
0x266: {  	v12 =	vld [tilespmem:$0xFAA0]  }
0x267: {  	v0 =	vadd.f32 v8, v31;
	v31 =	vld [tilespmem:$0x1EEC0]  }
0x268: {  	v8 =	vld [tilespmem:$0x1EED0]  }
0x269: {  	v46 =	vld [tilespmem:$0xDAB0];
	v6 =	vadd.f32 v62, v6  }
0x26a: {  	v62 =	vld [tilespmem:$0xDCB0]  }
0x26b: {  	v6 =	vadd.f32 v15, v6;
	v15 =	vld [tilespmem:$0xE0B0]  }
0x26c: {  	v4 =	vld [tilespmem:$0xDEB0]  }
0x26d: {  	v31 =	vadd.f32 v31, v5;
	v5 =	vadd.f32 v8, v6;
	v6 =	vld [tilespmem:$0xD0C0]  }
0x26e: {  	v1 =	vadd.f32 v46, v1;
	v8 =	vld [tilespmem:$0x1EEE0]  }
0x26f: {  	v33 =	vadd.f32 v33, v5;
	v5 =	vld [tilespmem:$0xD2C0]  }
0x270: {  	v11 =	vld [tilespmem:$0xFCA0];
	v1 =	vadd.f32 v62, v1  }
0x271: {  	v14 =	vld [tilespmem:$0xFEA0]  }
0x272: {  	v19 =	vld [tilespmem:$0x100A0];
	v1 =	vadd.f32 v4, v1;
	v6 =	vadd.f32 $0.0e+00, v6  }
0x273: {  	v8 =	vadd.f32 v8, v0;
	v0 =	vld [tilespmem:$0xE4B0]  }
0x274: {  	v20 =	vld [tilespmem:$0x102A0];
	v1 =	vadd.f32 v15, v1;
	v5 =	vadd.f32 v5, v6  }
0x275: {  	v46 =	vld [tilespmem:$0xE2C0]  }
0x276: {  	v62 =	vld [tilespmem:$0xE0C0];
	v1 =	vadd.f32 v13, v1;
	v5 =	vadd.f32 v56, v5  }
0x277: {  	v56 =	vld [tilespmem:$0xDAC0]  }
0x278: {  	[tilespmem:$0x10450] =	vst v31;
	v31 =	vld [tilespmem:$0xE6D0];
	v0 =	vadd.f32 v0, v1;
	v5 =	vadd.f32 v49, v5  }
0x279: {  	v6 =	vld [tilespmem:$0xEAB0]  }
0x27a: {  	[tilespmem:$0x10470] =	vst v33;
	v33 =	vld [tilespmem:$0xEAD0];
	v0 =	vadd.f32 v51, v0;
	v2 =	vadd.f32 v54, v5  }
0x27b: {  	v49 =	vld [tilespmem:$0xF6B0]  }
0x27c: {  	v5 =	vld [tilespmem:$0xF0B0];
	v0 =	vadd.f32 v52, v0;
	v2 =	vadd.f32 v56, v2  }
0x27d: {  	v54 =	vld [tilespmem:$0xF4B0]  }
0x27e: {  	v56 =	vld [tilespmem:$0xE4C0];
	v0 =	vadd.f32 v6, v0;
	v2 =	vadd.f32 v57, v2  }
0x27f: {  	v57 =	vld [tilespmem:$0xE6C0]  }
0x280: {  	v0 =	vadd.f32 v45, v0;
	v45 =	vld [tilespmem:$0x1EF00];
	v2 =	vadd.f32 v59, v2  }
0x281: {  	v59 =	vadd.f32 v28, v7;
	v7 =	vld [tilespmem:$0xFCB0]  }
0x282: {  	v28 =	vld [tilespmem:$0xEEC0];
	v2 =	vadd.f32 v62, v2  }
0x283: {  	v0 =	vadd.f32 v41, v0;
	v41 =	vld [tilespmem:$0xFAC0]  }
0x284: {  	v4 =	vadd.f32 v32, v59;
	v62 =	vld [tilespmem:$0xECC0];
	v2 =	vadd.f32 v46, v2  }
0x285: {  	v32 =	vld [tilespmem:$0x102B0];
	v0 =	vadd.f32 v5, v0  }
0x286: {  	v4 =	vadd.f32 v22, v4;
	v22 =	vld [tilespmem:$0x100B0];
	v2 =	vadd.f32 v56, v2  }
0x287: {  	v46 =	vld [tilespmem:$0x100C0]  }
0x288: {  	v0 =	vadd.f32 v36, v0;
	v36 =	vld [tilespmem:$0xF0D0];
	v2 =	vadd.f32 v57, v2  }
0x289: {  	v4 =	vadd.f32 v29, v4;
	v56 =	vld [tilespmem:$0xD4D0]  }
0x28a: {  	[tilespmem:$0x10480] =	vst v43;
	v0 =	vadd.f32 v54, v0;
	v54 =	vld [tilespmem:$0x1EF10];
	v1 =	vadd.f32 v58, v2  }
0x28b: {  	[tilespmem:$0x1F0D0] =	vst v38;
	v4 =	vadd.f32 v25, v4;
	v25 =	vld [tilespmem:$0xDED0]  }
0x28c: {  	[tilespmem:$0x1F030] =	vst v30;
	v2 =	vadd.f32 v55, v63;
	v55 =	vld [tilespmem:$0x1EF20];
	v1 =	vadd.f32 v61, v1  }
0x28d: {  	[tilespmem:$0x10460] =	vst v8;
	v0 =	vadd.f32 v49, v0;
	v58 =	vld [tilespmem:$0x1EF30]  }
0x28e: {  	[tilespmem:$0x1F040] =	vst v31;
	v4 =	vadd.f32 v17, v4;
	v63 =	vld [tilespmem:$0xD8D0];
	v1 =	vadd.f32 v62, v1  }
0x28f: {  	[tilespmem:$0x1F060] =	vst v33;
	v0 =	vadd.f32 v27, v0;
	v27 =	vld [tilespmem:$0xE0D0]  }
0x290: {  	[tilespmem:$0x1F090] =	vst v36;
	v4 =	vadd.f32 v9, v4;
	v61 =	vld [tilespmem:$0x1EF40];
	v1 =	vadd.f32 v28, v1  }
0x291: {  	[tilespmem:$0x1EFB0] =	vst v56;
	v2 =	vadd.f32 v26, v2;
	v26 =	vld [tilespmem:$0x1EF90];
	v0 =	vadd.f32 v21, v0  }
0x292: {  	v21 =	vld [tilespmem:$0xDCD0];
	[tilespmem:$0x1F000] =	vst v25;
	v4 =	vadd.f32 v18, v4;
	v1 =	vadd.f32 v34, v1  }
0x293: {  	v2 =	vadd.f32 v60, v2;
	v60 =	vld [tilespmem:$0xD6D0];
	[tilespmem:$0x10400] =	vst v58;
	v0 =	vadd.f32 v7, v0  }
0x294: {  	v18 =	vld [tilespmem:$0x1EF70];
	[tilespmem:$0x1EFD0] =	vst v63;
	v4 =	vadd.f32 v10, v4;
	v1 =	vadd.f32 v35, v1  }
0x295: {  	v2 =	vadd.f32 v48, v2;
	[tilespmem:$0x1F010] =	vst v27;
	v28 =	vld [tilespmem:$0xE2D0];
	v0 =	vadd.f32 v23, v0  }
0x296: {  	[tilespmem:$0x10410] =	vst v61;
	v4 =	vadd.f32 v16, v4;
	v16 =	vld [tilespmem:$0xDAD0];
	v1 =	vadd.f32 v37, v1  }
0x297: {  	v62 =	vld [tilespmem:$0x1EF50];
	v2 =	vadd.f32 v45, v2;
	[tilespmem:$0x1EFF0] =	vst v21  }
0x298: {  	v34 =	vld [tilespmem:$0xECD0];
	[tilespmem:$0x1EFC0] =	vst v60;
	v0 =	vadd.f32 v22, v0;
	v1 =	vadd.f32 v39, v1  }
0x299: {  	[tilespmem:$0x10430] =	vst v18;
	v2 =	vadd.f32 v54, v2;
	v59 =	vadd.f32 v12, v4;
	v12 =	vld [tilespmem:$0x1EF60]  }
0x29a: {  	v35 =	vld [tilespmem:$0xEED0];
	[tilespmem:$0x1F020] =	vst v28;
	v0 =	vadd.f32 v32, v0;
	v1 =	vadd.f32 v40, v1  }
0x29b: {  	v32 =	vld [tilespmem:$0xE8D0];
	v2 =	vadd.f32 v55, v2;
	v3 =	vadd.f32 v11, v59;
	[tilespmem:$0x1EFE0] =	vst v16  }
0x29c: {  	v37 =	vld [tilespmem:$0xF2D0];
	[tilespmem:$0x104B0] =	vst v0;
	v1 =	vadd.f32 v41, v1  }
0x29d: {  	[tilespmem:$0x1F070] =	vst v34;
	v2 =	vadd.f32 v62, v2;
	v3 =	vadd.f32 v14, v3;
	v39 =	vld [tilespmem:$0xF6D0]  }
0x29e: {  	v29 =	vld [tilespmem:$0x1EFA0];
	[tilespmem:$0x10420] =	vst v12;
	v1 =	vadd.f32 v42, v1  }
0x29f: {  	[tilespmem:$0x1F080] =	vst v35;
	v2 =	vadd.f32 v24, v2;
	v24 =	vld [tilespmem:$0x1EF80];
	v3 =	vadd.f32 v19, v3  }
0x2a0: {  	[tilespmem:$0x1F050] =	vst v32;
	v1 =	vadd.f32 v44, v1  }
0x2a1: {  	[tilespmem:$0x1F0B0] =	vst v37;
	v2 =	vadd.f32 v26, v2;
	v3 =	vadd.f32 v20, v3  }
0x2a2: {  	[tilespmem:$0x1F0F0] =	vst v39;
	v1 =	vadd.f32 v46, v1  }
0x2a3: {  	v2 =	vadd.f32 v29, v2;
	[tilespmem:$0x104A0] =	vst v3  }
0x2a4: {  	[tilespmem:$0x10440] =	vst v24;
	v1 =	vadd.f32 v47, v1  }
0x2a5: {  	v51 =	vld [tilespmem:$0xD0D0];
	[tilespmem:$0x10490] =	vst v2  }
0x2a6: {  	v57 =	vld [tilespmem:$0xD2D0];
	[tilespmem:$0x104C0] =	vst v1  }
0x2a7: {  	v0 =	vld [tilespmem:$0xF8D0]  }
0x2a8: {  	v61 =	vld [tilespmem:$0xFEF0];
	_ =	sdelay $0x4  }
0x2a9: {  	[tilespmem:$0x1F1B0] =	vst v61;
	v61 =	vld [tilespmem:$0xF900];
	_ =	sdelay $0x4  }
0x2aa: {  	[tilespmem:$0x1F580] =	vst v61;
	v61 =	vld [tilespmem:$0xF310];
	_ =	sdelay $0x4  }
0x2ab: {  	[tilespmem:$0x1F4E0] =	vst v61;
	v61 =	vld [tilespmem:$0xED20];
	_ =	sdelay $0x4  }
0x2ac: {  	[tilespmem:$0x1F450] =	vst v61;
	v61 =	vld [tilespmem:$0xE930];
	_ =	sdelay $0x4  }
0x2ad: {  	[tilespmem:$0x1F3F0] =	vst v61;
	v61 =	vld [tilespmem:$0xEB30];
	_ =	sdelay $0x4  }
0x2ae: {  	[tilespmem:$0x1F430] =	vst v61;
	v61 =	vld [tilespmem:$0xED30];
	_ =	sdelay $0x4  }
0x2af: {  	[tilespmem:$0x1F470] =	vst v61;
	v61 =	vld [tilespmem:$0xEF30];
	_ =	sdelay $0x4  }
0x2b0: {  	[tilespmem:$0x1F4B0] =	vst v61;
	v61 =	vld [tilespmem:$0xF130];
	_ =	sdelay $0x4  }
0x2b1: {  	[tilespmem:$0x1F4F0] =	vst v61;
	v61 =	vld [tilespmem:$0xF330];
	_ =	sdelay $0x4  }
0x2b2: {  	[tilespmem:$0x1F530] =	vst v61;
	v61 =	vld [tilespmem:$0xF530];
	_ =	sdelay $0x4  }
0x2b3: {  	[tilespmem:$0x1F570] =	vst v61;
	v61 =	vld [tilespmem:$0xF730];
	_ =	sdelay $0x4  }
0x2b4: {  	[tilespmem:$0x1F5B0] =	vst v61;
	v61 =	vld [tilespmem:$0xF930];
	_ =	sdelay $0x4  }
0x2b5: {  	[tilespmem:$0x1F5F0] =	vst v61;
	v61 =	vld [tilespmem:$0xFB30];
	_ =	sdelay $0x4  }
0x2b6: {  	[tilespmem:$0x1F630] =	vst v61;
	v61 =	vld [tilespmem:$0xFD30];
	_ =	sdelay $0x4  }
0x2b7: {  	[tilespmem:$0x1F670] =	vst v61;
	v61 =	vld [tilespmem:$0xFF30];
	_ =	sdelay $0x4  }
0x2b8: {  	[tilespmem:$0x1F6B0] =	vst v61;
	v61 =	vld [tilespmem:$0x10130];
	_ =	sdelay $0x4  }
0x2b9: {  	[tilespmem:$0x1F6F0] =	vst v61;
	v61 =	vld [tilespmem:$0x10330];
	_ =	sdelay $0x4  }
0x2ba: {  	[tilespmem:$0x1F720] =	vst v61;
	v61 =	vld [tilespmem:$0xD140];
	_ =	sdelay $0x4  }
0x2bb: {  	[tilespmem:$0x1F710] =	vst v61;
	v61 =	vld [tilespmem:$0xD340];
	_ =	sdelay $0x4  }
0x2bc: {  	[tilespmem:$0x1F740] =	vst v61;
	v61 =	vld [tilespmem:$0xD540];
	_ =	sdelay $0x4  }
0x2bd: {  	[tilespmem:$0x1F770] =	vst v61;
	v61 =	vld [tilespmem:$0xD740];
	_ =	sdelay $0x4  }
0x2be: {  	[tilespmem:$0x1F7A0] =	vst v61;
	v61 =	vld [tilespmem:$0xD940];
	_ =	sdelay $0x4  }
0x2bf: {  	[tilespmem:$0x1F7D0] =	vst v61;
	v61 =	vld [tilespmem:$0xDB40];
	_ =	sdelay $0x4  }
0x2c0: {  	[tilespmem:$0x1F800] =	vst v61;
	v61 =	vld [tilespmem:$0xDD40];
	_ =	sdelay $0x4  }
0x2c1: {  	[tilespmem:$0x1F830] =	vst v61;
	v61 =	vld [tilespmem:$0xDF40];
	_ =	sdelay $0x4  }
0x2c2: {  	[tilespmem:$0x1F860] =	vst v61;
	v61 =	vld [tilespmem:$0xE140];
	_ =	sdelay $0x4  }
0x2c3: {  	[tilespmem:$0x1F890] =	vst v61;
	v61 =	vld [tilespmem:$0xE340];
	_ =	sdelay $0x4  }
0x2c4: {  	[tilespmem:$0x1F8C0] =	vst v61;
	v61 =	vld [tilespmem:$0xE540];
	_ =	sdelay $0x4  }
0x2c5: {  	[tilespmem:$0x1F8F0] =	vst v61;
	v61 =	vld [tilespmem:$0xE740];
	_ =	sdelay $0x4  }
0x2c6: {  	[tilespmem:$0x1F920] =	vst v61;
	v61 =	vld [tilespmem:$0xE940];
	_ =	sdelay $0x4  }
0x2c7: {  	[tilespmem:$0x1F950] =	vst v61;
	v61 =	vld [tilespmem:$0xEB40]  }
0x2c8: {  	v40 =	vld [tilespmem:$0xFAD0]  }
0x2c9: {  	v41 =	vld [tilespmem:$0xFCD0]  }
0x2ca: {  	v42 =	vld [tilespmem:$0xFED0]  }
0x2cb: {  	v43 =	vld [tilespmem:$0x100D0]  }
0x2cc: {  	[tilespmem:$0x1F980] =	vst v61;
	v61 =	vld [tilespmem:$0xED40]  }
0x2cd: {  	v44 =	vld [tilespmem:$0x102D0]  }
0x2ce: {  	v6 =	vld [tilespmem:$0xD0E0]  }
0x2cf: {  	v8 =	vld [tilespmem:$0xD2E0]  }
0x2d0: {  	v11 =	vld [tilespmem:$0xD4E0]  }
0x2d1: {  	[tilespmem:$0x1F9B0] =	vst v61;
	v61 =	vld [tilespmem:$0xEF40]  }
0x2d2: {  	v14 =	vld [tilespmem:$0xD6E0]  }
0x2d3: {  	v17 =	vld [tilespmem:$0xD8E0]  }
0x2d4: {  	v20 =	vld [tilespmem:$0xDAE0]  }
0x2d5: {  	v22 =	vld [tilespmem:$0xDCE0]  }
0x2d6: {  	[tilespmem:$0x1F9E0] =	vst v61;
	v61 =	vld [tilespmem:$0xF140]  }
0x2d7: {  	v25 =	vld [tilespmem:$0xDEE0]  }
0x2d8: {  	v29 =	vld [tilespmem:$0xE0E0]  }
0x2d9: {  	v33 =	vld [tilespmem:$0xE2E0]  }
0x2da: {  	v37 =	vld [tilespmem:$0xE4E0]  }
0x2db: {  	[tilespmem:$0x1FA10] =	vst v61;
	v61 =	vld [tilespmem:$0xF340]  }
0x2dc: {  	v38 =	vld [tilespmem:$0xE6E0]  }
0x2dd: {  	v48 =	vld [tilespmem:$0xEAE0]  }
0x2de: {  	v53 =	vld [tilespmem:$0xECE0]  }
0x2df: {  	v58 =	vld [tilespmem:$0xEEE0]  }
0x2e0: {  	[tilespmem:$0x1FA40] =	vst v61;
	v61 =	vld [tilespmem:$0xF540]  }
0x2e1: {  	v45 =	vld [tilespmem:$0xF0E0]  }
0x2e2: {  	v46 =	vld [tilespmem:$0xF2E0]  }
0x2e3: {  	v47 =	vld [tilespmem:$0xF4E0]  }
0x2e4: {  	v49 =	vld [tilespmem:$0xF6E0]  }
0x2e5: {  	[tilespmem:$0x1FA80] =	vst v61;
	v61 =	vld [tilespmem:$0xF740]  }
0x2e6: {  	v50 =	vld [tilespmem:$0xF8E0]  }
0x2e7: {  	v52 =	vld [tilespmem:$0xFAE0]  }
0x2e8: {  	v54 =	vld [tilespmem:$0xFCE0]  }
0x2e9: {  	v55 =	vld [tilespmem:$0xFEE0]  }
0x2ea: {  	[tilespmem:$0x1FAB0] =	vst v61;
	v61 =	vld [tilespmem:$0xF940]  }
0x2eb: {  	v56 =	vld [tilespmem:$0x100E0]  }
0x2ec: {  	v59 =	vld [tilespmem:$0x102E0]  }
0x2ed: {  	v1 =	vld [tilespmem:$0xD2F0]  }
0x2ee: {  	v2 =	vld [tilespmem:$0xD4F0]  }
0x2ef: {  	[tilespmem:$0x1FAF0] =	vst v61;
	v61 =	vld [tilespmem:$0xFB40]  }
0x2f0: {  	v3 =	vld [tilespmem:$0xD6F0]  }
0x2f1: {  	v4 =	vld [tilespmem:$0xD8F0]  }
0x2f2: {  	v5 =	vld [tilespmem:$0xDAF0]  }
0x2f3: {  	v7 =	vld [tilespmem:$0xDCF0]  }
0x2f4: {  	[tilespmem:$0x1FB20] =	vst v61;
	v61 =	vld [tilespmem:$0xFD40]  }
0x2f5: {  	v10 =	vld [tilespmem:$0xDEF0]  }
0x2f6: {  	v12 =	vld [tilespmem:$0xE0F0]  }
0x2f7: {  	v15 =	vld [tilespmem:$0xE2F0]  }
0x2f8: {  	v18 =	vld [tilespmem:$0xE4F0]  }
0x2f9: {  	[tilespmem:$0x1FB60] =	vst v61;
	v61 =	vld [tilespmem:$0xFF40]  }
0x2fa: {  	v21 =	vld [tilespmem:$0xE6F0]  }
0x2fb: {  	v24 =	vld [tilespmem:$0xE8F0]  }
0x2fc: {  	v27 =	vld [tilespmem:$0xEAF0]  }
0x2fd: {  	v30 =	vld [tilespmem:$0xECF0]  }
0x2fe: {  	[tilespmem:$0x1FB90] =	vst v61;
	v61 =	vld [tilespmem:$0x10140]  }
0x2ff: {  	v34 =	vld [tilespmem:$0xEEF0]  }
0x300: {  	v39 =	vld [tilespmem:$0xF0F0]  }
0x301: {  	v62 =	vld [tilespmem:$0xFAF0]  }
0x302: {  	v60 =	vld [tilespmem:$0xFCF0]  }
0x303: {  	[tilespmem:$0x1FBC0] =	vst v61;
	v61 =	vld [tilespmem:$0x10340]  }
0x304: {  	v63 =	vld [tilespmem:$0x100F0]  }
0x305: {  	v13 =	vld [tilespmem:$0x102F0]  }
0x306: {  	v16 =	vld [tilespmem:$0xD100]  }
0x307: {  	v19 =	vld [tilespmem:$0xD300]  }
0x308: {  	[tilespmem:$0x1FC00] =	vst v61;
	v61 =	vld [tilespmem:$0xD150]  }
0x309: {  	v23 =	vld [tilespmem:$0xD500]  }
0x30a: {  	v26 =	vld [tilespmem:$0xD700]  }
0x30b: {  	v28 =	vld [tilespmem:$0xD900]  }
0x30c: {  	v31 =	vld [tilespmem:$0xDB00]  }
0x30d: {  	[tilespmem:$0x1F730] =	vst v61;
	v61 =	vld [tilespmem:$0xD350]  }
0x30e: {  	v32 =	vld [tilespmem:$0xDD00]  }
0x30f: {  	v35 =	vld [tilespmem:$0xDF00]  }
0x310: {  	v36 =	vld [tilespmem:$0xE100]  }
0x311: {  	v51 =	vadd.f32 $0.0e+00, v51;
	v9 =	vld [tilespmem:$0xD130]  }
0x312: {  	[tilespmem:$0x1F760] =	vst v61;
	v61 =	vld [tilespmem:$0xD550]  }
0x313: {  	v51 =	vadd.f32 v57, v51;
	v57 =	vld [tilespmem:$0x1EFB0]  }
0x314: {  	[tilespmem:$0x1F1D0] =	vst v44;
	v44 =	vld [tilespmem:$0xE8E0]  }
0x315: {  	[tilespmem:$0x1F110] =	vst v0;
	v0 =	vld [tilespmem:$0xD0F0]  }
0x316: {  	[tilespmem:$0x1F170] =	vst v42;
	v42 =	vld [tilespmem:$0xF2F0]  }
0x317: {  	[tilespmem:$0x1F790] =	vst v61;
	v61 =	vld [tilespmem:$0xD750]  }
0x318: {  	[tilespmem:$0x1F0A0] =	vst v45;
	v45 =	vld [tilespmem:$0xF4F0]  }
0x319: {  	[tilespmem:$0x1F100] =	vst v49;
	v49 =	vld [tilespmem:$0xF6F0]  }
0x31a: {  	[tilespmem:$0x1F190] =	vst v55;
	v55 =	vld [tilespmem:$0xF8F0]  }
0x31b: {  	[tilespmem:$0x1F130] =	vst v40;
	v40 =	vld [tilespmem:$0xE300]  }
0x31c: {  	[tilespmem:$0x1F7C0] =	vst v61;
	v61 =	vld [tilespmem:$0xD950]  }
0x31d: {  	[tilespmem:$0x1F150] =	vst v41;
	v41 =	vld [tilespmem:$0xE500]  }
0x31e: {  	[tilespmem:$0x1F1A0] =	vst v43;
	v43 =	vld [tilespmem:$0xE700]  }
0x31f: {  	[tilespmem:$0x1F0C0] =	vst v46;
	v46 =	vld [tilespmem:$0xE900]  }
0x320: {  	[tilespmem:$0x1F0E0] =	vst v47;
	v47 =	vld [tilespmem:$0xEB00]  }
0x321: {  	[tilespmem:$0x1F7F0] =	vst v61;
	v61 =	vld [tilespmem:$0xDB50]  }
0x322: {  	[tilespmem:$0x1F120] =	vst v50;
	v50 =	vld [tilespmem:$0xED00]  }
0x323: {  	[tilespmem:$0x1F140] =	vst v52;
	v52 =	vld [tilespmem:$0xEF00]  }
0x324: {  	[tilespmem:$0x1F160] =	vst v54;
	v54 =	vld [tilespmem:$0xF100]  }
0x325: {  	[tilespmem:$0x1F1C0] =	vst v56;
	v56 =	vld [tilespmem:$0xF300]  }
0x326: {  	[tilespmem:$0x1F820] =	vst v61;
	v61 =	vld [tilespmem:$0xDD50]  }
0x327: {  	[tilespmem:$0x1F1F0] =	vst v59;
	v59 =	vld [tilespmem:$0xF500]  }
0x328: {  	[tilespmem:$0x1F180] =	vst v60;
	v60 =	vld [tilespmem:$0xF700]  }
0x329: {  	[tilespmem:$0x1F1E0] =	vst v63;
	v63 =	vld [tilespmem:$0xFB00]  }
0x32a: {  	[tilespmem:$0x1F210] =	vst v13;
	v13 =	vld [tilespmem:$0xFD00]  }
0x32b: {  	[tilespmem:$0x1F850] =	vst v61;
	v61 =	vld [tilespmem:$0xDF50]  }
0x32c: {  	[tilespmem:$0x1F200] =	vst v16;
	v16 =	vld [tilespmem:$0xFF00]  }
0x32d: {  	[tilespmem:$0x1F220] =	vst v19;
	v19 =	vld [tilespmem:$0x10100]  }
0x32e: {  	[tilespmem:$0x1F230] =	vst v23;
	v23 =	vld [tilespmem:$0x10300]  }
0x32f: {  	[tilespmem:$0x1F240] =	vst v26;
	v26 =	vld [tilespmem:$0xD710]  }
0x330: {  	[tilespmem:$0x1F880] =	vst v61;
	v61 =	vld [tilespmem:$0xE150]  }
0x331: {  	[tilespmem:$0x1F260] =	vst v28;
	v28 =	vld [tilespmem:$0xD910]  }
0x332: {  	[tilespmem:$0x1F280] =	vst v31;
	v31 =	vld [tilespmem:$0xDB10]  }
0x333: {  	[tilespmem:$0x1F2A0] =	vst v32;
	v32 =	vld [tilespmem:$0xDD10]  }
0x334: {  	[tilespmem:$0x1F2C0] =	vst v35;
	v35 =	vld [tilespmem:$0xDF10]  }
0x335: {  	v6 =	vadd.f32 $0.0e+00, v6;
	[tilespmem:$0x1F8B0] =	vst v61;
	v61 =	vld [tilespmem:$0xE350]  }
0x336: {  	[tilespmem:$0x1F2E0] =	vst v36;
	v36 =	vld [tilespmem:$0xE110]  }
0x337: {  	v6 =	vadd.f32 v8, v6;
	v8 =	vadd.f32 v57, v51;
	v51 =	vld [tilespmem:$0xE360]  }
0x338: {  	v57 =	vld [tilespmem:$0x1EFC0]  }
0x339: {  	[tilespmem:$0x1F3C0] =	vst v47;
	v47 =	vld [tilespmem:$0xD110]  }
0x33a: {  	[tilespmem:$0x1F8E0] =	vst v61;
	v61 =	vld [tilespmem:$0xE550]  }
0x33b: {  	[tilespmem:$0x1F480] =	vst v54;
	v54 =	vld [tilespmem:$0xD310]  }
0x33c: {  	[tilespmem:$0x1F540] =	vst v60;
	v60 =	vld [tilespmem:$0xD510]  }
0x33d: {  	[tilespmem:$0x1F300] =	vst v40;
	v40 =	vld [tilespmem:$0xE310]  }
0x33e: {  	[tilespmem:$0x1F330] =	vst v41;
	v41 =	vld [tilespmem:$0xE510]  }
0x33f: {  	[tilespmem:$0x1F910] =	vst v61;
	v61 =	vld [tilespmem:$0xE750]  }
0x340: {  	[tilespmem:$0x1F360] =	vst v43;
	v43 =	vld [tilespmem:$0xE710]  }
0x341: {  	[tilespmem:$0x1F390] =	vst v46;
	v46 =	vld [tilespmem:$0xE910]  }
0x342: {  	[tilespmem:$0x1F400] =	vst v50;
	v50 =	vld [tilespmem:$0xEB10]  }
0x343: {  	[tilespmem:$0x1F440] =	vst v52;
	v52 =	vld [tilespmem:$0xED10]  }
0x344: {  	[tilespmem:$0x1F940] =	vst v61;
	v61 =	vld [tilespmem:$0xE950]  }
0x345: {  	[tilespmem:$0x1F4C0] =	vst v56;
	v56 =	vld [tilespmem:$0xEF10]  }
0x346: {  	[tilespmem:$0x1F500] =	vst v59;
	v59 =	vld [tilespmem:$0xF110]  }
0x347: {  	[tilespmem:$0x1F5C0] =	vst v63;
	v63 =	vld [tilespmem:$0xF510]  }
0x348: {  	[tilespmem:$0x1F600] =	vst v13;
	v13 =	vld [tilespmem:$0xF710]  }
0x349: {  	[tilespmem:$0x1F970] =	vst v61;
	v61 =	vld [tilespmem:$0xEB50]  }
0x34a: {  	[tilespmem:$0x1F640] =	vst v16;
	v16 =	vld [tilespmem:$0xF910]  }
0x34b: {  	[tilespmem:$0x1F680] =	vst v19;
	v19 =	vld [tilespmem:$0xFB10]  }
0x34c: {  	[tilespmem:$0x1F6C0] =	vst v23;
	v23 =	vld [tilespmem:$0xFD10]  }
0x34d: {  	[tilespmem:$0x1F250] =	vst v26;
	v26 =	vld [tilespmem:$0xFF10]  }
0x34e: {  	[tilespmem:$0x1F9A0] =	vst v61;
	v61 =	vld [tilespmem:$0xED50]  }
0x34f: {  	[tilespmem:$0x1F270] =	vst v28;
	v28 =	vld [tilespmem:$0x10110]  }
0x350: {  	[tilespmem:$0x1F290] =	vst v31;
	v31 =	vld [tilespmem:$0x10310]  }
0x351: {  	[tilespmem:$0x1F2D0] =	vst v35;
	v35 =	vld [tilespmem:$0xD520]  }
0x352: {  	[tilespmem:$0x1F2B0] =	vst v32;
	v32 =	vld [tilespmem:$0xE120]  }
0x353: {  	[tilespmem:$0x1F9D0] =	vst v61;
	v61 =	vld [tilespmem:$0xEF50]  }
0x354: {  	v11 =	vadd.f32 v11, v6;
	[tilespmem:$0x1F2F0] =	vst v36;
	v36 =	vld [tilespmem:$0xE320];
	v0 =	vadd.f32 $0.0e+00, v0  }
0x355: {  	v6 =	vadd.f32 v57, v8;
	v8 =	vld [tilespmem:$0xE760]  }
0x356: {  	v0 =	vadd.f32 v1, v0;
	v1 =	vadd.f32 v14, v11;
	v11 =	vld [tilespmem:$0x1EFD0]  }
0x357: {  	v14 =	vld [tilespmem:$0xE960]  }
0x358: {  	[tilespmem:$0x1FA00] =	vst v61;
	v61 =	vld [tilespmem:$0xF150]  }
0x359: {  	[tilespmem:$0x1F900] =	vst v51;
	v51 =	vld [tilespmem:$0x1EFE0]  }
0x35a: {  	v57 =	vld [tilespmem:$0xED60]  }
0x35b: {  	v1 =	vadd.f32 v17, v1;
	v17 =	vld [tilespmem:$0xEB60]  }
0x35c: {  	[tilespmem:$0x1F660] =	vst v26;
	v26 =	vld [tilespmem:$0xD120]  }
0x35d: {  	[tilespmem:$0x1FA30] =	vst v61;
	v61 =	vld [tilespmem:$0xF350]  }
0x35e: {  	[tilespmem:$0x1F6E0] =	vst v31;
	v31 =	vld [tilespmem:$0xD320]  }
0x35f: {  	[tilespmem:$0x1F320] =	vst v40;
	v40 =	vld [tilespmem:$0xD720]  }
0x360: {  	[tilespmem:$0x1F380] =	vst v43;
	v43 =	vld [tilespmem:$0xD920]  }
0x361: {  	[tilespmem:$0x1F3E0] =	vst v50;
	v50 =	vld [tilespmem:$0xDB20]  }
0x362: {  	[tilespmem:$0x1FA60] =	vst v61;
	v61 =	vld [tilespmem:$0xF550]  }
0x363: {  	[tilespmem:$0x1F460] =	vst v56;
	v56 =	vld [tilespmem:$0xDD20]  }
0x364: {  	[tilespmem:$0x1F520] =	vst v63;
	v63 =	vld [tilespmem:$0xDF20]  }
0x365: {  	[tilespmem:$0x1F350] =	vst v41;
	v41 =	vld [tilespmem:$0xE520]  }
0x366: {  	[tilespmem:$0x1F3B0] =	vst v46;
	v46 =	vld [tilespmem:$0xE720]  }
0x367: {  	[tilespmem:$0x1FA90] =	vst v61;
	v61 =	vld [tilespmem:$0xF750]  }
0x368: {  	[tilespmem:$0x1F420] =	vst v52;
	v52 =	vld [tilespmem:$0xE920]  }
0x369: {  	[tilespmem:$0x1F4A0] =	vst v59;
	v59 =	vld [tilespmem:$0xEB20]  }
0x36a: {  	[tilespmem:$0x1F560] =	vst v13;
	v13 =	vld [tilespmem:$0xEF20]  }
0x36b: {  	[tilespmem:$0x1F5A0] =	vst v16;
	v16 =	vld [tilespmem:$0xF120]  }
0x36c: {  	[tilespmem:$0x1FAD0] =	vst v61;
	v61 =	vld [tilespmem:$0xF950]  }
0x36d: {  	[tilespmem:$0x1F5E0] =	vst v19;
	v19 =	vld [tilespmem:$0xF320]  }
0x36e: {  	[tilespmem:$0x1F620] =	vst v23;
	v23 =	vld [tilespmem:$0xF520]  }
0x36f: {  	[tilespmem:$0x1F6A0] =	vst v28;
	v28 =	vld [tilespmem:$0xF720]  }
0x370: {  	[tilespmem:$0x1F310] =	vst v32;
	v32 =	vld [tilespmem:$0xF920]  }
0x371: {  	[tilespmem:$0x1FB00] =	vst v61;
	v61 =	vld [tilespmem:$0xFB50]  }
0x372: {  	[tilespmem:$0x1F340] =	vst v36;
	v36 =	vld [tilespmem:$0xFB20]  }
0x373: {  	v1 =	vadd.f32 v20, v1;
	v20 =	vld [tilespmem:$0xF360]  }
0x374: {  	v0 =	vadd.f32 v2, v0;
	v2 =	vadd.f32 v11, v6;
	v6 =	vld [tilespmem:$0x1EFF0]  }
0x375: {  	[tilespmem:$0x1F960] =	vst v8;
	v8 =	vld [tilespmem:$0xF160]  }
0x376: {  	[tilespmem:$0x1FB40] =	vst v61;
	v61 =	vld [tilespmem:$0xFD50]  }
0x377: {  	v11 =	vld [tilespmem:$0x1F000]  }
0x378: {  	[tilespmem:$0x1F990] =	vst v14;
	v14 =	vld [tilespmem:$0xF560]  }
0x379: {  	[tilespmem:$0x1F9F0] =	vst v57;
	v57 =	vld [tilespmem:$0x1F020]  }
0x37a: {  	v0 =	vadd.f32 v3, v0;
	v1 =	vadd.f32 v22, v1;
	v22 =	vld [tilespmem:$0xF760]  }
0x37b: {  	[tilespmem:$0x1FB80] =	vst v61;
	v61 =	vld [tilespmem:$0xFF50]  }
0x37c: {  	v0 =	vadd.f32 v4, v0;
	v4 =	vld [tilespmem:$0xDD70]  }
0x37d: {  	[tilespmem:$0x1F9C0] =	vst v17;
	v17 =	vld [tilespmem:$0x1F010]  }
0x37e: {  	v2 =	vadd.f32 v51, v2;
	v51 =	vld [tilespmem:$0xFB60]  }
0x37f: {  	[tilespmem:$0x1F370] =	vst v41;
	v41 =	vld [tilespmem:$0xFD20]  }
0x380: {  	[tilespmem:$0x1FBB0] =	vst v61;
	v61 =	vld [tilespmem:$0x10150]  }
0x381: {  	[tilespmem:$0x1F3A0] =	vst v46;
	v46 =	vld [tilespmem:$0xFF20]  }
0x382: {  	[tilespmem:$0x1F3D0] =	vst v52;
	v52 =	vld [tilespmem:$0x10120]  }
0x383: {  	[tilespmem:$0x1F410] =	vst v59;
	v59 =	vld [tilespmem:$0x10320]  }
0x384: {  	[tilespmem:$0x1F490] =	vst v13;
	v13 =	vld [tilespmem:$0xD330]  }
0x385: {  	[tilespmem:$0x1FBE0] =	vst v61;
	v61 =	vld [tilespmem:$0x10350]  }
0x386: {  	[tilespmem:$0x1F4D0] =	vst v16;
	v16 =	vld [tilespmem:$0xD530]  }
0x387: {  	[tilespmem:$0x1F510] =	vst v19;
	v19 =	vld [tilespmem:$0xD730]  }
0x388: {  	[tilespmem:$0x1F550] =	vst v23;
	v23 =	vld [tilespmem:$0xD930]  }
0x389: {  	[tilespmem:$0x1F590] =	vst v28;
	v28 =	vld [tilespmem:$0xDB30]  }
0x38a: {  	[tilespmem:$0x1FC20] =	vst v61;
	v61 =	vld [tilespmem:$0xD160]  }
0x38b: {  	[tilespmem:$0x1F5D0] =	vst v32;
	v32 =	vld [tilespmem:$0xDD30]  }
0x38c: {  	[tilespmem:$0x1F610] =	vst v36;
	v36 =	vld [tilespmem:$0xDF30]  }
0x38d: {  	v1 =	vadd.f32 v25, v1;
	v25 =	vld [tilespmem:$0xF960]  }
0x38e: {  	v0 =	vadd.f32 v5, v0;
	v2 =	vadd.f32 v6, v2;
	v6 =	vld [tilespmem:$0xFF60]  }
0x38f: {  	[tilespmem:$0x1F750] =	vst v61;
	v61 =	vld [tilespmem:$0xD360]  }
0x390: {  	v0 =	vadd.f32 v7, v0;
	v7 =	vld [tilespmem:$0x1F030]  }
0x391: {  	[tilespmem:$0x1FA50] =	vst v8;
	v8 =	vld [tilespmem:$0x10160]  }
0x392: {  	[tilespmem:$0x1FAC0] =	vst v14;
	v14 =	vld [tilespmem:$0x1F060]  }
0x393: {  	v1 =	vadd.f32 v29, v1;
	v29 =	vld [tilespmem:$0x1F0B0]  }
0x394: {  	[tilespmem:$0x1F780] =	vst v61;
	v61 =	vld [tilespmem:$0xD560]  }
0x395: {  	v0 =	vadd.f32 v10, v0;
	v10 =	vld [tilespmem:$0x10360]  }
0x396: {  	v2 =	vadd.f32 v11, v2;
	v11 =	vld [tilespmem:$0x1F040]  }
0x397: {  	[tilespmem:$0x1FB70] =	vst v51;
	v51 =	vld [tilespmem:$0xD770]  }
0x398: {  	v1 =	vadd.f32 v33, v1;
	v33 =	vld [tilespmem:$0xDB70]  }
0x399: {  	[tilespmem:$0x1F7B0] =	vst v61;
	v61 =	vld [tilespmem:$0xD760]  }
0x39a: {  	[tilespmem:$0x1F650] =	vst v41;
	v41 =	vld [tilespmem:$0xE130]  }
0x39b: {  	[tilespmem:$0x1F690] =	vst v46;
	v46 =	vld [tilespmem:$0xE330]  }
0x39c: {  	[tilespmem:$0x1F6D0] =	vst v52;
	v52 =	vld [tilespmem:$0xE530]  }
0x39d: {  	[tilespmem:$0x1F700] =	vst v59;
	v59 =	vld [tilespmem:$0xE730]  }
0x39e: {  	[tilespmem:$0x1F7E0] =	vst v61;
	v61 =	vld [tilespmem:$0xD960]  }
0x39f: {  	[tilespmem:$0x1FB30] =	vst v25;
	v25 =	vld [tilespmem:$0xDF70]  }
0x3a0: {  	v0 =	vadd.f32 v12, v0;
	v12 =	vld [tilespmem:$0x1F050]  }
0x3a1: {  	v2 =	vadd.f32 v17, v2;
	v17 =	vld [tilespmem:$0x1F080]  }
0x3a2: {  	v1 =	vadd.f32 v37, v1;
	v37 =	vld [tilespmem:$0x1F0D0]  }
0x3a3: {  	[tilespmem:$0x1F810] =	vst v61;
	v61 =	vld [tilespmem:$0xDB60]  }
0x3a4: {  	[tilespmem:$0x1FBD0] =	vst v6;
	v6 =	vld [tilespmem:$0xD170]  }
0x3a5: {  	v2 =	vadd.f32 v57, v2;
	v57 =	vld [tilespmem:$0xD970]  }
0x3a6: {  	v0 =	vadd.f32 v15, v0;
	v15 =	vld [tilespmem:$0x1F070]  }
0x3a7: {  	[tilespmem:$0x1FC40] =	vst v10;
	v10 =	vld [tilespmem:$0xE970]  }
0x3a8: {  	v1 =	vadd.f32 v38, v1;
	[tilespmem:$0x1F840] =	vst v61;
	v61 =	vld [tilespmem:$0xDD60]  }
0x3a9: {  	v2 =	vadd.f32 v7, v2;
	v7 =	vld [tilespmem:$0xE770]  }
0x3aa: {  	v0 =	vadd.f32 v18, v0;
	v1 =	vadd.f32 v44, v1;
	v44 =	vld [tilespmem:$0x1F0F0]  }
0x3ab: {  	v2 =	vadd.f32 v11, v2;
	v11 =	vld [tilespmem:$0xD370]  }
0x3ac: {  	v0 =	vadd.f32 v21, v0;
	v21 =	vld [tilespmem:$0xD570]  }
0x3ad: {  	[tilespmem:$0x1F870] =	vst v61;
	v61 =	vld [tilespmem:$0xDF60]  }
0x3ae: {  	v1 =	vadd.f32 v48, v1;
	v48 =	vld [tilespmem:$0xF170]  }
0x3af: {  	v0 =	vadd.f32 v24, v0;
	v24 =	vld [tilespmem:$0x1F090]  }
0x3b0: {  	v2 =	vadd.f32 v12, v2;
	v12 =	vld [tilespmem:$0xE570]  }
0x3b1: {  	v1 =	vadd.f32 v53, v1;
	v53 =	vld [tilespmem:$0x1F100]  }
0x3b2: {  	[tilespmem:$0x1F8A0] =	vst v61;
	v61 =	vld [tilespmem:$0xE160]  }
0x3b3: {  	v0 =	vadd.f32 v27, v0;
	v27 =	vld [tilespmem:$0x1F0A0]  }
0x3b4: {  	v1 =	vadd.f32 v58, v1;
	v58 =	vld [tilespmem:$0xF370]  }
0x3b5: {  	[tilespmem:$0x1FA70] =	vst v48;
	v48 =	vld [tilespmem:$0xFF70]  }
0x3b6: {  	v18 =	vadd.f32 v30, v0;
	v30 =	vld [tilespmem:$0xE170]  }
0x3b7: {  	v2 =	vadd.f32 v14, v2;
	[tilespmem:$0x1F8D0] =	vst v61;
	v61 =	vld [tilespmem:$0xE560]  }
0x3b8: {  	v0 =	vld [tilespmem:$0xE370]  }
0x3b9: {  	v2 =	vadd.f32 v15, v2;
	v3 =	vadd.f32 v34, v18;
	v34 =	vld [tilespmem:$0x1F0C0]  }
0x3ba: {  	v18 =	vld [tilespmem:$0xEB70]  }
0x3bb: {  	v2 =	vadd.f32 v17, v2;
	v17 =	vld [tilespmem:$0xF570]  }
0x3bc: {  	[tilespmem:$0x1F930] =	vst v61;
	v61 =	vld [tilespmem:$0xEF60]  }
0x3bd: {  	v1 =	vadd.f32 v27, v1;
	v27 =	vld [tilespmem:$0x1F120]  }
0x3be: {  	[tilespmem:$0x1FAA0] =	vst v58;
	v58 =	vld [tilespmem:$0x1F190];
	v2 =	vadd.f32 v24, v2  }
0x3bf: {  	v3 =	vadd.f32 v39, v3;
	v39 =	vld [tilespmem:$0x1F0E0]  }
0x3c0: {  	v5 =	vadd.f32 v29, v2;
	v1 =	vadd.f32 v34, v1;
	v34 =	vld [tilespmem:$0xF770]  }
0x3c1: {  	v38 =	vadd.f32 v42, v3;
	[tilespmem:$0x1FA20] =	vst v61;
	v61 =	vld [tilespmem:$0xFD60]  }
0x3c2: {  	v5 =	vadd.f32 v37, v5;
	v37 =	vld [tilespmem:$0x1F130]  }
0x3c3: {  	[tilespmem:$0x1FC10] =	vst v8;
	v8 =	vadd.f32 v45, v38;
	v45 =	vld [tilespmem:$0x1F160]  }
0x3c4: {  	v42 =	vadd.f32 v39, v1;
	v39 =	vld [tilespmem:$0xF970]  }
0x3c5: {  	v5 =	vadd.f32 v44, v5;
	v44 =	vld [tilespmem:$0x1F150]  }
0x3c6: {  	[tilespmem:$0x1FBA0] =	vst v61;
	v61 =	vld [tilespmem:$0x1F110]  }
0x3c7: {  	v8 =	vadd.f32 v49, v8;
	v49 =	vld [tilespmem:$0x1F170]  }
0x3c8: {  	v14 =	vadd.f32 v53, v42;
	v42 =	vld [tilespmem:$0x1F140]  }
0x3c9: {  	v53 =	vld [tilespmem:$0x1F180]  }
0x3ca: {  	v38 =	vadd.f32 v55, v8;
	v55 =	vld [tilespmem:$0x10170]  }
0x3cb: {  	v8 =	vld [tilespmem:$0x1F1C0];
	v5 =	vadd.f32 v61, v5  }
0x3cc: {  	[tilespmem:$0x1FAE0] =	vst v17;
	v17 =	vadd.f32 v62, v38;
	v62 =	vld [tilespmem:$0x1F1B0]  }
0x3cd: {  	v14 =	vadd.f32 v27, v14;
	v38 =	vld [tilespmem:$0x1F1D0];
	v15 =	vadd.f32 v37, v5  }
0x3ce: {  	v61 =	vld [tilespmem:$0x1F1A0]  }
0x3cf: {  	[tilespmem:$0x1FB50] =	vst v39;
	v39 =	vld [tilespmem:$0x1F1E0];
	v14 =	vadd.f32 v42, v14;
	v15 =	vadd.f32 v44, v15  }
0x3d0: {  	v17 =	vadd.f32 v53, v17;
	v53 =	vld [tilespmem:$0xD780]  }
0x3d1: {  	v14 =	vadd.f32 v45, v14;
	v5 =	vld [tilespmem:$0xD180];
	v15 =	vadd.f32 v49, v15  }
0x3d2: {  	[tilespmem:$0x1FBF0] =	vst v48;
	v45 =	vld [tilespmem:$0x1F1F0]  }
0x3d3: {  	[tilespmem:$0x1FB10] =	vst v34;
	v14 =	vadd.f32 v58, v14;
	v37 =	vld [tilespmem:$0xD380];
	v15 =	vadd.f32 v61, v15  }
0x3d4: {  	[tilespmem:$0x1FC30] =	vst v55;
	v55 =	vld [tilespmem:$0x1F210];
	v17 =	vadd.f32 v62, v17  }
0x3d5: {  	[tilespmem:$0x1FC80] =	vst v53;
	v14 =	vadd.f32 v8, v14;
	v44 =	vld [tilespmem:$0xD580];
	v1 =	vadd.f32 v38, v15  }
0x3d6: {  	v24 =	vld [tilespmem:$0xED70];
	[tilespmem:$0x1FC50] =	vst v5  }
0x3d7: {  	v48 =	vld [tilespmem:$0x1F200];
	v42 =	vadd.f32 v39, v17;
	[tilespmem:$0x1FF50] =	vst v1;
	v1 =	vadd.f32 v45, v14  }
0x3d8: {  	v29 =	vld [tilespmem:$0xEF70];
	[tilespmem:$0x1FC60] =	vst v37  }
0x3d9: {  	v2 =	vld [tilespmem:$0x10370];
	[tilespmem:$0x1FF60] =	vst v1;
	v1 =	vadd.f32 v55, v42  }
0x3da: {  	v34 =	vld [tilespmem:$0xFD70];
	[tilespmem:$0x1FC70] =	vst v44  }
0x3db: {  	v27 =	vld [tilespmem:$0xFB70];
	[tilespmem:$0x1FF70] =	vst v1  }
0x3dc: {  	v1 =	vld [tilespmem:$0xD980]  }
0x3dd: {  	v61 =	vld [tilespmem:$0x1F220]  }
0x3de: {  	v5 =	vld [tilespmem:$0xDB80]  }
0x3df: {  	v8 =	vld [tilespmem:$0xDD80]  }
0x3e0: {  	v62 =	vadd.f32 $0.0e+00, v26;
	v26 =	vld [tilespmem:$0x1F230]  }
0x3e1: {  	v37 =	vld [tilespmem:$0xDF80]  }
0x3e2: {  	v9 =	vadd.f32 $0.0e+00, v9;
	v38 =	vld [tilespmem:$0xE180]  }
0x3e3: {  	v39 =	vld [tilespmem:$0x1F240]  }
0x3e4: {  	v9 =	vadd.f32 v13, v9;
	v45 =	vld [tilespmem:$0xE380]  }
0x3e5: {  	v6 =	vadd.f32 $0.0e+00, v6;
	v58 =	vadd.f32 $0.0e+00, v47;
	v47 =	vld [tilespmem:$0x1F250]  }
0x3e6: {  	v9 =	vadd.f32 v16, v9;
	v49 =	vadd.f32 $0.0e+00, v48;
	v48 =	vld [tilespmem:$0xE580]  }
0x3e7: {  	v6 =	vadd.f32 v11, v6;
	v53 =	vld [tilespmem:$0xE780]  }
0x3e8: {  	v9 =	vadd.f32 v19, v9;
	v15 =	vadd.f32 v54, v58;
	v54 =	vld [tilespmem:$0x1F270]  }
0x3e9: {  	v6 =	vadd.f32 v21, v6;
	v55 =	vld [tilespmem:$0xE980]  }
0x3ea: {  	v9 =	vadd.f32 v23, v9;
	v58 =	vld [tilespmem:$0x1F280]  }
0x3eb: {  	v6 =	vadd.f32 v51, v6;
	v15 =	vadd.f32 v60, v15;
	v60 =	vld [tilespmem:$0xEB80]  }
0x3ec: {  	v17 =	vadd.f32 v31, v62;
	v62 =	vld [tilespmem:$0xED80]  }
0x3ed: {  	v9 =	vadd.f32 v28, v9;
	v6 =	vadd.f32 v57, v6;
	v16 =	vld [tilespmem:$0x1F2B0]  }
0x3ee: {  	v44 =	vadd.f32 v35, v17;
	v17 =	vld [tilespmem:$0xF180]  }
0x3ef: {  	v9 =	vadd.f32 v32, v9;
	v6 =	vadd.f32 v33, v6;
	v19 =	vld [tilespmem:$0x1F2C0]  }
0x3f0: {  	v23 =	vld [tilespmem:$0xF380]  }
0x3f1: {  	v9 =	vadd.f32 v36, v9;
	v6 =	vadd.f32 v4, v6;
	v28 =	vld [tilespmem:$0xF580]  }
0x3f2: {  	v31 =	vld [tilespmem:$0x1F2E0]  }
0x3f3: {  	v9 =	vadd.f32 v41, v9;
	v6 =	vadd.f32 v25, v6;
	v32 =	vld [tilespmem:$0xF780]  }
0x3f4: {  	v35 =	vld [tilespmem:$0x1F2F0]  }
0x3f5: {  	v9 =	vadd.f32 v46, v9;
	v6 =	vadd.f32 v30, v6;
	v36 =	vld [tilespmem:$0xE190]  }
0x3f6: {  	v41 =	vld [tilespmem:$0xE390]  }
0x3f7: {  	v9 =	vadd.f32 v52, v9;
	v0 =	vadd.f32 v0, v6;
	v46 =	vld [tilespmem:$0x1F4C0]  }
0x3f8: {  	v52 =	vld [tilespmem:$0xE990]  }
0x3f9: {  	v9 =	vadd.f32 v59, v9;
	v0 =	vadd.f32 v12, v0;
	v59 =	vld [tilespmem:$0x1F520]  }
0x3fa: {  	v51 =	vld [tilespmem:$0x1F820]  }
0x3fb: {  	v0 =	vadd.f32 v7, v0;
	v57 =	vld [tilespmem:$0x1F860]  }
0x3fc: {  	v21 =	vld [tilespmem:$0x1F8F0]  }
0x3fd: {  	v0 =	vadd.f32 v10, v0;
	v25 =	vld [tilespmem:$0xFFA0]  }
0x3fe: {  	v30 =	vld [tilespmem:$0x101A0]  }
0x3ff: {  	v0 =	vadd.f32 v18, v0;
	v3 =	vld [tilespmem:$0xD5B0]  }
0x400: {  	v10 =	vld [tilespmem:$0xDFB0]  }
0x401: {  	v0 =	vadd.f32 v24, v0;
	v18 =	vld [tilespmem:$0x1FA00]  }
0x402: {  	v24 =	vld [tilespmem:$0x1FA40]  }
0x403: {  	v0 =	vadd.f32 v29, v0;
	v29 =	vld [tilespmem:$0x1FA60]  }
0x404: {  	v14 =	vadd.f32 v61, v49;
	v49 =	vld [tilespmem:$0x1F260]  }
0x405: {  	v61 =	vld [tilespmem:$0x1F290]  }
0x406: {  	[tilespmem:$0x1FCA0] =	vst v5;
	v5 =	vld [tilespmem:$0x1F2A0]  }
0x407: {  	[tilespmem:$0x1FCB0] =	vst v8;
	v8 =	vld [tilespmem:$0xEF80]  }
0x408: {  	[tilespmem:$0x1FCC0] =	vst v37;
	v37 =	vld [tilespmem:$0xF980]  }
0x409: {  	[tilespmem:$0x1FCE0] =	vst v38;
	v38 =	vld [tilespmem:$0x1F300]  }
0x40a: {  	[tilespmem:$0x1FD00] =	vst v45;
	v45 =	vld [tilespmem:$0x1F340]  }
0x40b: {  	v15 =	vadd.f32 v47, v15;
	v47 =	vld [tilespmem:$0xFF80]  }
0x40c: {  	[tilespmem:$0x1FD20] =	vst v48;
	v48 =	vld [tilespmem:$0x1F350]  }
0x40d: {  	[tilespmem:$0x1FD40] =	vst v53;
	v53 =	vld [tilespmem:$0x1F370]  }
0x40e: {  	[tilespmem:$0x1FD60] =	vst v55;
	v55 =	vld [tilespmem:$0x1F380]  }
0x40f: {  	[tilespmem:$0x1FD80] =	vst v60;
	v60 =	vld [tilespmem:$0x1F3B0]  }
0x410: {  	[tilespmem:$0x1FDA0] =	vst v62;
	v62 =	vld [tilespmem:$0x1F3C0]  }
0x411: {  	[tilespmem:$0x1FDE0] =	vst v17;
	v17 =	vld [tilespmem:$0x1F410]  }
0x412: {  	[tilespmem:$0x1FE00] =	vst v23;
	v23 =	vld [tilespmem:$0x1F430]  }
0x413: {  	[tilespmem:$0x1FE20] =	vst v28;
	v28 =	vld [tilespmem:$0x1F450]  }
0x414: {  	[tilespmem:$0x1FE40] =	vst v32;
	v32 =	vld [tilespmem:$0x1F460]  }
0x415: {  	[tilespmem:$0x1FCF0] =	vst v36;
	v36 =	vld [tilespmem:$0xF590]  }
0x416: {  	[tilespmem:$0x1FD10] =	vst v41;
	v41 =	vld [tilespmem:$0xF790]  }
0x417: {  	[tilespmem:$0x1FD70] =	vst v52;
	v52 =	vld [tilespmem:$0xFD90]  }
0x418: {  	[tilespmem:$0x1FF20] =	vst v30;
	v30 =	vld [tilespmem:$0xD3B0]  }
0x419: {  	[tilespmem:$0x1FEF0] =	vst v25;
	v25 =	vld [tilespmem:$0xD9B0]  }
0x41a: {  	v14 =	vadd.f32 v26, v14;
	v26 =	vld [tilespmem:$0x1F2D0]  }
0x41b: {  	v15 =	vadd.f32 v54, v15;
	v54 =	vld [tilespmem:$0x10380]  }
0x41c: {  	v42 =	vadd.f32 v39, v14;
	v39 =	vld [tilespmem:$0x1F310]  }
0x41d: {  	v14 =	vadd.f32 v40, v44;
	v40 =	vld [tilespmem:$0xFB80]  }
0x41e: {  	v44 =	vld [tilespmem:$0x1F330]  }
0x41f: {  	v15 =	vadd.f32 v61, v15;
	v61 =	vld [tilespmem:$0xD190]  }
0x420: {  	[tilespmem:$0x1FDC0] =	vst v8;
	v8 =	vld [tilespmem:$0x1F3F0]  }
0x421: {  	[tilespmem:$0x1FE60] =	vst v37;
	v37 =	vld [tilespmem:$0x1F480]  }
0x422: {  	[tilespmem:$0x1FEC0] =	vst v47;
	v47 =	vld [tilespmem:$0x1F4D0]  }
0x423: {  	[tilespmem:$0x1FE30] =	vst v36;
	v36 =	vld [tilespmem:$0x1F700]  }
0x424: {  	[tilespmem:$0x1FEB0] =	vst v52;
	v52 =	vld [tilespmem:$0x1F750]  }
0x425: {  	v13 =	vadd.f32 v49, v42;
	v42 =	vld [tilespmem:$0x1F320]  }
0x426: {  	v14 =	vadd.f32 v43, v14;
	v43 =	vld [tilespmem:$0xFD80]  }
0x427: {  	v49 =	vld [tilespmem:$0x10180]  }
0x428: {  	v15 =	vadd.f32 v16, v15;
	v16 =	vld [tilespmem:$0x1F400]  }
0x429: {  	[tilespmem:$0x1FF10] =	vst v54;
	v54 =	vld [tilespmem:$0x1F500]  }
0x42a: {  	v14 =	vadd.f32 v50, v14;
	v50 =	vld [tilespmem:$0x1F360]  }
0x42b: {  	v13 =	vadd.f32 v58, v13;
	v58 =	vld [tilespmem:$0x1F3A0]  }
0x42c: {  	v15 =	vadd.f32 v26, v15;
	v26 =	vld [tilespmem:$0x1F440]  }
0x42d: {  	[tilespmem:$0x1FE80] =	vst v40;
	v40 =	vld [tilespmem:$0x1F490]  }
0x42e: {  	v14 =	vadd.f32 v56, v14;
	v56 =	vld [tilespmem:$0x1F390]  }
0x42f: {  	v13 =	vadd.f32 v5, v13;
	v5 =	vld [tilespmem:$0x1F3E0]  }
0x430: {  	v9 =	vadd.f32 v8, v9;
	v8 =	vld [tilespmem:$0x1F550]  }
0x431: {  	v15 =	vadd.f32 v35, v15;
	v35 =	vld [tilespmem:$0x1F470]  }
0x432: {  	[tilespmem:$0x1FEA0] =	vst v43;
	v43 =	vld [tilespmem:$0x1F4A0]  }
0x433: {  	[tilespmem:$0x1FEE0] =	vst v49;
	v49 =	vld [tilespmem:$0x1F4E0]  }
0x434: {  	v14 =	vadd.f32 v63, v14;
	v63 =	vld [tilespmem:$0x1F3D0]  }
0x435: {  	v13 =	vadd.f32 v19, v13;
	v19 =	vld [tilespmem:$0x1F420]  }
0x436: {  	v9 =	vadd.f32 v23, v9;
	v23 =	vld [tilespmem:$0xF190]  }
0x437: {  	v15 =	vadd.f32 v42, v15;
	v42 =	vld [tilespmem:$0xD790]  }
0x438: {  	v14 =	vadd.f32 v39, v14;
	v39 =	vld [tilespmem:$0xD590]  }
0x439: {  	v13 =	vadd.f32 v31, v13;
	v31 =	vld [tilespmem:$0xDF90]  }
0x43a: {  	v15 =	vadd.f32 v48, v15;
	v48 =	vld [tilespmem:$0xE790]  }
0x43b: {  	v13 =	vadd.f32 v38, v13;
	v38 =	vld [tilespmem:$0xD990]  }
0x43c: {  	v14 =	vadd.f32 v45, v14;
	v45 =	vld [tilespmem:$0xE590]  }
0x43d: {  	v9 =	vadd.f32 v35, v9;
	v35 =	vld [tilespmem:$0x1F5B0]  }
0x43e: {  	v15 =	vadd.f32 v55, v15;
	v55 =	vld [tilespmem:$0xDB90]  }
0x43f: {  	[tilespmem:$0x1FDF0] =	vst v23;
	v23 =	vld [tilespmem:$0x1F6C0]  }
0x440: {  	v14 =	vadd.f32 v53, v14;
	v53 =	vld [tilespmem:$0xD390]  }
0x441: {  	v13 =	vadd.f32 v44, v13;
	v44 =	vld [tilespmem:$0x1F4B0]  }
0x442: {  	v15 =	vadd.f32 v60, v15;
	v60 =	vld [tilespmem:$0xDD90]  }
0x443: {  	[tilespmem:$0x1FCD0] =	vst v31;
	v31 =	vld [tilespmem:$0xF390]  }
0x444: {  	v13 =	vadd.f32 v50, v13;
	v50 =	vld [tilespmem:$0x1F4F0]  }
0x445: {  	v14 =	vadd.f32 v58, v14;
	v58 =	vld [tilespmem:$0xEB90]  }
0x446: {  	[tilespmem:$0x1FD50] =	vst v48;
	v48 =	vld [tilespmem:$0xFB90]  }
0x447: {  	v15 =	vadd.f32 v5, v15;
	v5 =	vld [tilespmem:$0x1F540]  }
0x448: {  	[tilespmem:$0x1FD30] =	vst v45;
	v45 =	vld [tilespmem:$0xF990]  }
0x449: {  	v13 =	vadd.f32 v56, v13;
	v56 =	vld [tilespmem:$0x1F510]  }
0x44a: {  	v14 =	vadd.f32 v63, v14;
	v63 =	vld [tilespmem:$0xED90]  }
0x44b: {  	v15 =	vadd.f32 v19, v15;
	v19 =	vld [tilespmem:$0x1F570]  }
0x44c: {  	v9 =	vadd.f32 v44, v9;
	v44 =	vld [tilespmem:$0x1F5F0]  }
0x44d: {  	v13 =	vadd.f32 v62, v13;
	v62 =	vld [tilespmem:$0x1F530]  }
0x44e: {  	v14 =	vadd.f32 v17, v14;
	v17 =	vld [tilespmem:$0x1F560]  }
0x44f: {  	[tilespmem:$0x1FE10] =	vst v31;
	v31 =	vld [tilespmem:$0x1F6E0]  }
0x450: {  	v15 =	vadd.f32 v32, v15;
	v32 =	vld [tilespmem:$0x1F5A0]  }
0x451: {  	v9 =	vadd.f32 v50, v9;
	v50 =	vld [tilespmem:$0x1F630]  }
0x452: {  	[tilespmem:$0x1FD90] =	vst v58;
	v58 =	vld [tilespmem:$0xFF90]  }
0x453: {  	[tilespmem:$0x1FE90] =	vst v48;
	v48 =	vld [tilespmem:$0xD9A0]  }
0x454: {  	v13 =	vadd.f32 v16, v13;
	v16 =	vld [tilespmem:$0xEF90]  }
0x455: {  	v14 =	vadd.f32 v28, v14;
	v28 =	vld [tilespmem:$0x1F590]  }
0x456: {  	[tilespmem:$0x1FE70] =	vst v45;
	v45 =	vld [tilespmem:$0x1F730]  }
0x457: {  	v15 =	vadd.f32 v43, v15;
	v43 =	vld [tilespmem:$0x1F5E0]  }
0x458: {  	[tilespmem:$0x1FDB0] =	vst v63;
	v63 =	vld [tilespmem:$0x10190]  }
0x459: {  	v13 =	vadd.f32 v26, v13;
	v26 =	vld [tilespmem:$0x1F580]  }
0x45a: {  	v14 =	vadd.f32 v40, v14;
	v40 =	vld [tilespmem:$0x1F5D0]  }
0x45b: {  	v15 =	vadd.f32 v49, v15;
	v49 =	vld [tilespmem:$0x1F620]  }
0x45c: {  	v9 =	vadd.f32 v62, v9;
	v62 =	vld [tilespmem:$0x1F670]  }
0x45d: {  	v13 =	vadd.f32 v37, v13;
	v37 =	vld [tilespmem:$0x1F5C0]  }
0x45e: {  	v14 =	vadd.f32 v47, v14;
	v47 =	vld [tilespmem:$0x1F610]  }
0x45f: {  	[tilespmem:$0x1FED0] =	vst v58;
	v58 =	vld [tilespmem:$0x1F770]  }
0x460: {  	v15 =	vadd.f32 v59, v15;
	v59 =	vld [tilespmem:$0x1F660]  }
0x461: {  	[tilespmem:$0x1FDD0] =	vst v16;
	v16 =	vld [tilespmem:$0x10390]  }
0x462: {  	v9 =	vadd.f32 v19, v9;
	v19 =	vld [tilespmem:$0x1F6B0]  }
0x463: {  	v13 =	vadd.f32 v46, v13;
	v46 =	vld [tilespmem:$0x1F600]  }
0x464: {  	v14 =	vadd.f32 v56, v14;
	v56 =	vld [tilespmem:$0x1F650]  }
0x465: {  	[tilespmem:$0x1FF00] =	vst v63;
	v63 =	vld [tilespmem:$0xE5A0]  }
0x466: {  	v15 =	vadd.f32 v17, v15;
	v17 =	vld [tilespmem:$0x1F6A0]  }
0x467: {  	v9 =	vadd.f32 v35, v9;
	v35 =	vld [tilespmem:$0xD1A0]  }
0x468: {  	v13 =	vadd.f32 v54, v13;
	v54 =	vld [tilespmem:$0x1F640]  }
0x469: {  	v14 =	vadd.f32 v8, v14;
	v8 =	vld [tilespmem:$0x1F690]  }
0x46a: {  	v15 =	vadd.f32 v32, v15;
	v32 =	vld [tilespmem:$0x1F6F0]  }
0x46b: {  	v9 =	vadd.f32 v44, v9;
	v44 =	vld [tilespmem:$0xD5A0]  }
0x46c: {  	v13 =	vadd.f32 v5, v13;
	v5 =	vld [tilespmem:$0x1F680]  }
0x46d: {  	[tilespmem:$0x1FF30] =	vst v16;
	v16 =	vld [tilespmem:$0x1F8C0]  }
0x46e: {  	v15 =	vadd.f32 v43, v15;
	v43 =	vld [tilespmem:$0x1F720]  }
0x46f: {  	v14 =	vadd.f32 v28, v14;
	v9 =	vadd.f32 v50, v9;
	v50 =	vld [tilespmem:$0x1F740]  }
0x470: {  	v13 =	vadd.f32 v26, v13;
	v26 =	vld [tilespmem:$0x1F6D0]  }
0x471: {  	v14 =	vadd.f32 v40, v14;
	v40 =	vld [tilespmem:$0x1F710]  }
0x472: {  	v9 =	vadd.f32 v62, v9;
	v62 =	vld [tilespmem:$0xDFA0]  }
0x473: {  	v15 =	vadd.f32 v49, v15;
	v49 =	vld [tilespmem:$0x1F800]  }
0x474: {  	v13 =	vadd.f32 v37, v13;
	v37 =	vld [tilespmem:$0xD3A0]  }
0x475: {  	v14 =	vadd.f32 v47, v14;
	v47 =	vld [tilespmem:$0xD7A0]  }
0x476: {  	v9 =	vadd.f32 v19, v9;
	v19 =	vld [tilespmem:$0x1F780]  }
0x477: {  	v14 =	vadd.f32 v56, v14;
	v56 =	vld [tilespmem:$0x1F760]  }
0x478: {  	v13 =	vadd.f32 v46, v13;
	v46 =	vadd.f32 $0.0e+00, v45;
	v45 =	vld [tilespmem:$0x1F7E0]  }
0x479: {  	[tilespmem:$0x1FE50] =	vst v41;
	v15 =	vadd.f32 v59, v15;
	v41 =	vadd.f32 $0.0e+00, v40;
	v40 =	vld [tilespmem:$0xDDA0]  }
0x47a: {  	v9 =	vadd.f32 v32, v9;
	v32 =	vld [tilespmem:$0xE1A0]  }
0x47b: {  	v15 =	vadd.f32 v17, v15;
	v17 =	vld [tilespmem:$0x1F8D0];
	v13 =	vadd.f32 v54, v13  }
0x47c: {  	v14 =	vadd.f32 v8, v14;
	v54 =	vadd.f32 $0.0e+00, v52;
	v52 =	vld [tilespmem:$0x1F830]  }
0x47d: {  	v8 =	vld [tilespmem:$0x1F890]  }
0x47e: {  	v28 =	vadd.f32 v26, v14;
	v26 =	vld [tilespmem:$0x1F7A0]  }
0x47f: {  	v14 =	vadd.f32 v19, v54;
	v54 =	vld [tilespmem:$0x1F840]  }
0x480: {  	v13 =	vadd.f32 v5, v13;
	v5 =	vld [tilespmem:$0x1F880]  }
0x481: {  	v19 =	vld [tilespmem:$0x1F8E0]  }
0x482: {  	[tilespmem:$0x1FC90] =	vst v1;
	v1 =	vadd.f32 v23, v13;
	v23 =	vld [tilespmem:$0x1F790]  }
0x483: {  	v13 =	vadd.f32 v50, v41;
	v41 =	vld [tilespmem:$0x1F7C0]  }
0x484: {  	v50 =	vld [tilespmem:$0x1F810]  }
0x485: {  	v59 =	vadd.f32 v58, v13;
	v58 =	vld [tilespmem:$0xEBA0]  }
0x486: {  	[tilespmem:$0x1FF80] =	vst v1;
	v1 =	vadd.f32 v31, v15;
	v13 =	vld [tilespmem:$0x1F8A0]  }
0x487: {  	v15 =	vld [tilespmem:$0x1F8B0]  }
0x488: {  	[tilespmem:$0x1FF90] =	vst v1;
	v1 =	vadd.f32 v36, v28;
	v28 =	vld [tilespmem:$0xDBA0]  }
0x489: {  	v36 =	vld [tilespmem:$0x1F7B0]  }
0x48a: {  	v31 =	vadd.f32 v26, v59;
	v59 =	vld [tilespmem:$0x1F870]  }
0x48b: {  	v26 =	vld [tilespmem:$0x1F910]  }
0x48c: {  	[tilespmem:$0x1FFA0] =	vst v1;
	v1 =	vadd.f32 v43, v9;
	v43 =	vld [tilespmem:$0x1F7D0]  }
0x48d: {  	v9 =	vadd.f32 v56, v46;
	v46 =	vld [tilespmem:$0x1F7F0]  }
0x48e: {  	v56 =	vld [tilespmem:$0x1F850]  }
0x48f: {  	v9 =	vadd.f32 v23, v9;
	v23 =	vld [tilespmem:$0x1F900]  }
0x490: {  	v14 =	vadd.f32 v36, v14;
	v36 =	vld [tilespmem:$0xE3A0]  }
0x491: {  	v9 =	vadd.f32 v41, v9;
	v41 =	vld [tilespmem:$0xD1B0]  }
0x492: {  	v11 =	vadd.f32 v43, v31;
	v43 =	vld [tilespmem:$0xE7A0]  }
0x493: {  	v14 =	vadd.f32 v45, v14;
	v45 =	vld [tilespmem:$0xE9A0]  }
0x494: {  	v31 =	vld [tilespmem:$0x1F920]  }
0x495: {  	v9 =	vadd.f32 v46, v9;
	v46 =	vld [tilespmem:$0xEDA0]  }
0x496: {  	v11 =	vadd.f32 v49, v11;
	v49 =	vld [tilespmem:$0xEFA0]  }
0x497: {  	v14 =	vadd.f32 v50, v14;
	v50 =	vld [tilespmem:$0xF3A0]  }
0x498: {  	v9 =	vadd.f32 v51, v9;
	v51 =	vld [tilespmem:$0xF1A0]  }
0x499: {  	v11 =	vadd.f32 v52, v11;
	v52 =	vld [tilespmem:$0xF5A0]  }
0x49a: {  	v14 =	vadd.f32 v54, v14;
	v54 =	vld [tilespmem:$0xF7A0]  }
0x49b: {  	v9 =	vadd.f32 v56, v9;
	v56 =	vld [tilespmem:$0xF9A0]  }
0x49c: {  	v41 =	vadd.f32 $0.0e+00, v41;
	v11 =	vadd.f32 v57, v11;
	v57 =	vld [tilespmem:$0xFBA0]  }
0x49d: {  	v14 =	vadd.f32 v59, v14;
	v59 =	vld [tilespmem:$0xFDA0]  }
0x49e: {  	v30 =	vadd.f32 v30, v41;
	v41 =	vld [tilespmem:$0xEFC0]  }
0x49f: {  	v9 =	vadd.f32 v5, v9;
	v5 =	vld [tilespmem:$0xD7B0]  }
0x4a0: {  	v11 =	vadd.f32 v8, v11;
	v8 =	vld [tilespmem:$0xDBB0]  }
0x4a1: {  	v3 =	vadd.f32 v3, v30;
	v30 =	vld [tilespmem:$0xE5C0]  }
0x4a2: {  	v14 =	vadd.f32 v13, v14;
	v9 =	vadd.f32 v15, v9;
	v15 =	vld [tilespmem:$0x1F940]  }
0x4a3: {  	v11 =	vadd.f32 v16, v11;
	v16 =	vld [tilespmem:$0x1F950]  }
0x4a4: {  	v14 =	vadd.f32 v17, v14;
	v17 =	vld [tilespmem:$0x1F960]  }
0x4a5: {  	v9 =	vadd.f32 v19, v9;
	v19 =	vld [tilespmem:$0x1F970]  }
0x4a6: {  	v11 =	vadd.f32 v21, v11;
	v21 =	vld [tilespmem:$0x1F980]  }
0x4a7: {  	v3 =	vadd.f32 v5, v3;
	v5 =	vld [tilespmem:$0xD9D0]  }
0x4a8: {  	v9 =	vadd.f32 v26, v9;
	v26 =	vld [tilespmem:$0x1FA50]  }
0x4a9: {  	v33 =	vadd.f32 v31, v11;
	v11 =	vld [tilespmem:$0x1F930]  }
0x4aa: {  	v31 =	vld [tilespmem:$0x1F990]  }
0x4ab: {  	v3 =	vadd.f32 v25, v3;
	v25 =	vld [tilespmem:$0x1FCB0]  }
0x4ac: {  	v9 =	vadd.f32 v15, v9;
	v15 =	vld [tilespmem:$0x1F9D0]  }
0x4ad: {  	v14 =	vadd.f32 v23, v14;
	v6 =	vadd.f32 v16, v33;
	v16 =	vld [tilespmem:$0x1F9E0]  }
0x4ae: {  	v3 =	vadd.f32 v8, v3;
	v8 =	vld [tilespmem:$0x1FD10]  }
0x4af: {  	v9 =	vadd.f32 v19, v9;
	v19 =	vld [tilespmem:$0x1FA10];
	v13 =	vadd.f32 v11, v14  }
0x4b0: {  	v23 =	vadd.f32 v21, v6;
	v21 =	vld [tilespmem:$0x1FA20]  }
0x4b1: {  	v14 =	vld [tilespmem:$0x103A0];
	v11 =	vadd.f32 v17, v13  }
0x4b2: {  	v13 =	vld [tilespmem:$0x1F9B0]  }
0x4b3: {  	v33 =	vadd.f32 v31, v11;
	v11 =	vld [tilespmem:$0x1F9A0]  }
0x4b4: {  	v17 =	vld [tilespmem:$0x1F9F0]  }
0x4b5: {  	v31 =	vld [tilespmem:$0x1FA70]  }
0x4b6: {  	[tilespmem:$0x1FF40] =	vst v14;
	v14 =	vld [tilespmem:$0x1F9C0]  }
0x4b7: {  	v4 =	vadd.f32 v13, v23;
	v23 =	vld [tilespmem:$0x1FA30]  }
0x4b8: {  	v12 =	vadd.f32 v11, v9;
	v9 =	vld [tilespmem:$0xDDB0]  }
0x4b9: {  	v11 =	vld [tilespmem:$0xE1B0]  }
0x4ba: {  	v4 =	vadd.f32 v16, v4;
	v16 =	vld [tilespmem:$0xE5B0]  }
0x4bb: {  	v6 =	vadd.f32 v14, v33;
	v33 =	vadd.f32 v31, v0;
	v31 =	vld [tilespmem:$0x1FAD0]  }
0x4bc: {  	v7 =	vadd.f32 v15, v12;
	v12 =	vld [tilespmem:$0xE3B0]  }
0x4bd: {  	v4 =	vadd.f32 v19, v4;
	v19 =	vld [tilespmem:$0xE9B0]  }
0x4be: {  	v15 =	vld [tilespmem:$0x1FA80]  }
0x4bf: {  	v6 =	vadd.f32 v17, v6;
	v7 =	vadd.f32 v18, v7;
	v18 =	vld [tilespmem:$0xE7B0]  }
0x4c0: {  	v4 =	vadd.f32 v24, v4;
	v24 =	vld [tilespmem:$0x1FAB0]  }
0x4c1: {  	v6 =	vadd.f32 v21, v6;
	v21 =	vld [tilespmem:$0x1FA90]  }
0x4c2: {  	v3 =	vadd.f32 v9, v3;
	v9 =	vld [tilespmem:$0x1FD20]  }
0x4c3: {  	v7 =	vadd.f32 v23, v7;
	v23 =	vld [tilespmem:$0x1FAA0]  }
0x4c4: {  	v17 =	vadd.f32 v15, v4;
	v4 =	vld [tilespmem:$0xEBB0]  }
0x4c5: {  	v6 =	vadd.f32 v26, v6;
	v26 =	vld [tilespmem:$0x1FAC0]  }
0x4c6: {  	v3 =	vadd.f32 v10, v3;
	v10 =	vld [tilespmem:$0xFDC0]  }
0x4c7: {  	v6 =	vadd.f32 v20, v6;
	v20 =	vld [tilespmem:$0xEDB0]  }
0x4c8: {  	v7 =	vadd.f32 v29, v7;
	v14 =	vadd.f32 v24, v17;
	v24 =	vld [tilespmem:$0x1FB10]  }
0x4c9: {  	v3 =	vadd.f32 v11, v3;
	v11 =	vld [tilespmem:$0x1FD30]  }
0x4ca: {  	v7 =	vadd.f32 v21, v7;
	v21 =	vld [tilespmem:$0x1FAF0]  }
0x4cb: {  	v13 =	vadd.f32 v23, v33;
	v23 =	vld [tilespmem:$0x1FB00]  }
0x4cc: {  	v3 =	vadd.f32 v12, v3;
	v12 =	vld [tilespmem:$0xD3D0]  }
0x4cd: {  	v33 =	vadd.f32 v31, v7;
	v31 =	vld [tilespmem:$0x1FB40]  }
0x4ce: {  	v29 =	vadd.f32 v26, v6;
	v6 =	vld [tilespmem:$0xEFB0]  }
0x4cf: {  	v7 =	vld [tilespmem:$0x1FAE0]  }
0x4d0: {  	v26 =	vld [tilespmem:$0x1FB20];
	v17 =	vadd.f32 v23, v33  }
0x4d1: {  	v3 =	vadd.f32 v16, v3;
	v16 =	vld [tilespmem:$0x1FD80]  }
0x4d2: {  	v33 =	vadd.f32 v31, v17;
	v31 =	vld [tilespmem:$0x1FB80]  }
0x4d3: {  	v15 =	vadd.f32 v22, v29;
	v22 =	vld [tilespmem:$0xF3B0]  }
0x4d4: {  	v29 =	vld [tilespmem:$0x1FB30]  }
0x4d5: {  	v14 =	vadd.f32 v21, v14;
	v17 =	vld [tilespmem:$0x1FB60]  }
0x4d6: {  	v3 =	vadd.f32 v18, v3;
	v18 =	vld [tilespmem:$0x1FD90]  }
0x4d7: {  	v23 =	vadd.f32 v26, v14;
	v26 =	vadd.f32 v31, v33;
	v33 =	vld [tilespmem:$0x1FB90]  }
0x4d8: {  	v13 =	vadd.f32 v7, v13;
	v7 =	vld [tilespmem:$0xF1B0]  }
0x4d9: {  	v14 =	vld [tilespmem:$0xF7B0]  }
0x4da: {  	v3 =	vadd.f32 v19, v3;
	v19 =	vld [tilespmem:$0xF9D0];
	v23 =	vadd.f32 v17, v23  }
0x4db: {  	v21 =	vadd.f32 v24, v13;
	v13 =	vld [tilespmem:$0xF5B0]  }
0x4dc: {  	v23 =	vadd.f32 v33, v23;
	v33 =	vld [tilespmem:$0x1FBC0]  }
0x4dd: {  	v24 =	vadd.f32 v29, v15;
	v15 =	vld [tilespmem:$0x1FB50]  }
0x4de: {  	v29 =	vld [tilespmem:$0x1FB70]  }
0x4df: {  	v31 =	vld [tilespmem:$0x1FBB0]  }
0x4e0: {  	v3 =	vadd.f32 v4, v3;
	v4 =	vld [tilespmem:$0xDDD0]  }
0x4e1: {  	v33 =	vadd.f32 v33, v23;
	v23 =	vld [tilespmem:$0x1FBE0]  }
0x4e2: {  	v3 =	vadd.f32 v20, v3;
	v20 =	vld [tilespmem:$0x1FE60]  }
0x4e3: {  	v17 =	vld [tilespmem:$0xFBB0]  }
0x4e4: {  	v3 =	vadd.f32 v6, v3;
	v6 =	vld [tilespmem:$0xE5D0];
	v26 =	vadd.f32 v31, v26  }
0x4e5: {  	v21 =	vadd.f32 v15, v21;
	v15 =	vld [tilespmem:$0xF9B0]  }
0x4e6: {  	v0 =	vadd.f32 v23, v26;
	v26 =	vld [tilespmem:$0x1FC00]  }
0x4e7: {  	v24 =	vadd.f32 v29, v24;
	v29 =	vld [tilespmem:$0x1FBA0];
	v27 =	vadd.f32 v27, v21  }
0x4e8: {  	v3 =	vadd.f32 v7, v3;
	v7 =	vld [tilespmem:$0xE9D0]  }
0x4e9: {  	v31 =	vadd.f32 v34, v27;
	v34 =	vld [tilespmem:$0x1FBD0]  }
0x4ea: {  	v21 =	vld [tilespmem:$0xFDB0]  }
0x4eb: {  	[tilespmem:$0x1FFB0] =	vst v1;
	v1 =	vadd.f32 v26, v33;
	v33 =	vld [tilespmem:$0x1FC10]  }
0x4ec: {  	v3 =	vadd.f32 v22, v3;
	v22 =	vld [tilespmem:$0x1FE70];
	v29 =	vadd.f32 v29, v24  }
0x4ed: {  	v27 =	vld [tilespmem:$0x101B0]  }
0x4ee: {  	v34 =	vadd.f32 v34, v29;
	v23 =	vld [tilespmem:$0x1FBF0]  }
0x4ef: {  	v24 =	vld [tilespmem:$0xFFB0];
	v3 =	vadd.f32 v13, v3  }
0x4f0: {  	v33 =	vadd.f32 v33, v34;
	v34 =	vld [tilespmem:$0x1FC20]  }
0x4f1: {  	v13 =	vld [tilespmem:$0x101D0];
	v3 =	vadd.f32 v14, v3  }
0x4f2: {  	v14 =	vld [tilespmem:$0xFDD0]  }
0x4f3: {  	v3 =	vadd.f32 v15, v3;
	v31 =	vadd.f32 v23, v31;
	v23 =	vld [tilespmem:$0xD1C0]  }
0x4f4: {  	v26 =	vld [tilespmem:$0xD3C0]  }
0x4f5: {  	v3 =	vadd.f32 v17, v3;
	v0 =	vadd.f32 v34, v0;
	v34 =	vld [tilespmem:$0x1FC30]  }
0x4f6: {  	v29 =	vld [tilespmem:$0x103B0]  }
0x4f7: {  	v15 =	vld [tilespmem:$0xFBD0];
	v3 =	vadd.f32 v21, v3  }
0x4f8: {  	v17 =	vld [tilespmem:$0xFFD0];
	v23 =	vadd.f32 $0.0e+00, v23  }
0x4f9: {  	v3 =	vadd.f32 v24, v3;
	v24 =	vld [tilespmem:$0xD1E0]  }
0x4fa: {  	v23 =	vadd.f32 v26, v23;
	v26 =	vld [tilespmem:$0xD5F0];
	[tilespmem:$0x1FFD0] =	vst v0;
	v0 =	vadd.f32 v34, v31  }
0x4fb: {  	v34 =	vld [tilespmem:$0x1FC40]  }
0x4fc: {  	v31 =	vld [tilespmem:$0xD5C0];
	v0 =	vadd.f32 v2, v0  }
0x4fd: {  	v2 =	vadd.f32 $0.0e+00, v35;
	v35 =	vld [tilespmem:$0xDBC0]  }
0x4fe: {  	[tilespmem:$0x1FFF0] =	vst v0;
	v0 =	vadd.f32 $0.0e+00, v61;
	v61 =	vld [tilespmem:$0x1FC60]  }
0x4ff: {  	v2 =	vadd.f32 v37, v2;
	v37 =	vld [tilespmem:$0xDFC0]  }
0x500: {  	[tilespmem:$0x1FFC0] =	vst v1;
	v1 =	vadd.f32 v34, v33;
	v34 =	vld [tilespmem:$0x1FC50]  }
0x501: {  	v33 =	vld [tilespmem:$0xD7C0]  }
0x502: {  	v23 =	vadd.f32 v31, v23;
	v31 =	vld [tilespmem:$0xF5F0]  }
0x503: {  	v0 =	vadd.f32 v53, v0;
	v53 =	vld [tilespmem:$0x1FC70]  }
0x504: {  	v2 =	vadd.f32 v44, v2;
	v44 =	vld [tilespmem:$0xE3C0]  }
0x505: {  	v0 =	vadd.f32 v39, v0;
	v39 =	vld [tilespmem:$0x1FC80]  }
0x506: {  	v2 =	vadd.f32 v47, v2;
	v47 =	vld [tilespmem:$0x1FCA0]  }
0x507: {  	[tilespmem:$0x1FFE0] =	vst v1;
	v1 =	vadd.f32 $0.0e+00, v34;
	v34 =	vld [tilespmem:$0xD9C0]  }
0x508: {  	v0 =	vadd.f32 v42, v0;
	v42 =	vld [tilespmem:$0x1FC90]  }
0x509: {  	v2 =	vadd.f32 v48, v2;
	v48 =	vld [tilespmem:$0xEDC0]  }
0x50a: {  	v23 =	vadd.f32 v33, v23;
	v33 =	vld [tilespmem:$0xDBE0]  }
0x50b: {  	v1 =	vadd.f32 v61, v1;
	v61 =	vld [tilespmem:$0xDDC0]  }
0x50c: {  	v0 =	vadd.f32 v38, v0;
	v38 =	vld [tilespmem:$0xE9C0]  }
0x50d: {  	v2 =	vadd.f32 v28, v2;
	v28 =	vld [tilespmem:$0x1FCC0]  }
0x50e: {  	v1 =	vadd.f32 v53, v1;
	v53 =	vld [tilespmem:$0xE1C0]  }
0x50f: {  	v2 =	vadd.f32 v40, v2;
	v40 =	vld [tilespmem:$0x1FCD0]  }
0x510: {  	v0 =	vadd.f32 v55, v0;
	v55 =	vld [tilespmem:$0x1FCF0]  }
0x511: {  	v23 =	vadd.f32 v34, v23;
	v34 =	vld [tilespmem:$0xE3E0]  }
0x512: {  	v1 =	vadd.f32 v39, v1;
	v39 =	vld [tilespmem:$0xEBC0]  }
0x513: {  	v0 =	vadd.f32 v60, v0;
	v60 =	vld [tilespmem:$0xF3C0]  }
0x514: {  	v2 =	vadd.f32 v62, v2;
	v62 =	vld [tilespmem:$0x1FD00]  }
0x515: {  	v23 =	vadd.f32 v35, v23;
	v35 =	vld [tilespmem:$0xE3F0]  }
0x516: {  	v1 =	vadd.f32 v42, v1;
	v42 =	vld [tilespmem:$0xE7C0]  }
0x517: {  	v2 =	vadd.f32 v32, v2;
	v32 =	vld [tilespmem:$0x1FD50]  }
0x518: {  	v0 =	vadd.f32 v40, v0;
	v40 =	vld [tilespmem:$0xF5C0]  }
0x519: {  	v23 =	vadd.f32 v61, v23;
	v61 =	vld [tilespmem:$0xE1E0]  }
0x51a: {  	v1 =	vadd.f32 v47, v1;
	v47 =	vld [tilespmem:$0x1FCE0]  }
0x51b: {  	v2 =	vadd.f32 v36, v2;
	v36 =	vld [tilespmem:$0x1FD60]  }
0x51c: {  	v0 =	vadd.f32 v55, v0;
	v55 =	vld [tilespmem:$0xF9C0]  }
0x51d: {  	v23 =	vadd.f32 v37, v23;
	v37 =	vld [tilespmem:$0xE5E0]  }
0x51e: {  	v1 =	vadd.f32 v25, v1;
	v25 =	vld [tilespmem:$0xF1C0]  }
0x51f: {  	v2 =	vadd.f32 v63, v2;
	v63 =	vld [tilespmem:$0x103C0]  }
0x520: {  	v0 =	vadd.f32 v8, v0;
	v8 =	vld [tilespmem:$0x101C0]  }
0x521: {  	v23 =	vadd.f32 v53, v23;
	v53 =	vld [tilespmem:$0xEBE0]  }
0x522: {  	v1 =	vadd.f32 v28, v1;
	v28 =	vld [tilespmem:$0x1FD40]  }
0x523: {  	v2 =	vadd.f32 v43, v2;
	v43 =	vld [tilespmem:$0x1FD70]  }
0x524: {  	v0 =	vadd.f32 v11, v0;
	v11 =	vld [tilespmem:$0xD1D0]  }
0x525: {  	v23 =	vadd.f32 v44, v23;
	v44 =	vld [tilespmem:$0xE7E0]  }
0x526: {  	v1 =	vadd.f32 v47, v1;
	v47 =	vld [tilespmem:$0xF7C0]  }
0x527: {  	v2 =	vadd.f32 v45, v2;
	v45 =	vld [tilespmem:$0xD7D0]  }
0x528: {  	v0 =	vadd.f32 v32, v0;
	v32 =	vld [tilespmem:$0x1FDB0]  }
0x529: {  	v23 =	vadd.f32 v30, v23;
	v30 =	vld [tilespmem:$0xF5E0]  }
0x52a: {  	v1 =	vadd.f32 v62, v1;
	v62 =	vld [tilespmem:$0xFBC0]  }
0x52b: {  	v2 =	vadd.f32 v58, v2;
	v58 =	vld [tilespmem:$0xDBD0]  }
0x52c: {  	v0 =	vadd.f32 v43, v0;
	v43 =	vld [tilespmem:$0xD5D0]  }
0x52d: {  	v23 =	vadd.f32 v42, v23;
	v42 =	vld [tilespmem:$0x1FF90];
	v1 =	vadd.f32 v9, v1  }
0x52e: {  	v9 =	vld [tilespmem:$0xFFC0]  }
0x52f: {  	v2 =	vadd.f32 v46, v2;
	v46 =	vld [tilespmem:$0x1FDD0];
	v1 =	vadd.f32 v28, v1  }
0x530: {  	v28 =	vld [tilespmem:$0x1FDA0]  }
0x531: {  	v0 =	vadd.f32 v18, v0;
	v18 =	vld [tilespmem:$0xE1D0];
	v1 =	vadd.f32 v36, v1  }
0x532: {  	v36 =	vld [tilespmem:$0x1FDC0]  }
0x533: {  	v23 =	vadd.f32 v38, v23;
	v38 =	vld [tilespmem:$0x1FF70];
	v1 =	vadd.f32 v16, v1  }
0x534: {  	v0 =	vadd.f32 v32, v0;
	v32 =	vld [tilespmem:$0x1FDF0]  }
0x535: {  	v2 =	vadd.f32 v49, v2;
	v1 =	vadd.f32 v28, v1;
	v28 =	vld [tilespmem:$0x1FDE0]  }
0x536: {  	v0 =	vadd.f32 v46, v0;
	v46 =	vld [tilespmem:$0x1FE10]  }
0x537: {  	v2 =	vadd.f32 v51, v2;
	v1 =	vadd.f32 v36, v1;
	v36 =	vld [tilespmem:$0x1FE00]  }
0x538: {  	v11 =	vadd.f32 $0.0e+00, v11;
	v49 =	vld [tilespmem:$0xE3D0]  }
0x539: {  	v2 =	vadd.f32 v50, v2;
	v0 =	vadd.f32 v32, v0;
	v32 =	vld [tilespmem:$0x1FE30]  }
0x53a: {  	v1 =	vadd.f32 v28, v1;
	v28 =	vld [tilespmem:$0x1FE20]  }
0x53b: {  	v11 =	vadd.f32 v12, v11;
	v2 =	vadd.f32 v52, v2;
	v52 =	vld [tilespmem:$0x1FE50]  }
0x53c: {  	v0 =	vadd.f32 v46, v0;
	v1 =	vadd.f32 v36, v1;
	v36 =	vld [tilespmem:$0x1FE40]  }
0x53d: {  	v51 =	vld [tilespmem:$0xE7D0];
	v2 =	vadd.f32 v54, v2  }
0x53e: {  	v11 =	vadd.f32 v43, v11;
	v43 =	vld [tilespmem:$0xE5F0];
	v0 =	vadd.f32 v32, v0  }
0x53f: {  	v54 =	vld [tilespmem:$0x1FE90];
	v2 =	vadd.f32 v56, v2;
	v1 =	vadd.f32 v28, v1  }
0x540: {  	v0 =	vadd.f32 v52, v0;
	v52 =	vld [tilespmem:$0x1FE80]  }
0x541: {  	v2 =	vadd.f32 v57, v2;
	v57 =	vld [tilespmem:$0x1FEB0];
	v1 =	vadd.f32 v36, v1  }
0x542: {  	v56 =	vld [tilespmem:$0x1FEA0];
	v0 =	vadd.f32 v22, v0  }
0x543: {  	v16 =	vld [tilespmem:$0xDFD0];
	v1 =	vadd.f32 v20, v1  }
0x544: {  	v50 =	vld [tilespmem:$0xEBD0];
	v0 =	vadd.f32 v54, v0  }
0x545: {  	v1 =	vadd.f32 v52, v1;
	v52 =	vld [tilespmem:$0x1FEC0]  }
0x546: {  	v0 =	vadd.f32 v57, v0;
	v57 =	vld [tilespmem:$0x1FEF0]  }
0x547: {  	v1 =	vadd.f32 v56, v1;
	v56 =	vld [tilespmem:$0x1FEE0]  }
0x548: {  	v11 =	vadd.f32 v45, v11;
	v45 =	vld [tilespmem:$0xDBF0]  }
0x549: {  	v46 =	vld [tilespmem:$0xEDD0];
	v2 =	vadd.f32 v59, v2  }
0x54a: {  	v54 =	vld [tilespmem:$0x1FED0];
	v1 =	vadd.f32 v52, v1  }
0x54b: {  	v5 =	vadd.f32 v5, v11;
	v59 =	vadd.f32 v57, v2;
	v57 =	vld [tilespmem:$0x1FF20]  }
0x54c: {  	v1 =	vadd.f32 v56, v1;
	v56 =	vld [tilespmem:$0x1FF10]  }
0x54d: {  	v5 =	vadd.f32 v58, v5;
	v58 =	vld [tilespmem:$0xDFF0]  }
0x54e: {  	v32 =	vld [tilespmem:$0xF1D0]  }
0x54f: {  	v0 =	vadd.f32 v54, v0;
	v54 =	vld [tilespmem:$0x1FF00]  }
0x550: {  	v22 =	vld [tilespmem:$0xF5D0]  }
0x551: {  	v21 =	vadd.f32 v56, v1;
	v1 =	vadd.f32 v57, v59;
	v57 =	vld [tilespmem:$0x1FF40]  }
0x552: {  	v52 =	vld [tilespmem:$0xD1F0]  }
0x553: {  	v4 =	vadd.f32 v4, v5;
	v59 =	vld [tilespmem:$0x1FF30]  }
0x554: {  	v27 =	vadd.f32 v27, v3;
	v0 =	vadd.f32 v54, v0;
	v54 =	vld [tilespmem:$0xD3E0]  }
0x555: {  	v4 =	vadd.f32 v16, v4;
	v56 =	vld [tilespmem:$0xD3F0]  }
0x556: {  	v3 =	vadd.f32 v57, v1;
	v1 =	vadd.f32 v29, v27;
	v27 =	vld [tilespmem:$0xD5E0]  }
0x557: {  	v24 =	vadd.f32 $0.0e+00, v24;
	v4 =	vadd.f32 v18, v4;
	v28 =	vld [tilespmem:$0xF3D0]  }
0x558: {  	v0 =	vadd.f32 v59, v0;
	v59 =	vadd.f32 $0.0e+00, v52;
	v52 =	vld [tilespmem:$0xD7E0]  }
0x559: {  	v24 =	vadd.f32 v54, v24;
	v54 =	vld [tilespmem:$0xD7F0]  }
0x55a: {  	v4 =	vadd.f32 v49, v4;
	v57 =	vld [tilespmem:$0xD9E0];
	v12 =	vadd.f32 v56, v59  }
0x55b: {  	v59 =	vld [tilespmem:$0xD9F0];
	v24 =	vadd.f32 v27, v24  }
0x55c: {  	v49 =	vld [tilespmem:$0xE9E0];
	v4 =	vadd.f32 v6, v4;
	v12 =	vadd.f32 v26, v12  }
0x55d: {  	v36 =	vld [tilespmem:$0xEFD0];
	v24 =	vadd.f32 v52, v24  }
0x55e: {  	v4 =	vadd.f32 v51, v4;
	v52 =	vadd.f32 v54, v12;
	v54 =	vld [tilespmem:$0xDDE0]  }
0x55f: {  	v56 =	vld [tilespmem:$0xDDF0];
	v24 =	vadd.f32 v57, v24  }
0x560: {  	v4 =	vadd.f32 v7, v4;
	v11 =	vadd.f32 v59, v52;
	v57 =	vld [tilespmem:$0xDFE0]  }
0x561: {  	v20 =	vld [tilespmem:$0xF7D0];
	v24 =	vadd.f32 v33, v24  }
0x562: {  	v51 =	vld [tilespmem:$0x101E0];
	v4 =	vadd.f32 v50, v4;
	v59 =	vadd.f32 v45, v11  }
0x563: {  	v33 =	vld [tilespmem:$0xE1F0];
	v12 =	vadd.f32 v54, v24  }
0x564: {  	v2 =	vld [tilespmem:$0x103D0];
	v4 =	vadd.f32 v46, v4;
	v5 =	vadd.f32 v56, v59  }
0x565: {  	v50 =	vld [tilespmem:$0x1FFD0];
	v12 =	vadd.f32 v57, v12  }
0x566: {  	v46 =	vld [tilespmem:$0x1FFB0];
	v4 =	vadd.f32 v36, v4;
	v5 =	vadd.f32 v58, v5  }
0x567: {  	v36 =	vld [tilespmem:$0x1FF60];
	v11 =	vadd.f32 v61, v12  }
0x568: {  	v4 =	vadd.f32 v32, v4;
	v32 =	vld [tilespmem:$0xF7E0];
	v5 =	vadd.f32 v33, v5  }
0x569: {  	v45 =	vld [tilespmem:$0xE7F0];
	v11 =	vadd.f32 v34, v11  }
0x56a: {  	v29 =	vld [tilespmem:$0xF3F0];
	v5 =	vadd.f32 v35, v5  }
0x56b: {  	v52 =	vld [tilespmem:$0xE9F0];
	v11 =	vadd.f32 v37, v11  }
0x56c: {  	v26 =	vld [tilespmem:$0xF1F0];
	v5 =	vadd.f32 v43, v5  }
0x56d: {  	v54 =	vld [tilespmem:$0xEBF0];
	v11 =	vadd.f32 v44, v11  }
0x56e: {  	v56 =	vld [tilespmem:$0xEDE0];
	v5 =	vadd.f32 v45, v5  }
0x56f: {  	v58 =	vld [tilespmem:$0xEDF0];
	v6 =	vadd.f32 v49, v11  }
0x570: {  	v59 =	vld [tilespmem:$0xEFE0];
	v57 =	vadd.f32 v39, v23;
	v5 =	vadd.f32 v52, v5  }
0x571: {  	v4 =	vadd.f32 v28, v4;
	v61 =	vld [tilespmem:$0xEFF0];
	v6 =	vadd.f32 v53, v6  }
0x572: {  	v24 =	vld [tilespmem:$0xF1E0];
	v16 =	vadd.f32 v48, v57;
	v5 =	vadd.f32 v54, v5  }
0x573: {  	v4 =	vadd.f32 v22, v4;
	v27 =	vld [tilespmem:$0xF3E0];
	v6 =	vadd.f32 v56, v6  }
0x574: {  	v39 =	vld [tilespmem:$0xFBE0];
	v16 =	vadd.f32 v41, v16;
	v5 =	vadd.f32 v58, v5  }
0x575: {  	v4 =	vadd.f32 v20, v4;
	v33 =	vld [tilespmem:$0xF7F0];
	v6 =	vadd.f32 v59, v6  }
0x576: {  	v48 =	vld [tilespmem:$0x1FFC0];
	v16 =	vadd.f32 v25, v16;
	v5 =	vadd.f32 v61, v5  }
0x577: {  	v4 =	vadd.f32 v19, v4;
	v34 =	vld [tilespmem:$0x1FF50];
	v6 =	vadd.f32 v24, v6  }
0x578: {  	v35 =	vld [tilespmem:$0xF9E0];
	v16 =	vadd.f32 v60, v16;
	v5 =	vadd.f32 v26, v5  }
0x579: {  	v4 =	vadd.f32 v15, v4;
	v41 =	vld [tilespmem:$0xFBF0];
	v6 =	vadd.f32 v27, v6  }
0x57a: {  	[tilespmem:$0x10510] =	vst v42;
	v37 =	vld [tilespmem:$0xF9F0];
	v16 =	vadd.f32 v40, v16;
	v5 =	vadd.f32 v29, v5  }
0x57b: {  	[tilespmem:$0x104F0] =	vst v38;
	v4 =	vadd.f32 v14, v4;
	v43 =	vld [tilespmem:$0xFDE0];
	v6 =	vadd.f32 v30, v6  }
0x57c: {  	[tilespmem:$0x10550] =	vst v50;
	v44 =	vld [tilespmem:$0x1FFA0];
	v16 =	vadd.f32 v47, v16;
	v5 =	vadd.f32 v31, v5  }
0x57d: {  	[tilespmem:$0x10530] =	vst v46;
	v4 =	vadd.f32 v17, v4;
	v45 =	vld [tilespmem:$0xFDF0];
	v6 =	vadd.f32 v32, v6  }
0x57e: {  	[tilespmem:$0x104E0] =	vst v36;
	v40 =	vld [tilespmem:$0x1FF80];
	v16 =	vadd.f32 v55, v16;
	v5 =	vadd.f32 v33, v5  }
0x57f: {  	[tilespmem:$0x10580] =	vst v21;
	v57 =	vadd.f32 v13, v4;
	v49 =	vld [tilespmem:$0xFFF0];
	v6 =	vadd.f32 v35, v6  }
0x580: {  	[tilespmem:$0x10590] =	vst v0;
	v47 =	vld [tilespmem:$0xFFE0];
	v16 =	vadd.f32 v62, v16;
	v5 =	vadd.f32 v37, v5  }
0x581: {  	[tilespmem:$0x105A0] =	vst v3;
	v0 =	vadd.f32 v2, v57;
	v52 =	vld [tilespmem:$0x1FFE0];
	v6 =	vadd.f32 v39, v6  }
0x582: {  	[tilespmem:$0x105B0] =	vst v1;
	v53 =	vld [tilespmem:$0x101F0];
	v10 =	vadd.f32 v10, v16;
	v5 =	vadd.f32 v41, v5  }
0x583: {  	[tilespmem:$0x105D0] =	vst v0;
	v54 =	vld [tilespmem:$0x1FFF0];
	v6 =	vadd.f32 v43, v6  }
0x584: {  	[tilespmem:$0x10540] =	vst v48;
	v55 =	vld [tilespmem:$0x103E0];
	v9 =	vadd.f32 v9, v10;
	v5 =	vadd.f32 v45, v5  }
0x585: {  	[tilespmem:$0x104D0] =	vst v34;
	v56 =	vld [tilespmem:$0x103F0];
	v6 =	vadd.f32 v47, v6  }
0x586: {  	[tilespmem:$0x10520] =	vst v44;
	v8 =	vadd.f32 v8, v9;
	v58 =	vadd.f32 v49, v5  }
0x587: {  	[tilespmem:$0x10500] =	vst v40;
	v60 =	vadd.f32 v51, v6  }
0x588: {  	[tilespmem:$0x10560] =	vst v52;
	v59 =	vadd.f32 v63, v8;
	v61 =	vadd.f32 v53, v58  }
0x589: {  	[tilespmem:$0x10570] =	vst v54;
	v62 =	vadd.f32 v55, v60  }
0x58a: {  	s15 =	sadd.s32 $0x1, s15;
	[tilespmem:$0x105C0] =	vst v59;
	v63 =	vadd.f32 v56, v61  }
0x58b: {  	p0 =	sne.s32 s15, s7;
	[tilespmem:$0x105E0] =	vst v62  }
.Ltmp1:
0x58c: {  	[tilespmem:$0x105F0] =	vst v63;
	(pc) =	sbr.rel @!p0 .LBB2_25-.Ltmp1, $4  }
0x58d: {  	[hbm4b:s6+s2] =	stream.linear.scatter [tilespmem:s14], [sflag:$0x6], $0x200, $0x38;
	[tilespmem:$0x10600] =	vst v63  }
0x58e: {  	_ =	swait.ge [sflag:s11], $0x200  }
0x58f: {  	[sflag:s11] =	ssyncset.done $0x0  }
0x590: {  	[sflag:s11] =	ssyncadd.s32 $0xFFFFFE00  }
.LBB2_1:
0x591: {  	[tilespmem:s2], [sflag:$0x6] =	stream.strided.gather [hbm4b:s5+s9], $0x3400, s10, s9, $0x38;
	[tilespmem:$0x10600] =	vst v63  }
0x592: {  	_ =	swait.ge [sflag:s11], $0x3400  }
0x593: {  	s16 =	simm.s32 $0xD000;
	[sflag:s11] =	ssyncset.done $0x0  }
0x594: {  	s17 =	simm.s32 $0x0;
	s18 =	simm.s32 $0x0;
	[sflag:s11] =	ssyncadd.s32 $0xFFFFCC00  }
.LBB2_2:
0x595: {  	v0 =	vmov s17;
	_ =	sdelay $0x2  }
0x596: {  	s19 =	smul.u32 $0x30D5, s18  }
0x597: {  	s20 =	simm.s32 $0x0  }
0x598: {  	s21 =	simm.s32 $0x40;
	s19 =	sadd.s32 s4, s19;
	v1 =	vld.idx.msk [tilespmem:v0+s20+$0x0 ss:$0x1], $0xffff  }
.LBB2_3:
0x599: {  	p0 =	sne.s32 s21, $0x7C0;
	_ =	sdelay $0x3  }
.Ltmp2:
0x59a: {  	(pc) =	sbr.rel @p0 .LBB2_3-.Ltmp2, $4  }
0x59b: {  	_ = 	snop  }
0x59c: {  	s22 =	sadd.s32 s20, s16;
	s20 =	sshra.s32 s21, $0x2  }
0x59d: {  	[tilespmem:s22], [sflag:$0x4] =	stream.indirect_vreg.gather [hbm4b:s19+s2], $0x1, v1, vm0, $0xb8;
	[tilespmem:$0x10600] =	vst v63  }
0x59e: {  	s21 =	sadd.s32 $0x40, s21;
	v1 =	vld.idx.msk [tilespmem:v0+s20+$0x0 ss:$0x1], $0xffff  }
0x59f: {  	_ =	sdelay $0x1  }
0x5a0: {  	s18 =	sadd.s32 $0x1, s18  }
0x5a1: {  	p0 =	sne.s32 s18, $0x1A  }
.Ltmp3:
0x5a2: {  	_ = 	snop;
	(pc) =	sbr.rel @p0 .LBB2_2-.Ltmp3, $3  }
0x5a3: {  	_ =	sdelay $0x1  }
0x5a4: {  	s20 =	sadd.s32 s20, s16;
	s17 =	sadd.s32 $0x200, s17;
	s16 =	sadd.s32 $0x200, s16  }
0x5a5: {  	[tilespmem:s20], [sflag:$0x4] =	stream.indirect_vreg.gather [hbm4b:s19+s2], $0x1, v1, vm0, $0xb8;
	[tilespmem:$0x10600] =	vst v63  }
0x5a6: {  	s16 =	simm.s32 $0x0;
	s17 =	simm.s32 $0x3400;
	s18 =	simm.s32 $0x0  }
.LBB2_6:
0x5a7: {  	v1 =	vmov s16;
	_ =	sdelay $0x2  }
0x5a8: {  	s20 =	smul.u32 $0x187000, s18  }
0x5a9: {  	s19 =	simm.s32 $0x0  }
0x5aa: {  	v0 =	vmov s20;
	s20 =	simm.s32 $0x40;
	v2 =	vld.idx.msk [tilespmem:v1+s19+$0x0 ss:$0x1], $0xffff  }
.LBB2_7:
0x5ab: {  	p0 =	sne.s32 s20, $0x7C0;
	_ =	sdelay $0x4  }
0x5ac: {  	v3 =	vshrl.u32 v2, $0x7  }
0x5ad: {  	v3 =	vmul.u32 $0x380, v3  }
0x5ae: {  	v2 =	vadd.s32 v0, v2  }
0x5af: {  	v2 =	vadd.s32 v3, v2;
	_ =	sdelay $0x1  }
.Ltmp4:
0x5b0: {  	(pc) =	sbr.rel @p0 .LBB2_7-.Ltmp4, $4  }
0x5b1: {  	_ = 	snop  }
0x5b2: {  	s21 =	sadd.s32 s19, s17;
	s19 =	sshra.s32 s20, $0x2  }
0x5b3: {  	[tilespmem:s21], [sflag:$0x1] =	stream.indirect_vreg.gather [hbm4b:s3+s2], $0x1, v2, vm0, $0xb8;
	[tilespmem:$0x10600] =	vst v63  }
0x5b4: {  	s20 =	sadd.s32 $0x40, s20;
	v2 =	vld.idx.msk [tilespmem:v1+s19+$0x0 ss:$0x1], $0xffff  }
0x5b5: {  	_ =	sdelay $0x3  }
0x5b6: {  	v1 =	vshrl.u32 v2, $0x7  }
0x5b7: {  	v1 =	vmul.u32 $0x380, v1  }
0x5b8: {  	s18 =	sadd.s32 $0x1, s18;
	v0 =	vadd.s32 v0, v2  }
0x5b9: {  	p0 =	sne.s32 s18, $0x1A;
	v0 =	vadd.s32 v1, v0  }
.Ltmp5:
0x5ba: {  	_ = 	snop;
	(pc) =	sbr.rel @p0 .LBB2_6-.Ltmp5, $3  }
0x5bb: {  	_ =	sdelay $0x1  }
0x5bc: {  	s19 =	sadd.s32 s19, s17;
	s16 =	sadd.s32 $0x200, s16;
	s17 =	sadd.s32 $0x200, s17  }
0x5bd: {  	[tilespmem:s19], [sflag:$0x1] =	stream.indirect_vreg.gather [hbm4b:s3+s2], $0x1, v0, vm0, $0xb8;
	[tilespmem:$0x10600] =	vst v63  }
0x5be: {  	s16 =	simm.s32 $0x0;
	s17 =	simm.s32 $0x6800;
	s18 =	simm.s32 $0x0  }
.LBB2_10:
0x5bf: {  	v0 =	vmov s16;
	_ =	sdelay $0x1  }
0x5c0: {  	s19 =	smul.u32 $0x187000, s18;
	_ =	sdelay $0x1  }
0x5c1: {  	s20 =	sor.u32 $0x80, s19;
	s19 =	simm.s32 $0x0  }
0x5c2: {  	v1 =	vmov s20;
	s20 =	simm.s32 $0x40;
	v2 =	vld.idx.msk [tilespmem:v0+s19+$0x0 ss:$0x1], $0xffff  }
.LBB2_11:
0x5c3: {  	p0 =	sne.s32 s20, $0x7C0;
	_ =	sdelay $0x4  }
0x5c4: {  	v3 =	vshrl.u32 v2, $0x7  }
0x5c5: {  	v3 =	vmul.u32 $0x380, v3  }
0x5c6: {  	v2 =	vadd.s32 v1, v2  }
0x5c7: {  	v2 =	vadd.s32 v3, v2;
	_ =	sdelay $0x1  }
.Ltmp6:
0x5c8: {  	(pc) =	sbr.rel @p0 .LBB2_11-.Ltmp6, $4  }
0x5c9: {  	_ = 	snop  }
0x5ca: {  	s21 =	sadd.s32 s19, s17;
	s19 =	sshra.s32 s20, $0x2  }
0x5cb: {  	[tilespmem:s21], [sflag:$0x2] =	stream.indirect_vreg.gather [hbm4b:s3+s2], $0x1, v2, vm0, $0xb8;
	[tilespmem:$0x10600] =	vst v63  }
0x5cc: {  	s20 =	sadd.s32 $0x40, s20;
	v2 =	vld.idx.msk [tilespmem:v0+s19+$0x0 ss:$0x1], $0xffff  }
0x5cd: {  	_ =	sdelay $0x3  }
0x5ce: {  	v0 =	vshrl.u32 v2, $0x7  }
0x5cf: {  	v0 =	vmul.u32 $0x380, v0  }
0x5d0: {  	s18 =	sadd.s32 $0x1, s18;
	v1 =	vadd.s32 v1, v2  }
0x5d1: {  	p0 =	sne.s32 s18, $0x1A;
	v0 =	vadd.s32 v0, v1  }
.Ltmp7:
0x5d2: {  	_ = 	snop;
	(pc) =	sbr.rel @p0 .LBB2_10-.Ltmp7, $3  }
0x5d3: {  	_ =	sdelay $0x1  }
0x5d4: {  	s19 =	sadd.s32 s19, s17;
	s17 =	sadd.s32 $0x200, s17;
	s16 =	sadd.s32 $0x200, s16  }
0x5d5: {  	[tilespmem:s19], [sflag:$0x2] =	stream.indirect_vreg.gather [hbm4b:s3+s2], $0x1, v0, vm0, $0xb8;
	[tilespmem:$0x10600] =	vst v63  }
.Ltmp8:
0x5d6: {  	(pc) =	sbr.rel .LBB2_14-.Ltmp8, $3  }
0x5d7: {  	_ =	sdelay $0x1  }
0x5d8: {  	s16 =	simm.s32 $0x0;
	s17 =	simm.s32 $0x3400  }
0x5d9: {  	s18 =	simm.s32 $0x9C00;
	s19 =	simm.s32 $0x2;
	s20 =	smov.u32 s8  }
.LBB2_23:
0x5da: {  	s16 =	sadd.s32 $0x1, s16  }
0x5db: {  	p0 =	sne.s32 s16, $0x10  }
.Ltmp9:
0x5dc: {  	_ = 	snop;
	(pc) =	sbr.rel @!p0 .LBB2_24-.Ltmp9, $3  }
0x5dd: {  	_ =	sdelay $0x1  }
0x5de: {  	s17 =	sadd.s32 $0x3400, s17  }
0x5df: {  	s20 =	sadd.s32 $0x800, s20;
	s18 =	sadd.s32 $0x3400, s18;
	s19 =	sadd.s32 $0x1, s19  }
.LBB2_14:
0x5e0: {  	s21 =	smul.u32 $0xAB, s16;
	_ =	sdelay $0x1  }
0x5e1: {  	s21 =	sshrl.u32 s21, $0x9  }
0x5e2: {  	s21 =	sand.u32 $0x7F, s21  }
0x5e3: {  	s21 =	smul.u32 $0x3, s21;
	_ =	sdelay $0x1  }
0x5e4: {  	s21 =	ssub.s32 s16, s21  }
0x5e5: {  	s21 =	sand.u32 $0xFF, s21  }
0x5e6: {  	s21 =	sadd.s32 $0x1, s21  }
0x5e7: {  	_ =	swait.ge [sflag:s21], $0x200  }
0x5e8: {  	[sflag:s21] =	ssyncset.done $0x0  }
0x5e9: {  	[sflag:s21] =	ssyncadd.s32 $0xFFFFFE00  }
0x5ea: {  	_ =	swait.ge [sflag:s21], $0x200  }
0x5eb: {  	[sflag:s21] =	ssyncset.done $0x0  }
0x5ec: {  	[sflag:s21] =	ssyncadd.s32 $0xFFFFFE00  }
0x5ed: {  	_ =	swait.ge [sflag:s21], $0x200  }
0x5ee: {  	[sflag:s21] =	ssyncset.done $0x0  }
0x5ef: {  	[sflag:s21] =	ssyncadd.s32 $0xFFFFFE00  }
0x5f0: {  	_ =	swait.ge [sflag:s21], $0x200  }
0x5f1: {  	[sflag:s21] =	ssyncset.done $0x0  }
0x5f2: {  	[sflag:s21] =	ssyncadd.s32 $0xFFFFFE00  }
0x5f3: {  	_ =	swait.ge [sflag:s21], $0x200  }
0x5f4: {  	[sflag:s21] =	ssyncset.done $0x0  }
0x5f5: {  	[sflag:s21] =	ssyncadd.s32 $0xFFFFFE00  }
0x5f6: {  	_ =	swait.ge [sflag:s21], $0x200  }
0x5f7: {  	[sflag:s21] =	ssyncset.done $0x0  }
0x5f8: {  	[sflag:s21] =	ssyncadd.s32 $0xFFFFFE00  }
0x5f9: {  	_ =	swait.ge [sflag:s21], $0x200  }
0x5fa: {  	[sflag:s21] =	ssyncset.done $0x0  }
0x5fb: {  	[sflag:s21] =	ssyncadd.s32 $0xFFFFFE00  }
0x5fc: {  	_ =	swait.ge [sflag:s21], $0x200  }
0x5fd: {  	[sflag:s21] =	ssyncset.done $0x0  }
0x5fe: {  	[sflag:s21] =	ssyncadd.s32 $0xFFFFFE00  }
0x5ff: {  	_ =	swait.ge [sflag:s21], $0x200  }
0x600: {  	[sflag:s21] =	ssyncset.done $0x0  }
0x601: {  	[sflag:s21] =	ssyncadd.s32 $0xFFFFFE00  }
0x602: {  	_ =	swait.ge [sflag:s21], $0x200  }
0x603: {  	[sflag:s21] =	ssyncset.done $0x0  }
0x604: {  	[sflag:s21] =	ssyncadd.s32 $0xFFFFFE00  }
0x605: {  	_ =	swait.ge [sflag:s21], $0x200  }
0x606: {  	[sflag:s21] =	ssyncset.done $0x0  }
0x607: {  	[sflag:s21] =	ssyncadd.s32 $0xFFFFFE00  }
0x608: {  	_ =	swait.ge [sflag:s21], $0x200  }
0x609: {  	[sflag:s21] =	ssyncset.done $0x0  }
0x60a: {  	[sflag:s21] =	ssyncadd.s32 $0xFFFFFE00  }
0x60b: {  	_ =	swait.ge [sflag:s21], $0x200  }
0x60c: {  	[sflag:s21] =	ssyncset.done $0x0  }
0x60d: {  	[sflag:s21] =	ssyncadd.s32 $0xFFFFFE00  }
0x60e: {  	_ =	swait.ge [sflag:s21], $0x200  }
0x60f: {  	[sflag:s21] =	ssyncset.done $0x0  }
0x610: {  	[sflag:s21] =	ssyncadd.s32 $0xFFFFFE00  }
0x611: {  	_ =	swait.ge [sflag:s21], $0x200  }
0x612: {  	[sflag:s21] =	ssyncset.done $0x0  }
0x613: {  	[sflag:s21] =	ssyncadd.s32 $0xFFFFFE00  }
0x614: {  	_ =	swait.ge [sflag:s21], $0x200  }
0x615: {  	[sflag:s21] =	ssyncset.done $0x0  }
0x616: {  	[sflag:s21] =	ssyncadd.s32 $0xFFFFFE00  }
0x617: {  	_ =	swait.ge [sflag:s21], $0x200  }
0x618: {  	[sflag:s21] =	ssyncset.done $0x0  }
0x619: {  	[sflag:s21] =	ssyncadd.s32 $0xFFFFFE00  }
0x61a: {  	_ =	swait.ge [sflag:s21], $0x200  }
0x61b: {  	[sflag:s21] =	ssyncset.done $0x0  }
0x61c: {  	[sflag:s21] =	ssyncadd.s32 $0xFFFFFE00  }
0x61d: {  	_ =	swait.ge [sflag:s21], $0x200  }
0x61e: {  	[sflag:s21] =	ssyncset.done $0x0  }
0x61f: {  	[sflag:s21] =	ssyncadd.s32 $0xFFFFFE00  }
0x620: {  	_ =	swait.ge [sflag:s21], $0x200  }
0x621: {  	[sflag:s21] =	ssyncset.done $0x0  }
0x622: {  	[sflag:s21] =	ssyncadd.s32 $0xFFFFFE00  }
0x623: {  	_ =	swait.ge [sflag:s21], $0x200  }
0x624: {  	[sflag:s21] =	ssyncset.done $0x0  }
0x625: {  	[sflag:s21] =	ssyncadd.s32 $0xFFFFFE00  }
0x626: {  	_ =	swait.ge [sflag:s21], $0x200  }
0x627: {  	[sflag:s21] =	ssyncset.done $0x0  }
0x628: {  	[sflag:s21] =	ssyncadd.s32 $0xFFFFFE00  }
0x629: {  	_ =	swait.ge [sflag:s21], $0x200  }
0x62a: {  	[sflag:s21] =	ssyncset.done $0x0  }
0x62b: {  	[sflag:s21] =	ssyncadd.s32 $0xFFFFFE00  }
0x62c: {  	_ =	swait.ge [sflag:s21], $0x200  }
0x62d: {  	[sflag:s21] =	ssyncset.done $0x0  }
0x62e: {  	[sflag:s21] =	ssyncadd.s32 $0xFFFFFE00  }
0x62f: {  	p0 =	seq.s32 s16, $0x0;
	_ =	swait.ge [sflag:s21], $0x200  }
.Ltmp10:
0x630: {  	[sflag:s21] =	ssyncset.done $0x0;
	(pc) =	sbr.rel @p0 .LBB2_16-.Ltmp10, $4  }
0x631: {  	[sflag:s21] =	ssyncadd.s32 $0xFFFFFE00  }
0x632: {  	_ =	swait.ge [sflag:s21], $0x200  }
0x633: {  	[sflag:s21] =	ssyncset.done $0x0  }
0x634: {  	[sflag:s21] =	ssyncadd.s32 $0xFFFFFE00  }
0x635: {  	_ =	swait.ge [sflag:s12], $0x200  }
0x636: {  	[sflag:s12] =	ssyncset.done $0x0  }
0x637: {  	[sflag:s12] =	ssyncadd.s32 $0xFFFFFE00  }
0x638: {  	_ =	swait.ge [sflag:s12], $0x200  }
0x639: {  	[sflag:s12] =	ssyncset.done $0x0  }
0x63a: {  	[sflag:s12] =	ssyncadd.s32 $0xFFFFFE00  }
0x63b: {  	_ =	swait.ge [sflag:s12], $0x200  }
0x63c: {  	[sflag:s12] =	ssyncset.done $0x0  }
0x63d: {  	[sflag:s12] =	ssyncadd.s32 $0xFFFFFE00  }
0x63e: {  	_ =	swait.ge [sflag:s12], $0x200  }
0x63f: {  	[sflag:s12] =	ssyncset.done $0x0  }
0x640: {  	[sflag:s12] =	ssyncadd.s32 $0xFFFFFE00  }
0x641: {  	_ =	swait.ge [sflag:s12], $0x200  }
0x642: {  	[sflag:s12] =	ssyncset.done $0x0  }
0x643: {  	[sflag:s12] =	ssyncadd.s32 $0xFFFFFE00  }
0x644: {  	_ =	swait.ge [sflag:s12], $0x200  }
0x645: {  	[sflag:s12] =	ssyncset.done $0x0  }
0x646: {  	[sflag:s12] =	ssyncadd.s32 $0xFFFFFE00  }
0x647: {  	_ =	swait.ge [sflag:s12], $0x200  }
0x648: {  	[sflag:s12] =	ssyncset.done $0x0  }
0x649: {  	[sflag:s12] =	ssyncadd.s32 $0xFFFFFE00  }
0x64a: {  	_ =	swait.ge [sflag:s12], $0x200  }
0x64b: {  	[sflag:s12] =	ssyncset.done $0x0  }
0x64c: {  	[sflag:s12] =	ssyncadd.s32 $0xFFFFFE00  }
0x64d: {  	_ =	swait.ge [sflag:s12], $0x200  }
0x64e: {  	[sflag:s12] =	ssyncset.done $0x0  }
0x64f: {  	[sflag:s12] =	ssyncadd.s32 $0xFFFFFE00  }
0x650: {  	_ =	swait.ge [sflag:s12], $0x200  }
0x651: {  	[sflag:s12] =	ssyncset.done $0x0  }
0x652: {  	[sflag:s12] =	ssyncadd.s32 $0xFFFFFE00  }
0x653: {  	_ =	swait.ge [sflag:s12], $0x200  }
0x654: {  	[sflag:s12] =	ssyncset.done $0x0  }
0x655: {  	[sflag:s12] =	ssyncadd.s32 $0xFFFFFE00  }
0x656: {  	_ =	swait.ge [sflag:s12], $0x200  }
0x657: {  	[sflag:s12] =	ssyncset.done $0x0  }
0x658: {  	[sflag:s12] =	ssyncadd.s32 $0xFFFFFE00  }
0x659: {  	_ =	swait.ge [sflag:s12], $0x200  }
0x65a: {  	[sflag:s12] =	ssyncset.done $0x0  }
0x65b: {  	[sflag:s12] =	ssyncadd.s32 $0xFFFFFE00  }
0x65c: {  	_ =	swait.ge [sflag:s12], $0x200  }
0x65d: {  	[sflag:s12] =	ssyncset.done $0x0  }
0x65e: {  	[sflag:s12] =	ssyncadd.s32 $0xFFFFFE00  }
0x65f: {  	_ =	swait.ge [sflag:s12], $0x200  }
0x660: {  	[sflag:s12] =	ssyncset.done $0x0  }
0x661: {  	[sflag:s12] =	ssyncadd.s32 $0xFFFFFE00  }
0x662: {  	_ =	swait.ge [sflag:s12], $0x200  }
0x663: {  	[sflag:s12] =	ssyncset.done $0x0  }
0x664: {  	[sflag:s12] =	ssyncadd.s32 $0xFFFFFE00  }
0x665: {  	_ =	swait.ge [sflag:s12], $0x200  }
0x666: {  	[sflag:s12] =	ssyncset.done $0x0  }
0x667: {  	[sflag:s12] =	ssyncadd.s32 $0xFFFFFE00  }
0x668: {  	_ =	swait.ge [sflag:s12], $0x200  }
0x669: {  	[sflag:s12] =	ssyncset.done $0x0  }
0x66a: {  	[sflag:s12] =	ssyncadd.s32 $0xFFFFFE00  }
0x66b: {  	_ =	swait.ge [sflag:s12], $0x200  }
0x66c: {  	[sflag:s12] =	ssyncset.done $0x0  }
0x66d: {  	[sflag:s12] =	ssyncadd.s32 $0xFFFFFE00  }
0x66e: {  	_ =	swait.ge [sflag:s12], $0x200  }
0x66f: {  	[sflag:s12] =	ssyncset.done $0x0  }
0x670: {  	[sflag:s12] =	ssyncadd.s32 $0xFFFFFE00  }
0x671: {  	_ =	swait.ge [sflag:s12], $0x200  }
0x672: {  	[sflag:s12] =	ssyncset.done $0x0  }
0x673: {  	[sflag:s12] =	ssyncadd.s32 $0xFFFFFE00  }
0x674: {  	_ =	swait.ge [sflag:s12], $0x200  }
0x675: {  	[sflag:s12] =	ssyncset.done $0x0  }
0x676: {  	[sflag:s12] =	ssyncadd.s32 $0xFFFFFE00  }
0x677: {  	_ =	swait.ge [sflag:s12], $0x200  }
0x678: {  	[sflag:s12] =	ssyncset.done $0x0  }
0x679: {  	[sflag:s12] =	ssyncadd.s32 $0xFFFFFE00  }
0x67a: {  	_ =	swait.ge [sflag:s12], $0x200  }
0x67b: {  	[sflag:s12] =	ssyncset.done $0x0  }
0x67c: {  	[sflag:s12] =	ssyncadd.s32 $0xFFFFFE00  }
0x67d: {  	_ =	swait.ge [sflag:s12], $0x200  }
0x67e: {  	[sflag:s12] =	ssyncset.done $0x0  }
0x67f: {  	[sflag:s12] =	ssyncadd.s32 $0xFFFFFE00  }
0x680: {  	_ =	swait.ge [sflag:s12], $0x200  }
0x681: {  	[sflag:s12] =	ssyncset.done $0x0  }
0x682: {  	[sflag:s12] =	ssyncadd.s32 $0xFFFFFE00  }
.LBB2_16:
0x683: {  	s21 =	smulhi.u32 $0xAAAAAAAB, s16  }
0x684: {  	s22 =	smulhi.u32 $0xAAAAAAAB, s19  }
0x685: {  	s21 =	sshrl.u32 s21, $0x1  }
0x686: {  	s23 =	sshrl.u32 s22, $0x1;
	s21 =	smul.u32 $0xFFFD9000, s21  }
0x687: {  	s30 =	smul.u32 $0xFFFD9000, s23  }
0x688: {  	s21 =	sshra.s32 s21, $0x2  }
0x689: {  	s24 =	smov.u32 s20;
	s22 =	sadd.s32 s21, s17;
	s21 =	sshra.s32 s30, $0x2  }
0x68a: {  	s23 =	simm.s32 $0x800;
	s31 =	sadd.s32 $0x0, s22;
	s21 =	sadd.s32 s21, s18  }
0x68b: {  	[hbm4b:s20+s2] =	stream.linear.scatter [tilespmem:s31], [sflag:$0x5], $0x200, $0x38;
	[tilespmem:$0x10600] =	vst v63  }
.LBB2_17:
0x68c: {  	p0 =	sne.s32 s23, $0xC800  }
.Ltmp11:
0x68d: {  	_ = 	snop;
	(pc) =	sbr.rel @p0 .LBB2_17-.Ltmp11, $4  }
0x68e: {  	_ = 	snop  }
0x68f: {  	s25 =	sshra.s32 s23, $0x2;
	s23 =	sadd.s32 $0x800, s23  }
0x690: {  	s24 =	sadd.s32 $0x8000, s24;
	s25 =	sadd.s32 s25, s22  }
0x691: {  	[hbm4b:s24+s2] =	stream.linear.scatter [tilespmem:s25], [sflag:$0x5], $0x200, $0x38;
	[tilespmem:$0x10600] =	vst v63  }
0x692: {  	p0 =	sgt.u32 s16, $0xD  }
.Ltmp12:
0x693: {  	_ = 	snop;
	(pc) =	sbr.rel @p0 .LBB2_23-.Ltmp12, $1  }
0x694: {  	_ =	sdelay $0x3  }
0x695: {  	s22 =	sadd.s32 $0x2, s16  }
0x696: {  	s23 =	smul.u32 $0xAB, s22;
	_ =	sdelay $0x1  }
0x697: {  	s23 =	sshrl.u32 s23, $0x9  }
0x698: {  	s23 =	sand.u32 $0x7F, s23  }
0x699: {  	s23 =	smul.u32 $0x3, s23  }
0x69a: {  	s24 =	sshrl.u32 s22, $0x3  }
0x69b: {  	s25 =	sshll.u32 s22, $0x7;
	s24 =	smul.u32 $0xC3800, s24;
	s22 =	ssub.s32 s22, s23  }
0x69c: {  	s30 =	sand.u32 $0x380, s25;
	s25 =	simm.s32 $0x0;
	s31 =	sand.u32 $0xFF, s22  }
0x69d: {  	s22 =	sor.u32 s30, s24;
	s24 =	simm.s32 $0x0;
	s23 =	sadd.s32 $0x1, s31  }
.LBB2_20:
0x69e: {  	v0 =	vmov s24;
	_ =	sdelay $0x1  }
0x69f: {  	s26 =	smul.u32 $0x187000, s25;
	_ =	sdelay $0x1  }
0x6a0: {  	s28 =	sadd.s32 s26, s22;
	s26 =	simm.s32 $0x0  }
0x6a1: {  	v1 =	vmov s28;
	s28 =	simm.s32 $0x40;
	v2 =	vld.idx.msk [tilespmem:v0+s26+$0x0 ss:$0x1], $0xffff  }
.LBB2_21:
0x6a2: {  	p0 =	sne.s32 s28, $0x7C0;
	_ =	sdelay $0x4  }
0x6a3: {  	v3 =	vshrl.u32 v2, $0x7  }
0x6a4: {  	v3 =	vmul.u32 $0x380, v3  }
0x6a5: {  	v2 =	vadd.s32 v1, v2  }
0x6a6: {  	v2 =	vadd.s32 v3, v2;
	_ =	sdelay $0x1  }
.Ltmp13:
0x6a7: {  	(pc) =	sbr.rel @p0 .LBB2_21-.Ltmp13, $4  }
0x6a8: {  	_ = 	snop  }
0x6a9: {  	s29 =	sadd.s32 s26, s21;
	s26 =	sshra.s32 s28, $0x2  }
0x6aa: {  	[tilespmem:s29], [sflag:s23] =	stream.indirect_vreg.gather [hbm4b:s3+s2], $0x1, v2, vm0, $0xb8;
	[tilespmem:$0x10600] =	vst v63  }
0x6ab: {  	s28 =	sadd.s32 $0x40, s28;
	v2 =	vld.idx.msk [tilespmem:v0+s26+$0x0 ss:$0x1], $0xffff  }
0x6ac: {  	_ =	sdelay $0x3  }
0x6ad: {  	v0 =	vshrl.u32 v2, $0x7  }
0x6ae: {  	v0 =	vmul.u32 $0x380, v0  }
0x6af: {  	s25 =	sadd.s32 $0x1, s25;
	v1 =	vadd.s32 v1, v2  }
0x6b0: {  	p0 =	sne.s32 s25, $0x1A;
	v0 =	vadd.s32 v0, v1  }
.Ltmp14:
0x6b1: {  	_ = 	snop;
	(pc) =	sbr.rel @p0 .LBB2_20-.Ltmp14, $4  }
.Ltmp15:
0x6b2: {  	_ = 	snop;
	(pc) =	sbr.rel @!p0 .LBB2_23-.Ltmp15, $4  }
0x6b3: {  	_ = 	snop  }
0x6b4: {  	s26 =	sadd.s32 s26, s21;
	s21 =	sadd.s32 $0x200, s21;
	s24 =	sadd.s32 $0x200, s24  }
0x6b5: {  	[tilespmem:s26], [sflag:s23] =	stream.indirect_vreg.gather [hbm4b:s3+s2], $0x1, v0, vm0, $0xb8;
	[tilespmem:$0x10600] =	vst v63  }
0x6b6: {  	_ = 	snop  }
.LBB2_25:
0x6b7: {  	_ =	sfence.sel $0x180000  }
0x6b8: {  	[bflag:$0x0] =	sbarrier.arrive $0xFFFF  }
0x6b9: {  	p0 =	sne.s32 s1, $0x0;
	_ =	strace $0x9000004A  }
0x6ba: {  	s0 =	sadd.s32 @!p0 $0x100000, s0;
	[bflag:$0x2] =	sbarrier.arrive $0xFFFF  }
0x6bb: {  	[sflag:s0] =	ssyncadd.tile.s32 @!p0 $0x1;
	_ =	shalt  }
.Lfunc_end2:
_tile_overlayer_lowered:
.L_overlay_start_2:
0x6bc: {  	(tag) =	ssettag $0x2  }
0x6bd: {  	s0 =	rddreg [dreg:$0x0];
	s2 =	stileid.u32  }
0x6be: {  	s1 =	rddreg [dreg:$0x1];
	p0 =	sne.s32 s2, $0x0  }
0x6bf: {  	s3 =	rddreg [dreg:$0x2];
	[bflag:$0x3] =	sbarrier.arrive $0xFFFF;
	s2 =	simm.s32 @!p0 $0x1C06  }
0x6c0: {  	[timem:s3], [sflag:s2] =	dma.local @!p0 [hbm:s0], s1  }
0x6c1: {  	s0 =	simm.s32 @!p0 $0x6  }
0x6c2: {  	_ =	swait.ge @!p0 [sflag:s0], s1  }
0x6c3: {  	s1 =	ssub.s32 @!p0 $0x0, s1;
	[sflag:s0] =	ssyncset.done @!p0 $0x0  }
0x6c4: {  	[sflag:s0] =	ssyncadd.s32 @!p0 s1  }
0x6c5: {  	[bflag:$0x3] =	sbarrier.arrive $0xFFFF  }
0x6c6: {  	_ =	shalt  }

</sc_bundles>
